<compile_context>
chip_gen: v7x
topology: tpu7x:2x2x1
jax: 0.10.2.dev20260603
libtpu: 0.0.44.dev20260713+nightly
codegen_flags: <defaults>
</compile_context>

<pallas_src>
import functools

import jax
import jax.numpy as jnp
from jax import lax
from jax.experimental import pallas as pl
from jax.experimental.pallas import tpu as pltpu
from jax.experimental.pallas import tpu_sc as plsc

_L = 16


def _skey(f):
    i = lax.bitcast_convert_type(f, jnp.int32)
    return i ^ (lax.shift_right_arithmetic(i, 31) & jnp.int32(0x7FFFFFFF))


def _sc_select_kernel(batch, n, k, rows_per_worker, interpret=False):
    nvec = n // _L
    nbins = 1024
    nhist_vec = nbins // _L
    shift = 22
    mesh = plsc.VectorSubcoreMesh(core_axis_name="c", subcore_axis_name="s")
    num_workers = batch // rows_per_worker

    @functools.partial(
        pl.kernel,
        out_type=jax.ShapeDtypeStruct((num_workers, _L), jnp.int32),
        mesh=mesh,
        scratch_types=[
            pltpu.VMEM((n,), jnp.float32),
            pltpu.VMEM((n,), jnp.int32),
            pltpu.VMEM((n,), jnp.float32),
            pltpu.VMEM((nbins * _L,), jnp.int32),
            pltpu.VMEM((_L,), jnp.int32),
        ],
        compiler_params=pltpu.CompilerParams(needs_layout_passes=False),
        interpret=interpret,
    )
    def sc_select(x_hbm, duty_hbm, out_hbm, buf, cand, fac, hist, tbuf):
        wid = lax.axis_index("s") * 2 + lax.axis_index("c")
        lane = lax.iota(jnp.int32, _L)
        ones = jnp.ones((_L,), jnp.int32)
        zeros = jnp.zeros((_L,), jnp.int32)

        pltpu.sync_copy(duty_hbm, fac)

        @plsc.parallel_loop(0, nvec, unroll=8)
        def _(i):
            sl = pl.ds(i * _L, _L)
            fac[sl] = jnp.exp(-fac[sl])

        tvec = zeros
        for r in range(rows_per_worker):
            row = wid * rows_per_worker + r
            pltpu.sync_copy(x_hbm.at[row], buf)

            @plsc.parallel_loop(0, nbins, unroll=8)
            def _(j):
                hist[pl.ds(j * _L, _L)] = zeros

            @plsc.parallel_loop(0, nvec, unroll=8)
            def _(i):
                sl = pl.ds(i * _L, _L)
                key = _skey(buf[sl] * fac[sl])
                buf[sl] = plsc.bitcast(key, jnp.float32)
                bin_ = lax.shift_right_arithmetic(key, shift) + jnp.int32(512)
                plsc.addupdate_scatter(hist, [bin_ * _L + lane], ones)

            def bf(t, carry):
                s_above, b_run, a_run = carry
                j = nhist_vec - 1 - t
                base = (jnp.int32(j * _L) + lane) * _L
                tot = zeros
                for l in range(_L):
                    tot = tot + plsc.load_gather(hist, [base + jnp.int32(l)])
                s = lax.rev(jnp.cumsum(lax.rev(tot, (0,))), (0,)) + s_above
                m = s >= jnp.int32(k)
                candb = jnp.max(
                    jnp.where(m, jnp.int32(j * _L) + lane, jnp.int32(-1)))
                canda = jnp.min(jnp.where(m, s - tot, jnp.int32(2**30)))
                a_new = jnp.where(candb > b_run, canda, a_run)
                b_new = jnp.maximum(b_run, candb)
                return s_above + jnp.sum(tot), b_new, a_new

            _, b_star, a_above = lax.fori_loop(
                0, nhist_vec, bf, (jnp.int32(0), jnp.int32(-1), jnp.int32(0))
            )
            rank = jnp.int32(k) - a_above
            bin_lo = lax.shift_left(b_star - jnp.int32(512), jnp.int32(shift))

            @plsc.parallel_loop(0, nvec, unroll=4, carry=zeros)
            def off_v(i, off):
                sl = pl.ds(i * _L, _L)
                key = plsc.bitcast(buf[sl], jnp.int32)
                m = (lax.shift_right_arithmetic(key, shift)
                     + jnp.int32(512)) == b_star
                plsc.store_compressed(cand.at[pl.ds(off[0], _L)], key, mask=m)
                return off + plsc.all_reduce_population_count(m)

            ncand = off_v[0]
            ncvec = (ncand + jnp.int32(_L - 1)) // jnp.int32(_L)

            rank_v = jnp.broadcast_to(rank, (_L,))
            ncand_v = jnp.broadcast_to(ncand, (_L,))

            def bs(b, prefix):
                trial = prefix + lax.shift_left(
                    jnp.int32(1), jnp.int32(shift - 1) - b)
                trial_v = jnp.broadcast_to(trial, (_L,))

                @plsc.parallel_loop(0, ncvec, unroll=4, carry=zeros)
                def cnt(i, c):
                    inb = (i * _L + lane) < ncand_v
                    ge = (cand[pl.ds(i * _L, _L)] >= trial_v) & inb
                    return c + plsc.all_reduce_population_count(ge)

                return jnp.where(jnp.max(cnt) >= rank, trial, prefix)

            tkey = lax.fori_loop(0, shift, bs, bin_lo)
            tvec = jnp.where(lane == r, tkey, tvec)

        tbuf[...] = tvec
        pltpu.sync_copy(tbuf, out_hbm.at[wid])

    return sc_select


def _mask_block(x_ref, duty_ref, t_ref, o_ref):
    x = x_ref[...]
    boosted = x * jnp.exp(-duty_ref[...])
    skey = _skey(boosted)
    o_ref[...] = jnp.where(skey < t_ref[...], jnp.zeros_like(x), x)


def kernel(x, duty_cycles):
    batch, n = x.shape
    k = int(round(n * 0.25))
    rows_per_worker = batch // 32

    sc_out = _sc_select_kernel(batch, n, k, rows_per_worker)(x, duty_cycles)
    tkeys = sc_out[:, :rows_per_worker].reshape(batch, 1)

    rows_per_block = 8
    duty2 = duty_cycles.reshape(1, n)
    return pl.pallas_call(
        _mask_block,
        grid=(batch // rows_per_block,),
        in_specs=[
            pl.BlockSpec((rows_per_block, n), lambda i: (i, 0)),
            pl.BlockSpec((1, n), lambda i: (0, 0)),
            pl.BlockSpec((rows_per_block, 1), lambda i: (i, 0)),
        ],
        out_specs=pl.BlockSpec((rows_per_block, n), lambda i: (i, 0)),
        out_shape=jax.ShapeDtypeStruct((batch, n), x.dtype),
    )(x, duty2, tkeys)

# --- scband reference (transcript-rebuilt; emitter-appended) ---
"""Pipeline reference for scband-kwinners-34170759807259 (READ-ONLY COPY).

The authoritative reference and input builder live on the scoring server;
editing this copy changes nothing except your own understanding.
"""

import jax, jax.numpy as jnp
import numpy as np

N = 32768
K = 8192  # int(round(N * percent_on)) with percent_on = 0.25
BOOST_STRENGTH = 1.0
BATCH = 128


def setup_inputs(seed: int = 0) -> dict:
    key = jax.random.key(seed)
    k1, _ = jax.random.split(key)
    x = jax.random.normal(k1, (BATCH, N), dtype=jnp.float32)
    # duty_cycle buffer registered by KWinners; starts at zeros
    duty_cycles = jnp.zeros((N,), dtype=jnp.float32)
    return {"x": x, "duty_cycles": duty_cycles}


def reference(x, duty_cycles):
    # boost_activations: x.detach() * exp(-boost_strength * duty_cycles)
    boosted = jax.lax.stop_gradient(x) * jnp.exp(-BOOST_STRENGTH * duty_cycles)
    # kwinners with break_ties=False, relu=False:
    # threshold = kthvalue(boosted, N - K + 1, dim=1)  (1-indexed k-th smallest)
    # == (N-K)-th element (0-indexed) of ascending sort == K-th largest
    sorted_b = jnp.sort(boosted, axis=1)
    threshold = sorted_b[:, N - K][:, None]
    off_mask = boosted < threshold
    # masked_fill(off_mask, 0) on the ORIGINAL (non-boosted) activations
    return jnp.where(off_mask, jnp.zeros_like(x), x)

if __name__ == "__main__":
    import jax
    _d = setup_inputs()
    print(jax.jit(kernel)(*tuple(_d.values())))

</pallas_src>

<mosaic_0001>
#map = affine_map<(d0, d1) -> (0, 0)>
#map1 = affine_map<(d0, d1) -> (0)>
module attributes {stable_mosaic.version = 14 : i64} {
  func.func @sc_select(%arg0: i32, %arg1: i32, %arg2: memref<128x32768xf32, #tpu.memory_space<hbm>>, %arg3: memref<32768xf32, #tpu.memory_space<hbm>>, %arg4: memref<32x16xi32, #tpu.memory_space<hbm>>, %arg5: memref<32768xf32, #tpu.memory_space<vmem>>, %arg6: memref<32768xi32, #tpu.memory_space<vmem>>, %arg7: memref<32768xf32, #tpu.memory_space<vmem>>, %arg8: memref<16384xi32, #tpu.memory_space<vmem>>, %arg9: memref<16xi32, #tpu.memory_space<vmem>>) attributes {dimension_semantics = [#tpu.dimension_semantics<core_parallel>, #tpu.dimension_semantics<subcore_parallel>], iteration_bounds = array<i64: 2, 16>, scalar_prefetch = 0 : i64, scratch_operands = 5 : i64, tpu.core_type = #tpu.core_type<sc_vector_subcore>, window_params = [{transform_indices = #map}, {transform_indices = #map1}, {transform_indices = #map}]} {
    %mul3A = arith.constant 2 : i32
    %mul3A_0 = arith.muli %arg1, %mul3A : i32
    %add3A = arith.addi %mul3A_0, %arg0 : i32
    %iota3A = tpu.iota {dimensions = array<i32: 0>} : vector<16xi32>
    %broadcast_in_dim3A = arith.constant 1 : i32
    %broadcast_in_dim3A_1 = vector.broadcast %broadcast_in_dim3A : i32 to vector<16xi32>
    %broadcast_in_dim3A_2 = arith.constant 0 : i32
    %broadcast_in_dim3A_3 = vector.broadcast %broadcast_in_dim3A_2 : i32 to vector<16xi32>
    "tpu.region"() ({
      %run_scoped3A = tpu.sem_alloc : memref<!tpu.dma_semaphore, #tpu.memory_space<semaphore_mem>>
      tpu.enqueue_dma source(%arg3 : memref<32768xf32, #tpu.memory_space<hbm>>) target(%arg7 : memref<32768xf32, #tpu.memory_space<vmem>>) target_semaphore(%run_scoped3A : memref<!tpu.dma_semaphore, #tpu.memory_space<semaphore_mem>>)
      tpu.wait_dma2 semaphore(%run_scoped3A : memref<!tpu.dma_semaphore, #tpu.memory_space<semaphore_mem>>) src(%arg3 : memref<32768xf32, #tpu.memory_space<hbm>>) dst(%arg7 : memref<32768xf32, #tpu.memory_space<vmem>>)
      tpu.yield
    }) : () -> ()
    %parallel_loop3A = arith.constant 0 : i32
    %parallel_loop3A_4 = arith.constant 2048 : i32
    %parallel_loop3A_5 = arith.constant 1 : i32
    scf.for %parallel_loop3A_274 = %parallel_loop3A to %parallel_loop3A_4 step %parallel_loop3A_5  : i32 {
      %parallel_loop3A_275 = arith.constant 16 : i32
      %parallel_loop3A_276 = arith.muli %parallel_loop3A_274, %parallel_loop3A_275 : i32
      %parallel_loop3A_277 = arith.index_cast %parallel_loop3A_276 : i32 to index
      %parallel_loop3A_278 = tpu.vector_load %arg7[%parallel_loop3A_277] {strides = array<i32>} : memref<32768xf32, #tpu.memory_space<vmem>>, vector<16xf32>,
      %parallel_loop3A_279 = arith.constant 0.000000e+00 : f32
      %parallel_loop3A_280 = vector.broadcast %parallel_loop3A_279 : f32 to vector<16xf32>
      %parallel_loop3A_281 = arith.subf %parallel_loop3A_280, %parallel_loop3A_278 : vector<16xf32>
      %parallel_loop3A_282 = math.exp %parallel_loop3A_281 : vector<16xf32>
      %parallel_loop3A_283 = arith.index_cast %parallel_loop3A_276 : i32 to index
      %parallel_loop3A_284 = tpu.vector_load %arg7[%parallel_loop3A_283] {strides = array<i32>} : memref<32768xf32, #tpu.memory_space<vmem>>, vector<16xf32>,
      tpu.vector_store %arg7[%parallel_loop3A_283], %parallel_loop3A_282 {strides = array<i32>} : memref<32768xf32, #tpu.memory_space<vmem>>, vector<16xf32>,
    } {sc.loop_unroll_factor = 8 : i64, sc.parallel_access}
    %mul3A_6 = arith.constant 4 : i32
    %mul3A_7 = arith.muli %add3A, %mul3A_6 : i32
    %add3A_8 = arith.constant 0 : i32
    %add3A_9 = arith.addi %mul3A_7, %add3A_8 : i32
    "tpu.region"() ({
      %run_scoped3A = tpu.sem_alloc : memref<!tpu.dma_semaphore, #tpu.memory_space<semaphore_mem>>
      %dma_start3A = arith.constant 0 : i32
      %dma_start3A_274 = tpu.memref_slice %arg2[%add3A_9, %dma_start3A] : memref<128x32768xf32, #tpu.memory_space<hbm>> -> memref<1x32768xf32, #tpu.memory_space<hbm>>
      %dma_start3A_275 = tpu.memref_squeeze %dma_start3A_274 : memref<1x32768xf32, #tpu.memory_space<hbm>> -> memref<32768xf32, #tpu.memory_space<hbm>>
      %dma_start3A_276 = arith.constant 0 : i32
      %dma_start3A_277 = tpu.memref_slice %arg2[%add3A_9, %dma_start3A_276] : memref<128x32768xf32, #tpu.memory_space<hbm>> -> memref<1x32768xf32, #tpu.memory_space<hbm>>
      %dma_start3A_278 = tpu.memref_squeeze %dma_start3A_277 : memref<1x32768xf32, #tpu.memory_space<hbm>> -> memref<32768xf32, #tpu.memory_space<hbm>>
      tpu.enqueue_dma source(%dma_start3A_278 : memref<32768xf32, #tpu.memory_space<hbm>>) target(%arg5 : memref<32768xf32, #tpu.memory_space<vmem>>) target_semaphore(%run_scoped3A : memref<!tpu.dma_semaphore, #tpu.memory_space<semaphore_mem>>)
      %dma_wait3A = arith.constant 0 : i32
      %dma_wait3A_279 = tpu.memref_slice %arg2[%add3A_9, %dma_wait3A] : memref<128x32768xf32, #tpu.memory_space<hbm>> -> memref<1x32768xf32, #tpu.memory_space<hbm>>
      %dma_wait3A_280 = tpu.memref_squeeze %dma_wait3A_279 : memref<1x32768xf32, #tpu.memory_space<hbm>> -> memref<32768xf32, #tpu.memory_space<hbm>>
      %dma_wait3A_281 = arith.constant 0 : i32
      %dma_wait3A_282 = tpu.memref_slice %arg2[%add3A_9, %dma_wait3A_281] : memref<128x32768xf32, #tpu.memory_space<hbm>> -> memref<1x32768xf32, #tpu.memory_space<hbm>>
      %dma_wait3A_283 = tpu.memref_squeeze %dma_wait3A_282 : memref<1x32768xf32, #tpu.memory_space<hbm>> -> memref<32768xf32, #tpu.memory_space<hbm>>
      tpu.wait_dma2 semaphore(%run_scoped3A : memref<!tpu.dma_semaphore, #tpu.memory_space<semaphore_mem>>) src(%dma_wait3A_283 : memref<32768xf32, #tpu.memory_space<hbm>>) dst(%arg5 : memref<32768xf32, #tpu.memory_space<vmem>>)
      tpu.yield
    }) : () -> ()
    %parallel_loop3A_10 = arith.constant 0 : i32
    %parallel_loop3A_11 = arith.constant 1024 : i32
    %parallel_loop3A_12 = arith.constant 1 : i32
    scf.for %parallel_loop3A_274 = %parallel_loop3A_10 to %parallel_loop3A_11 step %parallel_loop3A_12  : i32 {
      %parallel_loop3A_275 = arith.constant 16 : i32
      %parallel_loop3A_276 = arith.muli %parallel_loop3A_274, %parallel_loop3A_275 : i32
      %parallel_loop3A_277 = arith.index_cast %parallel_loop3A_276 : i32 to index
      %parallel_loop3A_278 = tpu.vector_load %arg8[%parallel_loop3A_277] {strides = array<i32>} : memref<16384xi32, #tpu.memory_space<vmem>>, vector<16xi32>,
      tpu.vector_store %arg8[%parallel_loop3A_277], %broadcast_in_dim3A_3 {strides = array<i32>} : memref<16384xi32, #tpu.memory_space<vmem>>, vector<16xi32>,
    } {sc.loop_unroll_factor = 8 : i64, sc.parallel_access}
    %parallel_loop3A_13 = arith.constant 0 : i32
    %parallel_loop3A_14 = arith.constant 2048 : i32
    %parallel_loop3A_15 = arith.constant 1 : i32
    scf.for %parallel_loop3A_274 = %parallel_loop3A_13 to %parallel_loop3A_14 step %parallel_loop3A_15  : i32 {
      %parallel_loop3A_275 = arith.constant 16 : i32
      %parallel_loop3A_276 = arith.muli %parallel_loop3A_274, %parallel_loop3A_275 : i32
      %parallel_loop3A_277 = arith.index_cast %parallel_loop3A_276 : i32 to index
      %parallel_loop3A_278 = tpu.vector_load %arg5[%parallel_loop3A_277] {strides = array<i32>} : memref<32768xf32, #tpu.memory_space<vmem>>, vector<16xf32>,
      %parallel_loop3A_279 = arith.index_cast %parallel_loop3A_276 : i32 to index
      %parallel_loop3A_280 = tpu.vector_load %arg7[%parallel_loop3A_279] {strides = array<i32>} : memref<32768xf32, #tpu.memory_space<vmem>>, vector<16xf32>,
      %parallel_loop3A_281 = arith.mulf %parallel_loop3A_278, %parallel_loop3A_280 : vector<16xf32>
      %parallel_loop3A_282 = tpu.bitcast %parallel_loop3A_281 : vector<16xf32> -> vector<16xi32>
      %parallel_loop3A_283 = arith.constant 31 : i32
      %parallel_loop3A_284 = vector.broadcast %parallel_loop3A_283 : i32 to vector<16xi32>
      %parallel_loop3A_285 = arith.shrsi %parallel_loop3A_282, %parallel_loop3A_284 : vector<16xi32>
      %parallel_loop3A_286 = arith.constant 2147483647 : i32
      %parallel_loop3A_287 = vector.broadcast %parallel_loop3A_286 : i32 to vector<16xi32>
      %parallel_loop3A_288 = arith.andi %parallel_loop3A_285, %parallel_loop3A_287 : vector<16xi32>
      %parallel_loop3A_289 = arith.xori %parallel_loop3A_282, %parallel_loop3A_288 : vector<16xi32>
      %parallel_loop3A_290 = vector.bitcast %parallel_loop3A_289 : vector<16xi32> to vector<16xf32>
      %parallel_loop3A_291 = arith.index_cast %parallel_loop3A_276 : i32 to index
      %parallel_loop3A_292 = tpu.vector_load %arg5[%parallel_loop3A_291] {strides = array<i32>} : memref<32768xf32, #tpu.memory_space<vmem>>, vector<16xf32>,
      tpu.vector_store %arg5[%parallel_loop3A_291], %parallel_loop3A_290 {strides = array<i32>} : memref<32768xf32, #tpu.memory_space<vmem>>, vector<16xf32>,
      %parallel_loop3A_293 = arith.constant 22 : i32
      %parallel_loop3A_294 = vector.broadcast %parallel_loop3A_293 : i32 to vector<16xi32>
      %parallel_loop3A_295 = arith.shrsi %parallel_loop3A_289, %parallel_loop3A_294 : vector<16xi32>
      %parallel_loop3A_296 = arith.constant 512 : i32
      %parallel_loop3A_297 = vector.broadcast %parallel_loop3A_296 : i32 to vector<16xi32>
      %parallel_loop3A_298 = arith.addi %parallel_loop3A_295, %parallel_loop3A_297 : vector<16xi32>
      %parallel_loop3A_299 = arith.constant 16 : i32
      %parallel_loop3A_300 = vector.broadcast %parallel_loop3A_299 : i32 to vector<16xi32>
      %parallel_loop3A_301 = arith.muli %parallel_loop3A_298, %parallel_loop3A_300 : vector<16xi32>
      %parallel_loop3A_302 = arith.addi %parallel_loop3A_301, %iota3A : vector<16xi32>
      tpu.vector_store_idx %arg8[%parallel_loop3A_302], %broadcast_in_dim3A_1 {add = true} : memref<16384xi32, #tpu.memory_space<vmem>>[vector<16xi32>], vector<16xi32>,
    } {sc.loop_unroll_factor = 8 : i64, sc.parallel_access}
    %scan3A = arith.constant 0 : i32
    %scan3A_16 = arith.constant -1 : i32
    %scan3A_17 = arith.constant 0 : i32
    %scan3A_18 = arith.constant 0 : i32
    %scan3A_19 = arith.constant 64 : i32
    %scan3A_20 = arith.addi %scan3A_18, %scan3A_19 : i32
    %scan3A_21 = arith.constant 1 : i32
    %scan3A_22:3 = scf.for %scan3A_274 = %scan3A_18 to %scan3A_20 step %scan3A_21 iter_args(%scan3A_275 = %scan3A, %scan3A_276 = %scan3A_16, %scan3A_277 = %scan3A_17) -> (i32, i32, i32)  : i32 {
      %sub3A_278 = arith.constant 63 : i32
      %sub3A_279 = arith.subi %sub3A_278, %scan3A_274 : i32
      %mul3A_280 = arith.constant 16 : i32
      %mul3A_281 = arith.muli %sub3A_279, %mul3A_280 : i32
      %add3A_282 = vector.broadcast %mul3A_281 : i32 to vector<16xi32>
      %add3A_283 = arith.addi %add3A_282, %iota3A : vector<16xi32>
      %mul3A_284 = arith.constant 16 : i32
      %mul3A_285 = vector.broadcast %mul3A_284 : i32 to vector<16xi32>
      %mul3A_286 = arith.muli %add3A_283, %mul3A_285 : vector<16xi32>
      %add3A_287 = arith.constant 0 : i32
      %add3A_288 = vector.broadcast %add3A_287 : i32 to vector<16xi32>
      %add3A_289 = arith.addi %mul3A_286, %add3A_288 : vector<16xi32>
      %gather3A = tpu.vector_load_idx %arg8[%add3A_289] : memref<16384xi32, #tpu.memory_space<vmem>>[vector<16xi32>], vector<16xi32>,
      %add3A_290 = arith.addi %broadcast_in_dim3A_3, %gather3A : vector<16xi32>
      %add3A_291 = arith.constant 1 : i32
      %add3A_292 = vector.broadcast %add3A_291 : i32 to vector<16xi32>
      %add3A_293 = arith.addi %mul3A_286, %add3A_292 : vector<16xi32>
      %gather3A_294 = tpu.vector_load_idx %arg8[%add3A_293] : memref<16384xi32, #tpu.memory_space<vmem>>[vector<16xi32>], vector<16xi32>,
      %add3A_295 = arith.addi %add3A_290, %gather3A_294 : vector<16xi32>
      %add3A_296 = arith.constant 2 : i32
      %add3A_297 = vector.broadcast %add3A_296 : i32 to vector<16xi32>
      %add3A_298 = arith.addi %mul3A_286, %add3A_297 : vector<16xi32>
      %gather3A_299 = tpu.vector_load_idx %arg8[%add3A_298] : memref<16384xi32, #tpu.memory_space<vmem>>[vector<16xi32>], vector<16xi32>,
      %add3A_300 = arith.addi %add3A_295, %gather3A_299 : vector<16xi32>
      %add3A_301 = arith.constant 3 : i32
      %add3A_302 = vector.broadcast %add3A_301 : i32 to vector<16xi32>
      %add3A_303 = arith.addi %mul3A_286, %add3A_302 : vector<16xi32>
      %gather3A_304 = tpu.vector_load_idx %arg8[%add3A_303] : memref<16384xi32, #tpu.memory_space<vmem>>[vector<16xi32>], vector<16xi32>,
      %add3A_305 = arith.addi %add3A_300, %gather3A_304 : vector<16xi32>
      %add3A_306 = arith.constant 4 : i32
      %add3A_307 = vector.broadcast %add3A_306 : i32 to vector<16xi32>
      %add3A_308 = arith.addi %mul3A_286, %add3A_307 : vector<16xi32>
      %gather3A_309 = tpu.vector_load_idx %arg8[%add3A_308] : memref<16384xi32, #tpu.memory_space<vmem>>[vector<16xi32>], vector<16xi32>,
      %add3A_310 = arith.addi %add3A_305, %gather3A_309 : vector<16xi32>
      %add3A_311 = arith.constant 5 : i32
      %add3A_312 = vector.broadcast %add3A_311 : i32 to vector<16xi32>
      %add3A_313 = arith.addi %mul3A_286, %add3A_312 : vector<16xi32>
      %gather3A_314 = tpu.vector_load_idx %arg8[%add3A_313] : memref<16384xi32, #tpu.memory_space<vmem>>[vector<16xi32>], vector<16xi32>,
      %add3A_315 = arith.addi %add3A_310, %gather3A_314 : vector<16xi32>
      %add3A_316 = arith.constant 6 : i32
      %add3A_317 = vector.broadcast %add3A_316 : i32 to vector<16xi32>
      %add3A_318 = arith.addi %mul3A_286, %add3A_317 : vector<16xi32>
      %gather3A_319 = tpu.vector_load_idx %arg8[%add3A_318] : memref<16384xi32, #tpu.memory_space<vmem>>[vector<16xi32>], vector<16xi32>,
      %add3A_320 = arith.addi %add3A_315, %gather3A_319 : vector<16xi32>
      %add3A_321 = arith.constant 7 : i32
      %add3A_322 = vector.broadcast %add3A_321 : i32 to vector<16xi32>
      %add3A_323 = arith.addi %mul3A_286, %add3A_322 : vector<16xi32>
      %gather3A_324 = tpu.vector_load_idx %arg8[%add3A_323] : memref<16384xi32, #tpu.memory_space<vmem>>[vector<16xi32>], vector<16xi32>,
      %add3A_325 = arith.addi %add3A_320, %gather3A_324 : vector<16xi32>
      %add3A_326 = arith.constant 8 : i32
      %add3A_327 = vector.broadcast %add3A_326 : i32 to vector<16xi32>
      %add3A_328 = arith.addi %mul3A_286, %add3A_327 : vector<16xi32>
      %gather3A_329 = tpu.vector_load_idx %arg8[%add3A_328] : memref<16384xi32, #tpu.memory_space<vmem>>[vector<16xi32>], vector<16xi32>,
      %add3A_330 = arith.addi %add3A_325, %gather3A_329 : vector<16xi32>
      %add3A_331 = arith.constant 9 : i32
      %add3A_332 = vector.broadcast %add3A_331 : i32 to vector<16xi32>
      %add3A_333 = arith.addi %mul3A_286, %add3A_332 : vector<16xi32>
      %gather3A_334 = tpu.vector_load_idx %arg8[%add3A_333] : memref<16384xi32, #tpu.memory_space<vmem>>[vector<16xi32>], vector<16xi32>,
      %add3A_335 = arith.addi %add3A_330, %gather3A_334 : vector<16xi32>
      %add3A_336 = arith.constant 10 : i32
      %add3A_337 = vector.broadcast %add3A_336 : i32 to vector<16xi32>
      %add3A_338 = arith.addi %mul3A_286, %add3A_337 : vector<16xi32>
      %gather3A_339 = tpu.vector_load_idx %arg8[%add3A_338] : memref<16384xi32, #tpu.memory_space<vmem>>[vector<16xi32>], vector<16xi32>,
      %add3A_340 = arith.addi %add3A_335, %gather3A_339 : vector<16xi32>
      %add3A_341 = arith.constant 11 : i32
      %add3A_342 = vector.broadcast %add3A_341 : i32 to vector<16xi32>
      %add3A_343 = arith.addi %mul3A_286, %add3A_342 : vector<16xi32>
      %gather3A_344 = tpu.vector_load_idx %arg8[%add3A_343] : memref<16384xi32, #tpu.memory_space<vmem>>[vector<16xi32>], vector<16xi32>,
      %add3A_345 = arith.addi %add3A_340, %gather3A_344 : vector<16xi32>
      %add3A_346 = arith.constant 12 : i32
      %add3A_347 = vector.broadcast %add3A_346 : i32 to vector<16xi32>
      %add3A_348 = arith.addi %mul3A_286, %add3A_347 : vector<16xi32>
      %gather3A_349 = tpu.vector_load_idx %arg8[%add3A_348] : memref<16384xi32, #tpu.memory_space<vmem>>[vector<16xi32>], vector<16xi32>,
      %add3A_350 = arith.addi %add3A_345, %gather3A_349 : vector<16xi32>
      %add3A_351 = arith.constant 13 : i32
      %add3A_352 = vector.broadcast %add3A_351 : i32 to vector<16xi32>
      %add3A_353 = arith.addi %mul3A_286, %add3A_352 : vector<16xi32>
      %gather3A_354 = tpu.vector_load_idx %arg8[%add3A_353] : memref<16384xi32, #tpu.memory_space<vmem>>[vector<16xi32>], vector<16xi32>,
      %add3A_355 = arith.addi %add3A_350, %gather3A_354 : vector<16xi32>
      %add3A_356 = arith.constant 14 : i32
      %add3A_357 = vector.broadcast %add3A_356 : i32 to vector<16xi32>
      %add3A_358 = arith.addi %mul3A_286, %add3A_357 : vector<16xi32>
      %gather3A_359 = tpu.vector_load_idx %arg8[%add3A_358] : memref<16384xi32, #tpu.memory_space<vmem>>[vector<16xi32>], vector<16xi32>,
      %add3A_360 = arith.addi %add3A_355, %gather3A_359 : vector<16xi32>
      %add3A_361 = arith.constant 15 : i32
      %add3A_362 = vector.broadcast %add3A_361 : i32 to vector<16xi32>
      %add3A_363 = arith.addi %mul3A_286, %add3A_362 : vector<16xi32>
      %gather3A_364 = tpu.vector_load_idx %arg8[%add3A_363] : memref<16384xi32, #tpu.memory_space<vmem>>[vector<16xi32>], vector<16xi32>,
      %add3A_365 = arith.addi %add3A_360, %gather3A_364 : vector<16xi32>
      %rev3A = arith.constant 15 : i32
      %rev3A_366 = vector.broadcast %rev3A : i32 to vector<16xi32>
      %rev3A_367 = tpu.iota {dimensions = array<i32: 0>} : vector<16xi32>
      %rev3A_368 = arith.subi %rev3A_366, %rev3A_367 : vector<16xi32>
      %rev3A_369 = tpu.dynamic_gather %add3A_365[%rev3A_368] in [0] : vector<16xi32>, vector<16xi32> -> vector<16xi32>
      %cumsum3A = arith.constant true
      %cumsum3A_370 = vector.broadcast %cumsum3A : i1 to vector<16xi1>
      %cumsum3A_371 = tpu.scan <sum>, %rev3A_369 masked %cumsum3A_370 : vector<16xi32>, vector<16xi1> -> vector<16xi32>
      %rev3A_372 = arith.constant 15 : i32
      %rev3A_373 = vector.broadcast %rev3A_372 : i32 to vector<16xi32>
      %rev3A_374 = tpu.iota {dimensions = array<i32: 0>} : vector<16xi32>
      %rev3A_375 = arith.subi %rev3A_373, %rev3A_374 : vector<16xi32>
      %rev3A_376 = tpu.dynamic_gather %cumsum3A_371[%rev3A_375] in [0] : vector<16xi32>, vector<16xi32> -> vector<16xi32>
      %add3A_377 = vector.broadcast %scan3A_275 : i32 to vector<16xi32>
      %add3A_378 = arith.addi %rev3A_376, %add3A_377 : vector<16xi32>
      %ge3A = arith.constant 8192 : i32
      %ge3A_379 = vector.broadcast %ge3A : i32 to vector<16xi32>
      %ge3A_380 = arith.cmpi sge, %add3A_378, %ge3A_379 : vector<16xi32>
      %mul3A_381 = arith.constant 16 : i32
      %mul3A_382 = arith.muli %sub3A_279, %mul3A_381 : i32
      %add3A_383 = vector.broadcast %mul3A_382 : i32 to vector<16xi32>
      %add3A_384 = arith.addi %add3A_383, %iota3A : vector<16xi32>
      %jit3A_385 = arith.constant -1 : i32
      %broadcast_in_dim3A_386 = vector.broadcast %jit3A_385 : i32 to vector<16xi32>
      %select_n3A_387 = arith.select %ge3A_380, %add3A_384, %broadcast_in_dim3A_386 : vector<16xi1>, vector<16xi32>
      %reduce_max3A = arith.constant true
      %reduce_max3A_388 = vector.broadcast %reduce_max3A : i1 to vector<16xi1>
      %reduce_max3A_389 = arith.constant -2147483648 : i32
      %reduce_max3A_390 = vector.broadcast %reduce_max3A_389 : i32 to vector<16xi32>
      %reduce_max3A_391 = arith.xori %select_n3A_387, %reduce_max3A_390 : vector<16xi32>
      %reduce_max3A_392 = tpu.scan <max>, %reduce_max3A_391 masked %reduce_max3A_388 : vector<16xi32>, vector<16xi1> -> vector<16xi32>
      %reduce_max3A_393 = arith.xori %reduce_max3A_392, %reduce_max3A_390 : vector<16xi32>
      %reduce_max3A_394 = vector.extract %reduce_max3A_393[15] : i32 from vector<16xi32>
      %sub3A_395 = arith.subi %add3A_378, %add3A_365 : vector<16xi32>
      %jit3A_396 = arith.constant 1073741824 : i32
      %broadcast_in_dim3A_397 = vector.broadcast %jit3A_396 : i32 to vector<16xi32>
      %select_n3A_398 = arith.select %ge3A_380, %sub3A_395, %broadcast_in_dim3A_397 : vector<16xi1>, vector<16xi32>
      %reduce_min3A = arith.constant true
      %reduce_min3A_399 = vector.broadcast %reduce_min3A : i1 to vector<16xi1>
      %reduce_min3A_400 = arith.constant -2147483648 : i32
      %reduce_min3A_401 = vector.broadcast %reduce_min3A_400 : i32 to vector<16xi32>
      %reduce_min3A_402 = arith.xori %select_n3A_398, %reduce_min3A_401 : vector<16xi32>
      %reduce_min3A_403 = tpu.scan <min>, %reduce_min3A_402 masked %reduce_min3A_399 : vector<16xi32>, vector<16xi1> -> vector<16xi32>
      %reduce_min3A_404 = arith.xori %reduce_min3A_403, %reduce_min3A_401 : vector<16xi32>
      %reduce_min3A_405 = vector.extract %reduce_min3A_404[15] : i32 from vector<16xi32>
      %gt3A = arith.cmpi sgt, %reduce_max3A_394, %scan3A_276 : i32
      %select_n3A_406 = arith.select %gt3A, %reduce_min3A_405, %scan3A_277 : i32
      %max3A = arith.maxsi %scan3A_276, %reduce_max3A_394 : i32
      %reduce_sum3A = arith.constant true
      %reduce_sum3A_407 = vector.broadcast %reduce_sum3A : i1 to vector<16xi1>
      %reduce_sum3A_408 = tpu.scan <sum>, %add3A_365 masked %reduce_sum3A_407 : vector<16xi32>, vector<16xi1> -> vector<16xi32>
      %reduce_sum3A_409 = vector.extract %reduce_sum3A_408[15] : i32 from vector<16xi32>
      %add3A_410 = arith.addi %scan3A_275, %reduce_sum3A_409 : i32
      scf.yield %add3A_410, %max3A, %select_n3A_406 : i32, i32, i32
    }
    %scan3A_23 = arith.constant 64 : i32
    %sub3A = arith.constant 8192 : i32
    %sub3A_24 = arith.subi %sub3A, %scan3A_22#2 : i32
    %sub3A_25 = arith.constant 512 : i32
    %sub3A_26 = arith.subi %scan3A_22#1, %sub3A_25 : i32
    %shift_left3A = arith.constant 22 : i32
    %shift_left3A_27 = arith.shli %sub3A_26, %shift_left3A : i32
    %parallel_loop3A_28 = arith.constant 0 : i32
    %parallel_loop3A_29 = arith.constant 2048 : i32
    %parallel_loop3A_30 = arith.constant 1 : i32
    %parallel_loop3A_31 = scf.for %parallel_loop3A_274 = %parallel_loop3A_28 to %parallel_loop3A_29 step %parallel_loop3A_30 iter_args(%parallel_loop3A_275 = %broadcast_in_dim3A_3) -> (vector<16xi32>)  : i32 {
      %parallel_loop3A_276 = arith.constant 16 : i32
      %parallel_loop3A_277 = arith.muli %parallel_loop3A_274, %parallel_loop3A_276 : i32
      %parallel_loop3A_278 = arith.index_cast %parallel_loop3A_277 : i32 to index
      %parallel_loop3A_279 = tpu.vector_load %arg5[%parallel_loop3A_278] {strides = array<i32>} : memref<32768xf32, #tpu.memory_space<vmem>>, vector<16xf32>,
      %parallel_loop3A_280 = vector.bitcast %parallel_loop3A_279 : vector<16xf32> to vector<16xi32>
      %parallel_loop3A_281 = arith.constant 22 : i32
      %parallel_loop3A_282 = vector.broadcast %parallel_loop3A_281 : i32 to vector<16xi32>
      %parallel_loop3A_283 = arith.shrsi %parallel_loop3A_280, %parallel_loop3A_282 : vector<16xi32>
      %parallel_loop3A_284 = arith.constant 512 : i32
      %parallel_loop3A_285 = vector.broadcast %parallel_loop3A_284 : i32 to vector<16xi32>
      %parallel_loop3A_286 = arith.addi %parallel_loop3A_283, %parallel_loop3A_285 : vector<16xi32>
      %parallel_loop3A_287 = vector.broadcast %scan3A_22#1 : i32 to vector<16xi32>
      %parallel_loop3A_288 = arith.cmpi eq, %parallel_loop3A_286, %parallel_loop3A_287 : vector<16xi32>
      %parallel_loop3A_289 = vector.extract_strided_slice %parallel_loop3A_275 {offsets = [0], sizes = [1], strides = [1]} : vector<16xi32> to vector<1xi32>
      %parallel_loop3A_290 = vector.extract %parallel_loop3A_289[0] : i32 from vector<1xi32>
      %parallel_loop3A_291 = arith.index_cast %parallel_loop3A_290 : i32 to index
      %parallel_loop3A_292 = tpu.vector_load %arg6[%parallel_loop3A_291] masked %parallel_loop3A_288 {strides = array<i32>} : memref<32768xi32, #tpu.memory_space<vmem>>, vector<16xi32>, vector<16xi1>
      tpu.vector_store %arg6[%parallel_loop3A_291], %parallel_loop3A_280 masked %parallel_loop3A_288 {strides = array<i32>} : memref<32768xi32, #tpu.memory_space<vmem>>, vector<16xi32>, vector<16xi1>
      %parallel_loop3A_293 = tpu.all_reduce %parallel_loop3A_288 {dim = 0 : i64, kind = #tpu.reduction_kind<sum>} : vector<16xi1> -> vector<16xi32>
      %parallel_loop3A_294 = arith.addi %parallel_loop3A_275, %parallel_loop3A_293 : vector<16xi32>
      scf.yield %parallel_loop3A_294 : vector<16xi32>
    } {sc.loop_unroll_factor = 4 : i64, sc.parallel_access}
    %slice3A = vector.extract_strided_slice %parallel_loop3A_31 {offsets = [0], sizes = [1], strides = [1]} : vector<16xi32> to vector<1xi32>
    %squeeze3A = vector.extract %slice3A[0] : i32 from vector<1xi32>
    %add3A_32 = arith.constant 15 : i32
    %add3A_33 = arith.addi %squeeze3A, %add3A_32 : i32
    %jit3A = arith.constant 16 : i32
    %div3A = arith.divsi %add3A_33, %jit3A : i32
    %sign3A = arith.constant 0 : i32
    %sign3A_34 = arith.cmpi sgt, %add3A_33, %sign3A : i32
    %sign3A_35 = arith.extui %sign3A_34 : i1 to i32
    %sign3A_36 = arith.constant 0 : i32
    %sign3A_37 = arith.cmpi slt, %add3A_33, %sign3A_36 : i32
    %sign3A_38 = arith.extui %sign3A_37 : i1 to i32
    %sign3A_39 = arith.subi %sign3A_35, %sign3A_38 : i32
    %sign3A_40 = arith.constant 0 : i32
    %sign3A_41 = arith.cmpi sgt, %jit3A, %sign3A_40 : i32
    %sign3A_42 = arith.extui %sign3A_41 : i1 to i32
    %sign3A_43 = arith.constant 0 : i32
    %sign3A_44 = arith.cmpi slt, %jit3A, %sign3A_43 : i32
    %sign3A_45 = arith.extui %sign3A_44 : i1 to i32
    %sign3A_46 = arith.subi %sign3A_42, %sign3A_45 : i32
    %ne3A = arith.cmpi ne, %sign3A_39, %sign3A_46 : i32
    %rem3A = arith.remsi %add3A_33, %jit3A : i32
    %ne3A_47 = arith.constant 0 : i32
    %ne3A_48 = arith.cmpi ne, %rem3A, %ne3A_47 : i32
    %and3A = arith.andi %ne3A, %ne3A_48 : i1
    %sub3A_49 = arith.constant 1 : i32
    %sub3A_50 = arith.subi %div3A, %sub3A_49 : i32
    %select_n3A = arith.select %and3A, %sub3A_50, %div3A : i32
    %broadcast_in_dim3A_51 = vector.broadcast %sub3A_24 : i32 to vector<16xi32>
    %broadcast_in_dim3A_52 = vector.broadcast %squeeze3A : i32 to vector<16xi32>
    %scan3A_53 = arith.constant 0 : i32
    %scan3A_54 = arith.constant 22 : i32
    %scan3A_55 = arith.addi %scan3A_53, %scan3A_54 : i32
    %scan3A_56 = arith.constant 1 : i32
    %scan3A_57 = scf.for %scan3A_274 = %scan3A_53 to %scan3A_55 step %scan3A_56 iter_args(%scan3A_275 = %shift_left3A_27) -> (i32)  : i32 {
      %sub3A_276 = arith.constant 21 : i32
      %sub3A_277 = arith.subi %sub3A_276, %scan3A_274 : i32
      %shift_left3A_278 = arith.constant 1 : i32
      %shift_left3A_279 = arith.shli %shift_left3A_278, %sub3A_277 : i32
      %add3A_280 = arith.addi %scan3A_275, %shift_left3A_279 : i32
      %broadcast_in_dim3A_281 = vector.broadcast %add3A_280 : i32 to vector<16xi32>
      %parallel_loop3A_282 = arith.constant 0 : i32
      %parallel_loop3A_283 = arith.constant 1 : i32
      %parallel_loop3A_284 = scf.for %parallel_loop3A_293 = %parallel_loop3A_282 to %select_n3A step %parallel_loop3A_283 iter_args(%parallel_loop3A_294 = %broadcast_in_dim3A_3) -> (vector<16xi32>)  : i32 {
        %parallel_loop3A_295 = arith.constant 16 : i32
        %parallel_loop3A_296 = arith.muli %parallel_loop3A_293, %parallel_loop3A_295 : i32
        %parallel_loop3A_297 = vector.broadcast %parallel_loop3A_296 : i32 to vector<16xi32>
        %parallel_loop3A_298 = arith.addi %parallel_loop3A_297, %iota3A : vector<16xi32>
        %parallel_loop3A_299 = arith.cmpi slt, %parallel_loop3A_298, %broadcast_in_dim3A_52 : vector<16xi32>
        %parallel_loop3A_300 = arith.constant 16 : i32
        %parallel_loop3A_301 = arith.muli %parallel_loop3A_293, %parallel_loop3A_300 : i32
        %parallel_loop3A_302 = arith.index_cast %parallel_loop3A_301 : i32 to index
        %parallel_loop3A_303 = tpu.vector_load %arg6[%parallel_loop3A_302] {strides = array<i32>} : memref<32768xi32, #tpu.memory_space<vmem>>, vector<16xi32>,
        %parallel_loop3A_304 = arith.cmpi sge, %parallel_loop3A_303, %broadcast_in_dim3A_281 : vector<16xi32>
        %parallel_loop3A_305 = arith.andi %parallel_loop3A_304, %parallel_loop3A_299 : vector<16xi1>
        %parallel_loop3A_306 = tpu.all_reduce %parallel_loop3A_305 {dim = 0 : i64, kind = #tpu.reduction_kind<sum>} : vector<16xi1> -> vector<16xi32>
        %parallel_loop3A_307 = arith.addi %parallel_loop3A_294, %parallel_loop3A_306 : vector<16xi32>
        scf.yield %parallel_loop3A_307 : vector<16xi32>
      } {sc.loop_unroll_factor = 4 : i64, sc.parallel_access}
      %reduce_max3A = arith.constant true
      %reduce_max3A_285 = vector.broadcast %reduce_max3A : i1 to vector<16xi1>
      %reduce_max3A_286 = arith.constant -2147483648 : i32
      %reduce_max3A_287 = vector.broadcast %reduce_max3A_286 : i32 to vector<16xi32>
      %reduce_max3A_288 = arith.xori %parallel_loop3A_284, %reduce_max3A_287 : vector<16xi32>
      %reduce_max3A_289 = tpu.scan <max>, %reduce_max3A_288 masked %reduce_max3A_285 : vector<16xi32>, vector<16xi1> -> vector<16xi32>
      %reduce_max3A_290 = arith.xori %reduce_max3A_289, %reduce_max3A_287 : vector<16xi32>
      %reduce_max3A_291 = vector.extract %reduce_max3A_290[15] : i32 from vector<16xi32>
      %ge3A = arith.cmpi sge, %reduce_max3A_291, %sub3A_24 : i32
      %select_n3A_292 = arith.select %ge3A, %add3A_280, %scan3A_275 : i32
      scf.yield %select_n3A_292 : i32
    }
    %scan3A_58 = arith.constant 22 : i32
    %eq3A = arith.constant 0 : i32
    %eq3A_59 = vector.broadcast %eq3A : i32 to vector<16xi32>
    %eq3A_60 = arith.cmpi eq, %iota3A, %eq3A_59 : vector<16xi32>
    %broadcast_in_dim3A_61 = vector.broadcast %scan3A_57 : i32 to vector<16xi32>
    %select_n3A_62 = arith.select %eq3A_60, %broadcast_in_dim3A_61, %broadcast_in_dim3A_3 : vector<16xi1>, vector<16xi32>
    %mul3A_63 = arith.constant 4 : i32
    %mul3A_64 = arith.muli %add3A, %mul3A_63 : i32
    %add3A_65 = arith.constant 1 : i32
    %add3A_66 = arith.addi %mul3A_64, %add3A_65 : i32
    "tpu.region"() ({
      %run_scoped3A = tpu.sem_alloc : memref<!tpu.dma_semaphore, #tpu.memory_space<semaphore_mem>>
      %dma_start3A = arith.constant 0 : i32
      %dma_start3A_274 = tpu.memref_slice %arg2[%add3A_66, %dma_start3A] : memref<128x32768xf32, #tpu.memory_space<hbm>> -> memref<1x32768xf32, #tpu.memory_space<hbm>>
      %dma_start3A_275 = tpu.memref_squeeze %dma_start3A_274 : memref<1x32768xf32, #tpu.memory_space<hbm>> -> memref<32768xf32, #tpu.memory_space<hbm>>
      %dma_start3A_276 = arith.constant 0 : i32
      %dma_start3A_277 = tpu.memref_slice %arg2[%add3A_66, %dma_start3A_276] : memref<128x32768xf32, #tpu.memory_space<hbm>> -> memref<1x32768xf32, #tpu.memory_space<hbm>>
      %dma_start3A_278 = tpu.memref_squeeze %dma_start3A_277 : memref<1x32768xf32, #tpu.memory_space<hbm>> -> memref<32768xf32, #tpu.memory_space<hbm>>
      tpu.enqueue_dma source(%dma_start3A_278 : memref<32768xf32, #tpu.memory_space<hbm>>) target(%arg5 : memref<32768xf32, #tpu.memory_space<vmem>>) target_semaphore(%run_scoped3A : memref<!tpu.dma_semaphore, #tpu.memory_space<semaphore_mem>>)
      %dma_wait3A = arith.constant 0 : i32
      %dma_wait3A_279 = tpu.memref_slice %arg2[%add3A_66, %dma_wait3A] : memref<128x32768xf32, #tpu.memory_space<hbm>> -> memref<1x32768xf32, #tpu.memory_space<hbm>>
      %dma_wait3A_280 = tpu.memref_squeeze %dma_wait3A_279 : memref<1x32768xf32, #tpu.memory_space<hbm>> -> memref<32768xf32, #tpu.memory_space<hbm>>
      %dma_wait3A_281 = arith.constant 0 : i32
      %dma_wait3A_282 = tpu.memref_slice %arg2[%add3A_66, %dma_wait3A_281] : memref<128x32768xf32, #tpu.memory_space<hbm>> -> memref<1x32768xf32, #tpu.memory_space<hbm>>
      %dma_wait3A_283 = tpu.memref_squeeze %dma_wait3A_282 : memref<1x32768xf32, #tpu.memory_space<hbm>> -> memref<32768xf32, #tpu.memory_space<hbm>>
      tpu.wait_dma2 semaphore(%run_scoped3A : memref<!tpu.dma_semaphore, #tpu.memory_space<semaphore_mem>>) src(%dma_wait3A_283 : memref<32768xf32, #tpu.memory_space<hbm>>) dst(%arg5 : memref<32768xf32, #tpu.memory_space<vmem>>)
      tpu.yield
    }) : () -> ()
    %parallel_loop3A_67 = arith.constant 0 : i32
    %parallel_loop3A_68 = arith.constant 1024 : i32
    %parallel_loop3A_69 = arith.constant 1 : i32
    scf.for %parallel_loop3A_274 = %parallel_loop3A_67 to %parallel_loop3A_68 step %parallel_loop3A_69  : i32 {
      %parallel_loop3A_275 = arith.constant 16 : i32
      %parallel_loop3A_276 = arith.muli %parallel_loop3A_274, %parallel_loop3A_275 : i32
      %parallel_loop3A_277 = arith.index_cast %parallel_loop3A_276 : i32 to index
      %parallel_loop3A_278 = tpu.vector_load %arg8[%parallel_loop3A_277] {strides = array<i32>} : memref<16384xi32, #tpu.memory_space<vmem>>, vector<16xi32>,
      tpu.vector_store %arg8[%parallel_loop3A_277], %broadcast_in_dim3A_3 {strides = array<i32>} : memref<16384xi32, #tpu.memory_space<vmem>>, vector<16xi32>,
    } {sc.loop_unroll_factor = 8 : i64, sc.parallel_access}
    %parallel_loop3A_70 = arith.constant 0 : i32
    %parallel_loop3A_71 = arith.constant 2048 : i32
    %parallel_loop3A_72 = arith.constant 1 : i32
    scf.for %parallel_loop3A_274 = %parallel_loop3A_70 to %parallel_loop3A_71 step %parallel_loop3A_72  : i32 {
      %parallel_loop3A_275 = arith.constant 16 : i32
      %parallel_loop3A_276 = arith.muli %parallel_loop3A_274, %parallel_loop3A_275 : i32
      %parallel_loop3A_277 = arith.index_cast %parallel_loop3A_276 : i32 to index
      %parallel_loop3A_278 = tpu.vector_load %arg5[%parallel_loop3A_277] {strides = array<i32>} : memref<32768xf32, #tpu.memory_space<vmem>>, vector<16xf32>,
      %parallel_loop3A_279 = arith.index_cast %parallel_loop3A_276 : i32 to index
      %parallel_loop3A_280 = tpu.vector_load %arg7[%parallel_loop3A_279] {strides = array<i32>} : memref<32768xf32, #tpu.memory_space<vmem>>, vector<16xf32>,
      %parallel_loop3A_281 = arith.mulf %parallel_loop3A_278, %parallel_loop3A_280 : vector<16xf32>
      %parallel_loop3A_282 = tpu.bitcast %parallel_loop3A_281 : vector<16xf32> -> vector<16xi32>
      %parallel_loop3A_283 = arith.constant 31 : i32
      %parallel_loop3A_284 = vector.broadcast %parallel_loop3A_283 : i32 to vector<16xi32>
      %parallel_loop3A_285 = arith.shrsi %parallel_loop3A_282, %parallel_loop3A_284 : vector<16xi32>
      %parallel_loop3A_286 = arith.constant 2147483647 : i32
      %parallel_loop3A_287 = vector.broadcast %parallel_loop3A_286 : i32 to vector<16xi32>
      %parallel_loop3A_288 = arith.andi %parallel_loop3A_285, %parallel_loop3A_287 : vector<16xi32>
      %parallel_loop3A_289 = arith.xori %parallel_loop3A_282, %parallel_loop3A_288 : vector<16xi32>
      %parallel_loop3A_290 = vector.bitcast %parallel_loop3A_289 : vector<16xi32> to vector<16xf32>
      %parallel_loop3A_291 = arith.index_cast %parallel_loop3A_276 : i32 to index
      %parallel_loop3A_292 = tpu.vector_load %arg5[%parallel_loop3A_291] {strides = array<i32>} : memref<32768xf32, #tpu.memory_space<vmem>>, vector<16xf32>,
      tpu.vector_store %arg5[%parallel_loop3A_291], %parallel_loop3A_290 {strides = array<i32>} : memref<32768xf32, #tpu.memory_space<vmem>>, vector<16xf32>,
      %parallel_loop3A_293 = arith.constant 22 : i32
      %parallel_loop3A_294 = vector.broadcast %parallel_loop3A_293 : i32 to vector<16xi32>
      %parallel_loop3A_295 = arith.shrsi %parallel_loop3A_289, %parallel_loop3A_294 : vector<16xi32>
      %parallel_loop3A_296 = arith.constant 512 : i32
      %parallel_loop3A_297 = vector.broadcast %parallel_loop3A_296 : i32 to vector<16xi32>
      %parallel_loop3A_298 = arith.addi %parallel_loop3A_295, %parallel_loop3A_297 : vector<16xi32>
      %parallel_loop3A_299 = arith.constant 16 : i32
      %parallel_loop3A_300 = vector.broadcast %parallel_loop3A_299 : i32 to vector<16xi32>
      %parallel_loop3A_301 = arith.muli %parallel_loop3A_298, %parallel_loop3A_300 : vector<16xi32>
      %parallel_loop3A_302 = arith.addi %parallel_loop3A_301, %iota3A : vector<16xi32>
      tpu.vector_store_idx %arg8[%parallel_loop3A_302], %broadcast_in_dim3A_1 {add = true} : memref<16384xi32, #tpu.memory_space<vmem>>[vector<16xi32>], vector<16xi32>,
    } {sc.loop_unroll_factor = 8 : i64, sc.parallel_access}
    %scan3A_73 = arith.constant 0 : i32
    %scan3A_74 = arith.constant -1 : i32
    %scan3A_75 = arith.constant 0 : i32
    %scan3A_76 = arith.constant 0 : i32
    %scan3A_77 = arith.constant 64 : i32
    %scan3A_78 = arith.addi %scan3A_76, %scan3A_77 : i32
    %scan3A_79 = arith.constant 1 : i32
    %scan3A_80:3 = scf.for %scan3A_274 = %scan3A_76 to %scan3A_78 step %scan3A_79 iter_args(%scan3A_275 = %scan3A_73, %scan3A_276 = %scan3A_74, %scan3A_277 = %scan3A_75) -> (i32, i32, i32)  : i32 {
      %sub3A_278 = arith.constant 63 : i32
      %sub3A_279 = arith.subi %sub3A_278, %scan3A_274 : i32
      %mul3A_280 = arith.constant 16 : i32
      %mul3A_281 = arith.muli %sub3A_279, %mul3A_280 : i32
      %add3A_282 = vector.broadcast %mul3A_281 : i32 to vector<16xi32>
      %add3A_283 = arith.addi %add3A_282, %iota3A : vector<16xi32>
      %mul3A_284 = arith.constant 16 : i32
      %mul3A_285 = vector.broadcast %mul3A_284 : i32 to vector<16xi32>
      %mul3A_286 = arith.muli %add3A_283, %mul3A_285 : vector<16xi32>
      %add3A_287 = arith.constant 0 : i32
      %add3A_288 = vector.broadcast %add3A_287 : i32 to vector<16xi32>
      %add3A_289 = arith.addi %mul3A_286, %add3A_288 : vector<16xi32>
      %gather3A = tpu.vector_load_idx %arg8[%add3A_289] : memref<16384xi32, #tpu.memory_space<vmem>>[vector<16xi32>], vector<16xi32>,
      %add3A_290 = arith.addi %broadcast_in_dim3A_3, %gather3A : vector<16xi32>
      %add3A_291 = arith.constant 1 : i32
      %add3A_292 = vector.broadcast %add3A_291 : i32 to vector<16xi32>
      %add3A_293 = arith.addi %mul3A_286, %add3A_292 : vector<16xi32>
      %gather3A_294 = tpu.vector_load_idx %arg8[%add3A_293] : memref<16384xi32, #tpu.memory_space<vmem>>[vector<16xi32>], vector<16xi32>,
      %add3A_295 = arith.addi %add3A_290, %gather3A_294 : vector<16xi32>
      %add3A_296 = arith.constant 2 : i32
      %add3A_297 = vector.broadcast %add3A_296 : i32 to vector<16xi32>
      %add3A_298 = arith.addi %mul3A_286, %add3A_297 : vector<16xi32>
      %gather3A_299 = tpu.vector_load_idx %arg8[%add3A_298] : memref<16384xi32, #tpu.memory_space<vmem>>[vector<16xi32>], vector<16xi32>,
      %add3A_300 = arith.addi %add3A_295, %gather3A_299 : vector<16xi32>
      %add3A_301 = arith.constant 3 : i32
      %add3A_302 = vector.broadcast %add3A_301 : i32 to vector<16xi32>
      %add3A_303 = arith.addi %mul3A_286, %add3A_302 : vector<16xi32>
      %gather3A_304 = tpu.vector_load_idx %arg8[%add3A_303] : memref<16384xi32, #tpu.memory_space<vmem>>[vector<16xi32>], vector<16xi32>,
      %add3A_305 = arith.addi %add3A_300, %gather3A_304 : vector<16xi32>
      %add3A_306 = arith.constant 4 : i32
      %add3A_307 = vector.broadcast %add3A_306 : i32 to vector<16xi32>
      %add3A_308 = arith.addi %mul3A_286, %add3A_307 : vector<16xi32>
      %gather3A_309 = tpu.vector_load_idx %arg8[%add3A_308] : memref<16384xi32, #tpu.memory_space<vmem>>[vector<16xi32>], vector<16xi32>,
      %add3A_310 = arith.addi %add3A_305, %gather3A_309 : vector<16xi32>
      %add3A_311 = arith.constant 5 : i32
      %add3A_312 = vector.broadcast %add3A_311 : i32 to vector<16xi32>
      %add3A_313 = arith.addi %mul3A_286, %add3A_312 : vector<16xi32>
      %gather3A_314 = tpu.vector_load_idx %arg8[%add3A_313] : memref<16384xi32, #tpu.memory_space<vmem>>[vector<16xi32>], vector<16xi32>,
      %add3A_315 = arith.addi %add3A_310, %gather3A_314 : vector<16xi32>
      %add3A_316 = arith.constant 6 : i32
      %add3A_317 = vector.broadcast %add3A_316 : i32 to vector<16xi32>
      %add3A_318 = arith.addi %mul3A_286, %add3A_317 : vector<16xi32>
      %gather3A_319 = tpu.vector_load_idx %arg8[%add3A_318] : memref<16384xi32, #tpu.memory_space<vmem>>[vector<16xi32>], vector<16xi32>,
      %add3A_320 = arith.addi %add3A_315, %gather3A_319 : vector<16xi32>
      %add3A_321 = arith.constant 7 : i32
      %add3A_322 = vector.broadcast %add3A_321 : i32 to vector<16xi32>
      %add3A_323 = arith.addi %mul3A_286, %add3A_322 : vector<16xi32>
      %gather3A_324 = tpu.vector_load_idx %arg8[%add3A_323] : memref<16384xi32, #tpu.memory_space<vmem>>[vector<16xi32>], vector<16xi32>,
      %add3A_325 = arith.addi %add3A_320, %gather3A_324 : vector<16xi32>
      %add3A_326 = arith.constant 8 : i32
      %add3A_327 = vector.broadcast %add3A_326 : i32 to vector<16xi32>
      %add3A_328 = arith.addi %mul3A_286, %add3A_327 : vector<16xi32>
      %gather3A_329 = tpu.vector_load_idx %arg8[%add3A_328] : memref<16384xi32, #tpu.memory_space<vmem>>[vector<16xi32>], vector<16xi32>,
      %add3A_330 = arith.addi %add3A_325, %gather3A_329 : vector<16xi32>
      %add3A_331 = arith.constant 9 : i32
      %add3A_332 = vector.broadcast %add3A_331 : i32 to vector<16xi32>
      %add3A_333 = arith.addi %mul3A_286, %add3A_332 : vector<16xi32>
      %gather3A_334 = tpu.vector_load_idx %arg8[%add3A_333] : memref<16384xi32, #tpu.memory_space<vmem>>[vector<16xi32>], vector<16xi32>,
      %add3A_335 = arith.addi %add3A_330, %gather3A_334 : vector<16xi32>
      %add3A_336 = arith.constant 10 : i32
      %add3A_337 = vector.broadcast %add3A_336 : i32 to vector<16xi32>
      %add3A_338 = arith.addi %mul3A_286, %add3A_337 : vector<16xi32>
      %gather3A_339 = tpu.vector_load_idx %arg8[%add3A_338] : memref<16384xi32, #tpu.memory_space<vmem>>[vector<16xi32>], vector<16xi32>,
      %add3A_340 = arith.addi %add3A_335, %gather3A_339 : vector<16xi32>
      %add3A_341 = arith.constant 11 : i32
      %add3A_342 = vector.broadcast %add3A_341 : i32 to vector<16xi32>
      %add3A_343 = arith.addi %mul3A_286, %add3A_342 : vector<16xi32>
      %gather3A_344 = tpu.vector_load_idx %arg8[%add3A_343] : memref<16384xi32, #tpu.memory_space<vmem>>[vector<16xi32>], vector<16xi32>,
      %add3A_345 = arith.addi %add3A_340, %gather3A_344 : vector<16xi32>
      %add3A_346 = arith.constant 12 : i32
      %add3A_347 = vector.broadcast %add3A_346 : i32 to vector<16xi32>
      %add3A_348 = arith.addi %mul3A_286, %add3A_347 : vector<16xi32>
      %gather3A_349 = tpu.vector_load_idx %arg8[%add3A_348] : memref<16384xi32, #tpu.memory_space<vmem>>[vector<16xi32>], vector<16xi32>,
      %add3A_350 = arith.addi %add3A_345, %gather3A_349 : vector<16xi32>
      %add3A_351 = arith.constant 13 : i32
      %add3A_352 = vector.broadcast %add3A_351 : i32 to vector<16xi32>
      %add3A_353 = arith.addi %mul3A_286, %add3A_352 : vector<16xi32>
      %gather3A_354 = tpu.vector_load_idx %arg8[%add3A_353] : memref<16384xi32, #tpu.memory_space<vmem>>[vector<16xi32>], vector<16xi32>,
      %add3A_355 = arith.addi %add3A_350, %gather3A_354 : vector<16xi32>
      %add3A_356 = arith.constant 14 : i32
      %add3A_357 = vector.broadcast %add3A_356 : i32 to vector<16xi32>
      %add3A_358 = arith.addi %mul3A_286, %add3A_357 : vector<16xi32>
      %gather3A_359 = tpu.vector_load_idx %arg8[%add3A_358] : memref<16384xi32, #tpu.memory_space<vmem>>[vector<16xi32>], vector<16xi32>,
      %add3A_360 = arith.addi %add3A_355, %gather3A_359 : vector<16xi32>
      %add3A_361 = arith.constant 15 : i32
      %add3A_362 = vector.broadcast %add3A_361 : i32 to vector<16xi32>
      %add3A_363 = arith.addi %mul3A_286, %add3A_362 : vector<16xi32>
      %gather3A_364 = tpu.vector_load_idx %arg8[%add3A_363] : memref<16384xi32, #tpu.memory_space<vmem>>[vector<16xi32>], vector<16xi32>,
      %add3A_365 = arith.addi %add3A_360, %gather3A_364 : vector<16xi32>
      %rev3A = arith.constant 15 : i32
      %rev3A_366 = vector.broadcast %rev3A : i32 to vector<16xi32>
      %rev3A_367 = tpu.iota {dimensions = array<i32: 0>} : vector<16xi32>
      %rev3A_368 = arith.subi %rev3A_366, %rev3A_367 : vector<16xi32>
      %rev3A_369 = tpu.dynamic_gather %add3A_365[%rev3A_368] in [0] : vector<16xi32>, vector<16xi32> -> vector<16xi32>
      %cumsum3A = arith.constant true
      %cumsum3A_370 = vector.broadcast %cumsum3A : i1 to vector<16xi1>
      %cumsum3A_371 = tpu.scan <sum>, %rev3A_369 masked %cumsum3A_370 : vector<16xi32>, vector<16xi1> -> vector<16xi32>
      %rev3A_372 = arith.constant 15 : i32
      %rev3A_373 = vector.broadcast %rev3A_372 : i32 to vector<16xi32>
      %rev3A_374 = tpu.iota {dimensions = array<i32: 0>} : vector<16xi32>
      %rev3A_375 = arith.subi %rev3A_373, %rev3A_374 : vector<16xi32>
      %rev3A_376 = tpu.dynamic_gather %cumsum3A_371[%rev3A_375] in [0] : vector<16xi32>, vector<16xi32> -> vector<16xi32>
      %add3A_377 = vector.broadcast %scan3A_275 : i32 to vector<16xi32>
      %add3A_378 = arith.addi %rev3A_376, %add3A_377 : vector<16xi32>
      %ge3A = arith.constant 8192 : i32
      %ge3A_379 = vector.broadcast %ge3A : i32 to vector<16xi32>
      %ge3A_380 = arith.cmpi sge, %add3A_378, %ge3A_379 : vector<16xi32>
      %mul3A_381 = arith.constant 16 : i32
      %mul3A_382 = arith.muli %sub3A_279, %mul3A_381 : i32
      %add3A_383 = vector.broadcast %mul3A_382 : i32 to vector<16xi32>
      %add3A_384 = arith.addi %add3A_383, %iota3A : vector<16xi32>
      %jit3A_385 = arith.constant -1 : i32
      %broadcast_in_dim3A_386 = vector.broadcast %jit3A_385 : i32 to vector<16xi32>
      %select_n3A_387 = arith.select %ge3A_380, %add3A_384, %broadcast_in_dim3A_386 : vector<16xi1>, vector<16xi32>
      %reduce_max3A = arith.constant true
      %reduce_max3A_388 = vector.broadcast %reduce_max3A : i1 to vector<16xi1>
      %reduce_max3A_389 = arith.constant -2147483648 : i32
      %reduce_max3A_390 = vector.broadcast %reduce_max3A_389 : i32 to vector<16xi32>
      %reduce_max3A_391 = arith.xori %select_n3A_387, %reduce_max3A_390 : vector<16xi32>
      %reduce_max3A_392 = tpu.scan <max>, %reduce_max3A_391 masked %reduce_max3A_388 : vector<16xi32>, vector<16xi1> -> vector<16xi32>
      %reduce_max3A_393 = arith.xori %reduce_max3A_392, %reduce_max3A_390 : vector<16xi32>
      %reduce_max3A_394 = vector.extract %reduce_max3A_393[15] : i32 from vector<16xi32>
      %sub3A_395 = arith.subi %add3A_378, %add3A_365 : vector<16xi32>
      %jit3A_396 = arith.constant 1073741824 : i32
      %broadcast_in_dim3A_397 = vector.broadcast %jit3A_396 : i32 to vector<16xi32>
      %select_n3A_398 = arith.select %ge3A_380, %sub3A_395, %broadcast_in_dim3A_397 : vector<16xi1>, vector<16xi32>
      %reduce_min3A = arith.constant true
      %reduce_min3A_399 = vector.broadcast %reduce_min3A : i1 to vector<16xi1>
      %reduce_min3A_400 = arith.constant -2147483648 : i32
      %reduce_min3A_401 = vector.broadcast %reduce_min3A_400 : i32 to vector<16xi32>
      %reduce_min3A_402 = arith.xori %select_n3A_398, %reduce_min3A_401 : vector<16xi32>
      %reduce_min3A_403 = tpu.scan <min>, %reduce_min3A_402 masked %reduce_min3A_399 : vector<16xi32>, vector<16xi1> -> vector<16xi32>
      %reduce_min3A_404 = arith.xori %reduce_min3A_403, %reduce_min3A_401 : vector<16xi32>
      %reduce_min3A_405 = vector.extract %reduce_min3A_404[15] : i32 from vector<16xi32>
      %gt3A = arith.cmpi sgt, %reduce_max3A_394, %scan3A_276 : i32
      %select_n3A_406 = arith.select %gt3A, %reduce_min3A_405, %scan3A_277 : i32
      %max3A = arith.maxsi %scan3A_276, %reduce_max3A_394 : i32
      %reduce_sum3A = arith.constant true
      %reduce_sum3A_407 = vector.broadcast %reduce_sum3A : i1 to vector<16xi1>
      %reduce_sum3A_408 = tpu.scan <sum>, %add3A_365 masked %reduce_sum3A_407 : vector<16xi32>, vector<16xi1> -> vector<16xi32>
      %reduce_sum3A_409 = vector.extract %reduce_sum3A_408[15] : i32 from vector<16xi32>
      %add3A_410 = arith.addi %scan3A_275, %reduce_sum3A_409 : i32
      scf.yield %add3A_410, %max3A, %select_n3A_406 : i32, i32, i32
    }
    %scan3A_81 = arith.constant 64 : i32
    %sub3A_82 = arith.constant 8192 : i32
    %sub3A_83 = arith.subi %sub3A_82, %scan3A_80#2 : i32
    %sub3A_84 = arith.constant 512 : i32
    %sub3A_85 = arith.subi %scan3A_80#1, %sub3A_84 : i32
    %shift_left3A_86 = arith.constant 22 : i32
    %shift_left3A_87 = arith.shli %sub3A_85, %shift_left3A_86 : i32
    %parallel_loop3A_88 = arith.constant 0 : i32
    %parallel_loop3A_89 = arith.constant 2048 : i32
    %parallel_loop3A_90 = arith.constant 1 : i32
    %parallel_loop3A_91 = scf.for %parallel_loop3A_274 = %parallel_loop3A_88 to %parallel_loop3A_89 step %parallel_loop3A_90 iter_args(%parallel_loop3A_275 = %broadcast_in_dim3A_3) -> (vector<16xi32>)  : i32 {
      %parallel_loop3A_276 = arith.constant 16 : i32
      %parallel_loop3A_277 = arith.muli %parallel_loop3A_274, %parallel_loop3A_276 : i32
      %parallel_loop3A_278 = arith.index_cast %parallel_loop3A_277 : i32 to index
      %parallel_loop3A_279 = tpu.vector_load %arg5[%parallel_loop3A_278] {strides = array<i32>} : memref<32768xf32, #tpu.memory_space<vmem>>, vector<16xf32>,
      %parallel_loop3A_280 = vector.bitcast %parallel_loop3A_279 : vector<16xf32> to vector<16xi32>
      %parallel_loop3A_281 = arith.constant 22 : i32
      %parallel_loop3A_282 = vector.broadcast %parallel_loop3A_281 : i32 to vector<16xi32>
      %parallel_loop3A_283 = arith.shrsi %parallel_loop3A_280, %parallel_loop3A_282 : vector<16xi32>
      %parallel_loop3A_284 = arith.constant 512 : i32
      %parallel_loop3A_285 = vector.broadcast %parallel_loop3A_284 : i32 to vector<16xi32>
      %parallel_loop3A_286 = arith.addi %parallel_loop3A_283, %parallel_loop3A_285 : vector<16xi32>
      %parallel_loop3A_287 = vector.broadcast %scan3A_80#1 : i32 to vector<16xi32>
      %parallel_loop3A_288 = arith.cmpi eq, %parallel_loop3A_286, %parallel_loop3A_287 : vector<16xi32>
      %parallel_loop3A_289 = vector.extract_strided_slice %parallel_loop3A_275 {offsets = [0], sizes = [1], strides = [1]} : vector<16xi32> to vector<1xi32>
      %parallel_loop3A_290 = vector.extract %parallel_loop3A_289[0] : i32 from vector<1xi32>
      %parallel_loop3A_291 = arith.index_cast %parallel_loop3A_290 : i32 to index
      %parallel_loop3A_292 = tpu.vector_load %arg6[%parallel_loop3A_291] masked %parallel_loop3A_288 {strides = array<i32>} : memref<32768xi32, #tpu.memory_space<vmem>>, vector<16xi32>, vector<16xi1>
      tpu.vector_store %arg6[%parallel_loop3A_291], %parallel_loop3A_280 masked %parallel_loop3A_288 {strides = array<i32>} : memref<32768xi32, #tpu.memory_space<vmem>>, vector<16xi32>, vector<16xi1>
      %parallel_loop3A_293 = tpu.all_reduce %parallel_loop3A_288 {dim = 0 : i64, kind = #tpu.reduction_kind<sum>} : vector<16xi1> -> vector<16xi32>
      %parallel_loop3A_294 = arith.addi %parallel_loop3A_275, %parallel_loop3A_293 : vector<16xi32>
      scf.yield %parallel_loop3A_294 : vector<16xi32>
    } {sc.loop_unroll_factor = 4 : i64, sc.parallel_access}
    %slice3A_92 = vector.extract_strided_slice %parallel_loop3A_91 {offsets = [0], sizes = [1], strides = [1]} : vector<16xi32> to vector<1xi32>
    %squeeze3A_93 = vector.extract %slice3A_92[0] : i32 from vector<1xi32>
    %add3A_94 = arith.constant 15 : i32
    %add3A_95 = arith.addi %squeeze3A_93, %add3A_94 : i32
    %jit3A_96 = arith.constant 16 : i32
    %div3A_97 = arith.divsi %add3A_95, %jit3A_96 : i32
    %sign3A_98 = arith.constant 0 : i32
    %sign3A_99 = arith.cmpi sgt, %add3A_95, %sign3A_98 : i32
    %sign3A_100 = arith.extui %sign3A_99 : i1 to i32
    %sign3A_101 = arith.constant 0 : i32
    %sign3A_102 = arith.cmpi slt, %add3A_95, %sign3A_101 : i32
    %sign3A_103 = arith.extui %sign3A_102 : i1 to i32
    %sign3A_104 = arith.subi %sign3A_100, %sign3A_103 : i32
    %sign3A_105 = arith.constant 0 : i32
    %sign3A_106 = arith.cmpi sgt, %jit3A_96, %sign3A_105 : i32
    %sign3A_107 = arith.extui %sign3A_106 : i1 to i32
    %sign3A_108 = arith.constant 0 : i32
    %sign3A_109 = arith.cmpi slt, %jit3A_96, %sign3A_108 : i32
    %sign3A_110 = arith.extui %sign3A_109 : i1 to i32
    %sign3A_111 = arith.subi %sign3A_107, %sign3A_110 : i32
    %ne3A_112 = arith.cmpi ne, %sign3A_104, %sign3A_111 : i32
    %rem3A_113 = arith.remsi %add3A_95, %jit3A_96 : i32
    %ne3A_114 = arith.constant 0 : i32
    %ne3A_115 = arith.cmpi ne, %rem3A_113, %ne3A_114 : i32
    %and3A_116 = arith.andi %ne3A_112, %ne3A_115 : i1
    %sub3A_117 = arith.constant 1 : i32
    %sub3A_118 = arith.subi %div3A_97, %sub3A_117 : i32
    %select_n3A_119 = arith.select %and3A_116, %sub3A_118, %div3A_97 : i32
    %broadcast_in_dim3A_120 = vector.broadcast %sub3A_83 : i32 to vector<16xi32>
    %broadcast_in_dim3A_121 = vector.broadcast %squeeze3A_93 : i32 to vector<16xi32>
    %scan3A_122 = arith.constant 0 : i32
    %scan3A_123 = arith.constant 22 : i32
    %scan3A_124 = arith.addi %scan3A_122, %scan3A_123 : i32
    %scan3A_125 = arith.constant 1 : i32
    %scan3A_126 = scf.for %scan3A_274 = %scan3A_122 to %scan3A_124 step %scan3A_125 iter_args(%scan3A_275 = %shift_left3A_87) -> (i32)  : i32 {
      %sub3A_276 = arith.constant 21 : i32
      %sub3A_277 = arith.subi %sub3A_276, %scan3A_274 : i32
      %shift_left3A_278 = arith.constant 1 : i32
      %shift_left3A_279 = arith.shli %shift_left3A_278, %sub3A_277 : i32
      %add3A_280 = arith.addi %scan3A_275, %shift_left3A_279 : i32
      %broadcast_in_dim3A_281 = vector.broadcast %add3A_280 : i32 to vector<16xi32>
      %parallel_loop3A_282 = arith.constant 0 : i32
      %parallel_loop3A_283 = arith.constant 1 : i32
      %parallel_loop3A_284 = scf.for %parallel_loop3A_293 = %parallel_loop3A_282 to %select_n3A_119 step %parallel_loop3A_283 iter_args(%parallel_loop3A_294 = %broadcast_in_dim3A_3) -> (vector<16xi32>)  : i32 {
        %parallel_loop3A_295 = arith.constant 16 : i32
        %parallel_loop3A_296 = arith.muli %parallel_loop3A_293, %parallel_loop3A_295 : i32
        %parallel_loop3A_297 = vector.broadcast %parallel_loop3A_296 : i32 to vector<16xi32>
        %parallel_loop3A_298 = arith.addi %parallel_loop3A_297, %iota3A : vector<16xi32>
        %parallel_loop3A_299 = arith.cmpi slt, %parallel_loop3A_298, %broadcast_in_dim3A_121 : vector<16xi32>
        %parallel_loop3A_300 = arith.constant 16 : i32
        %parallel_loop3A_301 = arith.muli %parallel_loop3A_293, %parallel_loop3A_300 : i32
        %parallel_loop3A_302 = arith.index_cast %parallel_loop3A_301 : i32 to index
        %parallel_loop3A_303 = tpu.vector_load %arg6[%parallel_loop3A_302] {strides = array<i32>} : memref<32768xi32, #tpu.memory_space<vmem>>, vector<16xi32>,
        %parallel_loop3A_304 = arith.cmpi sge, %parallel_loop3A_303, %broadcast_in_dim3A_281 : vector<16xi32>
        %parallel_loop3A_305 = arith.andi %parallel_loop3A_304, %parallel_loop3A_299 : vector<16xi1>
        %parallel_loop3A_306 = tpu.all_reduce %parallel_loop3A_305 {dim = 0 : i64, kind = #tpu.reduction_kind<sum>} : vector<16xi1> -> vector<16xi32>
        %parallel_loop3A_307 = arith.addi %parallel_loop3A_294, %parallel_loop3A_306 : vector<16xi32>
        scf.yield %parallel_loop3A_307 : vector<16xi32>
      } {sc.loop_unroll_factor = 4 : i64, sc.parallel_access}
      %reduce_max3A = arith.constant true
      %reduce_max3A_285 = vector.broadcast %reduce_max3A : i1 to vector<16xi1>
      %reduce_max3A_286 = arith.constant -2147483648 : i32
      %reduce_max3A_287 = vector.broadcast %reduce_max3A_286 : i32 to vector<16xi32>
      %reduce_max3A_288 = arith.xori %parallel_loop3A_284, %reduce_max3A_287 : vector<16xi32>
      %reduce_max3A_289 = tpu.scan <max>, %reduce_max3A_288 masked %reduce_max3A_285 : vector<16xi32>, vector<16xi1> -> vector<16xi32>
      %reduce_max3A_290 = arith.xori %reduce_max3A_289, %reduce_max3A_287 : vector<16xi32>
      %reduce_max3A_291 = vector.extract %reduce_max3A_290[15] : i32 from vector<16xi32>
      %ge3A = arith.cmpi sge, %reduce_max3A_291, %sub3A_83 : i32
      %select_n3A_292 = arith.select %ge3A, %add3A_280, %scan3A_275 : i32
      scf.yield %select_n3A_292 : i32
    }
    %scan3A_127 = arith.constant 22 : i32
    %eq3A_128 = arith.constant 1 : i32
    %eq3A_129 = vector.broadcast %eq3A_128 : i32 to vector<16xi32>
    %eq3A_130 = arith.cmpi eq, %iota3A, %eq3A_129 : vector<16xi32>
    %broadcast_in_dim3A_131 = vector.broadcast %scan3A_126 : i32 to vector<16xi32>
    %select_n3A_132 = arith.select %eq3A_130, %broadcast_in_dim3A_131, %select_n3A_62 : vector<16xi1>, vector<16xi32>
    %mul3A_133 = arith.constant 4 : i32
    %mul3A_134 = arith.muli %add3A, %mul3A_133 : i32
    %add3A_135 = arith.constant 2 : i32
    %add3A_136 = arith.addi %mul3A_134, %add3A_135 : i32
    "tpu.region"() ({
      %run_scoped3A = tpu.sem_alloc : memref<!tpu.dma_semaphore, #tpu.memory_space<semaphore_mem>>
      %dma_start3A = arith.constant 0 : i32
      %dma_start3A_274 = tpu.memref_slice %arg2[%add3A_136, %dma_start3A] : memref<128x32768xf32, #tpu.memory_space<hbm>> -> memref<1x32768xf32, #tpu.memory_space<hbm>>
      %dma_start3A_275 = tpu.memref_squeeze %dma_start3A_274 : memref<1x32768xf32, #tpu.memory_space<hbm>> -> memref<32768xf32, #tpu.memory_space<hbm>>
      %dma_start3A_276 = arith.constant 0 : i32
      %dma_start3A_277 = tpu.memref_slice %arg2[%add3A_136, %dma_start3A_276] : memref<128x32768xf32, #tpu.memory_space<hbm>> -> memref<1x32768xf32, #tpu.memory_space<hbm>>
      %dma_start3A_278 = tpu.memref_squeeze %dma_start3A_277 : memref<1x32768xf32, #tpu.memory_space<hbm>> -> memref<32768xf32, #tpu.memory_space<hbm>>
      tpu.enqueue_dma source(%dma_start3A_278 : memref<32768xf32, #tpu.memory_space<hbm>>) target(%arg5 : memref<32768xf32, #tpu.memory_space<vmem>>) target_semaphore(%run_scoped3A : memref<!tpu.dma_semaphore, #tpu.memory_space<semaphore_mem>>)
      %dma_wait3A = arith.constant 0 : i32
      %dma_wait3A_279 = tpu.memref_slice %arg2[%add3A_136, %dma_wait3A] : memref<128x32768xf32, #tpu.memory_space<hbm>> -> memref<1x32768xf32, #tpu.memory_space<hbm>>
      %dma_wait3A_280 = tpu.memref_squeeze %dma_wait3A_279 : memref<1x32768xf32, #tpu.memory_space<hbm>> -> memref<32768xf32, #tpu.memory_space<hbm>>
      %dma_wait3A_281 = arith.constant 0 : i32
      %dma_wait3A_282 = tpu.memref_slice %arg2[%add3A_136, %dma_wait3A_281] : memref<128x32768xf32, #tpu.memory_space<hbm>> -> memref<1x32768xf32, #tpu.memory_space<hbm>>
      %dma_wait3A_283 = tpu.memref_squeeze %dma_wait3A_282 : memref<1x32768xf32, #tpu.memory_space<hbm>> -> memref<32768xf32, #tpu.memory_space<hbm>>
      tpu.wait_dma2 semaphore(%run_scoped3A : memref<!tpu.dma_semaphore, #tpu.memory_space<semaphore_mem>>) src(%dma_wait3A_283 : memref<32768xf32, #tpu.memory_space<hbm>>) dst(%arg5 : memref<32768xf32, #tpu.memory_space<vmem>>)
      tpu.yield
    }) : () -> ()
    %parallel_loop3A_137 = arith.constant 0 : i32
    %parallel_loop3A_138 = arith.constant 1024 : i32
    %parallel_loop3A_139 = arith.constant 1 : i32
    scf.for %parallel_loop3A_274 = %parallel_loop3A_137 to %parallel_loop3A_138 step %parallel_loop3A_139  : i32 {
      %parallel_loop3A_275 = arith.constant 16 : i32
      %parallel_loop3A_276 = arith.muli %parallel_loop3A_274, %parallel_loop3A_275 : i32
      %parallel_loop3A_277 = arith.index_cast %parallel_loop3A_276 : i32 to index
      %parallel_loop3A_278 = tpu.vector_load %arg8[%parallel_loop3A_277] {strides = array<i32>} : memref<16384xi32, #tpu.memory_space<vmem>>, vector<16xi32>,
      tpu.vector_store %arg8[%parallel_loop3A_277], %broadcast_in_dim3A_3 {strides = array<i32>} : memref<16384xi32, #tpu.memory_space<vmem>>, vector<16xi32>,
    } {sc.loop_unroll_factor = 8 : i64, sc.parallel_access}
    %parallel_loop3A_140 = arith.constant 0 : i32
    %parallel_loop3A_141 = arith.constant 2048 : i32
    %parallel_loop3A_142 = arith.constant 1 : i32
    scf.for %parallel_loop3A_274 = %parallel_loop3A_140 to %parallel_loop3A_141 step %parallel_loop3A_142  : i32 {
      %parallel_loop3A_275 = arith.constant 16 : i32
      %parallel_loop3A_276 = arith.muli %parallel_loop3A_274, %parallel_loop3A_275 : i32
      %parallel_loop3A_277 = arith.index_cast %parallel_loop3A_276 : i32 to index
      %parallel_loop3A_278 = tpu.vector_load %arg5[%parallel_loop3A_277] {strides = array<i32>} : memref<32768xf32, #tpu.memory_space<vmem>>, vector<16xf32>,
      %parallel_loop3A_279 = arith.index_cast %parallel_loop3A_276 : i32 to index
      %parallel_loop3A_280 = tpu.vector_load %arg7[%parallel_loop3A_279] {strides = array<i32>} : memref<32768xf32, #tpu.memory_space<vmem>>, vector<16xf32>,
      %parallel_loop3A_281 = arith.mulf %parallel_loop3A_278, %parallel_loop3A_280 : vector<16xf32>
      %parallel_loop3A_282 = tpu.bitcast %parallel_loop3A_281 : vector<16xf32> -> vector<16xi32>
      %parallel_loop3A_283 = arith.constant 31 : i32
      %parallel_loop3A_284 = vector.broadcast %parallel_loop3A_283 : i32 to vector<16xi32>
      %parallel_loop3A_285 = arith.shrsi %parallel_loop3A_282, %parallel_loop3A_284 : vector<16xi32>
      %parallel_loop3A_286 = arith.constant 2147483647 : i32
      %parallel_loop3A_287 = vector.broadcast %parallel_loop3A_286 : i32 to vector<16xi32>
      %parallel_loop3A_288 = arith.andi %parallel_loop3A_285, %parallel_loop3A_287 : vector<16xi32>
      %parallel_loop3A_289 = arith.xori %parallel_loop3A_282, %parallel_loop3A_288 : vector<16xi32>
      %parallel_loop3A_290 = vector.bitcast %parallel_loop3A_289 : vector<16xi32> to vector<16xf32>
      %parallel_loop3A_291 = arith.index_cast %parallel_loop3A_276 : i32 to index
      %parallel_loop3A_292 = tpu.vector_load %arg5[%parallel_loop3A_291] {strides = array<i32>} : memref<32768xf32, #tpu.memory_space<vmem>>, vector<16xf32>,
      tpu.vector_store %arg5[%parallel_loop3A_291], %parallel_loop3A_290 {strides = array<i32>} : memref<32768xf32, #tpu.memory_space<vmem>>, vector<16xf32>,
      %parallel_loop3A_293 = arith.constant 22 : i32
      %parallel_loop3A_294 = vector.broadcast %parallel_loop3A_293 : i32 to vector<16xi32>
      %parallel_loop3A_295 = arith.shrsi %parallel_loop3A_289, %parallel_loop3A_294 : vector<16xi32>
      %parallel_loop3A_296 = arith.constant 512 : i32
      %parallel_loop3A_297 = vector.broadcast %parallel_loop3A_296 : i32 to vector<16xi32>
      %parallel_loop3A_298 = arith.addi %parallel_loop3A_295, %parallel_loop3A_297 : vector<16xi32>
      %parallel_loop3A_299 = arith.constant 16 : i32
      %parallel_loop3A_300 = vector.broadcast %parallel_loop3A_299 : i32 to vector<16xi32>
      %parallel_loop3A_301 = arith.muli %parallel_loop3A_298, %parallel_loop3A_300 : vector<16xi32>
      %parallel_loop3A_302 = arith.addi %parallel_loop3A_301, %iota3A : vector<16xi32>
      tpu.vector_store_idx %arg8[%parallel_loop3A_302], %broadcast_in_dim3A_1 {add = true} : memref<16384xi32, #tpu.memory_space<vmem>>[vector<16xi32>], vector<16xi32>,
    } {sc.loop_unroll_factor = 8 : i64, sc.parallel_access}
    %scan3A_143 = arith.constant 0 : i32
    %scan3A_144 = arith.constant -1 : i32
    %scan3A_145 = arith.constant 0 : i32
    %scan3A_146 = arith.constant 0 : i32
    %scan3A_147 = arith.constant 64 : i32
    %scan3A_148 = arith.addi %scan3A_146, %scan3A_147 : i32
    %scan3A_149 = arith.constant 1 : i32
    %scan3A_150:3 = scf.for %scan3A_274 = %scan3A_146 to %scan3A_148 step %scan3A_149 iter_args(%scan3A_275 = %scan3A_143, %scan3A_276 = %scan3A_144, %scan3A_277 = %scan3A_145) -> (i32, i32, i32)  : i32 {
      %sub3A_278 = arith.constant 63 : i32
      %sub3A_279 = arith.subi %sub3A_278, %scan3A_274 : i32
      %mul3A_280 = arith.constant 16 : i32
      %mul3A_281 = arith.muli %sub3A_279, %mul3A_280 : i32
      %add3A_282 = vector.broadcast %mul3A_281 : i32 to vector<16xi32>
      %add3A_283 = arith.addi %add3A_282, %iota3A : vector<16xi32>
      %mul3A_284 = arith.constant 16 : i32
      %mul3A_285 = vector.broadcast %mul3A_284 : i32 to vector<16xi32>
      %mul3A_286 = arith.muli %add3A_283, %mul3A_285 : vector<16xi32>
      %add3A_287 = arith.constant 0 : i32
      %add3A_288 = vector.broadcast %add3A_287 : i32 to vector<16xi32>
      %add3A_289 = arith.addi %mul3A_286, %add3A_288 : vector<16xi32>
      %gather3A = tpu.vector_load_idx %arg8[%add3A_289] : memref<16384xi32, #tpu.memory_space<vmem>>[vector<16xi32>], vector<16xi32>,
      %add3A_290 = arith.addi %broadcast_in_dim3A_3, %gather3A : vector<16xi32>
      %add3A_291 = arith.constant 1 : i32
      %add3A_292 = vector.broadcast %add3A_291 : i32 to vector<16xi32>
      %add3A_293 = arith.addi %mul3A_286, %add3A_292 : vector<16xi32>
      %gather3A_294 = tpu.vector_load_idx %arg8[%add3A_293] : memref<16384xi32, #tpu.memory_space<vmem>>[vector<16xi32>], vector<16xi32>,
      %add3A_295 = arith.addi %add3A_290, %gather3A_294 : vector<16xi32>
      %add3A_296 = arith.constant 2 : i32
      %add3A_297 = vector.broadcast %add3A_296 : i32 to vector<16xi32>
      %add3A_298 = arith.addi %mul3A_286, %add3A_297 : vector<16xi32>
      %gather3A_299 = tpu.vector_load_idx %arg8[%add3A_298] : memref<16384xi32, #tpu.memory_space<vmem>>[vector<16xi32>], vector<16xi32>,
      %add3A_300 = arith.addi %add3A_295, %gather3A_299 : vector<16xi32>
      %add3A_301 = arith.constant 3 : i32
      %add3A_302 = vector.broadcast %add3A_301 : i32 to vector<16xi32>
      %add3A_303 = arith.addi %mul3A_286, %add3A_302 : vector<16xi32>
      %gather3A_304 = tpu.vector_load_idx %arg8[%add3A_303] : memref<16384xi32, #tpu.memory_space<vmem>>[vector<16xi32>], vector<16xi32>,
      %add3A_305 = arith.addi %add3A_300, %gather3A_304 : vector<16xi32>
      %add3A_306 = arith.constant 4 : i32
      %add3A_307 = vector.broadcast %add3A_306 : i32 to vector<16xi32>
      %add3A_308 = arith.addi %mul3A_286, %add3A_307 : vector<16xi32>
      %gather3A_309 = tpu.vector_load_idx %arg8[%add3A_308] : memref<16384xi32, #tpu.memory_space<vmem>>[vector<16xi32>], vector<16xi32>,
      %add3A_310 = arith.addi %add3A_305, %gather3A_309 : vector<16xi32>
      %add3A_311 = arith.constant 5 : i32
      %add3A_312 = vector.broadcast %add3A_311 : i32 to vector<16xi32>
      %add3A_313 = arith.addi %mul3A_286, %add3A_312 : vector<16xi32>
      %gather3A_314 = tpu.vector_load_idx %arg8[%add3A_313] : memref<16384xi32, #tpu.memory_space<vmem>>[vector<16xi32>], vector<16xi32>,
      %add3A_315 = arith.addi %add3A_310, %gather3A_314 : vector<16xi32>
      %add3A_316 = arith.constant 6 : i32
      %add3A_317 = vector.broadcast %add3A_316 : i32 to vector<16xi32>
      %add3A_318 = arith.addi %mul3A_286, %add3A_317 : vector<16xi32>
      %gather3A_319 = tpu.vector_load_idx %arg8[%add3A_318] : memref<16384xi32, #tpu.memory_space<vmem>>[vector<16xi32>], vector<16xi32>,
      %add3A_320 = arith.addi %add3A_315, %gather3A_319 : vector<16xi32>
      %add3A_321 = arith.constant 7 : i32
      %add3A_322 = vector.broadcast %add3A_321 : i32 to vector<16xi32>
      %add3A_323 = arith.addi %mul3A_286, %add3A_322 : vector<16xi32>
      %gather3A_324 = tpu.vector_load_idx %arg8[%add3A_323] : memref<16384xi32, #tpu.memory_space<vmem>>[vector<16xi32>], vector<16xi32>,
      %add3A_325 = arith.addi %add3A_320, %gather3A_324 : vector<16xi32>
      %add3A_326 = arith.constant 8 : i32
      %add3A_327 = vector.broadcast %add3A_326 : i32 to vector<16xi32>
      %add3A_328 = arith.addi %mul3A_286, %add3A_327 : vector<16xi32>
      %gather3A_329 = tpu.vector_load_idx %arg8[%add3A_328] : memref<16384xi32, #tpu.memory_space<vmem>>[vector<16xi32>], vector<16xi32>,
      %add3A_330 = arith.addi %add3A_325, %gather3A_329 : vector<16xi32>
      %add3A_331 = arith.constant 9 : i32
      %add3A_332 = vector.broadcast %add3A_331 : i32 to vector<16xi32>
      %add3A_333 = arith.addi %mul3A_286, %add3A_332 : vector<16xi32>
      %gather3A_334 = tpu.vector_load_idx %arg8[%add3A_333] : memref<16384xi32, #tpu.memory_space<vmem>>[vector<16xi32>], vector<16xi32>,
      %add3A_335 = arith.addi %add3A_330, %gather3A_334 : vector<16xi32>
      %add3A_336 = arith.constant 10 : i32
      %add3A_337 = vector.broadcast %add3A_336 : i32 to vector<16xi32>
      %add3A_338 = arith.addi %mul3A_286, %add3A_337 : vector<16xi32>
      %gather3A_339 = tpu.vector_load_idx %arg8[%add3A_338] : memref<16384xi32, #tpu.memory_space<vmem>>[vector<16xi32>], vector<16xi32>,
      %add3A_340 = arith.addi %add3A_335, %gather3A_339 : vector<16xi32>
      %add3A_341 = arith.constant 11 : i32
      %add3A_342 = vector.broadcast %add3A_341 : i32 to vector<16xi32>
      %add3A_343 = arith.addi %mul3A_286, %add3A_342 : vector<16xi32>
      %gather3A_344 = tpu.vector_load_idx %arg8[%add3A_343] : memref<16384xi32, #tpu.memory_space<vmem>>[vector<16xi32>], vector<16xi32>,
      %add3A_345 = arith.addi %add3A_340, %gather3A_344 : vector<16xi32>
      %add3A_346 = arith.constant 12 : i32
      %add3A_347 = vector.broadcast %add3A_346 : i32 to vector<16xi32>
      %add3A_348 = arith.addi %mul3A_286, %add3A_347 : vector<16xi32>
      %gather3A_349 = tpu.vector_load_idx %arg8[%add3A_348] : memref<16384xi32, #tpu.memory_space<vmem>>[vector<16xi32>], vector<16xi32>,
      %add3A_350 = arith.addi %add3A_345, %gather3A_349 : vector<16xi32>
      %add3A_351 = arith.constant 13 : i32
      %add3A_352 = vector.broadcast %add3A_351 : i32 to vector<16xi32>
      %add3A_353 = arith.addi %mul3A_286, %add3A_352 : vector<16xi32>
      %gather3A_354 = tpu.vector_load_idx %arg8[%add3A_353] : memref<16384xi32, #tpu.memory_space<vmem>>[vector<16xi32>], vector<16xi32>,
      %add3A_355 = arith.addi %add3A_350, %gather3A_354 : vector<16xi32>
      %add3A_356 = arith.constant 14 : i32
      %add3A_357 = vector.broadcast %add3A_356 : i32 to vector<16xi32>
      %add3A_358 = arith.addi %mul3A_286, %add3A_357 : vector<16xi32>
      %gather3A_359 = tpu.vector_load_idx %arg8[%add3A_358] : memref<16384xi32, #tpu.memory_space<vmem>>[vector<16xi32>], vector<16xi32>,
      %add3A_360 = arith.addi %add3A_355, %gather3A_359 : vector<16xi32>
      %add3A_361 = arith.constant 15 : i32
      %add3A_362 = vector.broadcast %add3A_361 : i32 to vector<16xi32>
      %add3A_363 = arith.addi %mul3A_286, %add3A_362 : vector<16xi32>
      %gather3A_364 = tpu.vector_load_idx %arg8[%add3A_363] : memref<16384xi32, #tpu.memory_space<vmem>>[vector<16xi32>], vector<16xi32>,
      %add3A_365 = arith.addi %add3A_360, %gather3A_364 : vector<16xi32>
      %rev3A = arith.constant 15 : i32
      %rev3A_366 = vector.broadcast %rev3A : i32 to vector<16xi32>
      %rev3A_367 = tpu.iota {dimensions = array<i32: 0>} : vector<16xi32>
      %rev3A_368 = arith.subi %rev3A_366, %rev3A_367 : vector<16xi32>
      %rev3A_369 = tpu.dynamic_gather %add3A_365[%rev3A_368] in [0] : vector<16xi32>, vector<16xi32> -> vector<16xi32>
      %cumsum3A = arith.constant true
      %cumsum3A_370 = vector.broadcast %cumsum3A : i1 to vector<16xi1>
      %cumsum3A_371 = tpu.scan <sum>, %rev3A_369 masked %cumsum3A_370 : vector<16xi32>, vector<16xi1> -> vector<16xi32>
      %rev3A_372 = arith.constant 15 : i32
      %rev3A_373 = vector.broadcast %rev3A_372 : i32 to vector<16xi32>
      %rev3A_374 = tpu.iota {dimensions = array<i32: 0>} : vector<16xi32>
      %rev3A_375 = arith.subi %rev3A_373, %rev3A_374 : vector<16xi32>
      %rev3A_376 = tpu.dynamic_gather %cumsum3A_371[%rev3A_375] in [0] : vector<16xi32>, vector<16xi32> -> vector<16xi32>
      %add3A_377 = vector.broadcast %scan3A_275 : i32 to vector<16xi32>
      %add3A_378 = arith.addi %rev3A_376, %add3A_377 : vector<16xi32>
      %ge3A = arith.constant 8192 : i32
      %ge3A_379 = vector.broadcast %ge3A : i32 to vector<16xi32>
      %ge3A_380 = arith.cmpi sge, %add3A_378, %ge3A_379 : vector<16xi32>
      %mul3A_381 = arith.constant 16 : i32
      %mul3A_382 = arith.muli %sub3A_279, %mul3A_381 : i32
      %add3A_383 = vector.broadcast %mul3A_382 : i32 to vector<16xi32>
      %add3A_384 = arith.addi %add3A_383, %iota3A : vector<16xi32>
      %jit3A_385 = arith.constant -1 : i32
      %broadcast_in_dim3A_386 = vector.broadcast %jit3A_385 : i32 to vector<16xi32>
      %select_n3A_387 = arith.select %ge3A_380, %add3A_384, %broadcast_in_dim3A_386 : vector<16xi1>, vector<16xi32>
      %reduce_max3A = arith.constant true
      %reduce_max3A_388 = vector.broadcast %reduce_max3A : i1 to vector<16xi1>
      %reduce_max3A_389 = arith.constant -2147483648 : i32
      %reduce_max3A_390 = vector.broadcast %reduce_max3A_389 : i32 to vector<16xi32>
      %reduce_max3A_391 = arith.xori %select_n3A_387, %reduce_max3A_390 : vector<16xi32>
      %reduce_max3A_392 = tpu.scan <max>, %reduce_max3A_391 masked %reduce_max3A_388 : vector<16xi32>, vector<16xi1> -> vector<16xi32>
      %reduce_max3A_393 = arith.xori %reduce_max3A_392, %reduce_max3A_390 : vector<16xi32>
      %reduce_max3A_394 = vector.extract %reduce_max3A_393[15] : i32 from vector<16xi32>
      %sub3A_395 = arith.subi %add3A_378, %add3A_365 : vector<16xi32>
      %jit3A_396 = arith.constant 1073741824 : i32
      %broadcast_in_dim3A_397 = vector.broadcast %jit3A_396 : i32 to vector<16xi32>
      %select_n3A_398 = arith.select %ge3A_380, %sub3A_395, %broadcast_in_dim3A_397 : vector<16xi1>, vector<16xi32>
      %reduce_min3A = arith.constant true
      %reduce_min3A_399 = vector.broadcast %reduce_min3A : i1 to vector<16xi1>
      %reduce_min3A_400 = arith.constant -2147483648 : i32
      %reduce_min3A_401 = vector.broadcast %reduce_min3A_400 : i32 to vector<16xi32>
      %reduce_min3A_402 = arith.xori %select_n3A_398, %reduce_min3A_401 : vector<16xi32>
      %reduce_min3A_403 = tpu.scan <min>, %reduce_min3A_402 masked %reduce_min3A_399 : vector<16xi32>, vector<16xi1> -> vector<16xi32>
      %reduce_min3A_404 = arith.xori %reduce_min3A_403, %reduce_min3A_401 : vector<16xi32>
      %reduce_min3A_405 = vector.extract %reduce_min3A_404[15] : i32 from vector<16xi32>
      %gt3A = arith.cmpi sgt, %reduce_max3A_394, %scan3A_276 : i32
      %select_n3A_406 = arith.select %gt3A, %reduce_min3A_405, %scan3A_277 : i32
      %max3A = arith.maxsi %scan3A_276, %reduce_max3A_394 : i32
      %reduce_sum3A = arith.constant true
      %reduce_sum3A_407 = vector.broadcast %reduce_sum3A : i1 to vector<16xi1>
      %reduce_sum3A_408 = tpu.scan <sum>, %add3A_365 masked %reduce_sum3A_407 : vector<16xi32>, vector<16xi1> -> vector<16xi32>
      %reduce_sum3A_409 = vector.extract %reduce_sum3A_408[15] : i32 from vector<16xi32>
      %add3A_410 = arith.addi %scan3A_275, %reduce_sum3A_409 : i32
      scf.yield %add3A_410, %max3A, %select_n3A_406 : i32, i32, i32
    }
    %scan3A_151 = arith.constant 64 : i32
    %sub3A_152 = arith.constant 8192 : i32
    %sub3A_153 = arith.subi %sub3A_152, %scan3A_150#2 : i32
    %sub3A_154 = arith.constant 512 : i32
    %sub3A_155 = arith.subi %scan3A_150#1, %sub3A_154 : i32
    %shift_left3A_156 = arith.constant 22 : i32
    %shift_left3A_157 = arith.shli %sub3A_155, %shift_left3A_156 : i32
    %parallel_loop3A_158 = arith.constant 0 : i32
    %parallel_loop3A_159 = arith.constant 2048 : i32
    %parallel_loop3A_160 = arith.constant 1 : i32
    %parallel_loop3A_161 = scf.for %parallel_loop3A_274 = %parallel_loop3A_158 to %parallel_loop3A_159 step %parallel_loop3A_160 iter_args(%parallel_loop3A_275 = %broadcast_in_dim3A_3) -> (vector<16xi32>)  : i32 {
      %parallel_loop3A_276 = arith.constant 16 : i32
      %parallel_loop3A_277 = arith.muli %parallel_loop3A_274, %parallel_loop3A_276 : i32
      %parallel_loop3A_278 = arith.index_cast %parallel_loop3A_277 : i32 to index
      %parallel_loop3A_279 = tpu.vector_load %arg5[%parallel_loop3A_278] {strides = array<i32>} : memref<32768xf32, #tpu.memory_space<vmem>>, vector<16xf32>,
      %parallel_loop3A_280 = vector.bitcast %parallel_loop3A_279 : vector<16xf32> to vector<16xi32>
      %parallel_loop3A_281 = arith.constant 22 : i32
      %parallel_loop3A_282 = vector.broadcast %parallel_loop3A_281 : i32 to vector<16xi32>
      %parallel_loop3A_283 = arith.shrsi %parallel_loop3A_280, %parallel_loop3A_282 : vector<16xi32>
      %parallel_loop3A_284 = arith.constant 512 : i32
      %parallel_loop3A_285 = vector.broadcast %parallel_loop3A_284 : i32 to vector<16xi32>
      %parallel_loop3A_286 = arith.addi %parallel_loop3A_283, %parallel_loop3A_285 : vector<16xi32>
      %parallel_loop3A_287 = vector.broadcast %scan3A_150#1 : i32 to vector<16xi32>
      %parallel_loop3A_288 = arith.cmpi eq, %parallel_loop3A_286, %parallel_loop3A_287 : vector<16xi32>
      %parallel_loop3A_289 = vector.extract_strided_slice %parallel_loop3A_275 {offsets = [0], sizes = [1], strides = [1]} : vector<16xi32> to vector<1xi32>
      %parallel_loop3A_290 = vector.extract %parallel_loop3A_289[0] : i32 from vector<1xi32>
      %parallel_loop3A_291 = arith.index_cast %parallel_loop3A_290 : i32 to index
      %parallel_loop3A_292 = tpu.vector_load %arg6[%parallel_loop3A_291] masked %parallel_loop3A_288 {strides = array<i32>} : memref<32768xi32, #tpu.memory_space<vmem>>, vector<16xi32>, vector<16xi1>
      tpu.vector_store %arg6[%parallel_loop3A_291], %parallel_loop3A_280 masked %parallel_loop3A_288 {strides = array<i32>} : memref<32768xi32, #tpu.memory_space<vmem>>, vector<16xi32>, vector<16xi1>
      %parallel_loop3A_293 = tpu.all_reduce %parallel_loop3A_288 {dim = 0 : i64, kind = #tpu.reduction_kind<sum>} : vector<16xi1> -> vector<16xi32>
      %parallel_loop3A_294 = arith.addi %parallel_loop3A_275, %parallel_loop3A_293 : vector<16xi32>
      scf.yield %parallel_loop3A_294 : vector<16xi32>
    } {sc.loop_unroll_factor = 4 : i64, sc.parallel_access}
    %slice3A_162 = vector.extract_strided_slice %parallel_loop3A_161 {offsets = [0], sizes = [1], strides = [1]} : vector<16xi32> to vector<1xi32>
    %squeeze3A_163 = vector.extract %slice3A_162[0] : i32 from vector<1xi32>
    %add3A_164 = arith.constant 15 : i32
    %add3A_165 = arith.addi %squeeze3A_163, %add3A_164 : i32
    %jit3A_166 = arith.constant 16 : i32
    %div3A_167 = arith.divsi %add3A_165, %jit3A_166 : i32
    %sign3A_168 = arith.constant 0 : i32
    %sign3A_169 = arith.cmpi sgt, %add3A_165, %sign3A_168 : i32
    %sign3A_170 = arith.extui %sign3A_169 : i1 to i32
    %sign3A_171 = arith.constant 0 : i32
    %sign3A_172 = arith.cmpi slt, %add3A_165, %sign3A_171 : i32
    %sign3A_173 = arith.extui %sign3A_172 : i1 to i32
    %sign3A_174 = arith.subi %sign3A_170, %sign3A_173 : i32
    %sign3A_175 = arith.constant 0 : i32
    %sign3A_176 = arith.cmpi sgt, %jit3A_166, %sign3A_175 : i32
    %sign3A_177 = arith.extui %sign3A_176 : i1 to i32
    %sign3A_178 = arith.constant 0 : i32
    %sign3A_179 = arith.cmpi slt, %jit3A_166, %sign3A_178 : i32
    %sign3A_180 = arith.extui %sign3A_179 : i1 to i32
    %sign3A_181 = arith.subi %sign3A_177, %sign3A_180 : i32
    %ne3A_182 = arith.cmpi ne, %sign3A_174, %sign3A_181 : i32
    %rem3A_183 = arith.remsi %add3A_165, %jit3A_166 : i32
    %ne3A_184 = arith.constant 0 : i32
    %ne3A_185 = arith.cmpi ne, %rem3A_183, %ne3A_184 : i32
    %and3A_186 = arith.andi %ne3A_182, %ne3A_185 : i1
    %sub3A_187 = arith.constant 1 : i32
    %sub3A_188 = arith.subi %div3A_167, %sub3A_187 : i32
    %select_n3A_189 = arith.select %and3A_186, %sub3A_188, %div3A_167 : i32
    %broadcast_in_dim3A_190 = vector.broadcast %sub3A_153 : i32 to vector<16xi32>
    %broadcast_in_dim3A_191 = vector.broadcast %squeeze3A_163 : i32 to vector<16xi32>
    %scan3A_192 = arith.constant 0 : i32
    %scan3A_193 = arith.constant 22 : i32
    %scan3A_194 = arith.addi %scan3A_192, %scan3A_193 : i32
    %scan3A_195 = arith.constant 1 : i32
    %scan3A_196 = scf.for %scan3A_274 = %scan3A_192 to %scan3A_194 step %scan3A_195 iter_args(%scan3A_275 = %shift_left3A_157) -> (i32)  : i32 {
      %sub3A_276 = arith.constant 21 : i32
      %sub3A_277 = arith.subi %sub3A_276, %scan3A_274 : i32
      %shift_left3A_278 = arith.constant 1 : i32
      %shift_left3A_279 = arith.shli %shift_left3A_278, %sub3A_277 : i32
      %add3A_280 = arith.addi %scan3A_275, %shift_left3A_279 : i32
      %broadcast_in_dim3A_281 = vector.broadcast %add3A_280 : i32 to vector<16xi32>
      %parallel_loop3A_282 = arith.constant 0 : i32
      %parallel_loop3A_283 = arith.constant 1 : i32
      %parallel_loop3A_284 = scf.for %parallel_loop3A_293 = %parallel_loop3A_282 to %select_n3A_189 step %parallel_loop3A_283 iter_args(%parallel_loop3A_294 = %broadcast_in_dim3A_3) -> (vector<16xi32>)  : i32 {
        %parallel_loop3A_295 = arith.constant 16 : i32
        %parallel_loop3A_296 = arith.muli %parallel_loop3A_293, %parallel_loop3A_295 : i32
        %parallel_loop3A_297 = vector.broadcast %parallel_loop3A_296 : i32 to vector<16xi32>
        %parallel_loop3A_298 = arith.addi %parallel_loop3A_297, %iota3A : vector<16xi32>
        %parallel_loop3A_299 = arith.cmpi slt, %parallel_loop3A_298, %broadcast_in_dim3A_191 : vector<16xi32>
        %parallel_loop3A_300 = arith.constant 16 : i32
        %parallel_loop3A_301 = arith.muli %parallel_loop3A_293, %parallel_loop3A_300 : i32
        %parallel_loop3A_302 = arith.index_cast %parallel_loop3A_301 : i32 to index
        %parallel_loop3A_303 = tpu.vector_load %arg6[%parallel_loop3A_302] {strides = array<i32>} : memref<32768xi32, #tpu.memory_space<vmem>>, vector<16xi32>,
        %parallel_loop3A_304 = arith.cmpi sge, %parallel_loop3A_303, %broadcast_in_dim3A_281 : vector<16xi32>
        %parallel_loop3A_305 = arith.andi %parallel_loop3A_304, %parallel_loop3A_299 : vector<16xi1>
        %parallel_loop3A_306 = tpu.all_reduce %parallel_loop3A_305 {dim = 0 : i64, kind = #tpu.reduction_kind<sum>} : vector<16xi1> -> vector<16xi32>
        %parallel_loop3A_307 = arith.addi %parallel_loop3A_294, %parallel_loop3A_306 : vector<16xi32>
        scf.yield %parallel_loop3A_307 : vector<16xi32>
      } {sc.loop_unroll_factor = 4 : i64, sc.parallel_access}
      %reduce_max3A = arith.constant true
      %reduce_max3A_285 = vector.broadcast %reduce_max3A : i1 to vector<16xi1>
      %reduce_max3A_286 = arith.constant -2147483648 : i32
      %reduce_max3A_287 = vector.broadcast %reduce_max3A_286 : i32 to vector<16xi32>
      %reduce_max3A_288 = arith.xori %parallel_loop3A_284, %reduce_max3A_287 : vector<16xi32>
      %reduce_max3A_289 = tpu.scan <max>, %reduce_max3A_288 masked %reduce_max3A_285 : vector<16xi32>, vector<16xi1> -> vector<16xi32>
      %reduce_max3A_290 = arith.xori %reduce_max3A_289, %reduce_max3A_287 : vector<16xi32>
      %reduce_max3A_291 = vector.extract %reduce_max3A_290[15] : i32 from vector<16xi32>
      %ge3A = arith.cmpi sge, %reduce_max3A_291, %sub3A_153 : i32
      %select_n3A_292 = arith.select %ge3A, %add3A_280, %scan3A_275 : i32
      scf.yield %select_n3A_292 : i32
    }
    %scan3A_197 = arith.constant 22 : i32
    %eq3A_198 = arith.constant 2 : i32
    %eq3A_199 = vector.broadcast %eq3A_198 : i32 to vector<16xi32>
    %eq3A_200 = arith.cmpi eq, %iota3A, %eq3A_199 : vector<16xi32>
    %broadcast_in_dim3A_201 = vector.broadcast %scan3A_196 : i32 to vector<16xi32>
    %select_n3A_202 = arith.select %eq3A_200, %broadcast_in_dim3A_201, %select_n3A_132 : vector<16xi1>, vector<16xi32>
    %mul3A_203 = arith.constant 4 : i32
    %mul3A_204 = arith.muli %add3A, %mul3A_203 : i32
    %add3A_205 = arith.constant 3 : i32
    %add3A_206 = arith.addi %mul3A_204, %add3A_205 : i32
    "tpu.region"() ({
      %run_scoped3A = tpu.sem_alloc : memref<!tpu.dma_semaphore, #tpu.memory_space<semaphore_mem>>
      %dma_start3A = arith.constant 0 : i32
      %dma_start3A_274 = tpu.memref_slice %arg2[%add3A_206, %dma_start3A] : memref<128x32768xf32, #tpu.memory_space<hbm>> -> memref<1x32768xf32, #tpu.memory_space<hbm>>
      %dma_start3A_275 = tpu.memref_squeeze %dma_start3A_274 : memref<1x32768xf32, #tpu.memory_space<hbm>> -> memref<32768xf32, #tpu.memory_space<hbm>>
      %dma_start3A_276 = arith.constant 0 : i32
      %dma_start3A_277 = tpu.memref_slice %arg2[%add3A_206, %dma_start3A_276] : memref<128x32768xf32, #tpu.memory_space<hbm>> -> memref<1x32768xf32, #tpu.memory_space<hbm>>
      %dma_start3A_278 = tpu.memref_squeeze %dma_start3A_277 : memref<1x32768xf32, #tpu.memory_space<hbm>> -> memref<32768xf32, #tpu.memory_space<hbm>>
      tpu.enqueue_dma source(%dma_start3A_278 : memref<32768xf32, #tpu.memory_space<hbm>>) target(%arg5 : memref<32768xf32, #tpu.memory_space<vmem>>) target_semaphore(%run_scoped3A : memref<!tpu.dma_semaphore, #tpu.memory_space<semaphore_mem>>)
      %dma_wait3A = arith.constant 0 : i32
      %dma_wait3A_279 = tpu.memref_slice %arg2[%add3A_206, %dma_wait3A] : memref<128x32768xf32, #tpu.memory_space<hbm>> -> memref<1x32768xf32, #tpu.memory_space<hbm>>
      %dma_wait3A_280 = tpu.memref_squeeze %dma_wait3A_279 : memref<1x32768xf32, #tpu.memory_space<hbm>> -> memref<32768xf32, #tpu.memory_space<hbm>>
      %dma_wait3A_281 = arith.constant 0 : i32
      %dma_wait3A_282 = tpu.memref_slice %arg2[%add3A_206, %dma_wait3A_281] : memref<128x32768xf32, #tpu.memory_space<hbm>> -> memref<1x32768xf32, #tpu.memory_space<hbm>>
      %dma_wait3A_283 = tpu.memref_squeeze %dma_wait3A_282 : memref<1x32768xf32, #tpu.memory_space<hbm>> -> memref<32768xf32, #tpu.memory_space<hbm>>
      tpu.wait_dma2 semaphore(%run_scoped3A : memref<!tpu.dma_semaphore, #tpu.memory_space<semaphore_mem>>) src(%dma_wait3A_283 : memref<32768xf32, #tpu.memory_space<hbm>>) dst(%arg5 : memref<32768xf32, #tpu.memory_space<vmem>>)
      tpu.yield
    }) : () -> ()
    %parallel_loop3A_207 = arith.constant 0 : i32
    %parallel_loop3A_208 = arith.constant 1024 : i32
    %parallel_loop3A_209 = arith.constant 1 : i32
    scf.for %parallel_loop3A_274 = %parallel_loop3A_207 to %parallel_loop3A_208 step %parallel_loop3A_209  : i32 {
      %parallel_loop3A_275 = arith.constant 16 : i32
      %parallel_loop3A_276 = arith.muli %parallel_loop3A_274, %parallel_loop3A_275 : i32
      %parallel_loop3A_277 = arith.index_cast %parallel_loop3A_276 : i32 to index
      %parallel_loop3A_278 = tpu.vector_load %arg8[%parallel_loop3A_277] {strides = array<i32>} : memref<16384xi32, #tpu.memory_space<vmem>>, vector<16xi32>,
      tpu.vector_store %arg8[%parallel_loop3A_277], %broadcast_in_dim3A_3 {strides = array<i32>} : memref<16384xi32, #tpu.memory_space<vmem>>, vector<16xi32>,
    } {sc.loop_unroll_factor = 8 : i64, sc.parallel_access}
    %parallel_loop3A_210 = arith.constant 0 : i32
    %parallel_loop3A_211 = arith.constant 2048 : i32
    %parallel_loop3A_212 = arith.constant 1 : i32
    scf.for %parallel_loop3A_274 = %parallel_loop3A_210 to %parallel_loop3A_211 step %parallel_loop3A_212  : i32 {
      %parallel_loop3A_275 = arith.constant 16 : i32
      %parallel_loop3A_276 = arith.muli %parallel_loop3A_274, %parallel_loop3A_275 : i32
      %parallel_loop3A_277 = arith.index_cast %parallel_loop3A_276 : i32 to index
      %parallel_loop3A_278 = tpu.vector_load %arg5[%parallel_loop3A_277] {strides = array<i32>} : memref<32768xf32, #tpu.memory_space<vmem>>, vector<16xf32>,
      %parallel_loop3A_279 = arith.index_cast %parallel_loop3A_276 : i32 to index
      %parallel_loop3A_280 = tpu.vector_load %arg7[%parallel_loop3A_279] {strides = array<i32>} : memref<32768xf32, #tpu.memory_space<vmem>>, vector<16xf32>,
      %parallel_loop3A_281 = arith.mulf %parallel_loop3A_278, %parallel_loop3A_280 : vector<16xf32>
      %parallel_loop3A_282 = tpu.bitcast %parallel_loop3A_281 : vector<16xf32> -> vector<16xi32>
      %parallel_loop3A_283 = arith.constant 31 : i32
      %parallel_loop3A_284 = vector.broadcast %parallel_loop3A_283 : i32 to vector<16xi32>
      %parallel_loop3A_285 = arith.shrsi %parallel_loop3A_282, %parallel_loop3A_284 : vector<16xi32>
      %parallel_loop3A_286 = arith.constant 2147483647 : i32
      %parallel_loop3A_287 = vector.broadcast %parallel_loop3A_286 : i32 to vector<16xi32>
      %parallel_loop3A_288 = arith.andi %parallel_loop3A_285, %parallel_loop3A_287 : vector<16xi32>
      %parallel_loop3A_289 = arith.xori %parallel_loop3A_282, %parallel_loop3A_288 : vector<16xi32>
      %parallel_loop3A_290 = vector.bitcast %parallel_loop3A_289 : vector<16xi32> to vector<16xf32>
      %parallel_loop3A_291 = arith.index_cast %parallel_loop3A_276 : i32 to index
      %parallel_loop3A_292 = tpu.vector_load %arg5[%parallel_loop3A_291] {strides = array<i32>} : memref<32768xf32, #tpu.memory_space<vmem>>, vector<16xf32>,
      tpu.vector_store %arg5[%parallel_loop3A_291], %parallel_loop3A_290 {strides = array<i32>} : memref<32768xf32, #tpu.memory_space<vmem>>, vector<16xf32>,
      %parallel_loop3A_293 = arith.constant 22 : i32
      %parallel_loop3A_294 = vector.broadcast %parallel_loop3A_293 : i32 to vector<16xi32>
      %parallel_loop3A_295 = arith.shrsi %parallel_loop3A_289, %parallel_loop3A_294 : vector<16xi32>
      %parallel_loop3A_296 = arith.constant 512 : i32
      %parallel_loop3A_297 = vector.broadcast %parallel_loop3A_296 : i32 to vector<16xi32>
      %parallel_loop3A_298 = arith.addi %parallel_loop3A_295, %parallel_loop3A_297 : vector<16xi32>
      %parallel_loop3A_299 = arith.constant 16 : i32
      %parallel_loop3A_300 = vector.broadcast %parallel_loop3A_299 : i32 to vector<16xi32>
      %parallel_loop3A_301 = arith.muli %parallel_loop3A_298, %parallel_loop3A_300 : vector<16xi32>
      %parallel_loop3A_302 = arith.addi %parallel_loop3A_301, %iota3A : vector<16xi32>
      tpu.vector_store_idx %arg8[%parallel_loop3A_302], %broadcast_in_dim3A_1 {add = true} : memref<16384xi32, #tpu.memory_space<vmem>>[vector<16xi32>], vector<16xi32>,
    } {sc.loop_unroll_factor = 8 : i64, sc.parallel_access}
    %scan3A_213 = arith.constant 0 : i32
    %scan3A_214 = arith.constant -1 : i32
    %scan3A_215 = arith.constant 0 : i32
    %scan3A_216 = arith.constant 0 : i32
    %scan3A_217 = arith.constant 64 : i32
    %scan3A_218 = arith.addi %scan3A_216, %scan3A_217 : i32
    %scan3A_219 = arith.constant 1 : i32
    %scan3A_220:3 = scf.for %scan3A_274 = %scan3A_216 to %scan3A_218 step %scan3A_219 iter_args(%scan3A_275 = %scan3A_213, %scan3A_276 = %scan3A_214, %scan3A_277 = %scan3A_215) -> (i32, i32, i32)  : i32 {
      %sub3A_278 = arith.constant 63 : i32
      %sub3A_279 = arith.subi %sub3A_278, %scan3A_274 : i32
      %mul3A_280 = arith.constant 16 : i32
      %mul3A_281 = arith.muli %sub3A_279, %mul3A_280 : i32
      %add3A_282 = vector.broadcast %mul3A_281 : i32 to vector<16xi32>
      %add3A_283 = arith.addi %add3A_282, %iota3A : vector<16xi32>
      %mul3A_284 = arith.constant 16 : i32
      %mul3A_285 = vector.broadcast %mul3A_284 : i32 to vector<16xi32>
      %mul3A_286 = arith.muli %add3A_283, %mul3A_285 : vector<16xi32>
      %add3A_287 = arith.constant 0 : i32
      %add3A_288 = vector.broadcast %add3A_287 : i32 to vector<16xi32>
      %add3A_289 = arith.addi %mul3A_286, %add3A_288 : vector<16xi32>
      %gather3A = tpu.vector_load_idx %arg8[%add3A_289] : memref<16384xi32, #tpu.memory_space<vmem>>[vector<16xi32>], vector<16xi32>,
      %add3A_290 = arith.addi %broadcast_in_dim3A_3, %gather3A : vector<16xi32>
      %add3A_291 = arith.constant 1 : i32
      %add3A_292 = vector.broadcast %add3A_291 : i32 to vector<16xi32>
      %add3A_293 = arith.addi %mul3A_286, %add3A_292 : vector<16xi32>
      %gather3A_294 = tpu.vector_load_idx %arg8[%add3A_293] : memref<16384xi32, #tpu.memory_space<vmem>>[vector<16xi32>], vector<16xi32>,
      %add3A_295 = arith.addi %add3A_290, %gather3A_294 : vector<16xi32>
      %add3A_296 = arith.constant 2 : i32
      %add3A_297 = vector.broadcast %add3A_296 : i32 to vector<16xi32>
      %add3A_298 = arith.addi %mul3A_286, %add3A_297 : vector<16xi32>
      %gather3A_299 = tpu.vector_load_idx %arg8[%add3A_298] : memref<16384xi32, #tpu.memory_space<vmem>>[vector<16xi32>], vector<16xi32>,
      %add3A_300 = arith.addi %add3A_295, %gather3A_299 : vector<16xi32>
      %add3A_301 = arith.constant 3 : i32
      %add3A_302 = vector.broadcast %add3A_301 : i32 to vector<16xi32>
      %add3A_303 = arith.addi %mul3A_286, %add3A_302 : vector<16xi32>
      %gather3A_304 = tpu.vector_load_idx %arg8[%add3A_303] : memref<16384xi32, #tpu.memory_space<vmem>>[vector<16xi32>], vector<16xi32>,
      %add3A_305 = arith.addi %add3A_300, %gather3A_304 : vector<16xi32>
      %add3A_306 = arith.constant 4 : i32
      %add3A_307 = vector.broadcast %add3A_306 : i32 to vector<16xi32>
      %add3A_308 = arith.addi %mul3A_286, %add3A_307 : vector<16xi32>
      %gather3A_309 = tpu.vector_load_idx %arg8[%add3A_308] : memref<16384xi32, #tpu.memory_space<vmem>>[vector<16xi32>], vector<16xi32>,
      %add3A_310 = arith.addi %add3A_305, %gather3A_309 : vector<16xi32>
      %add3A_311 = arith.constant 5 : i32
      %add3A_312 = vector.broadcast %add3A_311 : i32 to vector<16xi32>
      %add3A_313 = arith.addi %mul3A_286, %add3A_312 : vector<16xi32>
      %gather3A_314 = tpu.vector_load_idx %arg8[%add3A_313] : memref<16384xi32, #tpu.memory_space<vmem>>[vector<16xi32>], vector<16xi32>,
      %add3A_315 = arith.addi %add3A_310, %gather3A_314 : vector<16xi32>
      %add3A_316 = arith.constant 6 : i32
      %add3A_317 = vector.broadcast %add3A_316 : i32 to vector<16xi32>
      %add3A_318 = arith.addi %mul3A_286, %add3A_317 : vector<16xi32>
      %gather3A_319 = tpu.vector_load_idx %arg8[%add3A_318] : memref<16384xi32, #tpu.memory_space<vmem>>[vector<16xi32>], vector<16xi32>,
      %add3A_320 = arith.addi %add3A_315, %gather3A_319 : vector<16xi32>
      %add3A_321 = arith.constant 7 : i32
      %add3A_322 = vector.broadcast %add3A_321 : i32 to vector<16xi32>
      %add3A_323 = arith.addi %mul3A_286, %add3A_322 : vector<16xi32>
      %gather3A_324 = tpu.vector_load_idx %arg8[%add3A_323] : memref<16384xi32, #tpu.memory_space<vmem>>[vector<16xi32>], vector<16xi32>,
      %add3A_325 = arith.addi %add3A_320, %gather3A_324 : vector<16xi32>
      %add3A_326 = arith.constant 8 : i32
      %add3A_327 = vector.broadcast %add3A_326 : i32 to vector<16xi32>
      %add3A_328 = arith.addi %mul3A_286, %add3A_327 : vector<16xi32>
      %gather3A_329 = tpu.vector_load_idx %arg8[%add3A_328] : memref<16384xi32, #tpu.memory_space<vmem>>[vector<16xi32>], vector<16xi32>,
      %add3A_330 = arith.addi %add3A_325, %gather3A_329 : vector<16xi32>
      %add3A_331 = arith.constant 9 : i32
      %add3A_332 = vector.broadcast %add3A_331 : i32 to vector<16xi32>
      %add3A_333 = arith.addi %mul3A_286, %add3A_332 : vector<16xi32>
      %gather3A_334 = tpu.vector_load_idx %arg8[%add3A_333] : memref<16384xi32, #tpu.memory_space<vmem>>[vector<16xi32>], vector<16xi32>,
      %add3A_335 = arith.addi %add3A_330, %gather3A_334 : vector<16xi32>
      %add3A_336 = arith.constant 10 : i32
      %add3A_337 = vector.broadcast %add3A_336 : i32 to vector<16xi32>
      %add3A_338 = arith.addi %mul3A_286, %add3A_337 : vector<16xi32>
      %gather3A_339 = tpu.vector_load_idx %arg8[%add3A_338] : memref<16384xi32, #tpu.memory_space<vmem>>[vector<16xi32>], vector<16xi32>,
      %add3A_340 = arith.addi %add3A_335, %gather3A_339 : vector<16xi32>
      %add3A_341 = arith.constant 11 : i32
      %add3A_342 = vector.broadcast %add3A_341 : i32 to vector<16xi32>
      %add3A_343 = arith.addi %mul3A_286, %add3A_342 : vector<16xi32>
      %gather3A_344 = tpu.vector_load_idx %arg8[%add3A_343] : memref<16384xi32, #tpu.memory_space<vmem>>[vector<16xi32>], vector<16xi32>,
      %add3A_345 = arith.addi %add3A_340, %gather3A_344 : vector<16xi32>
      %add3A_346 = arith.constant 12 : i32
      %add3A_347 = vector.broadcast %add3A_346 : i32 to vector<16xi32>
      %add3A_348 = arith.addi %mul3A_286, %add3A_347 : vector<16xi32>
      %gather3A_349 = tpu.vector_load_idx %arg8[%add3A_348] : memref<16384xi32, #tpu.memory_space<vmem>>[vector<16xi32>], vector<16xi32>,
      %add3A_350 = arith.addi %add3A_345, %gather3A_349 : vector<16xi32>
      %add3A_351 = arith.constant 13 : i32
      %add3A_352 = vector.broadcast %add3A_351 : i32 to vector<16xi32>
      %add3A_353 = arith.addi %mul3A_286, %add3A_352 : vector<16xi32>
      %gather3A_354 = tpu.vector_load_idx %arg8[%add3A_353] : memref<16384xi32, #tpu.memory_space<vmem>>[vector<16xi32>], vector<16xi32>,
      %add3A_355 = arith.addi %add3A_350, %gather3A_354 : vector<16xi32>
      %add3A_356 = arith.constant 14 : i32
      %add3A_357 = vector.broadcast %add3A_356 : i32 to vector<16xi32>
      %add3A_358 = arith.addi %mul3A_286, %add3A_357 : vector<16xi32>
      %gather3A_359 = tpu.vector_load_idx %arg8[%add3A_358] : memref<16384xi32, #tpu.memory_space<vmem>>[vector<16xi32>], vector<16xi32>,
      %add3A_360 = arith.addi %add3A_355, %gather3A_359 : vector<16xi32>
      %add3A_361 = arith.constant 15 : i32
      %add3A_362 = vector.broadcast %add3A_361 : i32 to vector<16xi32>
      %add3A_363 = arith.addi %mul3A_286, %add3A_362 : vector<16xi32>
      %gather3A_364 = tpu.vector_load_idx %arg8[%add3A_363] : memref<16384xi32, #tpu.memory_space<vmem>>[vector<16xi32>], vector<16xi32>,
      %add3A_365 = arith.addi %add3A_360, %gather3A_364 : vector<16xi32>
      %rev3A = arith.constant 15 : i32
      %rev3A_366 = vector.broadcast %rev3A : i32 to vector<16xi32>
      %rev3A_367 = tpu.iota {dimensions = array<i32: 0>} : vector<16xi32>
      %rev3A_368 = arith.subi %rev3A_366, %rev3A_367 : vector<16xi32>
      %rev3A_369 = tpu.dynamic_gather %add3A_365[%rev3A_368] in [0] : vector<16xi32>, vector<16xi32> -> vector<16xi32>
      %cumsum3A = arith.constant true
      %cumsum3A_370 = vector.broadcast %cumsum3A : i1 to vector<16xi1>
      %cumsum3A_371 = tpu.scan <sum>, %rev3A_369 masked %cumsum3A_370 : vector<16xi32>, vector<16xi1> -> vector<16xi32>
      %rev3A_372 = arith.constant 15 : i32
      %rev3A_373 = vector.broadcast %rev3A_372 : i32 to vector<16xi32>
      %rev3A_374 = tpu.iota {dimensions = array<i32: 0>} : vector<16xi32>
      %rev3A_375 = arith.subi %rev3A_373, %rev3A_374 : vector<16xi32>
      %rev3A_376 = tpu.dynamic_gather %cumsum3A_371[%rev3A_375] in [0] : vector<16xi32>, vector<16xi32> -> vector<16xi32>
      %add3A_377 = vector.broadcast %scan3A_275 : i32 to vector<16xi32>
      %add3A_378 = arith.addi %rev3A_376, %add3A_377 : vector<16xi32>
      %ge3A = arith.constant 8192 : i32
      %ge3A_379 = vector.broadcast %ge3A : i32 to vector<16xi32>
      %ge3A_380 = arith.cmpi sge, %add3A_378, %ge3A_379 : vector<16xi32>
      %mul3A_381 = arith.constant 16 : i32
      %mul3A_382 = arith.muli %sub3A_279, %mul3A_381 : i32
      %add3A_383 = vector.broadcast %mul3A_382 : i32 to vector<16xi32>
      %add3A_384 = arith.addi %add3A_383, %iota3A : vector<16xi32>
      %jit3A_385 = arith.constant -1 : i32
      %broadcast_in_dim3A_386 = vector.broadcast %jit3A_385 : i32 to vector<16xi32>
      %select_n3A_387 = arith.select %ge3A_380, %add3A_384, %broadcast_in_dim3A_386 : vector<16xi1>, vector<16xi32>
      %reduce_max3A = arith.constant true
      %reduce_max3A_388 = vector.broadcast %reduce_max3A : i1 to vector<16xi1>
      %reduce_max3A_389 = arith.constant -2147483648 : i32
      %reduce_max3A_390 = vector.broadcast %reduce_max3A_389 : i32 to vector<16xi32>
      %reduce_max3A_391 = arith.xori %select_n3A_387, %reduce_max3A_390 : vector<16xi32>
      %reduce_max3A_392 = tpu.scan <max>, %reduce_max3A_391 masked %reduce_max3A_388 : vector<16xi32>, vector<16xi1> -> vector<16xi32>
      %reduce_max3A_393 = arith.xori %reduce_max3A_392, %reduce_max3A_390 : vector<16xi32>
      %reduce_max3A_394 = vector.extract %reduce_max3A_393[15] : i32 from vector<16xi32>
      %sub3A_395 = arith.subi %add3A_378, %add3A_365 : vector<16xi32>
      %jit3A_396 = arith.constant 1073741824 : i32
      %broadcast_in_dim3A_397 = vector.broadcast %jit3A_396 : i32 to vector<16xi32>
      %select_n3A_398 = arith.select %ge3A_380, %sub3A_395, %broadcast_in_dim3A_397 : vector<16xi1>, vector<16xi32>
      %reduce_min3A = arith.constant true
      %reduce_min3A_399 = vector.broadcast %reduce_min3A : i1 to vector<16xi1>
      %reduce_min3A_400 = arith.constant -2147483648 : i32
      %reduce_min3A_401 = vector.broadcast %reduce_min3A_400 : i32 to vector<16xi32>
      %reduce_min3A_402 = arith.xori %select_n3A_398, %reduce_min3A_401 : vector<16xi32>
      %reduce_min3A_403 = tpu.scan <min>, %reduce_min3A_402 masked %reduce_min3A_399 : vector<16xi32>, vector<16xi1> -> vector<16xi32>
      %reduce_min3A_404 = arith.xori %reduce_min3A_403, %reduce_min3A_401 : vector<16xi32>
      %reduce_min3A_405 = vector.extract %reduce_min3A_404[15] : i32 from vector<16xi32>
      %gt3A = arith.cmpi sgt, %reduce_max3A_394, %scan3A_276 : i32
      %select_n3A_406 = arith.select %gt3A, %reduce_min3A_405, %scan3A_277 : i32
      %max3A = arith.maxsi %scan3A_276, %reduce_max3A_394 : i32
      %reduce_sum3A = arith.constant true
      %reduce_sum3A_407 = vector.broadcast %reduce_sum3A : i1 to vector<16xi1>
      %reduce_sum3A_408 = tpu.scan <sum>, %add3A_365 masked %reduce_sum3A_407 : vector<16xi32>, vector<16xi1> -> vector<16xi32>
      %reduce_sum3A_409 = vector.extract %reduce_sum3A_408[15] : i32 from vector<16xi32>
      %add3A_410 = arith.addi %scan3A_275, %reduce_sum3A_409 : i32
      scf.yield %add3A_410, %max3A, %select_n3A_406 : i32, i32, i32
    }
    %scan3A_221 = arith.constant 64 : i32
    %sub3A_222 = arith.constant 8192 : i32
    %sub3A_223 = arith.subi %sub3A_222, %scan3A_220#2 : i32
    %sub3A_224 = arith.constant 512 : i32
    %sub3A_225 = arith.subi %scan3A_220#1, %sub3A_224 : i32
    %shift_left3A_226 = arith.constant 22 : i32
    %shift_left3A_227 = arith.shli %sub3A_225, %shift_left3A_226 : i32
    %parallel_loop3A_228 = arith.constant 0 : i32
    %parallel_loop3A_229 = arith.constant 2048 : i32
    %parallel_loop3A_230 = arith.constant 1 : i32
    %parallel_loop3A_231 = scf.for %parallel_loop3A_274 = %parallel_loop3A_228 to %parallel_loop3A_229 step %parallel_loop3A_230 iter_args(%parallel_loop3A_275 = %broadcast_in_dim3A_3) -> (vector<16xi32>)  : i32 {
      %parallel_loop3A_276 = arith.constant 16 : i32
      %parallel_loop3A_277 = arith.muli %parallel_loop3A_274, %parallel_loop3A_276 : i32
      %parallel_loop3A_278 = arith.index_cast %parallel_loop3A_277 : i32 to index
      %parallel_loop3A_279 = tpu.vector_load %arg5[%parallel_loop3A_278] {strides = array<i32>} : memref<32768xf32, #tpu.memory_space<vmem>>, vector<16xf32>,
      %parallel_loop3A_280 = vector.bitcast %parallel_loop3A_279 : vector<16xf32> to vector<16xi32>
      %parallel_loop3A_281 = arith.constant 22 : i32
      %parallel_loop3A_282 = vector.broadcast %parallel_loop3A_281 : i32 to vector<16xi32>
      %parallel_loop3A_283 = arith.shrsi %parallel_loop3A_280, %parallel_loop3A_282 : vector<16xi32>
      %parallel_loop3A_284 = arith.constant 512 : i32
      %parallel_loop3A_285 = vector.broadcast %parallel_loop3A_284 : i32 to vector<16xi32>
      %parallel_loop3A_286 = arith.addi %parallel_loop3A_283, %parallel_loop3A_285 : vector<16xi32>
      %parallel_loop3A_287 = vector.broadcast %scan3A_220#1 : i32 to vector<16xi32>
      %parallel_loop3A_288 = arith.cmpi eq, %parallel_loop3A_286, %parallel_loop3A_287 : vector<16xi32>
      %parallel_loop3A_289 = vector.extract_strided_slice %parallel_loop3A_275 {offsets = [0], sizes = [1], strides = [1]} : vector<16xi32> to vector<1xi32>
      %parallel_loop3A_290 = vector.extract %parallel_loop3A_289[0] : i32 from vector<1xi32>
      %parallel_loop3A_291 = arith.index_cast %parallel_loop3A_290 : i32 to index
      %parallel_loop3A_292 = tpu.vector_load %arg6[%parallel_loop3A_291] masked %parallel_loop3A_288 {strides = array<i32>} : memref<32768xi32, #tpu.memory_space<vmem>>, vector<16xi32>, vector<16xi1>
      tpu.vector_store %arg6[%parallel_loop3A_291], %parallel_loop3A_280 masked %parallel_loop3A_288 {strides = array<i32>} : memref<32768xi32, #tpu.memory_space<vmem>>, vector<16xi32>, vector<16xi1>
      %parallel_loop3A_293 = tpu.all_reduce %parallel_loop3A_288 {dim = 0 : i64, kind = #tpu.reduction_kind<sum>} : vector<16xi1> -> vector<16xi32>
      %parallel_loop3A_294 = arith.addi %parallel_loop3A_275, %parallel_loop3A_293 : vector<16xi32>
      scf.yield %parallel_loop3A_294 : vector<16xi32>
    } {sc.loop_unroll_factor = 4 : i64, sc.parallel_access}
    %slice3A_232 = vector.extract_strided_slice %parallel_loop3A_231 {offsets = [0], sizes = [1], strides = [1]} : vector<16xi32> to vector<1xi32>
    %squeeze3A_233 = vector.extract %slice3A_232[0] : i32 from vector<1xi32>
    %add3A_234 = arith.constant 15 : i32
    %add3A_235 = arith.addi %squeeze3A_233, %add3A_234 : i32
    %jit3A_236 = arith.constant 16 : i32
    %div3A_237 = arith.divsi %add3A_235, %jit3A_236 : i32
    %sign3A_238 = arith.constant 0 : i32
    %sign3A_239 = arith.cmpi sgt, %add3A_235, %sign3A_238 : i32
    %sign3A_240 = arith.extui %sign3A_239 : i1 to i32
    %sign3A_241 = arith.constant 0 : i32
    %sign3A_242 = arith.cmpi slt, %add3A_235, %sign3A_241 : i32
    %sign3A_243 = arith.extui %sign3A_242 : i1 to i32
    %sign3A_244 = arith.subi %sign3A_240, %sign3A_243 : i32
    %sign3A_245 = arith.constant 0 : i32
    %sign3A_246 = arith.cmpi sgt, %jit3A_236, %sign3A_245 : i32
    %sign3A_247 = arith.extui %sign3A_246 : i1 to i32
    %sign3A_248 = arith.constant 0 : i32
    %sign3A_249 = arith.cmpi slt, %jit3A_236, %sign3A_248 : i32
    %sign3A_250 = arith.extui %sign3A_249 : i1 to i32
    %sign3A_251 = arith.subi %sign3A_247, %sign3A_250 : i32
    %ne3A_252 = arith.cmpi ne, %sign3A_244, %sign3A_251 : i32
    %rem3A_253 = arith.remsi %add3A_235, %jit3A_236 : i32
    %ne3A_254 = arith.constant 0 : i32
    %ne3A_255 = arith.cmpi ne, %rem3A_253, %ne3A_254 : i32
    %and3A_256 = arith.andi %ne3A_252, %ne3A_255 : i1
    %sub3A_257 = arith.constant 1 : i32
    %sub3A_258 = arith.subi %div3A_237, %sub3A_257 : i32
    %select_n3A_259 = arith.select %and3A_256, %sub3A_258, %div3A_237 : i32
    %broadcast_in_dim3A_260 = vector.broadcast %sub3A_223 : i32 to vector<16xi32>
    %broadcast_in_dim3A_261 = vector.broadcast %squeeze3A_233 : i32 to vector<16xi32>
    %scan3A_262 = arith.constant 0 : i32
    %scan3A_263 = arith.constant 22 : i32
    %scan3A_264 = arith.addi %scan3A_262, %scan3A_263 : i32
    %scan3A_265 = arith.constant 1 : i32
    %scan3A_266 = scf.for %scan3A_274 = %scan3A_262 to %scan3A_264 step %scan3A_265 iter_args(%scan3A_275 = %shift_left3A_227) -> (i32)  : i32 {
      %sub3A_276 = arith.constant 21 : i32
      %sub3A_277 = arith.subi %sub3A_276, %scan3A_274 : i32
      %shift_left3A_278 = arith.constant 1 : i32
      %shift_left3A_279 = arith.shli %shift_left3A_278, %sub3A_277 : i32
      %add3A_280 = arith.addi %scan3A_275, %shift_left3A_279 : i32
      %broadcast_in_dim3A_281 = vector.broadcast %add3A_280 : i32 to vector<16xi32>
      %parallel_loop3A_282 = arith.constant 0 : i32
      %parallel_loop3A_283 = arith.constant 1 : i32
      %parallel_loop3A_284 = scf.for %parallel_loop3A_293 = %parallel_loop3A_282 to %select_n3A_259 step %parallel_loop3A_283 iter_args(%parallel_loop3A_294 = %broadcast_in_dim3A_3) -> (vector<16xi32>)  : i32 {
        %parallel_loop3A_295 = arith.constant 16 : i32
        %parallel_loop3A_296 = arith.muli %parallel_loop3A_293, %parallel_loop3A_295 : i32
        %parallel_loop3A_297 = vector.broadcast %parallel_loop3A_296 : i32 to vector<16xi32>
        %parallel_loop3A_298 = arith.addi %parallel_loop3A_297, %iota3A : vector<16xi32>
        %parallel_loop3A_299 = arith.cmpi slt, %parallel_loop3A_298, %broadcast_in_dim3A_261 : vector<16xi32>
        %parallel_loop3A_300 = arith.constant 16 : i32
        %parallel_loop3A_301 = arith.muli %parallel_loop3A_293, %parallel_loop3A_300 : i32
        %parallel_loop3A_302 = arith.index_cast %parallel_loop3A_301 : i32 to index
        %parallel_loop3A_303 = tpu.vector_load %arg6[%parallel_loop3A_302] {strides = array<i32>} : memref<32768xi32, #tpu.memory_space<vmem>>, vector<16xi32>,
        %parallel_loop3A_304 = arith.cmpi sge, %parallel_loop3A_303, %broadcast_in_dim3A_281 : vector<16xi32>
        %parallel_loop3A_305 = arith.andi %parallel_loop3A_304, %parallel_loop3A_299 : vector<16xi1>
        %parallel_loop3A_306 = tpu.all_reduce %parallel_loop3A_305 {dim = 0 : i64, kind = #tpu.reduction_kind<sum>} : vector<16xi1> -> vector<16xi32>
        %parallel_loop3A_307 = arith.addi %parallel_loop3A_294, %parallel_loop3A_306 : vector<16xi32>
        scf.yield %parallel_loop3A_307 : vector<16xi32>
      } {sc.loop_unroll_factor = 4 : i64, sc.parallel_access}
      %reduce_max3A = arith.constant true
      %reduce_max3A_285 = vector.broadcast %reduce_max3A : i1 to vector<16xi1>
      %reduce_max3A_286 = arith.constant -2147483648 : i32
      %reduce_max3A_287 = vector.broadcast %reduce_max3A_286 : i32 to vector<16xi32>
      %reduce_max3A_288 = arith.xori %parallel_loop3A_284, %reduce_max3A_287 : vector<16xi32>
      %reduce_max3A_289 = tpu.scan <max>, %reduce_max3A_288 masked %reduce_max3A_285 : vector<16xi32>, vector<16xi1> -> vector<16xi32>
      %reduce_max3A_290 = arith.xori %reduce_max3A_289, %reduce_max3A_287 : vector<16xi32>
      %reduce_max3A_291 = vector.extract %reduce_max3A_290[15] : i32 from vector<16xi32>
      %ge3A = arith.cmpi sge, %reduce_max3A_291, %sub3A_223 : i32
      %select_n3A_292 = arith.select %ge3A, %add3A_280, %scan3A_275 : i32
      scf.yield %select_n3A_292 : i32
    }
    %scan3A_267 = arith.constant 22 : i32
    %eq3A_268 = arith.constant 3 : i32
    %eq3A_269 = vector.broadcast %eq3A_268 : i32 to vector<16xi32>
    %eq3A_270 = arith.cmpi eq, %iota3A, %eq3A_269 : vector<16xi32>
    %broadcast_in_dim3A_271 = vector.broadcast %scan3A_266 : i32 to vector<16xi32>
    %select_n3A_272 = arith.select %eq3A_270, %broadcast_in_dim3A_271, %select_n3A_202 : vector<16xi1>, vector<16xi32>
    %swap3A = arith.constant 0 : index
    %swap3A_273 = tpu.vector_load %arg9[%swap3A] {strides = array<i32>} : memref<16xi32, #tpu.memory_space<vmem>>, vector<16xi32>,
    tpu.vector_store %arg9[%swap3A], %select_n3A_272 {strides = array<i32>} : memref<16xi32, #tpu.memory_space<vmem>>, vector<16xi32>,
    "tpu.region"() ({
      %run_scoped3A = tpu.sem_alloc : memref<!tpu.dma_semaphore, #tpu.memory_space<semaphore_mem>>
      %dma_start3A = arith.constant 0 : i32
      %dma_start3A_274 = tpu.memref_slice %arg4[%add3A, %dma_start3A] : memref<32x16xi32, #tpu.memory_space<hbm>> -> memref<1x16xi32, #tpu.memory_space<hbm>>
      %dma_start3A_275 = tpu.memref_squeeze %dma_start3A_274 : memref<1x16xi32, #tpu.memory_space<hbm>> -> memref<16xi32, #tpu.memory_space<hbm>>
      %dma_start3A_276 = arith.constant 0 : i32
      %dma_start3A_277 = tpu.memref_slice %arg4[%add3A, %dma_start3A_276] : memref<32x16xi32, #tpu.memory_space<hbm>> -> memref<1x16xi32, #tpu.memory_space<hbm>>
      %dma_start3A_278 = tpu.memref_squeeze %dma_start3A_277 : memref<1x16xi32, #tpu.memory_space<hbm>> -> memref<16xi32, #tpu.memory_space<hbm>>
      tpu.enqueue_dma source(%arg9 : memref<16xi32, #tpu.memory_space<vmem>>) target(%dma_start3A_278 : memref<16xi32, #tpu.memory_space<hbm>>) target_semaphore(%run_scoped3A : memref<!tpu.dma_semaphore, #tpu.memory_space<semaphore_mem>>)
      %dma_wait3A = arith.constant 0 : i32
      %dma_wait3A_279 = tpu.memref_slice %arg4[%add3A, %dma_wait3A] : memref<32x16xi32, #tpu.memory_space<hbm>> -> memref<1x16xi32, #tpu.memory_space<hbm>>
      %dma_wait3A_280 = tpu.memref_squeeze %dma_wait3A_279 : memref<1x16xi32, #tpu.memory_space<hbm>> -> memref<16xi32, #tpu.memory_space<hbm>>
      %dma_wait3A_281 = arith.constant 0 : i32
      %dma_wait3A_282 = tpu.memref_slice %arg4[%add3A, %dma_wait3A_281] : memref<32x16xi32, #tpu.memory_space<hbm>> -> memref<1x16xi32, #tpu.memory_space<hbm>>
      %dma_wait3A_283 = tpu.memref_squeeze %dma_wait3A_282 : memref<1x16xi32, #tpu.memory_space<hbm>> -> memref<16xi32, #tpu.memory_space<hbm>>
      tpu.wait_dma2 semaphore(%run_scoped3A : memref<!tpu.dma_semaphore, #tpu.memory_space<semaphore_mem>>) src(%arg9 : memref<16xi32, #tpu.memory_space<vmem>>) dst(%dma_wait3A_283 : memref<16xi32, #tpu.memory_space<hbm>>)
      tpu.yield
    }) : () -> ()
    return
  }
}

module attributes {stable_mosaic.version = 14 : i64} {
  func.func @_mask_block(%arg0: i32, %arg1: memref<8x32768xf32, #tpu.memory_space<vmem>>, %arg2: memref<1x32768xf32, #tpu.memory_space<vmem>>, %arg3: memref<8x1xi32, #tpu.memory_space<vmem>>, %arg4: memref<8x32768xf32, #tpu.memory_space<vmem>>) attributes {dimension_semantics = [#tpu.dimension_semantics<arbitrary>], iteration_bounds = array<i64: 16>, scalar_prefetch = 0 : i64, scratch_operands = 0 : i64, tpu.core_type = #tpu.core_type<tc>, window_params = [{transform_indices = @transform_0, window_bounds = array<i64: 8, 32768>}, {pipeline_mode = #tpu.pipeline_mode<synchronous>, transform_indices = @transform_1, window_bounds = array<i64: 1, 32768>}, {transform_indices = @transform_2, window_bounds = array<i64: 8, 1>}, {transform_indices = @transform_3, window_bounds = array<i64: 8, 32768>}]} {
    %get3A = arith.constant 0 : index
    %get3A_0 = arith.constant 0 : index
    %get3A_1 = vector.load %arg1[%get3A, %get3A_0] : memref<8x32768xf32, #tpu.memory_space<vmem>>, vector<8x32768xf32>
    %get3A_2 = arith.constant 0 : index
    %get3A_3 = arith.constant 0 : index
    %get3A_4 = vector.load %arg2[%get3A_2, %get3A_3] : memref<1x32768xf32, #tpu.memory_space<vmem>>, vector<1x32768xf32>
    %neg3A = arith.constant 0.000000e+00 : f32
    %neg3A_5 = vector.broadcast %neg3A : f32 to vector<1x32768xf32>
    %neg3A_6 = arith.subf %neg3A_5, %get3A_4 : vector<1x32768xf32>
    %exp3A = math.exp %neg3A_6 : vector<1x32768xf32>
    %mul3A = vector.broadcast %exp3A : vector<1x32768xf32> to vector<8x32768xf32>
    %mul3A_7 = arith.mulf %get3A_1, %mul3A : vector<8x32768xf32>
    %bitcast_convert_type3A = tpu.bitcast %mul3A_7 : vector<8x32768xf32> -> vector<8x32768xi32>
    %shift_right_arithmetic3A = arith.constant 31 : i32
    %shift_right_arithmetic3A_8 = vector.broadcast %shift_right_arithmetic3A : i32 to vector<8x32768xi32>
    %shift_right_arithmetic3A_9 = arith.shrsi %bitcast_convert_type3A, %shift_right_arithmetic3A_8 : vector<8x32768xi32>
    %and3A = arith.constant 2147483647 : i32
    %and3A_10 = vector.broadcast %and3A : i32 to vector<8x32768xi32>
    %and3A_11 = arith.andi %shift_right_arithmetic3A_9, %and3A_10 : vector<8x32768xi32>
    %xor3A = arith.xori %bitcast_convert_type3A, %and3A_11 : vector<8x32768xi32>
    %get3A_12 = arith.constant 0 : index
    %get3A_13 = arith.constant 0 : index
    %get3A_14 = vector.load %arg3[%get3A_12, %get3A_13] : memref<8x1xi32, #tpu.memory_space<vmem>>, vector<8x1xi32>
    %lt3A = vector.broadcast %get3A_14 : vector<8x1xi32> to vector<8x32768xi32>
    %lt3A_15 = arith.cmpi slt, %xor3A, %lt3A : vector<8x32768xi32>
    %broadcast_in_dim3A = arith.constant 0.000000e+00 : f32
    %broadcast_in_dim3A_16 = vector.broadcast %broadcast_in_dim3A : f32 to vector<8x32768xf32>
    %select_n3A = arith.select %lt3A_15, %broadcast_in_dim3A_16, %get3A_1 : vector<8x32768xi1>, vector<8x32768xf32>
    %swap3A = arith.constant 0 : index
    %swap3A_17 = arith.constant 0 : index
    %swap3A_18 = vector.load %arg4[%swap3A, %swap3A_17] : memref<8x32768xf32, #tpu.memory_space<vmem>>, vector<8x32768xf32>
    tpu.vector_store %arg4[%swap3A, %swap3A_17], %select_n3A {strides = array<i32>} : memref<8x32768xf32, #tpu.memory_space<vmem>>, vector<8x32768xf32>,
    return
  }
  func.func @transform_0(%arg0: i32) -> (i32, i32) {
    %c0_i32 = arith.constant 0 : i32
    %c0_i32_0 = arith.constant 0 : i32
    return %arg0, %c0_i32 : i32, i32
  }
  func.func @transform_1(%arg0: i32) -> (i32, i32) {
    %c0_i32 = arith.constant 0 : i32
    %c0_i32_0 = arith.constant 0 : i32
    %c0_i32_1 = arith.constant 0 : i32
    return %c0_i32, %c0_i32_0 : i32, i32
  }
  func.func @transform_2(%arg0: i32) -> (i32, i32) {
    %c0_i32 = arith.constant 0 : i32
    %c0_i32_0 = arith.constant 0 : i32
    return %arg0, %c0_i32 : i32, i32
  }
  func.func @transform_3(%arg0: i32) -> (i32, i32) {
    %c0_i32 = arith.constant 0 : i32
    %c0_i32_0 = arith.constant 0 : i32
    return %arg0, %c0_i32 : i32, i32
  }
}

</mosaic_0001>

<sc_bundles>
// kernel: kernel.4.cloned.1.call-start
scs
__scs_entry_jumppad:
0x0: {  	(pc) =	sbr.rel $0x88, $3  }
0x1: {  	(tag) =	ssettag $0x0;
	lr =	simm.s32 $0x1  }
0x2: {  	[smem:$0x3F9F] =	sst lr;
	_ =	strace $0xD0000000  }
0x3: {  	_ = 	snop  }
0x4: {  	_ = 	snop  }
0x5: {  	_ = 	snop  }
0x6: {  	_ = 	snop  }
0x7: {  	_ = 	snop  }
__scs_overlays_trampoline_lowered:
0x8: {  	[smem:$0x3FAE] =	sst s0  }
0x9: {  	[smem:$0x3FAF] =	sst s1  }
0xa: {  	[smem:$0x3FB0] =	sst s2  }
0xb: {  	[smem:$0x3FB1] =	sst s3  }
0xc: {  	[smem:$0x3FB2] =	sst s4  }
0xd: {  	[smem:$0x3FB3] =	sst s5  }
0xe: {  	[smem:$0x3FB4] =	sst s6  }
0xf: {  	[smem:$0x3FB5] =	sst s7  }
0x10: {  	[smem:$0x3FB6] =	sst s8  }
0x11: {  	[smem:$0x3FB7] =	sst s9;
	s0 =	simm.s32 @!p0 $0x0  }
0x12: {  	s1 =	sld [smem:$0x3F9D];
	s0 =	simm.s32 @p0 $0x1  }
0x13: {  	[smem:$0x3FB8] =	sst s0;
	s0 =	simm.s32 @!p1 $0x0  }
0x14: {  	s2 =	sld [smem:$0x3F9C];
	s0 =	simm.s32 @p1 $0x1  }
0x15: {  	[smem:$0x3FB9] =	sst s0;
	s0 =	simm.s32 @!p2 $0x0  }
0x16: {  	s3 =	sld [smem:$0x3FDB];
	s0 =	simm.s32 @p2 $0x1  }
0x17: {  	s4 =	simm.s32 $0x1BF5;
	[smem:$0x3FBB] =	sst s0  }
0x18: {  	s0 =	sld [smem:$0x3F9E];
	_ =	swait.ge [sflag:s4], $0x0  }
0x19: {  	s7 =	sld [smem:$0x3F9F]  }
0x1a: {  	s8 =	sadd.s32 $0xFFFFE003, lr  }
0x1b: {  	s9 =	sadd.s32 $0xFFFFFEF7, lr;
	s5 =	simm.s32 $0xFFFFFFFF;
	p2 =	slt.u32 s8, $0xFFFFF086  }
0x1c: {  	p1 =	slt.u32 s9, $0xF7A;
	s5 =	simm.s32 @!p2 $0x0  }
0x1d: {  	s5 =	simm.s32 @p1 $0x1;
	p0 =	seq.s32 s7, s2  }
0x1e: {  	s7 =	smul.u32 @!p0 $0xF7A, s2;
	p2 =	seq.s32 @!p0 s5, $0x0  }
0x1f: {  	s9 =	smul.u32 $0xF7A, s1;
	s8 =	simm.s32 @!p0 $0x1BF5;
	p2 =	por !p2, p0  }
0x20: {  	[sflag:s8] =	ssyncset.s32 @!p0 $0xFFFFF086;
	s6 =	sadd.s32 @!p0 s3, s7;
	s7 =	simm.s32 @!p0 $0x108  }
0x21: {  	s3 =	sadd.s32 s3, s9;
	s6 =	sadd.s32 @!p0 $0x88, s6;
	s7 =	simm.s32 @p2 $0x1082  }
0x22: {  	[simem:s7], [sflag:s8] =	dma.local @!p0 [hbm:s6], $0xF7A  }
0x23: {  	s9 =	sor.u32 $0xD0000000, s2;
	s6 =	simm.s32 $0x108;
	_ =	swait.ge @!p0 [sflag:s8], $0x0  }
0x24: {  	s3 =	sadd.s32 $0x88, s3;
	s6 =	simm.s32 @!p1 $0x1082;
	[sflag:s4] =	ssyncset.s32 $0xFFFFF086  }
0x25: {  	[simem:s6], [sflag:s4] =	dma.local [hbm:s3], $0xF7A  }
0x26: {  	[smem:$0x3F9F] =	sst s1;
	(tag) =	ssettag s2;
	_ =	strace s9  }
0x27: {  	s1 =	sld [smem:$0x3FAF]  }
0x28: {  	s2 =	sld [smem:$0x3FB0]  }
0x29: {  	s4 =	sld [smem:$0x3FB2]  }
0x2a: {  	p0 =	seq.s32 s5, $0x0;
	s5 =	sld [smem:$0x3FB3]  }
0x2b: {  	s6 =	sld [smem:$0x3FB4]  }
0x2c: {  	s7 =	sld [smem:$0x3FB5]  }
0x2d: {  	s3 =	simm.s32 $0x108;
	s8 =	sld [smem:$0x3FB6]  }
0x2e: {  	s3 =	simm.s32 @!p0 $0x1082;
	s9 =	sld [smem:$0x3FB7]  }
0x2f: {  	lr =	sadd.s32 s0, s3;
	s0 =	sld [smem:$0x3FAE]  }
0x30: {  	s3 =	sld [smem:$0x3FB1]  }
0x31: {  	[smem:$0x3FBA] =	sst s10  }
0x32: {  	s10 =	sld [smem:$0x3FB8];
	_ =	sdelay $0x3  }
0x33: {  	p0 =	seq.s32 s10, $0x1;
	s10 =	sld [smem:$0x3FBA];
	_ =	sdelay $0x3  }
0x34: {  	[smem:$0x3FBA] =	sst s10  }
0x35: {  	s10 =	sld [smem:$0x3FB9];
	_ =	sdelay $0x3  }
0x36: {  	p1 =	seq.s32 s10, $0x1;
	s10 =	sld [smem:$0x3FBA];
	_ =	sdelay $0x3  }
0x37: {  	[smem:$0x3FBA] =	sst s10  }
0x38: {  	s10 =	sld [smem:$0x3FBB]  }
0x39: {  	_ = 	snop;
	(pc) =	sbr.ind lr, $3  }
0x3a: {  	_ = 	snop  }
0x3b: {  	_ = 	snop  }
0x3c: {  	p2 =	seq.s32 s10, $0x1;
	s10 =	sld [smem:$0x3FBA]  }
0x3d: {  	_ =	shalt  }
0x3e: {  	_ =	shalt  }
0x3f: {  	_ =	shalt  }
0x40: {  	_ =	shalt  }
0x41: {  	_ =	shalt  }
0x42: {  	_ =	shalt  }
0x43: {  	_ =	shalt  }
0x44: {  	_ =	shalt  }
0x45: {  	_ =	shalt  }
0x46: {  	_ =	shalt  }
0x47: {  	_ =	shalt  }
0x48: {  	_ =	shalt  }
0x49: {  	_ =	shalt  }
0x4a: {  	_ =	shalt  }
0x4b: {  	_ =	shalt  }
0x4c: {  	_ =	shalt  }
0x4d: {  	_ =	shalt  }
0x4e: {  	_ =	shalt  }
0x4f: {  	_ =	shalt  }
0x50: {  	_ =	shalt  }
0x51: {  	_ =	shalt  }
0x52: {  	_ =	shalt  }
0x53: {  	_ =	shalt  }
0x54: {  	_ =	shalt  }
0x55: {  	_ =	shalt  }
0x56: {  	_ =	shalt  }
0x57: {  	_ =	shalt  }
0x58: {  	_ =	shalt  }
0x59: {  	_ =	shalt  }
0x5a: {  	_ =	shalt  }
0x5b: {  	_ =	shalt  }
0x5c: {  	_ =	shalt  }
0x5d: {  	_ =	shalt  }
0x5e: {  	_ =	shalt  }
0x5f: {  	_ =	shalt  }
0x60: {  	_ =	shalt  }
0x61: {  	_ =	shalt  }
0x62: {  	_ =	shalt  }
0x63: {  	_ =	shalt  }
0x64: {  	_ =	shalt  }
0x65: {  	_ =	shalt  }
0x66: {  	_ =	shalt  }
0x67: {  	_ =	shalt  }
0x68: {  	_ =	shalt  }
0x69: {  	_ =	shalt  }
0x6a: {  	_ =	shalt  }
0x6b: {  	_ =	shalt  }
0x6c: {  	_ =	shalt  }
0x6d: {  	_ =	shalt  }
0x6e: {  	_ =	shalt  }
0x6f: {  	_ =	shalt  }
0x70: {  	_ =	shalt  }
0x71: {  	_ =	shalt  }
0x72: {  	_ =	shalt  }
0x73: {  	_ =	shalt  }
0x74: {  	_ =	shalt  }
0x75: {  	_ =	shalt  }
0x76: {  	_ =	shalt  }
0x77: {  	_ =	shalt  }
0x78: {  	_ =	shalt  }
0x79: {  	_ =	shalt  }
0x7a: {  	_ =	shalt  }
0x7b: {  	_ =	shalt  }
0x7c: {  	_ =	shalt  }
0x7d: {  	_ =	shalt  }
0x7e: {  	_ =	shalt  }
0x7f: {  	_ =	shalt  }
0x80: {  	_ =	shalt  }
0x81: {  	_ =	shalt  }
0x82: {  	_ =	shalt  }
0x83: {  	_ =	shalt  }
0x84: {  	_ =	shalt  }
0x85: {  	_ =	shalt  }
0x86: {  	_ =	shalt  }
0x87: {  	_ =	shalt  }
.Lfunc_end0:
.L_simem_size_0:
called_computation_lowered:
.L_overlay_start_0:
0x88: {  	s2 =	sld [smem:$0x3FD9]  }
0x89: {  	s3 =	sld [smem:$0x3FFE];
	_ =	sdelay $0x1  }
0x8a: {  	s1 =	srdreg.scid  }
0x8b: {  	s0 =	sand.u32 $0x1, s1  }
0x8c: {  	s18 =	sshll.u32 s0, $0xA;
	s2 =	sadd.s32 s3, s2  }
0x8d: {  	s2 =	sadd.s32 s2, s18  }
0x8e: {  	[smem:$0x3FC6] =	sst s2  }
0x8f: {  	_ = 	snop  }
0x90: {  	s2 =	sld [smem:$0x3FC9]  }
0x91: {  	s19 =	sld [smem:$0x3FC8]  }
0x92: {  	s4 =	sld [smem:$0x3FD0];
	(tm) =	ssettm $0x1  }
0x93: {  	s5 =	sld [smem:$0x3FFB];
	_ =	sdelay $0x3  }
0x94: {  	_ =	strace s5  }
0x95: {  	s5 =	sld [smem:$0x3FFC];
	_ =	sdelay $0x3  }
0x96: {  	_ =	strace s5  }
0x97: {  	s5 =	sld [smem:$0x3FFD];
	_ =	sdelay $0x3  }
0x98: {  	_ =	strace s5  }
0x99: {  	_ =	strace $0x8FFFFFFF  }
0x9a: {  	s20 =	sld [smem:$0x3FDB];
	_ =	sdelay $0x1  }
0x9b: {  	s6 =	simm.s32 $_scs_section_size  }
0x9c: {  	s7 =	simm.s32 $_size__tile_overlayer_lowered;
	s8 =	simm.s32 $_tile_overlayer_lowered  }
0x9d: {  	s23 =	simm.s32 $0x1BFF;
	s22 =	sshll.u32 s8, $0x1;
	s5 =	sadd.s32 s6, s20  }
0x9e: {  	s9 =	simm.s32 $0x0;
	s21 =	sshll.u32 s7, $0x1;
	s7 =	sadd.s32 s22, s5  }
0x9f: {  	[timem:s9], [sflag:s23] =	dma.local [hbm:s7], s21  }
0xa0: {  	_ =	swait.ge [sflag:s23], s21  }
0xa1: {  	s6 =	ssub.s32 $0x0, s21;
	[sflag:s23] =	ssyncset.done $0x0  }
0xa2: {  	[sflag:s23] =	ssyncadd.s32 s6;
	_ =	sdelay $0x1  }
0xa3: {  	s24 =	simm.s32 $0x1B8B  }
0xa4: {  	_ =	swait.ge [sflag:s24], $0x1  }
0xa5: {  	[sflag:s24] =	ssyncset.done $0x0  }
0xa6: {  	s25 =	simm.s32 $0x1B8E;
	[sflag:s24] =	ssyncadd.s32 $0xFFFFFFFF  }
0xa7: {  	s26 =	simm.s32 $execute0_lowered;
	[smem:$0x3FD2] =	sst s25  }
0xa8: {  	s6 =	sshll.u32 s26, $0x1;
	_ =	strace $0x80000046;
	[dreg:$0x1] =	wrdreg $0xFFFFFFFF  }
0xa9: {  	s28 =	simm.s32 $_size_execute0_lowered;
	s5 =	sadd.s32 s5, s6;
	[dreg:$0x0] =	wrdreg $0x0  }
0xaa: {  	s6 =	sshll.u32 s28, $0x1;
	[dreg:$0x2] =	wrdreg s5  }
0xab: {  	[dreg:$0x3] =	wrdreg s6  }
0xac: {  	[dreg:$0x4] =	wrdreg $0xC0  }
0xad: {  	_ =	task [dreg:s9], $0x5FFFF  }
0xae: {  	[dreg:$0x1] =	wrdreg $0xFFFFFFFF  }
0xaf: {  	[dreg:$0x0] =	wrdreg $0x60  }
0xb0: {  	[dreg:$0x2] =	wrdreg s2  }
0xb1: {  	[dreg:$0x3] =	wrdreg s19  }
0xb2: {  	[dreg:$0x4] =	wrdreg s4  }
0xb3: {  	[dreg:$0x5] =	wrdreg $0x9  }
0xb4: {  	_ =	task.clear_ibuf [dreg:s9], $0x6FFFF;
	_ =	strace $0x90000046  }
0xb5: {  	s29 =	simm.s32 $0x9;
	_ =	strace $0x80000048  }
0xb6: {  	_ =	swait.ge [sflag:s29], $0x1  }
0xb7: {  	[sflag:s29] =	ssyncadd.s32 $0xFFFFFFFF  }
0xb8: {  	_ =	strace $0x90000048  }
0xb9: {  	_ =	sfence  }
0xba: {  	s30 =	sld [smem:$0x0];
	_ =	sdelay $0x2  }
0xbb: {  	s31 =	sshll.u32 s1, $0xD;
	s1 =	sshrl.u32 s1, $0x2  }
0xbc: {  	s3 =	sand.u32 $0x4000, s31;
	s1 =	sadd.s32 s1, s30  }
0xbd: {  	s0 =	sor.u32 s3, s0;
	s1 =	sshll.u32 s1, $0x11  }
0xbe: {  	s0 =	sor.u32 s1, s0  }
0xbf: {  	s0 =	sadd.s32 $0x8F2B, s0  }
0xc0: {  	[sflag:s0] =	ssyncadd.remote.s32 $0x1  }
0xc1: {  	_ =	sfence.sel $0xFFFF  }
0xc2: {  	[dreg:$0x0] =	wrdreg $0xFFFFFFFF;
	(pc) =	sbr.abs _section_cstart, $3  }
0xc3: {  	[dreg:$0x1] =	wrdreg $0xFFFFFFFF  }
0xc4: {  	_ =	task.clear_ibuf [dreg:s9], $0x2FFFF;
	_ =	strace $0x9FFFFFFF  }
0xc5: {  	(tm) =	ssettm $0x7FFFFFFF  }
tec
execute0_lowered:
.L_overlay_start_1:
0x0: {  	(tag) =	ssettag $0x1  }
0x1: {  	s0 =	rddreg [dreg:$0x0]  }
0x2: {  	s6 =	rddreg [dreg:$0x2]  }
0x3: {  	s3 =	simm.s32 $0x0;
	s4 =	srdreg.scid;
	s1 =	stileid.u32  }
0x4: {  	s11 =	simm.s32 $0x1;
	s12 =	simm.s32 $0x80;
	s13 =	simm.s32 $0x400  }
0x5: {  	s14 =	simm.s32 $0x18000;
	s15 =	simm.s32 $0x200000;
	s17 =	simm.s32 $0x0  }
0x6: {  	[smem:$0x7FF] =	sst s3;
	s5 =	sand.u32 $0x1, s4;
	s8 =	sshll.u32 s1, $0xF  }
0x7: {  	s30 =	sshll.u32 s1, $0x5;
	s4 =	ssub.s32 $0x2, s5;
	s7 =	sshll.u32 s5, $0x6  }
.Ltmp0:
0x8: {  	s9 =	sshrl.u32 s4, $0x1;
	s7 =	sor.u32 s7, s8;
	(pc) =	sbr.rel .LBB2_1-.Ltmp0, $4  }
0x9: {  	v0 =	vlaneseq.u32;
	s29 =	sshll.u32 s5, $0x4;
	s9 =	ssub.s32 s4, s9;
	s4 =	sadd.s32 s0, s7  }
0xa: {  	v1 =	vimm.s32 $0x0;
	v5 =	vmul.u32 $0xFFFFFFFF, v0;
	_ =	strace $0x80000047;
	s0 =	sadd.s32 s6, s29;
	s2 =	sadd.s32 $0x10, s4  }
0xb: {  	v3 =	vimm.s32 $0x1;
	vm3 =	vcmask $0xF0C;
	v2 =	vor.u32 $0x2000, v0;
	s31 =	sadd.s32 $0x20, s4;
	s7 =	sadd.s32 $0x30, s4;
	[dreg:$0x4] =	wrdreg s2  }
0xc: {  	v4 =	vmul.u32 $0x10, v0;
	v6 =	vor.u32 $0x80000000, v0;
	v5 =	vadd.s32 $0xF, v5;
	s8 =	sadd.s32 s30, s0;
	s9 =	smax.u32 s9, $0x1;
	[dreg:$0x5] =	wrdreg s31  }
.LBB2_55:
0xd: {  	v7 =	vmov s18;
	vm0 =	vcmask $0x300  }
0xe: {  	v7 =	vnsel vm0, $0x0, v7;
	vm0 =	vcmask $0x704  }
0xf: {  	v7 =	vsel vm0, s19, v7;
	vm0 =	vcmask $0xB08  }
0x10: {  	s17 =	sadd.s32 $0x1, s17;
	v7 =	vsel vm0, s20, v7  }
0x11: {  	p0 =	sne.s32 s17, s9;
	v7 =	vsel vm3, s28, v7  }
.Ltmp1:
0x12: {  	s0 =	simm.s32 $0x1C000;
	[tilespmem:$0x1C000] =	vst v7;
	(pc) =	sbr.rel @!p0 .LBB2_56-.Ltmp1, $4  }
0x13: {  	[hbm4b:s8+s3] =	stream.linear.scatter [tilespmem:s0], [sflag:$0x1], $0x80, $0x38;
	[tilespmem:$0x1C080] =	vst v63  }
0x14: {  	_ =	swait.ge [sflag:s11], $0x80  }
0x15: {  	[sflag:s11] =	ssyncset.done $0x0  }
0x16: {  	[sflag:s11] =	ssyncadd.s32 $0xFFFFFF80  }
.LBB2_1:
0x17: {  	s0 =	rddreg [dreg:$0x1];
	s1 =	simm.s32 $0x10000  }
0x18: {  	[tilespmem:s1], [sflag:$0x1] =	stream.linear.gather [hbm4b:s0+s3], $0x8000, $0x38;
	[tilespmem:$0x1C080] =	vst v63  }
0x19: {  	_ =	swait.ge [sflag:s11], $0x8000  }
0x1a: {  	[sflag:s11] =	ssyncset.done $0x0  }
0x1b: {  	s19 =	simm.s32 $0x10040;
	[sflag:s11] =	ssyncadd.s32 $0xFFFF8000  }
0x1c: {  	v7 =	vld [tilespmem:s19+$0x30]  }
0x1d: {  	v8 =	vld [tilespmem:s19+$0xFFFFFFD0]  }
0x1e: {  	v9 =	vld [tilespmem:s19+$0xFFFFFFE0]  }
0x1f: {  	v10 =	vld [tilespmem:s19+$0xFFFFFFF0]  }
0x20: {  	v11 =	vld [tilespmem:s19+$0x0]  }
0x21: {  	v12 =	vld [tilespmem:s19+$0x10];
	v7 =	vsub.f32 $0.0e+00, v7  }
0x22: {  	v13 =	vld [tilespmem:s19+$0x20];
	v8 =	vsub.f32 $0.0e+00, v8  }
0x23: {  	v14 =	vld [tilespmem:s19+$0xFFFFFFC0];
	v9 =	vsub.f32 $0.0e+00, v9;
	v7 =	vmul.f32 $1.442695020e+00, v7  }
0x24: {  	s18 =	simm.s32 $0x100C0;
	v10 =	vsub.f32 $0.0e+00, v10;
	v8 =	vmul.f32 $1.442695020e+00, v8  }
0x25: {  	v15 =	vld [tilespmem:s18+$0x30];
	v11 =	vsub.f32 $0.0e+00, v11;
	v9 =	vmul.f32 $1.442695020e+00, v9;
	(erf) = vpow2.f32 v7  }
0x26: {  	v16 =	vld [tilespmem:s18+$0xFFFFFFD0];
	v7 =	vmul.f32 $1.442695020e+00, v10;
	v10 =	vsub.f32 $0.0e+00, v12;
	(erf) = vpow2.f32 v8  }
0x27: {  	v12 =	vld [tilespmem:s18+$0xFFFFFFE0];
	v8 =	vmul.f32 $1.442695020e+00, v11;
	v11 =	vsub.f32 $0.0e+00, v13;
	(erf) = vpow2.f32 v9  }
0x28: {  	v17 =	vld [tilespmem:s18+$0xFFFFFFF0];
	v9 =	vsub.f32 $0.0e+00, v14;
	v13 =	vmul.f32 $1.442695020e+00, v10;
	(erf) = vpow2.f32 v7  }
0x29: {  	v10 =	vld [tilespmem:s18+$0x0];
	v11 =	vmul.f32 $1.442695020e+00, v11;
	(erf) = vpow2.f32 v8  }
0x2a: {  	v14 =	vsub.f32 $0.0e+00, v15;
	v7 =	vld [tilespmem:s18+$0x10];
	v15 =	vmul.f32 $1.442695020e+00, v9;
	(erf) = vpow2.f32 v13  }
0x2b: {  	v16 =	vsub.f32 $0.0e+00, v16;
	v8 =	vld [tilespmem:s18+$0x20];
	(erf) = vpow2.f32 v11  }
0x2c: {  	v9 =	vld [tilespmem:s18+$0xFFFFFFC0];
	v13 =	vsub.f32 $0.0e+00, v12;
	v12 =	vmul.f32 $1.442695020e+00, v14;
	(erf) = vpow2.f32 v15  }
0x2d: {  	s20 =	simm.s32 $0x8;
	s21 =	simm.s32 $0x10140;
	v14 =	vsub.f32 $0.0e+00, v17;
	v11 =	vmul.f32 $1.442695020e+00, v16  }
.LBB2_2:
0x2e: {  	v15 =	vld [tilespmem:s21+$0x30];
	s20 =	sadd.s32 $0x8, s20;
	v13 =	vmul.f32 $1.442695020e+00, v13;
	v18 =	vsub.f32 $0.0e+00, v10;
	(erf) = vpow2.f32 v12;
	v12 =	vpop (erf)  }
0x2f: {  	v16 =	vld [tilespmem:s21+$0xFFFFFFD0];
	p0 =	slt.u32 s20, $0x7F8;
	v14 =	vmul.f32 $1.442695020e+00, v14;
	v19 =	vsub.f32 $0.0e+00, v7;
	(erf) = vpow2.f32 v11;
	[tilespmem:s19+$0x30] =	vst v12;
	v11 =	vpop (erf)  }
0x30: {  	v12 =	vld [tilespmem:s21+$0xFFFFFFE0];
	v17 =	vmul.f32 $1.442695020e+00, v18;
	v20 =	vsub.f32 $0.0e+00, v8;
	(erf) = vpow2.f32 v13;
	[tilespmem:s19+$0xFFFFFFD0] =	vst v11;
	v10 =	vpop (erf)  }
0x31: {  	v18 =	vld [tilespmem:s21+$0xFFFFFFF0];
	v21 =	vsub.f32 $0.0e+00, v9;
	v11 =	vmul.f32 $1.442695020e+00, v19;
	(erf) = vpow2.f32 v14;
	[tilespmem:s19+$0xFFFFFFE0] =	vst v10;
	v7 =	vpop (erf)  }
.Ltmp2:
0x32: {  	v10 =	vld [tilespmem:s21+$0x0];
	v13 =	vmul.f32 $1.442695020e+00, v20;
	(erf) = vpow2.f32 v17;
	[tilespmem:s19+$0xFFFFFFF0] =	vst v7;
	v8 =	vpop (erf);
	(pc) =	sbr.rel @p0 .LBB2_2-.Ltmp2, $4  }
0x33: {  	v7 =	vld [tilespmem:s21+$0x10];
	v14 =	vsub.f32 $0.0e+00, v15;
	v17 =	vmul.f32 $1.442695020e+00, v21;
	(erf) = vpow2.f32 v11;
	[tilespmem:s19+$0x0] =	vst v8;
	v9 =	vpop (erf)  }
0x34: {  	v11 =	vsub.f32 $0.0e+00, v16;
	v8 =	vld [tilespmem:s21+$0x20];
	(erf) = vpow2.f32 v13;
	[tilespmem:s19+$0x10] =	vst v9;
	v16 =	vpop (erf)  }
0x35: {  	v9 =	vld [tilespmem:s21+$0xFFFFFFC0];
	v13 =	vsub.f32 $0.0e+00, v12;
	v12 =	vmul.f32 $1.442695020e+00, v14;
	(erf) = vpow2.f32 v17;
	[tilespmem:s19+$0x20] =	vst v16;
	v15 =	vpop (erf)  }
0x36: {  	v11 =	vmul.f32 $1.442695020e+00, v11;
	v14 =	vsub.f32 $0.0e+00, v18;
	[tilespmem:s19+$0xFFFFFFC0] =	vst v15;
	s19 =	smov.u32 s18;
	s18 =	smov.u32 s21;
	s21 =	sadd.s32 $0x80, s21  }
0x37: {  	v13 =	vmul.f32 $1.442695020e+00, v13;
	v10 =	vsub.f32 $0.0e+00, v10  }
0x38: {  	(erf) = vpow2.f32 v12;
	v14 =	vmul.f32 $1.442695020e+00, v14;
	v7 =	vsub.f32 $0.0e+00, v7  }
0x39: {  	v59 =	vpop (erf);
	(erf) = vpow2.f32 v11;
	v10 =	vmul.f32 $1.442695020e+00, v10  }
0x3a: {  	[tilespmem:s19+$0x30] =	vst v59;
	v60 =	vpop (erf);
	v8 =	vsub.f32 $0.0e+00, v8;
	(erf) = vpow2.f32 v13;
	v7 =	vmul.f32 $1.442695020e+00, v7  }
0x3b: {  	[tilespmem:s19+$0xFFFFFFD0] =	vst v60;
	v61 =	vpop (erf);
	v9 =	vsub.f32 $0.0e+00, v9;
	(erf) = vpow2.f32 v14  }
0x3c: {  	[tilespmem:s19+$0xFFFFFFE0] =	vst v61;
	v62 =	vpop (erf);
	v8 =	vmul.f32 $1.442695020e+00, v8;
	(erf) = vpow2.f32 v10  }
0x3d: {  	[tilespmem:s19+$0xFFFFFFF0] =	vst v62;
	v63 =	vpop (erf);
	v9 =	vmul.f32 $1.442695020e+00, v9;
	(erf) = vpow2.f32 v7  }
0x3e: {  	[tilespmem:s19+$0x0] =	vst v63;
	v7 =	vpop (erf);
	(erf) = vpow2.f32 v8  }
0x3f: {  	[tilespmem:s19+$0x10] =	vst v7;
	v7 =	vpop (erf);
	(erf) = vpow2.f32 v9  }
0x40: {  	[tilespmem:s19+$0x20] =	vst v7;
	v7 =	vpop (erf)  }
0x41: {  	[tilespmem:s19+$0xFFFFFFC0] =	vst v7;
	v7 =	vpop (erf)  }
0x42: {  	[tilespmem:s18+$0x30] =	vst v7;
	v7 =	vpop (erf)  }
0x43: {  	[tilespmem:s18+$0xFFFFFFD0] =	vst v7;
	v7 =	vpop (erf)  }
0x44: {  	[tilespmem:s18+$0xFFFFFFE0] =	vst v7;
	v7 =	vpop (erf)  }
0x45: {  	[tilespmem:s18+$0xFFFFFFF0] =	vst v7;
	v7 =	vpop (erf)  }
0x46: {  	[tilespmem:s18+$0x0] =	vst v7;
	v7 =	vpop (erf)  }
0x47: {  	[tilespmem:s18+$0x10] =	vst v7;
	v7 =	vpop (erf)  }
0x48: {  	[tilespmem:s18+$0x20] =	vst v7;
	v7 =	vpop (erf)  }
0x49: {  	[tilespmem:s18+$0xFFFFFFC0] =	vst v7  }
0x4a: {  	[tilespmem:s3], [sflag:$0x1] =	stream.strided.gather [hbm4b:s4+s12], $0x8000, s13, s12, $0x38;
	[tilespmem:$0x1C080] =	vst v63  }
0x4b: {  	_ =	swait.ge [sflag:s11], $0x8000  }
0x4c: {  	[sflag:s11] =	ssyncset.done $0x0  }
0x4d: {  	s0 =	simm.s32 $0x18040;
	[sflag:s11] =	ssyncadd.s32 $0xFFFF8000  }
0x4e: {  	[tilespmem:s0+$0xFFFFFFC0] =	vst v1  }
0x4f: {  	[tilespmem:s0+$0x30] =	vst v1  }
0x50: {  	[tilespmem:s0+$0x20] =	vst v1  }
0x51: {  	[tilespmem:s0+$0x10] =	vst v1  }
0x52: {  	[tilespmem:s0+$0x0] =	vst v1  }
0x53: {  	[tilespmem:s0+$0xFFFFFFF0] =	vst v1  }
0x54: {  	s18 =	simm.s32 $0x0;
	[tilespmem:s0+$0xFFFFFFE0] =	vst v1  }
.LBB2_4:
0x55: {  	s18 =	sadd.s32 $0x8, s18;
	[tilespmem:s0+$0xFFFFFFD0] =	vst v1;
	s0 =	sadd.s32 $0x80, s0;
	s20 =	simm.s32 $0x40  }
0x56: {  	[tilespmem:s0+$0xFFFFFFC0] =	vst v1;
	p0 =	slt.u32 s18, $0x3F8  }
0x57: {  	[tilespmem:s0+$0x30] =	vst v1  }
.Ltmp3:
0x58: {  	[tilespmem:s0+$0x20] =	vst v1;
	(pc) =	sbr.rel @p0 .LBB2_4-.Ltmp3, $4  }
0x59: {  	[tilespmem:s0+$0x10] =	vst v1  }
0x5a: {  	[tilespmem:s0+$0x0] =	vst v1  }
0x5b: {  	[tilespmem:s0+$0xFFFFFFF0] =	vst v1  }
0x5c: {  	s19 =	simm.s32 $0x10040;
	[tilespmem:s0+$0xFFFFFFE0] =	vst v1  }
0x5d: {  	[tilespmem:s0+$0xFFFFFFD0] =	vst v1  }
0x5e: {  	v8 =	vld [tilespmem:s19+$0x10]  }
0x5f: {  	v10 =	vld [tilespmem:s19+$0x30]  }
0x60: {  	v11 =	vld [tilespmem:s20+$0x30]  }
0x61: {  	v9 =	vld [tilespmem:s19+$0x0]  }
0x62: {  	v12 =	vld [tilespmem:s20+$0x10]  }
0x63: {  	v13 =	vld [tilespmem:s20+$0xFFFFFFE0]  }
0x64: {  	v14 =	vld [tilespmem:s20+$0x0]  }
0x65: {  	v15 =	vld [tilespmem:s19+$0xFFFFFFE0];
	_ =	sdelay $0x1  }
0x66: {  	v20 =	vld [tilespmem:s19+$0x20]  }
0x67: {  	v21 =	vld [tilespmem:s20+$0x20]  }
0x68: {  	v17 =	vld [tilespmem:s20+$0xFFFFFFF0];
	v16 =	vmul.f32 v8, v12;
	v14 =	vmul.f32 v9, v14  }
0x69: {  	v9 =	vld [tilespmem:s19+$0xFFFFFFC0];
	v8 =	vmul.f32 v10, v11;
	v13 =	vmul.f32 v15, v13  }
0x6a: {  	v10 =	vld [tilespmem:s20+$0xFFFFFFC0];
	v15 =	vshra.s32 v16, $0x1F;
	v12 =	vshra.s32 v14, $0x1F  }
0x6b: {  	v11 =	vld [tilespmem:s19+$0xFFFFFFF0];
	v18 =	vshra.s32 v13, $0x1F;
	v19 =	vand.u32 $0x7FFFFFFF, v12;
	v12 =	vshra.s32 v8, $0x1F  }
0x6c: {  	s21 =	simm.s32 $0x0;
	v7 =	vld [tilespmem:s19+$0xFFFFFFD0];
	v22 =	vand.u32 $0x7FFFFFFF, v18;
	v18 =	vand.u32 $0x7FFFFFFF, v15;
	v19 =	vxor.u32 v14, v19  }
0x6d: {  	s22 =	simm.s32 $0xC0;
	s23 =	simm.s32 $0x100C0;
	s18 =	simm.s32 $0x3F0;
	v15 =	vld [tilespmem:s20+$0xFFFFFFD0];
	v14 =	vxor.u32 v13, v22;
	v13 =	vmul.f32 v20, v21;
	[tilespmem:s20+$0x0] =	vst v19;
	v19 =	vshra.s32 v19, $0x12  }
.LBB2_6:
0x6e: {  	v20 =	vld [tilespmem:s23+$0xFFFFFFD0];
	s21 =	sadd.s32 $0x8, s21;
	v21 =	vshra.s32 v14, $0x12;
	v19 =	vand.u32 $0xFFFFFFF0, v19;
	v16 =	vxor.u32 v16, v18;
	s19 =	simm.s32 $0xFFFFFFFF  }
0x6f: {  	v10 =	vmul.f32 v9, v10;
	v18 =	vld [tilespmem:s23+$0x10];
	p0 =	slt.u32 s21, $0x7F8;
	v21 =	vand.u32 $0xFFFFFFF0, v21;
	v19 =	vadd.s32 v2, v19;
	[tilespmem:s20+$0x10] =	vst v16  }
0x70: {  	v11 =	vmul.f32 v11, v17;
	v16 =	vshra.s32 v16, $0x12;
	v17 =	vshra.s32 v13, $0x1F;
	v9 =	vld [tilespmem:s23+$0xFFFFFFC0]  }
0x71: {  	v23 =	vshra.s32 v10, $0x1F;
	v21 =	vadd.s32 v2, v21;
	v16 =	vand.u32 $0xFFFFFFF0, v16;
	v22 =	vld [tilespmem:s23+$0x20]  }
0x72: {  	v25 =	vshra.s32 v11, $0x1F;
	v17 =	vand.u32 $0x7FFFFFFF, v17;
	v23 =	vand.u32 $0x7FFFFFFF, v23;
	v24 =	vld [tilespmem:s23+$0x30]  }
0x73: {  	v12 =	vand.u32 $0x7FFFFFFF, v12;
	v10 =	vxor.u32 v10, v23;
	v23 =	vand.u32 $0x7FFFFFFF, v25;
	v26 =	vld [tilespmem:s22+$0x30]  }
0x74: {  	v15 =	vmul.f32 v7, v15;
	v27 =	vshra.s32 v10, $0x12;
	v7 =	vmovc v20;
	v25 =	vld [tilespmem:s23+$0x0];
	[tilespmem:s20+$0xFFFFFFE0] =	vst v14;
	v14 =	vadd.s32 v2, v16  }
0x75: {  	v12 =	vxor.u32 v8, v12;
	v13 =	vxor.u32 v13, v17;
	v16 =	vld [tilespmem:s22+$0x10];
	[tilespmem:s20+$0xFFFFFFC0] =	vst v10;
	v10 =	vand.u32 $0xFFFFFFF0, v27  }
0x76: {  	v8 =	vshra.s32 v15, $0x1F;
	v20 =	vadd.s32 v2, v10;
	[tilespmem:v21+s14+$0x0] =	vst.idx.add.s32.msk $0xffff, v3;
	v10 =	vshra.s32 v12, $0x12  }
0x77: {  	v11 =	vxor.u32 v11, v23;
	v8 =	vand.u32 $0x7FFFFFFF, v8;
	v21 =	vld [tilespmem:s22+$0x20];
	[tilespmem:s20+$0x20] =	vst v13;
	v17 =	vand.u32 $0xFFFFFFF0, v10  }
0x78: {  	v8 =	vxor.u32 v15, v8;
	v15 =	vshra.s32 v11, $0x12;
	v13 =	vshra.s32 v13, $0x12;
	v10 =	vld [tilespmem:s22+$0xFFFFFFC0];
	[tilespmem:s20+$0xFFFFFFF0] =	vst v11  }
0x79: {  	v23 =	vshra.s32 v8, $0x12;
	v13 =	vand.u32 $0xFFFFFFF0, v13;
	v27 =	vadd.s32 v2, v17;
	v11 =	vld [tilespmem:s23+$0xFFFFFFF0];
	[tilespmem:s20+$0xFFFFFFD0] =	vst v8  }
0x7a: {  	v23 =	vand.u32 $0xFFFFFFF0, v23;
	v8 =	vmul.f32 v24, v26;
	v13 =	vadd.s32 v2, v13;
	v28 =	vld [tilespmem:s22+$0xFFFFFFE0];
	[tilespmem:s20+$0x30] =	vst v12;
	s20 =	smov.u32 s22  }
0x7b: {  	v12 =	vld [tilespmem:s22+$0x0]  }
0x7c: {  	v24 =	vld [tilespmem:s23+$0xFFFFFFE0]  }
0x7d: {  	v15 =	vand.u32 $0xFFFFFFF0, v15;
	v16 =	vmul.f32 v18, v16;
	[tilespmem:v14+s14+$0x0] =	vst.idx.add.s32.msk $0xffff, v3  }
0x7e: {  	v14 =	vadd.s32 v2, v15;
	v17 =	vld [tilespmem:s22+$0xFFFFFFF0]  }
0x7f: {  	v15 =	vadd.s32 v2, v23;
	[tilespmem:v13+s14+$0x0] =	vst.idx.add.s32.msk $0xffff, v3  }
0x80: {  	v13 =	vmul.f32 v25, v12;
	[tilespmem:v19+s14+$0x0] =	vst.idx.add.s32.msk $0xffff, v3  }
.Ltmp4:
0x81: {  	v18 =	vshra.s32 v16, $0x1F;
	v19 =	vmul.f32 v24, v28;
	[tilespmem:v20+s14+$0x0] =	vst.idx.add.s32.msk $0xffff, v3;
	(pc) =	sbr.rel @p0 .LBB2_6-.Ltmp4, $4  }
0x82: {  	v12 =	vshra.s32 v13, $0x1F;
	[tilespmem:v27+s14+$0x0] =	vst.idx.add.s32.msk $0xffff, v3  }
0x83: {  	v20 =	vshra.s32 v19, $0x1F;
	v23 =	vand.u32 $0x7FFFFFFF, v12;
	v12 =	vshra.s32 v8, $0x1F;
	[tilespmem:v14+s14+$0x0] =	vst.idx.add.s32.msk $0xffff, v3  }
0x84: {  	v18 =	vand.u32 $0x7FFFFFFF, v18;
	v14 =	vand.u32 $0x7FFFFFFF, v20;
	v13 =	vxor.u32 v13, v23;
	[tilespmem:v15+s14+$0x0] =	vst.idx.add.s32.msk $0xffff, v3  }
0x85: {  	s23 =	sadd.s32 $0x80, s23;
	s22 =	sadd.s32 $0x80, s22;
	v15 =	vld [tilespmem:s20+$0xFFFFFFD0];
	v14 =	vxor.u32 v19, v14;
	[tilespmem:s20+$0x0] =	vst v13;
	v19 =	vshra.s32 v13, $0x12;
	v13 =	vmul.f32 v22, v21  }
0x86: {  	v20 =	vshra.s32 v14, $0x12;
	v19 =	vand.u32 $0xFFFFFFF0, v19  }
0x87: {  	v16 =	vxor.u32 v16, v18;
	v9 =	vmul.f32 v9, v10;
	v11 =	vmul.f32 v11, v17  }
0x88: {  	v12 =	vand.u32 $0x7FFFFFFF, v12;
	v10 =	vand.u32 $0xFFFFFFF0, v20;
	v18 =	vadd.s32 v2, v19  }
0x89: {  	v17 =	vshra.s32 v16, $0x12;
	v19 =	vshra.s32 v13, $0x1F;
	v8 =	vxor.u32 v8, v12  }
0x8a: {  	v20 =	vshra.s32 v9, $0x1F;
	v10 =	vadd.s32 v2, v10;
	v17 =	vand.u32 $0xFFFFFFF0, v17  }
0x8b: {  	[tilespmem:s20+$0x10] =	vst v16;
	v21 =	vshra.s32 v11, $0x1F;
	v16 =	vand.u32 $0x7FFFFFFF, v19;
	v20 =	vand.u32 $0x7FFFFFFF, v20  }
0x8c: {  	[tilespmem:s20+$0xFFFFFFE0] =	vst v14;
	v19 =	vand.u32 $0x7FFFFFFF, v21;
	v13 =	vxor.u32 v13, v16;
	v9 =	vxor.u32 v9, v20  }
0x8d: {  	v7 =	vmul.f32 v7, v15;
	v14 =	vshra.s32 v9, $0x12;
	[tilespmem:s20+$0xFFFFFFC0] =	vst v9;
	v9 =	vshra.s32 v13, $0x12  }
0x8e: {  	v15 =	vadd.s32 v2, v17;
	v11 =	vxor.u32 v11, v19;
	[tilespmem:s20+$0x20] =	vst v13;
	v9 =	vand.u32 $0xFFFFFFF0, v9  }
0x8f: {  	v13 =	vshra.s32 v8, $0x12;
	[tilespmem:s20+$0xFFFFFFF0] =	vst v11;
	v12 =	vshra.s32 v7, $0x1F;
	v9 =	vadd.s32 v2, v9  }
0x90: {  	v11 =	vshra.s32 v11, $0x12;
	[tilespmem:v10+s14+$0x0] =	vst.idx.add.s32.msk $0xffff, v3;
	v10 =	vand.u32 $0x7FFFFFFF, v12;
	v12 =	vand.u32 $0xFFFFFFF0, v14  }
0x91: {  	[tilespmem:s20+$0x30] =	vst v8;
	v8 =	vand.u32 $0xFFFFFFF0, v11;
	v7 =	vxor.u32 v7, v10;
	v10 =	vadd.s32 v2, v12  }
0x92: {  	v8 =	vadd.s32 v2, v8;
	v12 =	vand.u32 $0xFFFFFFF0, v13;
	[tilespmem:s20+$0xFFFFFFD0] =	vst v7;
	v7 =	vshra.s32 v7, $0x12  }
0x93: {  	v11 =	vmov s18;
	[tilespmem:v18+s14+$0x0] =	vst.idx.add.s32.msk $0xffff, v3;
	v12 =	vadd.s32 v2, v12;
	v7 =	vand.u32 $0xFFFFFFF0, v7  }
0x94: {  	v7 =	vadd.s32 v2, v7;
	[tilespmem:v9+s14+$0x0] =	vst.idx.add.s32.msk $0xffff, v3;
	v9 =	vshll.u32 v11, $0x4  }
0x95: {  	[tilespmem:v15+s14+$0x0] =	vst.idx.add.s32.msk $0xffff, v3;
	v9 =	vor.u32 v4, v9  }
0x96: {  	[tilespmem:v10+s14+$0x0] =	vst.idx.add.s32.msk $0xffff, v3;
	v10 =	vor.u32 $0x1, v9  }
0x97: {  	[tilespmem:v8+s14+$0x0] =	vst.idx.add.s32.msk $0xffff, v3;
	v11 =	vor.u32 $0x2, v9  }
0x98: {  	[tilespmem:v12+s14+$0x0] =	vst.idx.add.s32.msk $0xffff, v3;
	v8 =	vor.u32 $0x3, v9  }
0x99: {  	v13 =	vor.u32 $0x5, v9;
	[tilespmem:v7+s14+$0x0] =	vst.idx.add.s32.msk $0xffff, v3  }
0x9a: {  	v14 =	vor.u32 $0x6, v9;
	v12 =	vld.idx.msk [tilespmem:v9+s14+$0x0], $0xffff  }
0x9b: {  	v7 =	vor.u32 $0x4, v9;
	v10 =	vld.idx.msk [tilespmem:v10+s14+$0x0], $0xffff  }
0x9c: {  	v15 =	vor.u32 $0x7, v9;
	v11 =	vld.idx.msk [tilespmem:v11+s14+$0x0], $0xffff  }
0x9d: {  	v17 =	vor.u32 $0x9, v9;
	v8 =	vld.idx.msk [tilespmem:v8+s14+$0x0], $0xffff  }
0x9e: {  	v16 =	vor.u32 $0x8, v9;
	v13 =	vld.idx.msk [tilespmem:v13+s14+$0x0], $0xffff  }
0x9f: {  	v18 =	vor.u32 $0xA, v9;
	v14 =	vld.idx.msk [tilespmem:v14+s14+$0x0], $0xffff  }
0xa0: {  	v20 =	vor.u32 $0xC, v9;
	v7 =	vld.idx.msk [tilespmem:v7+s14+$0x0], $0xffff  }
0xa1: {  	v19 =	vor.u32 $0xB, v9;
	v15 =	vld.idx.msk [tilespmem:v15+s14+$0x0], $0xffff  }
0xa2: {  	s22 =	simm.s32 $0x3E0;
	v21 =	vor.u32 $0xE, v9;
	v17 =	vld.idx.msk [tilespmem:v17+s14+$0x0], $0xffff;
	v10 =	vadd.s32 v12, v10  }
0xa3: {  	v12 =	vld.idx.msk [tilespmem:v16+s14+$0x0], $0xffff;
	v16 =	vor.u32 $0xD, v9;
	v10 =	vadd.s32 v11, v10;
	v11 =	vmov s22  }
0xa4: {  	v9 =	vor.u32 $0xF, v9;
	v8 =	vadd.s32 v8, v10;
	v10 =	vshll.u32 v11, $0x4;
	v11 =	vld.idx.msk [tilespmem:v18+s14+$0x0], $0xffff  }
0xa5: {  	v18 =	vld.idx.msk [tilespmem:v20+s14+$0x0], $0xffff;
	v7 =	vadd.s32 v7, v8;
	v8 =	vor.u32 v4, v10  }
0xa6: {  	v10 =	vld.idx.msk [tilespmem:v19+s14+$0x0], $0xffff;
	v7 =	vadd.s32 v13, v7;
	v13 =	vor.u32 $0x1, v8  }
0xa7: {  	v19 =	vld.idx.msk [tilespmem:v21+s14+$0x0], $0xffff;
	v7 =	vadd.s32 v14, v7;
	v14 =	vor.u32 $0x2, v8  }
0xa8: {  	v16 =	vld.idx.msk [tilespmem:v16+s14+$0x0], $0xffff;
	v7 =	vadd.s32 v15, v7;
	v15 =	vor.u32 $0x3, v8  }
0xa9: {  	v9 =	vld.idx.msk [tilespmem:v9+s14+$0x0], $0xffff;
	v7 =	vadd.s32 v12, v7;
	v12 =	vor.u32 $0x4, v8  }
0xaa: {  	v20 =	vor.u32 $0x5, v8;
	v7 =	vadd.s32 v17, v7;
	v17 =	vld.idx.msk [tilespmem:v8+s14+$0x0], $0xffff  }
0xab: {  	v7 =	vadd.s32 v11, v7;
	v11 =	vld.idx.msk [tilespmem:v13+s14+$0x0], $0xffff;
	v13 =	vor.u32 $0x6, v8  }
0xac: {  	v7 =	vadd.s32 v10, v7;
	v10 =	vld.idx.msk [tilespmem:v14+s14+$0x0], $0xffff;
	v14 =	vor.u32 $0x7, v8  }
0xad: {  	v7 =	vadd.s32 v18, v7;
	v15 =	vld.idx.msk [tilespmem:v15+s14+$0x0], $0xffff;
	v18 =	vor.u32 $0x8, v8  }
0xae: {  	v7 =	vadd.s32 v16, v7;
	v12 =	vld.idx.msk [tilespmem:v12+s14+$0x0], $0xffff;
	v16 =	vor.u32 $0x9, v8  }
0xaf: {  	v7 =	vadd.s32 v19, v7;
	v19 =	vld.idx.msk [tilespmem:v20+s14+$0x0], $0xffff;
	v20 =	vor.u32 $0xA, v8  }
0xb0: {  	v7 =	vadd.s32 v9, v7;
	v9 =	vld.idx.msk [tilespmem:v13+s14+$0x0], $0xffff;
	v13 =	vor.u32 $0xB, v8  }
0xb1: {  	v11 =	vadd.s32 v17, v11;
	v17 =	vor.u32 $0xC, v8;
	v21 =	vperm.xlane v7, v5;
	v14 =	vld.idx.msk [tilespmem:v14+s14+$0x0], $0xffff  }
0xb2: {  	s21 =	simm.s32 $0x3D0;
	v10 =	vadd.s32 v10, v11;
	v11 =	vld.idx.msk [tilespmem:v18+s14+$0x0], $0xffff;
	v18 =	vor.u32 $0xD, v8  }
0xb3: {  	v10 =	vadd.s32 v15, v10;
	(xrf0) =	vadd.scan.msk.s32 $0xffff, v21;
	v21 =	vmov s21;
	v15 =	vld.idx.msk [tilespmem:v16+s14+$0x0], $0xffff;
	v16 =	vor.u32 $0xE, v8  }
0xb4: {  	v10 =	vadd.s32 v12, v10;
	v8 =	vor.u32 $0xF, v8;
	(xrf0) =	vadd.scan.msk.s32 $0xffff, v7;
	v21 =	vshll.u32 v21, $0x4;
	v12 =	vld.idx.msk [tilespmem:v20+s14+$0x0], $0xffff  }
0xb5: {  	v10 =	vadd.s32 v19, v10;
	v20 =	vor.u32 v4, v21;
	v13 =	vld.idx.msk [tilespmem:v13+s14+$0x0], $0xffff  }
0xb6: {  	v9 =	vadd.s32 v9, v10;
	v10 =	vld.idx.msk [tilespmem:v17+s14+$0x0], $0xffff;
	v19 =	vor.u32 $0x1, v20  }
0xb7: {  	v17 =	vor.u32 $0x2, v20;
	v9 =	vadd.s32 v14, v9;
	v14 =	vld.idx.msk [tilespmem:v18+s14+$0x0], $0xffff  }
0xb8: {  	v18 =	vor.u32 $0x3, v20;
	v9 =	vadd.s32 v11, v9;
	v11 =	vld.idx.msk [tilespmem:v16+s14+$0x0], $0xffff  }
0xb9: {  	v22 =	vor.u32 $0x4, v20;
	v24 =	vor.u32 $0x5, v20;
	v9 =	vadd.s32 v15, v9;
	v8 =	vld.idx.msk [tilespmem:v8+s14+$0x0], $0xffff;
	v21, _, _ =	vpop (xrf0)  }
0xba: {  	v16 =	vor.u32 s18, v6;
	v9 =	vadd.s32 v12, v9;
	v15 =	vperm.xlane v21, v5;
	v21, _, _ =	vpop (xrf0);
	v23 =	vld.idx.msk [tilespmem:v20+s14+$0x0], $0xffff  }
0xbb: {  	s18 =	simm.s32 $0x0;
	v9 =	vadd.s32 v13, v9;
	(v2sf) =	vpush v21, $0xF;
	v12 =	vld.idx.msk [tilespmem:v19+s14+$0x0], $0xffff;
	v19 =	vor.u32 $0x6, v20  }
0xbc: {  	v9 =	vadd.s32 v10, v9;
	v13 =	vadd.s32 s18, v15;
	v15 =	vld.idx.msk [tilespmem:v17+s14+$0x0], $0xffff;
	v17 =	vor.u32 $0x7, v20  }
0xbd: {  	v10 =	vld.idx.msk [tilespmem:v18+s14+$0x0], $0xffff;
	v9 =	vadd.s32 v14, v9  }
0xbe: {  	v18 =	vor.u32 $0x8, v20;
	vm0 =	vgt.s32 v13, $0x1FFF;
	v9 =	vadd.s32 v11, v9;
	v11 =	vld.idx.msk [tilespmem:v24+s14+$0x0], $0xffff  }
0xbf: {  	v21 =	vor.u32 $0x9, v20;
	v7 =	vsub.s32 v13, v7;
	v14 =	vnsel vm0, $0x7FFFFFFF, v16;
	v16 =	vld.idx.msk [tilespmem:v22+s14+$0x0], $0xffff  }
0xc0: {  	v13 =	vor.u32 $0xA, v20;
	v8 =	vadd.s32 v8, v9;
	v7 =	vxor.u32 $0x80000000, v7;
	(xrf0) =	vmax.scan.msk.u32 $0xffff, v14;
	v9 =	vld.idx.msk [tilespmem:v19+s14+$0x0], $0xffff  }
0xc1: {  	v7 =	vnsel vm0, $0xC0000000, v7;
	v12 =	vadd.s32 v23, v12;
	v14 =	vld.idx.msk [tilespmem:v17+s14+$0x0], $0xffff;
	v17 =	vor.u32 $0xC, v20  }
0xc2: {  	v22 =	vperm.xlane v8, v5;
	v19 =	vor.u32 $0xB, v20;
	(xrf0) =	vmin.scan.msk.u32 $0xffff, v7;
	v7 =	vadd.s32 v15, v12  }
0xc3: {  	s20 =	simm.s32 $0x3C0;
	v12 =	vld.idx.msk [tilespmem:v18+s14+$0x0], $0xffff;
	v15 =	vor.u32 $0xD, v20;
	v7 =	vadd.s32 v10, v7  }
0xc4: {  	(xrf0) =	vadd.scan.msk.s32 $0xffff, v22;
	v18 =	vmov s20;
	v10 =	vld.idx.msk [tilespmem:v21+s14+$0x0], $0xffff;
	v21 =	vor.u32 $0xE, v20;
	v16 =	vadd.s32 v16, v7  }
0xc5: {  	(xrf0) =	vadd.scan.msk.s32 $0xffff, v8;
	v18 =	vshll.u32 v18, $0x4;
	v13 =	vld.idx.msk [tilespmem:v13+s14+$0x0], $0xffff;
	v20 =	vor.u32 $0xF, v20;
	v11 =	vadd.s32 v11, v16  }
0xc6: {  	v7 =	vor.u32 v4, v18;
	v9 =	vadd.s32 v9, v11;
	v11 =	vld.idx.msk [tilespmem:v17+s14+$0x0], $0xffff;
	v17, _, _ =	vpop (xrf0)  }
0xc7: {  	v18 =	vor.u32 $0x1, v7;
	v16 =	vld.idx.msk [tilespmem:v19+s14+$0x0], $0xffff;
	(v2sf) =	vpush v17, $0xF  }
0xc8: {  	v19 =	vor.u32 $0x2, v7;
	v9 =	vadd.s32 v14, v9;
	v14 =	vld.idx.msk [tilespmem:v15+s14+$0x0], $0xffff  }
0xc9: {  	v23 =	vor.u32 $0x4, v7;
	v25 =	vor.u32 $0x5, v7;
	v22, _, _ =	vpop (xrf0);
	v9 =	vadd.s32 v12, v9;
	v12 =	vld.idx.msk [tilespmem:v21+s14+$0x0], $0xffff  }
0xca: {  	v26 =	vor.u32 $0x8, v7;
	v15 =	vor.u32 $0x3, v7;
	v20 =	vld.idx.msk [tilespmem:v20+s14+$0x0], $0xffff;
	v21, _, _ =	vpop (xrf0);
	v9 =	vadd.s32 v10, v9  }
0xcb: {  	v17 =	vor.u32 s22, v6;
	v63 =	vld.idx.msk [tilespmem:v7+s14+$0x0], $0xffff;
	v10 =	vperm.xlane v21, v5;
	v21, _, _ =	vpop (xrf0);
	v9 =	vadd.s32 v13, v9;
	s0 =	spop (v2sf)  }
0xcc: {  	v13 =	vld.idx.msk [tilespmem:v18+s14+$0x0], $0xffff;
	v18 =	vor.u32 $0x6, v7;
	(v2sf) =	vpush v21, $0xF;
	v9 =	vadd.s32 v16, v9;
	s23 =	sadd.s32 $0x0, s0  }
0xcd: {  	v19 =	vld.idx.msk [tilespmem:v19+s14+$0x0], $0xffff;
	v16 =	vor.u32 $0x7, v7;
	v9 =	vadd.s32 v11, v9;
	v10 =	vadd.s32 s23, v10  }
0xce: {  	v11 =	vadd.s32 v14, v9;
	v9 =	vld.idx.msk [tilespmem:v23+s14+$0x0], $0xffff;
	v23 =	vor.u32 $0x9, v7;
	vm0 =	vgt.s32 v10, $0x1FFF  }
0xcf: {  	v21 =	vld.idx.msk [tilespmem:v15+s14+$0x0], $0xffff;
	v11 =	vadd.s32 v12, v11;
	v12 =	vsub.s32 v10, v8;
	v14 =	vnsel vm0, $0x7FFFFFFF, v17  }
0xd0: {  	v10 =	vld.idx.msk [tilespmem:v25+s14+$0x0], $0xffff;
	v8 =	vadd.s32 v20, v11;
	v12 =	vxor.u32 $0x80000000, v12;
	(xrf0) =	vmax.scan.msk.u32 $0xffff, v14  }
0xd1: {  	v17 =	vor.u32 $0xA, v7;
	v11 =	vld.idx.msk [tilespmem:v18+s14+$0x0], $0xffff;
	v20 =	vperm.xlane v8, v5;
	v14 =	vnsel vm0, $0xC0000000, v12  }
0xd2: {  	v15 =	vor.u32 $0xB, v7;
	(v2sf) =	vpush v22, $0xF;
	v13 =	vadd.s32 v63, v13;
	v12 =	vld.idx.msk [tilespmem:v16+s14+$0x0], $0xffff;
	(xrf0) =	vmin.scan.msk.u32 $0xffff, v14  }
0xd3: {  	s22 =	simm.s32 $0x3B0;
	v18 =	vor.u32 $0xD, v7;
	v16 =	vor.u32 $0xC, v7;
	v13 =	vadd.s32 v19, v13;
	v14 =	vld.idx.msk [tilespmem:v26+s14+$0x0], $0xffff;
	(xrf0) =	vadd.scan.msk.s32 $0xffff, v20  }
0xd4: {  	s24 =	simm.s32 $0x3A0;
	v19 =	vor.u32 $0xE, v7;
	v21 =	vadd.s32 v21, v13;
	v20 =	vmov s22;
	v13 =	vld.idx.msk [tilespmem:v23+s14+$0x0], $0xffff;
	(xrf0) =	vadd.scan.msk.s32 $0xffff, v8  }
.LBB2_8:
0xd5: {  	s0 =	smov.u32 s19  }
0xd6: {  	p0 =	sne.s32 s24, $0x0;
	v20 =	vshll.u32 v20, $0x4;
	v9 =	vadd.s32 v9, v21;
	v21 =	vor.u32 $0xF, v7;
	v17 =	vld.idx.msk [tilespmem:v17+s14+$0x0], $0xffff;
	v22, _, _ =	vpop (xrf0);
	s19 =	spop (v2sf)  }
0xd7: {  	v7 =	vor.u32 v4, v20;
	v9 =	vadd.s32 v10, v9;
	v10 =	vld.idx.msk [tilespmem:v15+s14+$0x0], $0xffff;
	(v2sf) =	vpush v22, $0xF;
	s19 =	sxor.u32 $0x80000000, s19  }
0xd8: {  	v15 =	vor.u32 $0x1, v7;
	v9 =	vadd.s32 v11, v9;
	v11 =	vld.idx.msk [tilespmem:v16+s14+$0x0], $0xffff;
	p1 =	sgt.s32 s19, s0;
	p2 =	sgt.s32 s0, s19  }
0xd9: {  	v16 =	vor.u32 $0x2, v7;
	v9 =	vadd.s32 v12, v9;
	v12 =	vld.idx.msk [tilespmem:v18+s14+$0x0], $0xffff;
	v18, _, _ =	vpop (xrf0);
	s19 =	smov.u32 @p2 s0  }
0xda: {  	v20 =	vor.u32 $0x3, v7;
	v9 =	vadd.s32 v14, v9;
	v14 =	vld.idx.msk [tilespmem:v19+s14+$0x0], $0xffff;
	v19 =	vor.u32 s21, v6;
	v22, _, _ =	vpop (xrf0);
	s21 =	smov.u32 s20;
	s20 =	smov.u32 s22;
	s22 =	smov.u32 s24  }
0xdb: {  	v23 =	vor.u32 $0x4, v7;
	v9 =	vadd.s32 v13, v9;
	v13 =	vld.idx.msk [tilespmem:v21+s14+$0x0], $0xffff;
	v21 =	vperm.xlane v22, v5;
	v22, _, _ =	vpop (xrf0);
	s0 =	spop (v2sf)  }
0xdc: {  	v25 =	vor.u32 $0x5, v7;
	v9 =	vadd.s32 v17, v9;
	v24 =	vld.idx.msk [tilespmem:v7+s14+$0x0], $0xffff;
	(v2sf) =	vpush v22, $0xF;
	s23 =	sadd.s32 s23, s0  }
0xdd: {  	v9 =	vadd.s32 v10, v9;
	v22 =	vld.idx.msk [tilespmem:v15+s14+$0x0], $0xffff;
	v15 =	vor.u32 $0x6, v7;
	v10 =	vadd.s32 s23, v21  }
0xde: {  	v9 =	vadd.s32 v11, v9;
	v21 =	vld.idx.msk [tilespmem:v16+s14+$0x0], $0xffff;
	v16 =	vor.u32 $0x7, v7;
	vm0 =	vgt.s32 v10, $0x1FFF  }
0xdf: {  	v11 =	vadd.s32 v12, v9;
	v26 =	vld.idx.msk [tilespmem:v20+s14+$0x0], $0xffff;
	v20 =	vor.u32 $0x8, v7;
	v12 =	vnsel vm0, $0x7FFFFFFF, v19  }
0xe0: {  	v19 =	vor.u32 $0x9, v7;
	v11 =	vadd.s32 v14, v11;
	v14 =	vsub.s32 v10, v8;
	v9 =	vld.idx.msk [tilespmem:v23+s14+$0x0], $0xffff;
	(xrf0) =	vmax.scan.msk.u32 $0xffff, v12  }
.Ltmp5:
0xe1: {  	v17 =	vor.u32 $0xA, v7;
	v8 =	vadd.s32 v13, v11;
	v12 =	vxor.u32 $0x80000000, v14;
	v10 =	vld.idx.msk [tilespmem:v25+s14+$0x0], $0xffff;
	(pc) =	sbr.rel @p0 .LBB2_8-.Ltmp5, $4  }
0xe2: {  	v13 =	vperm.xlane v8, v5;
	v14 =	vnsel vm0, $0xC0000000, v12;
	v11 =	vld.idx.msk [tilespmem:v15+s14+$0x0], $0xffff;
	v15 =	vor.u32 $0xB, v7;
	s0 =	spop (v2sf)  }
0xe3: {  	v22 =	vadd.s32 v24, v22;
	v12 =	vld.idx.msk [tilespmem:v16+s14+$0x0], $0xffff;
	v16 =	vor.u32 $0xC, v7;
	(xrf0) =	vmin.scan.msk.u32 $0xffff, v14;
	(v2sf) =	vpush v18, $0xF;
	s0 =	sxor.u32 $0x80000000, s0  }
0xe4: {  	v21 =	vadd.s32 v21, v22;
	v18 =	vor.u32 $0xD, v7;
	v14 =	vld.idx.msk [tilespmem:v20+s14+$0x0], $0xffff;
	(xrf0) =	vadd.scan.msk.s32 $0xffff, v13;
	s18 =	smov.u32 @p1 s0  }
0xe5: {  	s24 =	sadd.s32 $0xFFFFFFF0, s24;
	v20 =	vmov s22;
	v21 =	vadd.s32 v26, v21;
	v13 =	vld.idx.msk [tilespmem:v19+s14+$0x0], $0xffff;
	v19 =	vor.u32 $0xE, v7;
	(xrf0) =	vadd.scan.msk.s32 $0xffff, v8  }
0xe6: {  	_ =	sdelay $0x3  }
0xe7: {  	v9 =	vadd.s32 v9, v21;
	v20 =	vshll.u32 v20, $0x4;
	v17 =	vld.idx.msk [tilespmem:v17+s14+$0x0], $0xffff;
	v7 =	vor.u32 $0xF, v7  }
0xe8: {  	v15 =	vld.idx.msk [tilespmem:v15+s14+$0x0], $0xffff;
	v9 =	vadd.s32 v10, v9;
	v10, _, _ =	vpop (xrf0);
	v20 =	vor.u32 v4, v20  }
0xe9: {  	v9 =	vadd.s32 v11, v9;
	(v2sf) =	vpush v10, $0xF;
	v10 =	vor.u32 $0x1, v20;
	v11 =	vld.idx.msk [tilespmem:v16+s14+$0x0], $0xffff  }
0xea: {  	v16 =	vld.idx.msk [tilespmem:v18+s14+$0x0], $0xffff;
	v9 =	vadd.s32 v12, v9;
	v12 =	vor.u32 $0x2, v20  }
0xeb: {  	v58 =	vor.u32 $0x3, v20;
	v18, _, _ =	vpop (xrf0);
	v9 =	vadd.s32 v14, v9;
	v14 =	vld.idx.msk [tilespmem:v19+s14+$0x0], $0xffff  }
0xec: {  	s24 =	spop (v2sf);
	v23 =	vor.u32 $0x4, v20;
	v22, _, _ =	vpop (xrf0);
	v9 =	vadd.s32 v13, v9;
	v7 =	vld.idx.msk [tilespmem:v7+s14+$0x0], $0xffff  }
0xed: {  	v24 =	vor.u32 $0x5, v20;
	v13 =	vperm.xlane v22, v5;
	s0 =	spop (v2sf);
	v9 =	vadd.s32 v17, v9;
	v17 =	vld.idx.msk [tilespmem:v20+s14+$0x0], $0xffff  }
0xee: {  	v60 =	vor.u32 $0x6, v20;
	v19 =	vor.u32 s21, v6;
	v59, _, _ =	vpop (xrf0);
	s23 =	sadd.s32 s23, s0;
	v9 =	vadd.s32 v15, v9;
	v10 =	vld.idx.msk [tilespmem:v10+s14+$0x0], $0xffff  }
0xef: {  	(v2sf) =	vpush v59, $0xF;
	v13 =	vadd.s32 s23, v13;
	v9 =	vadd.s32 v11, v9;
	v11 =	vld.idx.msk [tilespmem:v12+s14+$0x0], $0xffff  }
0xf0: {  	v15 =	vor.u32 $0x7, v20;
	vm0 =	vgt.s32 v13, $0x1FFF;
	v9 =	vadd.s32 v16, v9;
	v16 =	vld.idx.msk [tilespmem:v58+s14+$0x0], $0xffff  }
0xf1: {  	v12 =	vor.u32 $0x8, v20;
	v8 =	vsub.s32 v13, v8;
	v13 =	vld.idx.msk [tilespmem:v23+s14+$0x0], $0xffff;
	v9 =	vadd.s32 v14, v9  }
0xf2: {  	v19 =	vnsel vm0, $0x7FFFFFFF, v19;
	v8 =	vxor.u32 $0x80000000, v8;
	v7 =	vadd.s32 v7, v9;
	v9 =	vld.idx.msk [tilespmem:v24+s14+$0x0], $0xffff  }
0xf3: {  	v22 =	vld.idx.msk [tilespmem:v60+s14+$0x0], $0xffff;
	v14 =	vor.u32 $0x9, v20;
	(xrf0) =	vmax.scan.msk.u32 $0xffff, v19;
	v19 =	vor.u32 $0xA, v20;
	v10 =	vadd.s32 v17, v10  }
0xf4: {  	v8 =	vnsel vm0, $0xC0000000, v8;
	v61 =	vperm.xlane v7, v5;
	v10 =	vadd.s32 v11, v10  }
0xf5: {  	v62 =	vor.u32 $0xB, v20;
	(xrf0) =	vmin.scan.msk.u32 $0xffff, v8;
	v10 =	vadd.s32 v16, v10  }
0xf6: {  	v8 =	vld.idx.msk [tilespmem:v15+s14+$0x0], $0xffff;
	v15 =	vor.u32 $0xC, v20;
	(xrf0) =	vadd.scan.msk.s32 $0xffff, v61;
	v10 =	vadd.s32 v13, v10  }
0xf7: {  	v11 =	vld.idx.msk [tilespmem:v12+s14+$0x0], $0xffff;
	v12 =	vor.u32 $0xD, v20;
	(xrf0) =	vadd.scan.msk.s32 $0xffff, v7;
	v9 =	vadd.s32 v9, v10  }
0xf8: {  	v16 =	vor.u32 $0xE, v20;
	v14 =	vld.idx.msk [tilespmem:v14+s14+$0x0], $0xffff;
	v9 =	vadd.s32 v22, v9  }
0xf9: {  	v17 =	vor.u32 $0xF, v20;
	v13 =	vld.idx.msk [tilespmem:v19+s14+$0x0], $0xffff  }
0xfa: {  	v19 =	vld.idx.msk [tilespmem:v62+s14+$0x0], $0xffff;
	v10, _, _ =	vpop (xrf0)  }
0xfb: {  	v15 =	vld.idx.msk [tilespmem:v15+s14+$0x0], $0xffff;
	v8 =	vadd.s32 v8, v9;
	v9, _, _ =	vpop (xrf0)  }
0xfc: {  	(v2sf) =	vpush v18, $0xF;
	v12 =	vld.idx.msk [tilespmem:v12+s14+$0x0], $0xffff;
	v8 =	vadd.s32 v11, v8;
	v11, _, _ =	vpop (xrf0)  }
0xfd: {  	s31 =	spop (v2sf);
	(v2sf) =	vpush v10, $0xF;
	v10 =	vld.idx.msk [tilespmem:v16+s14+$0x0], $0xffff;
	v8 =	vadd.s32 v14, v8;
	v14, _, _ =	vpop (xrf0)  }
0xfe: {  	s1 =	spop (v2sf);
	v16 =	vld.idx.msk [tilespmem:v17+s14+$0x0], $0xffff;
	v8 =	vadd.s32 v13, v8;
	(v2sf) =	vpush v14, $0xF  }
0xff: {  	s25 =	spop (v2sf);
	v11 =	vperm.xlane v11, v5;
	v8 =	vadd.s32 v19, v8  }
0x100: {  	s23 =	sadd.s32 s23, s25;
	v8 =	vadd.s32 v15, v8  }
0x101: {  	v13 =	vor.u32 s20, v6;
	v11 =	vadd.s32 s23, v11;
	v8 =	vadd.s32 v12, v8  }
0x102: {  	vm0 =	vgt.s32 v11, $0x1FFF;
	v8 =	vadd.s32 v10, v8;
	v7 =	vsub.s32 v11, v7  }
0x103: {  	v10 =	vnsel vm0, $0x7FFFFFFF, v13;
	v8 =	vadd.s32 v16, v8;
	v7 =	vxor.u32 $0x80000000, v7  }
0x104: {  	(xrf0) =	vmax.scan.msk.u32 $0xffff, v10;
	v10 =	vperm.xlane v8, v5;
	v7 =	vnsel vm0, $0xC0000000, v7  }
0x105: {  	(xrf0) =	vmin.scan.msk.u32 $0xffff, v7  }
0x106: {  	(xrf0) =	vadd.scan.msk.s32 $0xffff, v10;
	_ =	sdelay $0x3  }
0x107: {  	v7, _, _ =	vpop (xrf0)  }
0x108: {  	s2 =	spop (v2sf);
	v10, _, _ =	vpop (xrf0)  }
0x109: {  	s5 =	spop (v2sf);
	v11, _, _ =	vpop (xrf0)  }
0x10a: {  	v11 =	vperm.xlane v11, v5;
	s26 =	spop (v2sf)  }
0x10b: {  	s23 =	sadd.s32 s23, s26  }
0x10c: {  	v11 =	vadd.s32 s23, v11  }
0x10d: {  	v12 =	vor.u32 s22, v6;
	(xrf0) =	vadd.scan.msk.s32 $0xffff, v8;
	vm0 =	vgt.s32 v11, $0x1FFF  }
0x10e: {  	v12 =	vnsel vm0, $0x7FFFFFFF, v12  }
0x10f: {  	(xrf0) =	vmax.scan.msk.u32 $0xffff, v12;
	_ =	sdelay $0x2  }
0x110: {  	(v2sf) =	vpush v9, $0xF  }
0x111: {  	(v2sf) =	vpush v7, $0xF;
	v7, _, _ =	vpop (xrf0)  }
0x112: {  	(v2sf) =	vpush v7, $0xF  }
0x113: {  	(v2sf) =	vpush v10, $0xF;
	v7, _, _ =	vpop (xrf0)  }
0x114: {  	(v2sf) =	vpush v7, $0xF;
	_ =	sdelay $0x7  }
0x115: {  	s22 =	sxor.u32 $0x80000000, s24;
	v7 =	vsub.s32 v11, v8  }
0x116: {  	s16 =	simm.s32 $0x20;
	p0 =	sgt.s32 s19, s22;
	v7 =	vxor.u32 $0x80000000, v7  }
0x117: {  	s0 =	sxor.u32 $0x80000000, s1;
	p1 =	sgt.s32 s22, s19;
	s22 =	smov.u32 @p0 s19;
	v7 =	vnsel vm0, $0xC0000000, v7  }
0x118: {  	v17 =	vld [tilespmem:s16+$0xFFFFFFE0];
	p0 =	sgt.s32 s0, s22;
	p2 =	sgt.s32 s22, s0;
	s6 =	spop (v2sf);
	(xrf0) =	vmin.scan.msk.u32 $0xffff, v7  }
0x119: {  	s0 =	smov.u32 @p2 s22;
	s19 =	sxor.u32 $0x80000000, s5;
	v10 =	vld [tilespmem:s16+$0xFFFFFFF0];
	s10 =	spop (v2sf)  }
0x11a: {  	p2 =	sgt.s32 s19, s0;
	p3 =	sgt.s32 s0, s19;
	v7 =	vld [tilespmem:s16+$0x10];
	s26 =	spop (v2sf)  }
0x11b: {  	s19 =	smov.u32 @p3 s0;
	s0 =	sxor.u32 $0x80000000, s10;
	s28 =	spop (v2sf)  }
0x11c: {  	v9 =	vld [tilespmem:s16+$0x0];
	p4 =	sgt.s32 s19, s0;
	s25 =	spop (v2sf)  }
0x11d: {  	p3 =	sgt.s32 s0, s19;
	s0 =	smov.u32 @p4 s19;
	s19 =	sxor.u32 $0x80000000, s25  }
0x11e: {  	v12 =	vshra.s32 v10, $0x16;
	v11 =	vimm.s32 $0x0;
	v8, _, _ =	vpop (xrf0);
	p5 =	sgt.s32 s0, s19  }
0x11f: {  	v13 =	vshra.s32 v7, $0x16;
	(v2sf) =	vpush v8, $0xF;
	v8 =	vshra.s32 v17, $0x16;
	p4 =	sgt.s32 s19, s0;
	s19 =	smov.u32 @p5 s0  }
0x120: {  	(v2sf) =	vpush v11, $0x0;
	v8 =	vadd.s32 $0x200, v8;
	v16 =	vmov s19  }
0x121: {  	vm0 =	veq.s32 v8, v16;
	v8 =	vadd.s32 $0x200, v12;
	v12 =	vshra.s32 v9, $0x16  }
0x122: {  	s29 =	simm.s32 $0x60;
	v14 =	vmpcnt.ones.xlane vm0;
	vm2 =	veq.s32 v8, v16;
	v12 =	vadd.s32 $0x200, v12  }
0x123: {  	v15 =	vmpcnt.ones.xlane vm2;
	vm4 =	veq.s32 v12, v16;
	v12 =	vadd.s32 $0x200, v13;
	v13 =	vld [tilespmem:s29+$0xFFFFFFE0]  }
0x124: {  	v11 =	vadd.s32 v11, v14;
	vm6 =	veq.s32 v12, v16;
	v12 =	vld [tilespmem:s29+$0xFFFFFFF0]  }
0x125: {  	v14 =	vmpcnt.ones.xlane vm4;
	v15 =	vadd.s32 v11, v15;
	(v2sf) =	vpush v11, $0x0;
	v11 =	vld [tilespmem:s29+$0x0]  }
0x126: {  	vm1 =	vmmov vm0;
	vm0 =	vmmov vm2;
	v18 =	vmpcnt.ones.xlane vm6  }
0x127: {  	vm5 =	vmmov vm4;
	v14 =	vadd.s32 v15, v14;
	(v2sf) =	vpush v15, $0x0  }
0x128: {  	v15 =	vadd.s32 v14, v18;
	(v2sf) =	vpush v14, $0x0;
	v14 =	vshra.s32 v13, $0x16  }
0x129: {  	vm4 =	vmmov vm6;
	v14 =	vadd.s32 $0x200, v14;
	v18 =	vshra.s32 v12, $0x16  }
0x12a: {  	v8 =	vld [tilespmem:s29+$0x10];
	vm2 =	veq.s32 v14, v16;
	v14 =	vadd.s32 $0x200, v18;
	v18 =	vshra.s32 v11, $0x16  }
0x12b: {  	v20 =	vmpcnt.ones.xlane vm2;
	vm6 =	veq.s32 v14, v16;
	v14 =	vadd.s32 $0x200, v18  }
0x12c: {  	(v2sf) =	vpush v15, $0x0;
	v18 =	vmpcnt.ones.xlane vm6;
	vm7 =	veq.s32 v14, v16  }
0x12d: {  	v20 =	vadd.s32 v15, v20;
	v63 =	vmpcnt.ones.xlane vm7  }
0x12e: {  	s30 =	spop (v2sf);
	v18 =	vadd.s32 v20, v18;
	(v2sf) =	vpush v20, $0x0  }
0x12f: {  	s0 =	sxor.u32 $0x80000000, s31;
	v19 =	vshra.s32 v8, $0x16;
	s31 =	spop (v2sf);
	v20 =	vadd.s32 v18, v63;
	(v2sf) =	vpush v18, $0x0  }
0x130: {  	s20 =	simm.s32 $0xA0;
	s18 =	smov.u32 @p1 s0;
	s0 =	sxor.u32 $0x80000000, s2;
	v19 =	vadd.s32 $0x200, v19;
	(v2sf) =	vpush v20, $0x0  }
0x131: {  	s18 =	smov.u32 @p0 s0;
	s0 =	sxor.u32 $0x80000000, s6;
	vm9 =	veq.s32 v19, v16;
	v14 =	vld [tilespmem:s20+$0x10]  }
0x132: {  	s18 =	smov.u32 @p2 s0;
	s0 =	sxor.u32 $0x80000000, s28;
	v19 =	vmpcnt.ones.xlane vm9;
	v15 =	vld [tilespmem:s20+$0xFFFFFFE0]  }
0x133: {  	s18 =	smov.u32 @p3 s0;
	s0 =	sxor.u32 $0x80000000, s30;
	v18 =	vld [tilespmem:s20+$0xFFFFFFF0]  }
0x134: {  	s21 =	simm.s32 $0xC;
	vm10 =	vmmov vm0;
	s18 =	smov.u32 @p4 s0;
	[tilespmem:s31+$0x8000] =	vst.msk vm1, v17;
	v17 =	vld [tilespmem:s20+$0x0];
	vm8 =	vmmov vm2;
	v19 =	vadd.s32 v20, v19  }
.LBB2_10:
0x135: {  	(v2sf) =	vpush v19, $0x0;
	vm0 =	vmmov vm6;
	vm2 =	vmmov vm5  }
0x136: {  	s21 =	sadd.s32 $0x4, s21;
	vm5 =	vmmov vm7;
	vm11 =	vmmov vm4;
	vm4 =	vmmov vm9  }
0x137: {  	p0 =	slt.u32 s21, $0x7FC;
	v20 =	vshra.s32 v15, $0x16  }
0x138: {  	v22 =	vshra.s32 v14, $0x16;
	v20 =	vadd.s32 $0x200, v20;
	v21 =	vshra.s32 v18, $0x16;
	s0 =	spop (v2sf)  }
0x139: {  	vm1 =	veq.s32 v20, v16;
	v20 =	vadd.s32 $0x200, v21;
	v21 =	vshra.s32 v17, $0x16;
	[tilespmem:s0+$0x8000] =	vst.msk vm10, v10;
	s0 =	spop (v2sf);
	v10 =	vmovc v12;
	v12 =	vmovc v18  }
0x13a: {  	s20 =	sadd.s32 $0x40, s20;
	v18 =	vmpcnt.ones.xlane vm1;
	vm6 =	veq.s32 v20, v16;
	v20 =	vadd.s32 $0x200, v21;
	[tilespmem:s0+$0x8000] =	vst.msk vm2, v9;
	s0 =	spop (v2sf);
	v9 =	vmovc v11;
	v11 =	vmovc v17  }
.Ltmp6:
0x13b: {  	v17 =	vmpcnt.ones.xlane vm6;
	vm7 =	veq.s32 v20, v16;
	v20 =	vadd.s32 $0x200, v22;
	s22 =	spop (v2sf);
	[tilespmem:s0+$0x8000] =	vst.msk vm11, v7;
	v7 =	vmovc v8;
	v8 =	vmovc v14;
	v14 =	vld [tilespmem:s20+$0x10];
	(pc) =	sbr.rel @p0 .LBB2_10-.Ltmp6, $4  }
0x13c: {  	v19 =	vadd.s32 v19, v18;
	v21 =	vmpcnt.ones.xlane vm7;
	vm9 =	veq.s32 v20, v16;
	[tilespmem:s22+$0x8000] =	vst.msk vm8, v13;
	v13 =	vmovc v15;
	v15 =	vld [tilespmem:s20+$0xFFFFFFE0]  }
0x13d: {  	v18 =	vld [tilespmem:s20+$0xFFFFFFF0];
	v20 =	vadd.s32 v19, v17;
	v22 =	vmpcnt.ones.xlane vm9;
	(v2sf) =	vpush v19, $0x0  }
0x13e: {  	vm8 =	vmmov vm1;
	v17 =	vld [tilespmem:s20+$0x0];
	v21 =	vadd.s32 v20, v21;
	(v2sf) =	vpush v20, $0x0  }
0x13f: {  	vm10 =	vmmov vm0;
	v19 =	vadd.s32 v21, v22;
	(v2sf) =	vpush v21, $0x0  }
0x140: {  	s0 =	sadd.s32 $0x40, s20  }
0x141: {  	v20 =	vld [tilespmem:s0+$0xFFFFFFE0]  }
0x142: {  	v22 =	vld [tilespmem:s0+$0xFFFFFFF0]  }
0x143: {  	v26 =	vshra.s32 v14, $0x16;
	v21 =	vshra.s32 v15, $0x16;
	v23 =	vld [tilespmem:s0+$0x10]  }
0x144: {  	(v2sf) =	vpush v19, $0x0;
	v25 =	vld [tilespmem:s0+$0x0];
	v50 =	vadd.s32 $0x200, v26;
	v21 =	vadd.s32 $0x200, v21  }
0x145: {  	v24 =	vshra.s32 v18, $0x16;
	vm0 =	veq.s32 v50, v16;
	vm14 =	veq.s32 v21, v16  }
0x146: {  	v49 =	vshra.s32 v17, $0x16;
	v24 =	vadd.s32 $0x200, v24;
	v59 =	vmpcnt.ones.xlane vm0  }
0x147: {  	v21 =	vadd.s32 $0x200, v49;
	vm2 =	veq.s32 v24, v16;
	v55 =	vmpcnt.ones.xlane vm14  }
0x148: {  	vm15 =	veq.s32 v21, v16;
	v56 =	vmpcnt.ones.xlane vm2;
	v51 =	vshra.s32 v20, $0x16  }
0x149: {  	v52 =	vshra.s32 v22, $0x16;
	v53 =	vshra.s32 v23, $0x16;
	v54 =	vshra.s32 v25, $0x16  }
0x14a: {  	v57 =	vadd.s32 v19, v55;
	v58 =	vmpcnt.ones.xlane vm15;
	v21 =	vadd.s32 $0x200, v51  }
0x14b: {  	v24 =	vadd.s32 $0x200, v52;
	v26 =	vadd.s32 $0x200, v53;
	(v2sf) =	vpush v57, $0x0  }
0x14c: {  	vm12 =	veq.s32 v21, v16;
	vm13 =	veq.s32 v24, v16;
	v21 =	vadd.s32 $0x200, v54  }
0x14d: {  	vm11 =	veq.s32 v26, v16;
	vm1 =	veq.s32 v21, v16;
	v16 =	vadd.s32 v57, v56  }
0x14e: {  	v60 =	vmpcnt.ones.xlane vm12;
	v21 =	vadd.s32 v16, v58;
	(v2sf) =	vpush v16, $0x0  }
0x14f: {  	v61 =	vmpcnt.ones.xlane vm13;
	v19 =	vadd.s32 v21, v59;
	(v2sf) =	vpush v21, $0x0  }
0x150: {  	v62 =	vmpcnt.ones.xlane vm1;
	(v2sf) =	vpush v19, $0x0;
	v16 =	vadd.s32 v19, v60  }
0x151: {  	v63 =	vmpcnt.ones.xlane vm11;
	v21 =	vadd.s32 v16, v61;
	(v2sf) =	vpush v16, $0x0  }
0x152: {  	v19 =	vadd.s32 v21, v62;
	(v2sf) =	vpush v21, $0x0  }
0x153: {  	v16 =	vadd.s32 v19, v63;
	(v2sf) =	vpush v19, $0x0  }
0x154: {  	s5 =	spop (v2sf);
	(v2sf) =	vpush v16, $0x0  }
0x155: {  	s6 =	spop (v2sf)  }
0x156: {  	s21 =	spop (v2sf)  }
0x157: {  	s22 =	spop (v2sf)  }
0x158: {  	s23 =	spop (v2sf)  }
0x159: {  	s24 =	spop (v2sf)  }
0x15a: {  	s25 =	spop (v2sf)  }
0x15b: {  	s26 =	spop (v2sf)  }
0x15c: {  	s28 =	spop (v2sf)  }
0x15d: {  	s29 =	spop (v2sf)  }
0x15e: {  	s30 =	spop (v2sf)  }
0x15f: {  	s31 =	spop (v2sf)  }
0x160: {  	s2 =	spop (v2sf)  }
0x161: {  	s1 =	spop (v2sf)  }
0x162: {  	vm5 =	vmmov vm5;
	[tilespmem:s5+$0x8000] =	vst.msk vm10, v10;
	s10 =	spop (v2sf)  }
0x163: {  	vm4 =	vmmov vm4;
	[tilespmem:s6+$0x8000] =	vst.msk vm5, v9;
	s16 =	spop (v2sf)  }
0x164: {  	[tilespmem:s21+$0x8000] =	vst.msk vm4, v7;
	vm4 =	vmmov vm6;
	s0 =	sadd.s32 $0xF, s16  }
0x165: {  	vm5 =	vmmov vm7;
	vm4 =	vmmov vm4;
	[tilespmem:s22+$0x8000] =	vst.msk vm8, v13;
	s21 =	sand.u32 $0xF, s0  }
0x166: {  	vm5 =	vmmov vm5;
	[tilespmem:s23+$0x8000] =	vst.msk vm4, v12;
	vm4 =	vmmov vm9;
	s22 =	sshra.s32 s0, $0x1F;
	p1 =	slt.s32 s0, $0x1;
	p0 =	sne.s32 s21, $0x0  }
0x167: {  	[tilespmem:s24+$0x8000] =	vst.msk vm5, v11;
	vm4 =	vmmov vm4;
	s20 =	sshrl.u32 s22, $0x1C;
	p0 =	por !p1, !p0  }
0x168: {  	vm2 =	vmmov vm2;
	[tilespmem:s25+$0x8000] =	vst.msk vm4, v8;
	vm4 =	vmmov vm14;
	s0 =	sadd.s32 s20, s0;
	s20 =	simm.s32 $0x1;
	p0 =	por !p0, !p0  }
0x169: {  	vm2 =	vmmov vm2;
	[tilespmem:s26+$0x8000] =	vst.msk vm4, v15;
	vm4 =	vmmov vm15;
	s0 =	sshra.s32 s0, $0x4;
	s20 =	simm.s32 @!p0 $0x0  }
0x16a: {  	vm0 =	vmmov vm0;
	vm4 =	vmmov vm4;
	[tilespmem:s28+$0x8000] =	vst.msk vm2, v18;
	s20 =	ssub.s32 s0, s20  }
0x16b: {  	vm0 =	vmmov vm0;
	[tilespmem:s29+$0x8000] =	vst.msk vm4, v17;
	s0 =	sshrl.u32 s20, $0x1E  }
.Ltmp7:
0x16c: {  	vm2 =	vmmov vm13;
	[tilespmem:s30+$0x8000] =	vst.msk vm0, v14;
	vm0 =	vmmov vm12;
	s0 =	sadd.s32 s0, s20;
	(pc) =	sbr.rel .LBB2_12-.Ltmp7, $4  }
0x16d: {  	vm1 =	vmmov vm1;
	s25 =	simm.s32 $0x0;
	s28 =	sshll.u32 s19, $0x16;
	[tilespmem:s31+$0x8000] =	vst.msk vm0, v20;
	vm0 =	vmmov vm2;
	s21 =	sand.u32 $0xFFFFFFFC, s0  }
0x16e: {  	vm1 =	vmmov vm1;
	s19 =	ssub.s32 $0x2000, s18;
	vm2 =	vmmov vm11;
	[tilespmem:s2+$0x8000] =	vst.msk vm0, v22;
	s22 =	sxor.u32 $0x80000000, s28;
	s29 =	sshll.u32 s21, $0x6  }
0x16f: {  	vm0 =	vmmov vm2;
	[tilespmem:s1+$0x8000] =	vst.msk vm1, v25;
	s31 =	ssub.s32 s20, s21;
	s24 =	sshll.u32 s21, $0x4;
	s30 =	sshra.s32 s29, $0x2  }
0x170: {  	v7 =	vbroadcast v16, $0x0;
	[tilespmem:s10+$0x8000] =	vst.msk vm0, v23;
	p0 =	slt.s32 s21, $0x1;
	p1 =	slt.s32 s31, $0x1;
	s23 =	sadd.s32 $0x8000, s30  }
.LBB2_15:
0x171: {  	v8 =	vxor.u32 $0x80000000, v9  }
0x172: {  	(xrf0) =	vmax.scan.msk.u32 $0xffff, v8;
	_ =	sdelay $0x5  }
0x173: {  	v8, _, _ =	vpop (xrf0)  }
0x174: {  	(v2sf) =	vpush v8, $0xF;
	_ =	sdelay $0xe  }
0x175: {  	s0 =	spop (v2sf)  }
0x176: {  	s0 =	sxor.u32 $0x80000000, s0  }
0x177: {  	s25 =	sadd.s32 $0x1, s25;
	p2 =	slt.s32 s0, s19  }
0x178: {  	s18 =	smov.u32 @p2 s22;
	p2 =	sne.s32 s25, $0x16  }
.Ltmp8:
0x179: {  	_ = 	snop;
	(pc) =	sbr.rel @!p2 .LBB2_16-.Ltmp8, $2  }
0x17a: {  	_ =	sdelay $0x2  }
0x17b: {  	s22 =	smov.u32 s18  }
.LBB2_12:
.Ltmp9:
0x17c: {  	(pc) =	sbr.rel @p0 .LBB2_13-.Ltmp9, $4  }
0x17d: {  	_ = 	snop  }
0x17e: {  	s0 =	sshrl.u32 s15, s25  }
0x17f: {  	s18 =	sadd.s32 s0, s22  }
0x180: {  	v9 =	vimm.s32 $0x0;
	v8 =	vmov s18  }
0x181: {  	s0 =	simm.s32 $0x8020  }
0x182: {  	v10 =	vld [tilespmem:s0+$0xFFFFFFE0];
	_ =	sdelay $0x2  }
0x183: {  	v11 =	vld [tilespmem:s0+$0xFFFFFFF0]  }
0x184: {  	s26 =	simm.s32 $0x0;
	s1 =	simm.s32 $0x20;
	p2 =	sgt.s32 s21, $0x4;
	v12 =	vld [tilespmem:s0+$0x0]  }
.Ltmp10:
0x185: {  	s2 =	simm.s32 $0x30;
	s10 =	simm.s32 $0x10;
	v13 =	vor.u32 s26, v0;
	vm4 =	vge.s32 v10, v8;
	v10 =	vld [tilespmem:s0+$0x10];
	(pc) =	sbr.rel @!p2 .LBB2_59-.Ltmp10, $4  }
0x186: {  	v14 =	vor.u32 s1, v0;
	v15 =	vor.u32 s2, v0;
	v63 =	vor.u32 s10, v0  }
0x187: {  	vm2 =	vlt.s32 v13, v7;
	vm1 =	vlt.s32 v14, v7;
	vm0 =	vlt.s32 v15, v7  }
0x188: {  	vm5 =	vge.s32 v11, v8;
	vm2 =	vmand vm2, vm4;
	vm4 =	vlt.s32 v63, v7  }
0x189: {  	s28 =	simm.s32 $0x4;
	s29 =	simm.s32 $0x8060;
	v11 =	vmpcnt.ones.xlane vm2;
	vm2 =	vmand vm4, vm5;
	vm4 =	vge.s32 v12, v8  }
.LBB2_58:
0x18a: {  	v12 =	vld [tilespmem:s29+$0xFFFFFFE0];
	s28 =	sadd.s32 $0x4, s28;
	v13 =	vmpcnt.ones.xlane vm2;
	vm1 =	vmand vm1, vm4;
	vm2 =	vge.s32 v10, v8  }
0x18b: {  	s26 =	sadd.s32 $0x40, s26;
	v14 =	vld [tilespmem:s29+$0xFFFFFFF0];
	p2 =	slt.s32 s28, s21;
	v9 =	vadd.s32 v9, v11;
	v11 =	vmpcnt.ones.xlane vm1;
	vm0 =	vmand vm0, vm2  }
0x18c: {  	v15 =	vor.u32 s26, v0;
	s0 =	sadd.s32 $0x20, s26;
	s1 =	sadd.s32 $0x30, s26;
	v16 =	vld [tilespmem:s29+$0x0];
	v9 =	vadd.s32 v13, v9;
	v13 =	vmpcnt.ones.xlane vm0  }
.Ltmp11:
0x18d: {  	s2 =	sadd.s32 $0x10, s26;
	v17 =	vor.u32 s0, v0;
	v18 =	vor.u32 s1, v0;
	v10 =	vld [tilespmem:s29+$0x10];
	v9 =	vadd.s32 v11, v9;
	(pc) =	sbr.rel @p2 .LBB2_58-.Ltmp11, $4  }
0x18e: {  	vm2 =	vlt.s32 v15, v7;
	v11 =	vor.u32 s2, v0;
	v9 =	vadd.s32 v13, v9  }
0x18f: {  	vm1 =	vlt.s32 v17, v7;
	vm0 =	vlt.s32 v18, v7;
	vm4 =	vge.s32 v12, v8  }
0x190: {  	vm2 =	vmand vm2, vm4;
	vm4 =	vlt.s32 v11, v7;
	vm5 =	vge.s32 v14, v8  }
0x191: {  	s29 =	sadd.s32 $0x40, s29;
	v11 =	vmpcnt.ones.xlane vm2;
	vm2 =	vmand vm4, vm5;
	vm4 =	vge.s32 v16, v8  }
.LBB2_59:
0x192: {  	v12 =	vmpcnt.ones.xlane vm2;
	vm1 =	vmand vm1, vm4;
	vm2 =	vge.s32 v10, v8  }
0x193: {  	v9 =	vadd.s32 v9, v11;
	v10 =	vmpcnt.ones.xlane vm1;
	vm0 =	vmand vm0, vm2  }
0x194: {  	v9 =	vadd.s32 v12, v9;
	v11 =	vmpcnt.ones.xlane vm0  }
0x195: {  	v9 =	vadd.s32 v10, v9  }
0x196: {  	v9 =	vadd.s32 v11, v9  }
.LBB2_13:
.Ltmp12:
0x197: {  	(pc) =	sbr.rel @p1 .LBB2_15-.Ltmp12, $2  }
0x198: {  	_ =	sdelay $0x2  }
0x199: {  	s0 =	smov.u32 s24;
	s26 =	smov.u32 s23;
	s28 =	smov.u32 s21  }
.LBB2_14:
0x19a: {  	v10 =	vld [tilespmem:s26+$0x0];
	_ =	sdelay $0x2  }
0x19b: {  	s28 =	sadd.s32 $0x1, s28  }
0x19c: {  	v11 =	vor.u32 s0, v0;
	p2 =	slt.s32 s28, s20  }
.Ltmp13:
0x19d: {  	vm0 =	vlt.s32 v11, v7;
	vm1 =	vge.s32 v10, v8;
	(pc) =	sbr.rel @p2 .LBB2_14-.Ltmp13, $3  }
0x19e: {  	vm0 =	vmand vm0, vm1  }
0x19f: {  	v10 =	vmpcnt.ones.xlane vm0;
	_ =	sdelay $0x1  }
0x1a0: {  	s26 =	sadd.s32 $0x10, s26;
	s0 =	sadd.s32 $0x10, s0;
	v9 =	vadd.s32 v9, v10  }
.Ltmp14:
0x1a1: {  	_ = 	snop;
	(pc) =	sbr.rel .LBB2_15-.Ltmp14, $1  }
0x1a2: {  	_ =	sdelay $0x3  }
.LBB2_16:
0x1a3: {  	s0 =	rddreg [dreg:$0x4]  }
0x1a4: {  	[tilespmem:s3], [sflag:$0x1] =	stream.strided.gather [hbm4b:s0+s12], $0x8000, s13, s12, $0x38;
	[tilespmem:$0x1C080] =	vst v63  }
0x1a5: {  	_ =	swait.ge [sflag:s11], $0x8000  }
0x1a6: {  	[sflag:s11] =	ssyncset.done $0x0  }
0x1a7: {  	s0 =	simm.s32 $0x18040;
	[sflag:s11] =	ssyncadd.s32 $0xFFFF8000  }
0x1a8: {  	[tilespmem:s0+$0xFFFFFFC0] =	vst v1  }
0x1a9: {  	[tilespmem:s0+$0x30] =	vst v1  }
0x1aa: {  	[tilespmem:s0+$0x20] =	vst v1  }
0x1ab: {  	[tilespmem:s0+$0x10] =	vst v1  }
0x1ac: {  	[tilespmem:s0+$0x0] =	vst v1  }
0x1ad: {  	[tilespmem:s0+$0xFFFFFFF0] =	vst v1  }
0x1ae: {  	s19 =	simm.s32 $0x0;
	[tilespmem:s0+$0xFFFFFFE0] =	vst v1  }
.LBB2_17:
0x1af: {  	s19 =	sadd.s32 $0x8, s19;
	[tilespmem:s0+$0xFFFFFFD0] =	vst v1;
	s0 =	sadd.s32 $0x80, s0  }
0x1b0: {  	[tilespmem:s0+$0xFFFFFFC0] =	vst v1;
	p0 =	slt.u32 s19, $0x3F8  }
0x1b1: {  	[tilespmem:s0+$0x30] =	vst v1  }
.Ltmp15:
0x1b2: {  	[tilespmem:s0+$0x20] =	vst v1;
	(pc) =	sbr.rel @p0 .LBB2_17-.Ltmp15, $4  }
0x1b3: {  	[tilespmem:s0+$0x10] =	vst v1  }
0x1b4: {  	[tilespmem:s0+$0x0] =	vst v1  }
0x1b5: {  	[tilespmem:s0+$0xFFFFFFF0] =	vst v1  }
0x1b6: {  	s20 =	simm.s32 $0x10040;
	[tilespmem:s0+$0xFFFFFFE0] =	vst v1  }
0x1b7: {  	[tilespmem:s0+$0xFFFFFFD0] =	vst v1  }
0x1b8: {  	v8 =	vld [tilespmem:s20+$0x10]  }
0x1b9: {  	s19 =	simm.s32 $0x40;
	v10 =	vld [tilespmem:s20+$0x30]  }
0x1ba: {  	v11 =	vld [tilespmem:s19+$0x30]  }
0x1bb: {  	v9 =	vld [tilespmem:s20+$0x0]  }
0x1bc: {  	v12 =	vld [tilespmem:s19+$0x10]  }
0x1bd: {  	v13 =	vld [tilespmem:s19+$0xFFFFFFE0]  }
0x1be: {  	v14 =	vld [tilespmem:s19+$0x0]  }
0x1bf: {  	v15 =	vld [tilespmem:s20+$0xFFFFFFE0];
	_ =	sdelay $0x1  }
0x1c0: {  	v20 =	vld [tilespmem:s20+$0x20]  }
0x1c1: {  	v21 =	vld [tilespmem:s19+$0x20]  }
0x1c2: {  	v17 =	vld [tilespmem:s19+$0xFFFFFFF0];
	v16 =	vmul.f32 v8, v12;
	v14 =	vmul.f32 v9, v14  }
0x1c3: {  	v9 =	vld [tilespmem:s20+$0xFFFFFFC0];
	v8 =	vmul.f32 v10, v11;
	v13 =	vmul.f32 v15, v13  }
0x1c4: {  	v10 =	vld [tilespmem:s19+$0xFFFFFFC0];
	v15 =	vshra.s32 v16, $0x1F;
	v12 =	vshra.s32 v14, $0x1F  }
0x1c5: {  	v11 =	vld [tilespmem:s20+$0xFFFFFFF0];
	v18 =	vshra.s32 v13, $0x1F;
	v19 =	vand.u32 $0x7FFFFFFF, v12;
	v12 =	vshra.s32 v8, $0x1F  }
0x1c6: {  	v7 =	vld [tilespmem:s20+$0xFFFFFFD0];
	v22 =	vand.u32 $0x7FFFFFFF, v18;
	v18 =	vand.u32 $0x7FFFFFFF, v15;
	v19 =	vxor.u32 v14, v19  }
0x1c7: {  	s21 =	simm.s32 $0x0;
	s22 =	simm.s32 $0xC0;
	s23 =	simm.s32 $0x100C0;
	v15 =	vld [tilespmem:s19+$0xFFFFFFD0];
	v14 =	vxor.u32 v13, v22;
	v13 =	vmul.f32 v20, v21;
	[tilespmem:s19+$0x0] =	vst v19;
	v19 =	vshra.s32 v19, $0x12  }
.LBB2_19:
0x1c8: {  	v20 =	vld [tilespmem:s23+$0xFFFFFFD0];
	s21 =	sadd.s32 $0x8, s21;
	v21 =	vshra.s32 v14, $0x12;
	v19 =	vand.u32 $0xFFFFFFF0, v19;
	v16 =	vxor.u32 v16, v18  }
0x1c9: {  	v10 =	vmul.f32 v9, v10;
	v18 =	vld [tilespmem:s23+$0x10];
	p0 =	slt.u32 s21, $0x7F8;
	v21 =	vand.u32 $0xFFFFFFF0, v21;
	v19 =	vadd.s32 v2, v19;
	[tilespmem:s19+$0x10] =	vst v16  }
0x1ca: {  	v11 =	vmul.f32 v11, v17;
	v16 =	vshra.s32 v16, $0x12;
	v17 =	vshra.s32 v13, $0x1F;
	v9 =	vld [tilespmem:s23+$0xFFFFFFC0]  }
0x1cb: {  	v23 =	vshra.s32 v10, $0x1F;
	v21 =	vadd.s32 v2, v21;
	v16 =	vand.u32 $0xFFFFFFF0, v16;
	v22 =	vld [tilespmem:s23+$0x20]  }
0x1cc: {  	v25 =	vshra.s32 v11, $0x1F;
	v17 =	vand.u32 $0x7FFFFFFF, v17;
	v23 =	vand.u32 $0x7FFFFFFF, v23;
	v24 =	vld [tilespmem:s23+$0x30]  }
0x1cd: {  	v12 =	vand.u32 $0x7FFFFFFF, v12;
	v10 =	vxor.u32 v10, v23;
	v23 =	vand.u32 $0x7FFFFFFF, v25;
	v26 =	vld [tilespmem:s22+$0x30]  }
0x1ce: {  	v15 =	vmul.f32 v7, v15;
	v27 =	vshra.s32 v10, $0x12;
	v7 =	vmovc v20;
	v25 =	vld [tilespmem:s23+$0x0];
	[tilespmem:s19+$0xFFFFFFE0] =	vst v14;
	v14 =	vadd.s32 v2, v16  }
0x1cf: {  	v12 =	vxor.u32 v8, v12;
	v13 =	vxor.u32 v13, v17;
	v16 =	vld [tilespmem:s22+$0x10];
	[tilespmem:s19+$0xFFFFFFC0] =	vst v10;
	v10 =	vand.u32 $0xFFFFFFF0, v27  }
0x1d0: {  	v8 =	vshra.s32 v15, $0x1F;
	v20 =	vadd.s32 v2, v10;
	[tilespmem:v21+s14+$0x0] =	vst.idx.add.s32.msk $0xffff, v3;
	v10 =	vshra.s32 v12, $0x12  }
0x1d1: {  	v11 =	vxor.u32 v11, v23;
	v8 =	vand.u32 $0x7FFFFFFF, v8;
	v21 =	vld [tilespmem:s22+$0x20];
	[tilespmem:s19+$0x20] =	vst v13;
	v17 =	vand.u32 $0xFFFFFFF0, v10  }
0x1d2: {  	v8 =	vxor.u32 v15, v8;
	v15 =	vshra.s32 v11, $0x12;
	v13 =	vshra.s32 v13, $0x12;
	v10 =	vld [tilespmem:s22+$0xFFFFFFC0];
	[tilespmem:s19+$0xFFFFFFF0] =	vst v11  }
0x1d3: {  	v23 =	vshra.s32 v8, $0x12;
	v13 =	vand.u32 $0xFFFFFFF0, v13;
	v27 =	vadd.s32 v2, v17;
	v11 =	vld [tilespmem:s23+$0xFFFFFFF0];
	[tilespmem:s19+$0xFFFFFFD0] =	vst v8  }
0x1d4: {  	v23 =	vand.u32 $0xFFFFFFF0, v23;
	v8 =	vmul.f32 v24, v26;
	v13 =	vadd.s32 v2, v13;
	v28 =	vld [tilespmem:s22+$0xFFFFFFE0];
	[tilespmem:s19+$0x30] =	vst v12;
	s19 =	smov.u32 s22  }
0x1d5: {  	v12 =	vld [tilespmem:s22+$0x0]  }
0x1d6: {  	v24 =	vld [tilespmem:s23+$0xFFFFFFE0]  }
0x1d7: {  	v15 =	vand.u32 $0xFFFFFFF0, v15;
	v16 =	vmul.f32 v18, v16;
	[tilespmem:v14+s14+$0x0] =	vst.idx.add.s32.msk $0xffff, v3  }
0x1d8: {  	v14 =	vadd.s32 v2, v15;
	v17 =	vld [tilespmem:s22+$0xFFFFFFF0]  }
0x1d9: {  	v15 =	vadd.s32 v2, v23;
	[tilespmem:v13+s14+$0x0] =	vst.idx.add.s32.msk $0xffff, v3  }
0x1da: {  	v13 =	vmul.f32 v25, v12;
	[tilespmem:v19+s14+$0x0] =	vst.idx.add.s32.msk $0xffff, v3  }
.Ltmp16:
0x1db: {  	v18 =	vshra.s32 v16, $0x1F;
	v19 =	vmul.f32 v24, v28;
	[tilespmem:v20+s14+$0x0] =	vst.idx.add.s32.msk $0xffff, v3;
	(pc) =	sbr.rel @p0 .LBB2_19-.Ltmp16, $4  }
0x1dc: {  	v12 =	vshra.s32 v13, $0x1F;
	[tilespmem:v27+s14+$0x0] =	vst.idx.add.s32.msk $0xffff, v3  }
0x1dd: {  	v20 =	vshra.s32 v19, $0x1F;
	v23 =	vand.u32 $0x7FFFFFFF, v12;
	v12 =	vshra.s32 v8, $0x1F;
	[tilespmem:v14+s14+$0x0] =	vst.idx.add.s32.msk $0xffff, v3  }
0x1de: {  	v18 =	vand.u32 $0x7FFFFFFF, v18;
	v14 =	vand.u32 $0x7FFFFFFF, v20;
	v13 =	vxor.u32 v13, v23;
	[tilespmem:v15+s14+$0x0] =	vst.idx.add.s32.msk $0xffff, v3  }
0x1df: {  	s20 =	simm.s32 $0x3F0;
	s23 =	sadd.s32 $0x80, s23;
	s22 =	sadd.s32 $0x80, s22;
	v15 =	vld [tilespmem:s19+$0xFFFFFFD0];
	v14 =	vxor.u32 v19, v14;
	[tilespmem:s19+$0x0] =	vst v13;
	v19 =	vshra.s32 v13, $0x12;
	v13 =	vmul.f32 v22, v21  }
0x1e0: {  	v20 =	vshra.s32 v14, $0x12;
	v19 =	vand.u32 $0xFFFFFFF0, v19  }
0x1e1: {  	v16 =	vxor.u32 v16, v18;
	v9 =	vmul.f32 v9, v10;
	v11 =	vmul.f32 v11, v17  }
0x1e2: {  	v12 =	vand.u32 $0x7FFFFFFF, v12;
	v10 =	vand.u32 $0xFFFFFFF0, v20;
	v18 =	vadd.s32 v2, v19  }
0x1e3: {  	v17 =	vshra.s32 v16, $0x12;
	v19 =	vshra.s32 v13, $0x1F;
	v8 =	vxor.u32 v8, v12  }
0x1e4: {  	v20 =	vshra.s32 v9, $0x1F;
	v10 =	vadd.s32 v2, v10;
	v17 =	vand.u32 $0xFFFFFFF0, v17  }
0x1e5: {  	[tilespmem:s19+$0x10] =	vst v16;
	v21 =	vshra.s32 v11, $0x1F;
	v16 =	vand.u32 $0x7FFFFFFF, v19;
	v20 =	vand.u32 $0x7FFFFFFF, v20  }
0x1e6: {  	[tilespmem:s19+$0xFFFFFFE0] =	vst v14;
	v19 =	vand.u32 $0x7FFFFFFF, v21;
	v13 =	vxor.u32 v13, v16;
	v9 =	vxor.u32 v9, v20  }
0x1e7: {  	v7 =	vmul.f32 v7, v15;
	v14 =	vshra.s32 v9, $0x12;
	[tilespmem:s19+$0xFFFFFFC0] =	vst v9;
	v9 =	vshra.s32 v13, $0x12  }
0x1e8: {  	v15 =	vadd.s32 v2, v17;
	v11 =	vxor.u32 v11, v19;
	[tilespmem:s19+$0x20] =	vst v13;
	v9 =	vand.u32 $0xFFFFFFF0, v9  }
0x1e9: {  	v13 =	vshra.s32 v8, $0x12;
	[tilespmem:s19+$0xFFFFFFF0] =	vst v11;
	v12 =	vshra.s32 v7, $0x1F;
	v9 =	vadd.s32 v2, v9  }
0x1ea: {  	v11 =	vshra.s32 v11, $0x12;
	[tilespmem:v10+s14+$0x0] =	vst.idx.add.s32.msk $0xffff, v3;
	v10 =	vand.u32 $0x7FFFFFFF, v12;
	v12 =	vand.u32 $0xFFFFFFF0, v14  }
0x1eb: {  	[tilespmem:s19+$0x30] =	vst v8;
	v8 =	vand.u32 $0xFFFFFFF0, v11;
	v7 =	vxor.u32 v7, v10;
	v10 =	vadd.s32 v2, v12  }
0x1ec: {  	v8 =	vadd.s32 v2, v8;
	v12 =	vand.u32 $0xFFFFFFF0, v13;
	[tilespmem:s19+$0xFFFFFFD0] =	vst v7;
	v7 =	vshra.s32 v7, $0x12  }
0x1ed: {  	v11 =	vmov s20;
	[tilespmem:v18+s14+$0x0] =	vst.idx.add.s32.msk $0xffff, v3;
	v12 =	vadd.s32 v2, v12;
	v7 =	vand.u32 $0xFFFFFFF0, v7  }
0x1ee: {  	v7 =	vadd.s32 v2, v7;
	[tilespmem:v9+s14+$0x0] =	vst.idx.add.s32.msk $0xffff, v3;
	v9 =	vshll.u32 v11, $0x4  }
0x1ef: {  	[tilespmem:v15+s14+$0x0] =	vst.idx.add.s32.msk $0xffff, v3;
	v9 =	vor.u32 v4, v9  }
0x1f0: {  	[tilespmem:v10+s14+$0x0] =	vst.idx.add.s32.msk $0xffff, v3;
	v10 =	vor.u32 $0x1, v9  }
0x1f1: {  	[tilespmem:v8+s14+$0x0] =	vst.idx.add.s32.msk $0xffff, v3;
	v11 =	vor.u32 $0x2, v9  }
0x1f2: {  	[tilespmem:v12+s14+$0x0] =	vst.idx.add.s32.msk $0xffff, v3;
	v8 =	vor.u32 $0x3, v9  }
0x1f3: {  	v13 =	vor.u32 $0x5, v9;
	[tilespmem:v7+s14+$0x0] =	vst.idx.add.s32.msk $0xffff, v3  }
0x1f4: {  	v14 =	vor.u32 $0x6, v9;
	v12 =	vld.idx.msk [tilespmem:v9+s14+$0x0], $0xffff  }
0x1f5: {  	v7 =	vor.u32 $0x4, v9;
	v10 =	vld.idx.msk [tilespmem:v10+s14+$0x0], $0xffff  }
0x1f6: {  	v15 =	vor.u32 $0x7, v9;
	v11 =	vld.idx.msk [tilespmem:v11+s14+$0x0], $0xffff  }
0x1f7: {  	v17 =	vor.u32 $0x9, v9;
	v8 =	vld.idx.msk [tilespmem:v8+s14+$0x0], $0xffff  }
0x1f8: {  	v16 =	vor.u32 $0x8, v9;
	v13 =	vld.idx.msk [tilespmem:v13+s14+$0x0], $0xffff  }
0x1f9: {  	v18 =	vor.u32 $0xA, v9;
	v14 =	vld.idx.msk [tilespmem:v14+s14+$0x0], $0xffff  }
0x1fa: {  	v20 =	vor.u32 $0xC, v9;
	v7 =	vld.idx.msk [tilespmem:v7+s14+$0x0], $0xffff  }
0x1fb: {  	v19 =	vor.u32 $0xB, v9;
	v15 =	vld.idx.msk [tilespmem:v15+s14+$0x0], $0xffff  }
0x1fc: {  	s22 =	simm.s32 $0x3E0;
	v21 =	vor.u32 $0xE, v9;
	v17 =	vld.idx.msk [tilespmem:v17+s14+$0x0], $0xffff;
	v10 =	vadd.s32 v12, v10  }
0x1fd: {  	v12 =	vld.idx.msk [tilespmem:v16+s14+$0x0], $0xffff;
	v16 =	vor.u32 $0xD, v9;
	v10 =	vadd.s32 v11, v10;
	v11 =	vmov s22  }
0x1fe: {  	v9 =	vor.u32 $0xF, v9;
	v8 =	vadd.s32 v8, v10;
	v10 =	vshll.u32 v11, $0x4;
	v11 =	vld.idx.msk [tilespmem:v18+s14+$0x0], $0xffff  }
0x1ff: {  	v18 =	vld.idx.msk [tilespmem:v20+s14+$0x0], $0xffff;
	v7 =	vadd.s32 v7, v8;
	v8 =	vor.u32 v4, v10  }
0x200: {  	v10 =	vld.idx.msk [tilespmem:v19+s14+$0x0], $0xffff;
	v7 =	vadd.s32 v13, v7;
	v13 =	vor.u32 $0x1, v8  }
0x201: {  	v19 =	vld.idx.msk [tilespmem:v21+s14+$0x0], $0xffff;
	v7 =	vadd.s32 v14, v7;
	v14 =	vor.u32 $0x2, v8  }
0x202: {  	v16 =	vld.idx.msk [tilespmem:v16+s14+$0x0], $0xffff;
	v7 =	vadd.s32 v15, v7;
	v15 =	vor.u32 $0x3, v8  }
0x203: {  	v9 =	vld.idx.msk [tilespmem:v9+s14+$0x0], $0xffff;
	v7 =	vadd.s32 v12, v7;
	v12 =	vor.u32 $0x4, v8  }
0x204: {  	v20 =	vor.u32 $0x5, v8;
	v7 =	vadd.s32 v17, v7;
	v17 =	vld.idx.msk [tilespmem:v8+s14+$0x0], $0xffff  }
0x205: {  	v7 =	vadd.s32 v11, v7;
	v11 =	vld.idx.msk [tilespmem:v13+s14+$0x0], $0xffff;
	v13 =	vor.u32 $0x6, v8  }
0x206: {  	v7 =	vadd.s32 v10, v7;
	v10 =	vld.idx.msk [tilespmem:v14+s14+$0x0], $0xffff;
	v14 =	vor.u32 $0x7, v8  }
0x207: {  	v7 =	vadd.s32 v18, v7;
	v15 =	vld.idx.msk [tilespmem:v15+s14+$0x0], $0xffff;
	v18 =	vor.u32 $0x8, v8  }
0x208: {  	v7 =	vadd.s32 v16, v7;
	v12 =	vld.idx.msk [tilespmem:v12+s14+$0x0], $0xffff;
	v16 =	vor.u32 $0x9, v8  }
0x209: {  	v7 =	vadd.s32 v19, v7;
	v19 =	vld.idx.msk [tilespmem:v20+s14+$0x0], $0xffff;
	v20 =	vor.u32 $0xA, v8  }
0x20a: {  	v7 =	vadd.s32 v9, v7;
	v9 =	vld.idx.msk [tilespmem:v13+s14+$0x0], $0xffff;
	v13 =	vor.u32 $0xB, v8  }
0x20b: {  	v11 =	vadd.s32 v17, v11;
	v17 =	vor.u32 $0xC, v8;
	v21 =	vperm.xlane v7, v5;
	v14 =	vld.idx.msk [tilespmem:v14+s14+$0x0], $0xffff  }
0x20c: {  	s21 =	simm.s32 $0x3D0;
	v10 =	vadd.s32 v10, v11;
	v11 =	vld.idx.msk [tilespmem:v18+s14+$0x0], $0xffff;
	v18 =	vor.u32 $0xD, v8  }
0x20d: {  	v10 =	vadd.s32 v15, v10;
	(xrf0) =	vadd.scan.msk.s32 $0xffff, v21;
	v21 =	vmov s21;
	v15 =	vld.idx.msk [tilespmem:v16+s14+$0x0], $0xffff;
	v16 =	vor.u32 $0xE, v8  }
0x20e: {  	v10 =	vadd.s32 v12, v10;
	v8 =	vor.u32 $0xF, v8;
	(xrf0) =	vadd.scan.msk.s32 $0xffff, v7;
	v21 =	vshll.u32 v21, $0x4;
	v12 =	vld.idx.msk [tilespmem:v20+s14+$0x0], $0xffff  }
0x20f: {  	v10 =	vadd.s32 v19, v10;
	v20 =	vor.u32 v4, v21;
	v13 =	vld.idx.msk [tilespmem:v13+s14+$0x0], $0xffff  }
0x210: {  	v9 =	vadd.s32 v9, v10;
	v10 =	vld.idx.msk [tilespmem:v17+s14+$0x0], $0xffff;
	v19 =	vor.u32 $0x1, v20  }
0x211: {  	v17 =	vor.u32 $0x2, v20;
	v9 =	vadd.s32 v14, v9;
	v14 =	vld.idx.msk [tilespmem:v18+s14+$0x0], $0xffff  }
0x212: {  	v18 =	vor.u32 $0x3, v20;
	v9 =	vadd.s32 v11, v9;
	v11 =	vld.idx.msk [tilespmem:v16+s14+$0x0], $0xffff  }
0x213: {  	v24 =	vor.u32 $0x5, v20;
	v9 =	vadd.s32 v15, v9;
	v8 =	vld.idx.msk [tilespmem:v8+s14+$0x0], $0xffff;
	v21, _, _ =	vpop (xrf0)  }
0x214: {  	v22 =	vor.u32 $0x4, v20;
	v9 =	vadd.s32 v12, v9;
	v15 =	vperm.xlane v21, v5;
	v21, _, _ =	vpop (xrf0);
	v23 =	vld.idx.msk [tilespmem:v20+s14+$0x0], $0xffff  }
0x215: {  	s19 =	simm.s32 $0x0;
	v9 =	vadd.s32 v13, v9;
	(v2sf) =	vpush v21, $0xF;
	v12 =	vld.idx.msk [tilespmem:v19+s14+$0x0], $0xffff;
	v19 =	vor.u32 $0x6, v20  }
0x216: {  	v9 =	vadd.s32 v10, v9;
	v13 =	vadd.s32 s19, v15;
	v15 =	vld.idx.msk [tilespmem:v17+s14+$0x0], $0xffff;
	v17 =	vor.u32 $0x7, v20  }
0x217: {  	v16 =	vor.u32 s20, v6;
	v10 =	vld.idx.msk [tilespmem:v18+s14+$0x0], $0xffff;
	v9 =	vadd.s32 v14, v9  }
0x218: {  	v18 =	vor.u32 $0x8, v20;
	vm0 =	vgt.s32 v13, $0x1FFF;
	v9 =	vadd.s32 v11, v9;
	v11 =	vld.idx.msk [tilespmem:v24+s14+$0x0], $0xffff  }
0x219: {  	v21 =	vor.u32 $0x9, v20;
	v7 =	vsub.s32 v13, v7;
	v14 =	vnsel vm0, $0x7FFFFFFF, v16;
	v16 =	vld.idx.msk [tilespmem:v22+s14+$0x0], $0xffff  }
0x21a: {  	v13 =	vor.u32 $0xA, v20;
	v8 =	vadd.s32 v8, v9;
	v7 =	vxor.u32 $0x80000000, v7;
	(xrf0) =	vmax.scan.msk.u32 $0xffff, v14;
	v9 =	vld.idx.msk [tilespmem:v19+s14+$0x0], $0xffff  }
0x21b: {  	v7 =	vnsel vm0, $0xC0000000, v7;
	v12 =	vadd.s32 v23, v12;
	v14 =	vld.idx.msk [tilespmem:v17+s14+$0x0], $0xffff;
	v17 =	vor.u32 $0xC, v20  }
0x21c: {  	v22 =	vperm.xlane v8, v5;
	v19 =	vor.u32 $0xB, v20;
	(xrf0) =	vmin.scan.msk.u32 $0xffff, v7;
	v7 =	vadd.s32 v15, v12  }
0x21d: {  	s20 =	simm.s32 $0x3C0;
	v12 =	vld.idx.msk [tilespmem:v18+s14+$0x0], $0xffff;
	v15 =	vor.u32 $0xD, v20;
	v7 =	vadd.s32 v10, v7  }
0x21e: {  	(xrf0) =	vadd.scan.msk.s32 $0xffff, v22;
	v18 =	vmov s20;
	v10 =	vld.idx.msk [tilespmem:v21+s14+$0x0], $0xffff;
	v21 =	vor.u32 $0xE, v20;
	v16 =	vadd.s32 v16, v7  }
0x21f: {  	(xrf0) =	vadd.scan.msk.s32 $0xffff, v8;
	v18 =	vshll.u32 v18, $0x4;
	v13 =	vld.idx.msk [tilespmem:v13+s14+$0x0], $0xffff;
	v20 =	vor.u32 $0xF, v20;
	v11 =	vadd.s32 v11, v16  }
0x220: {  	v7 =	vor.u32 v4, v18;
	v9 =	vadd.s32 v9, v11;
	v11 =	vld.idx.msk [tilespmem:v17+s14+$0x0], $0xffff;
	v17, _, _ =	vpop (xrf0)  }
0x221: {  	v18 =	vor.u32 $0x1, v7;
	v16 =	vld.idx.msk [tilespmem:v19+s14+$0x0], $0xffff;
	(v2sf) =	vpush v17, $0xF  }
0x222: {  	v19 =	vor.u32 $0x2, v7;
	v9 =	vadd.s32 v14, v9;
	v14 =	vld.idx.msk [tilespmem:v15+s14+$0x0], $0xffff  }
0x223: {  	v23 =	vor.u32 $0x4, v7;
	v15 =	vor.u32 $0x3, v7;
	v22, _, _ =	vpop (xrf0);
	v9 =	vadd.s32 v12, v9;
	v12 =	vld.idx.msk [tilespmem:v21+s14+$0x0], $0xffff  }
0x224: {  	v25 =	vor.u32 $0x5, v7;
	v26 =	vor.u32 $0x8, v7;
	v20 =	vld.idx.msk [tilespmem:v20+s14+$0x0], $0xffff;
	v21, _, _ =	vpop (xrf0);
	v9 =	vadd.s32 v10, v9  }
0x225: {  	v17 =	vor.u32 s22, v6;
	v63 =	vld.idx.msk [tilespmem:v7+s14+$0x0], $0xffff;
	v10 =	vperm.xlane v21, v5;
	v21, _, _ =	vpop (xrf0);
	v9 =	vadd.s32 v13, v9;
	s0 =	spop (v2sf)  }
0x226: {  	v13 =	vld.idx.msk [tilespmem:v18+s14+$0x0], $0xffff;
	v18 =	vor.u32 $0x6, v7;
	(v2sf) =	vpush v21, $0xF;
	v9 =	vadd.s32 v16, v9;
	s24 =	sadd.s32 $0x0, s0  }
0x227: {  	v19 =	vld.idx.msk [tilespmem:v19+s14+$0x0], $0xffff;
	v16 =	vor.u32 $0x7, v7;
	v9 =	vadd.s32 v11, v9;
	v10 =	vadd.s32 s24, v10  }
0x228: {  	v21 =	vld.idx.msk [tilespmem:v15+s14+$0x0], $0xffff;
	v11 =	vadd.s32 v14, v9;
	v14 =	vor.u32 $0x9, v7;
	vm0 =	vgt.s32 v10, $0x1FFF  }
0x229: {  	v9 =	vld.idx.msk [tilespmem:v23+s14+$0x0], $0xffff;
	v11 =	vadd.s32 v12, v11;
	v12 =	vsub.s32 v10, v8;
	v15 =	vnsel vm0, $0x7FFFFFFF, v17  }
0x22a: {  	v10 =	vld.idx.msk [tilespmem:v25+s14+$0x0], $0xffff;
	v8 =	vadd.s32 v20, v11;
	v12 =	vxor.u32 $0x80000000, v12;
	(xrf0) =	vmax.scan.msk.u32 $0xffff, v15  }
0x22b: {  	v17 =	vor.u32 $0xA, v7;
	v11 =	vld.idx.msk [tilespmem:v18+s14+$0x0], $0xffff;
	v20 =	vperm.xlane v8, v5;
	v18 =	vnsel vm0, $0xC0000000, v12  }
0x22c: {  	(v2sf) =	vpush v22, $0xF;
	v13 =	vadd.s32 v63, v13;
	v15 =	vor.u32 $0xB, v7;
	v12 =	vld.idx.msk [tilespmem:v16+s14+$0x0], $0xffff;
	(xrf0) =	vmin.scan.msk.u32 $0xffff, v18  }
0x22d: {  	s22 =	simm.s32 $0x3B0;
	v16 =	vor.u32 $0xC, v7;
	v19 =	vadd.s32 v19, v13;
	v13 =	vld.idx.msk [tilespmem:v26+s14+$0x0], $0xffff;
	v18 =	vor.u32 $0xD, v7;
	(xrf0) =	vadd.scan.msk.s32 $0xffff, v20  }
0x22e: {  	s23 =	simm.s32 $0xFFFFFFFF;
	s25 =	simm.s32 $0x3A0;
	v21 =	vadd.s32 v21, v19;
	v19 =	vor.u32 $0xE, v7;
	v20 =	vmov s22;
	v14 =	vld.idx.msk [tilespmem:v14+s14+$0x0], $0xffff;
	(xrf0) =	vadd.scan.msk.s32 $0xffff, v8  }
.LBB2_21:
0x22f: {  	s0 =	smov.u32 s23  }
0x230: {  	p0 =	sne.s32 s25, $0x0;
	v20 =	vshll.u32 v20, $0x4;
	v9 =	vadd.s32 v9, v21;
	v21 =	vor.u32 $0xF, v7;
	v17 =	vld.idx.msk [tilespmem:v17+s14+$0x0], $0xffff;
	v22, _, _ =	vpop (xrf0);
	s1 =	spop (v2sf)  }
0x231: {  	v7 =	vor.u32 v4, v20;
	v9 =	vadd.s32 v10, v9;
	v10 =	vld.idx.msk [tilespmem:v15+s14+$0x0], $0xffff;
	(v2sf) =	vpush v22, $0xF;
	s23 =	sxor.u32 $0x80000000, s1  }
0x232: {  	v15 =	vor.u32 $0x1, v7;
	v9 =	vadd.s32 v11, v9;
	v11 =	vld.idx.msk [tilespmem:v16+s14+$0x0], $0xffff;
	p1 =	sgt.s32 s23, s0;
	p2 =	sgt.s32 s0, s23  }
0x233: {  	v16 =	vor.u32 $0x2, v7;
	v9 =	vadd.s32 v12, v9;
	v12 =	vld.idx.msk [tilespmem:v18+s14+$0x0], $0xffff;
	v18, _, _ =	vpop (xrf0);
	s23 =	smov.u32 @p2 s0  }
0x234: {  	v20 =	vor.u32 $0x3, v7;
	v9 =	vadd.s32 v13, v9;
	v13 =	vld.idx.msk [tilespmem:v19+s14+$0x0], $0xffff;
	v19 =	vor.u32 s21, v6;
	v22, _, _ =	vpop (xrf0);
	s21 =	smov.u32 s20;
	s20 =	smov.u32 s22;
	s22 =	smov.u32 s25  }
0x235: {  	v23 =	vor.u32 $0x4, v7;
	v9 =	vadd.s32 v14, v9;
	v14 =	vld.idx.msk [tilespmem:v21+s14+$0x0], $0xffff;
	v21 =	vperm.xlane v22, v5;
	v22, _, _ =	vpop (xrf0);
	s0 =	spop (v2sf)  }
0x236: {  	v25 =	vor.u32 $0x5, v7;
	v9 =	vadd.s32 v17, v9;
	v24 =	vld.idx.msk [tilespmem:v7+s14+$0x0], $0xffff;
	(v2sf) =	vpush v22, $0xF;
	s24 =	sadd.s32 s24, s0  }
0x237: {  	v9 =	vadd.s32 v10, v9;
	v22 =	vld.idx.msk [tilespmem:v15+s14+$0x0], $0xffff;
	v15 =	vor.u32 $0x6, v7;
	v10 =	vadd.s32 s24, v21  }
0x238: {  	v9 =	vadd.s32 v11, v9;
	v21 =	vld.idx.msk [tilespmem:v16+s14+$0x0], $0xffff;
	v16 =	vor.u32 $0x7, v7;
	vm0 =	vgt.s32 v10, $0x1FFF  }
0x239: {  	v11 =	vadd.s32 v12, v9;
	v26 =	vld.idx.msk [tilespmem:v20+s14+$0x0], $0xffff;
	v20 =	vor.u32 $0x8, v7;
	v12 =	vnsel vm0, $0x7FFFFFFF, v19  }
0x23a: {  	v19 =	vor.u32 $0x9, v7;
	v11 =	vadd.s32 v13, v11;
	v13 =	vsub.s32 v10, v8;
	v9 =	vld.idx.msk [tilespmem:v23+s14+$0x0], $0xffff;
	(xrf0) =	vmax.scan.msk.u32 $0xffff, v12  }
.Ltmp17:
0x23b: {  	v17 =	vor.u32 $0xA, v7;
	v8 =	vadd.s32 v14, v11;
	v12 =	vxor.u32 $0x80000000, v13;
	v10 =	vld.idx.msk [tilespmem:v25+s14+$0x0], $0xffff;
	(pc) =	sbr.rel @p0 .LBB2_21-.Ltmp17, $4  }
0x23c: {  	v14 =	vperm.xlane v8, v5;
	v13 =	vnsel vm0, $0xC0000000, v12;
	v11 =	vld.idx.msk [tilespmem:v15+s14+$0x0], $0xffff;
	v15 =	vor.u32 $0xB, v7;
	s0 =	spop (v2sf)  }
0x23d: {  	v22 =	vadd.s32 v24, v22;
	v12 =	vld.idx.msk [tilespmem:v16+s14+$0x0], $0xffff;
	v16 =	vor.u32 $0xC, v7;
	(xrf0) =	vmin.scan.msk.u32 $0xffff, v13;
	(v2sf) =	vpush v18, $0xF;
	s0 =	sxor.u32 $0x80000000, s0  }
0x23e: {  	v21 =	vadd.s32 v21, v22;
	v18 =	vor.u32 $0xD, v7;
	v13 =	vld.idx.msk [tilespmem:v20+s14+$0x0], $0xffff;
	(xrf0) =	vadd.scan.msk.s32 $0xffff, v14;
	s19 =	smov.u32 @p1 s0  }
0x23f: {  	s25 =	sadd.s32 $0xFFFFFFF0, s25;
	v20 =	vmov s22;
	v21 =	vadd.s32 v26, v21;
	v14 =	vld.idx.msk [tilespmem:v19+s14+$0x0], $0xffff;
	v19 =	vor.u32 $0xE, v7;
	(xrf0) =	vadd.scan.msk.s32 $0xffff, v8  }
0x240: {  	_ =	sdelay $0x3  }
0x241: {  	v9 =	vadd.s32 v9, v21;
	v20 =	vshll.u32 v20, $0x4;
	v17 =	vld.idx.msk [tilespmem:v17+s14+$0x0], $0xffff;
	v7 =	vor.u32 $0xF, v7  }
0x242: {  	v15 =	vld.idx.msk [tilespmem:v15+s14+$0x0], $0xffff;
	v9 =	vadd.s32 v10, v9;
	v10, _, _ =	vpop (xrf0);
	v20 =	vor.u32 v4, v20  }
0x243: {  	v9 =	vadd.s32 v11, v9;
	(v2sf) =	vpush v10, $0xF;
	v10 =	vor.u32 $0x1, v20;
	v11 =	vld.idx.msk [tilespmem:v16+s14+$0x0], $0xffff  }
0x244: {  	v16 =	vld.idx.msk [tilespmem:v18+s14+$0x0], $0xffff;
	v9 =	vadd.s32 v12, v9;
	v12 =	vor.u32 $0x2, v20  }
0x245: {  	v58 =	vor.u32 $0x3, v20;
	v18, _, _ =	vpop (xrf0);
	v9 =	vadd.s32 v13, v9;
	v13 =	vld.idx.msk [tilespmem:v19+s14+$0x0], $0xffff  }
0x246: {  	s25 =	spop (v2sf);
	v23 =	vor.u32 $0x4, v20;
	v22, _, _ =	vpop (xrf0);
	v9 =	vadd.s32 v14, v9;
	v7 =	vld.idx.msk [tilespmem:v7+s14+$0x0], $0xffff  }
0x247: {  	v24 =	vor.u32 $0x5, v20;
	v14 =	vperm.xlane v22, v5;
	s0 =	spop (v2sf);
	v9 =	vadd.s32 v17, v9;
	v17 =	vld.idx.msk [tilespmem:v20+s14+$0x0], $0xffff  }
0x248: {  	v60 =	vor.u32 $0x6, v20;
	v19 =	vor.u32 s21, v6;
	v59, _, _ =	vpop (xrf0);
	s24 =	sadd.s32 s24, s0;
	v9 =	vadd.s32 v15, v9;
	v10 =	vld.idx.msk [tilespmem:v10+s14+$0x0], $0xffff  }
0x249: {  	(v2sf) =	vpush v59, $0xF;
	v14 =	vadd.s32 s24, v14;
	v9 =	vadd.s32 v11, v9;
	v11 =	vld.idx.msk [tilespmem:v12+s14+$0x0], $0xffff  }
0x24a: {  	v15 =	vor.u32 $0x7, v20;
	vm0 =	vgt.s32 v14, $0x1FFF;
	v9 =	vadd.s32 v16, v9;
	v16 =	vld.idx.msk [tilespmem:v58+s14+$0x0], $0xffff  }
0x24b: {  	v12 =	vor.u32 $0x8, v20;
	v8 =	vsub.s32 v14, v8;
	v9 =	vadd.s32 v13, v9;
	v13 =	vld.idx.msk [tilespmem:v23+s14+$0x0], $0xffff  }
0x24c: {  	v14 =	vor.u32 $0x9, v20;
	v19 =	vnsel vm0, $0x7FFFFFFF, v19;
	v7 =	vadd.s32 v7, v9;
	v9 =	vld.idx.msk [tilespmem:v24+s14+$0x0], $0xffff  }
0x24d: {  	v22 =	vld.idx.msk [tilespmem:v60+s14+$0x0], $0xffff;
	v8 =	vxor.u32 $0x80000000, v8;
	(xrf0) =	vmax.scan.msk.u32 $0xffff, v19;
	v19 =	vor.u32 $0xA, v20;
	v10 =	vadd.s32 v17, v10  }
0x24e: {  	v8 =	vnsel vm0, $0xC0000000, v8;
	v61 =	vperm.xlane v7, v5;
	v10 =	vadd.s32 v11, v10  }
0x24f: {  	v62 =	vor.u32 $0xB, v20;
	(xrf0) =	vmin.scan.msk.u32 $0xffff, v8;
	v10 =	vadd.s32 v16, v10  }
0x250: {  	v8 =	vld.idx.msk [tilespmem:v15+s14+$0x0], $0xffff;
	v15 =	vor.u32 $0xC, v20;
	(xrf0) =	vadd.scan.msk.s32 $0xffff, v61;
	v10 =	vadd.s32 v13, v10  }
0x251: {  	v11 =	vld.idx.msk [tilespmem:v12+s14+$0x0], $0xffff;
	v12 =	vor.u32 $0xD, v20;
	(xrf0) =	vadd.scan.msk.s32 $0xffff, v7;
	v9 =	vadd.s32 v9, v10  }
0x252: {  	v14 =	vld.idx.msk [tilespmem:v14+s14+$0x0], $0xffff;
	v16 =	vor.u32 $0xE, v20;
	v9 =	vadd.s32 v22, v9  }
0x253: {  	v17 =	vor.u32 $0xF, v20;
	v13 =	vld.idx.msk [tilespmem:v19+s14+$0x0], $0xffff  }
0x254: {  	v19 =	vld.idx.msk [tilespmem:v62+s14+$0x0], $0xffff;
	v10, _, _ =	vpop (xrf0)  }
0x255: {  	v15 =	vld.idx.msk [tilespmem:v15+s14+$0x0], $0xffff;
	v8 =	vadd.s32 v8, v9;
	v9, _, _ =	vpop (xrf0)  }
0x256: {  	(v2sf) =	vpush v18, $0xF;
	v12 =	vld.idx.msk [tilespmem:v12+s14+$0x0], $0xffff;
	v8 =	vadd.s32 v11, v8;
	v11, _, _ =	vpop (xrf0)  }
0x257: {  	s30 =	spop (v2sf);
	(v2sf) =	vpush v10, $0xF;
	v10 =	vld.idx.msk [tilespmem:v16+s14+$0x0], $0xffff;
	v8 =	vadd.s32 v14, v8;
	v14, _, _ =	vpop (xrf0)  }
0x258: {  	s31 =	spop (v2sf);
	v16 =	vld.idx.msk [tilespmem:v17+s14+$0x0], $0xffff;
	v8 =	vadd.s32 v13, v8;
	(v2sf) =	vpush v14, $0xF  }
0x259: {  	s1 =	spop (v2sf);
	v11 =	vperm.xlane v11, v5;
	v8 =	vadd.s32 v19, v8  }
0x25a: {  	s1 =	sadd.s32 s24, s1;
	v8 =	vadd.s32 v15, v8  }
0x25b: {  	v13 =	vor.u32 s20, v6;
	v11 =	vadd.s32 s1, v11;
	v8 =	vadd.s32 v12, v8  }
0x25c: {  	vm0 =	vgt.s32 v11, $0x1FFF;
	v8 =	vadd.s32 v10, v8;
	v7 =	vsub.s32 v11, v7  }
0x25d: {  	v10 =	vnsel vm0, $0x7FFFFFFF, v13;
	v8 =	vadd.s32 v16, v8;
	v7 =	vxor.u32 $0x80000000, v7  }
0x25e: {  	(xrf0) =	vmax.scan.msk.u32 $0xffff, v10;
	v10 =	vperm.xlane v8, v5;
	v7 =	vnsel vm0, $0xC0000000, v7  }
0x25f: {  	(xrf0) =	vmin.scan.msk.u32 $0xffff, v7  }
0x260: {  	(xrf0) =	vadd.scan.msk.s32 $0xffff, v10;
	_ =	sdelay $0x3  }
0x261: {  	v7, _, _ =	vpop (xrf0)  }
0x262: {  	s5 =	spop (v2sf);
	v10, _, _ =	vpop (xrf0)  }
0x263: {  	s2 =	spop (v2sf);
	v11, _, _ =	vpop (xrf0)  }
0x264: {  	v11 =	vperm.xlane v11, v5;
	s10 =	spop (v2sf)  }
0x265: {  	s1 =	sadd.s32 s1, s10  }
0x266: {  	v11 =	vadd.s32 s1, v11  }
0x267: {  	v12 =	vor.u32 s22, v6;
	(xrf0) =	vadd.scan.msk.s32 $0xffff, v8;
	vm0 =	vgt.s32 v11, $0x1FFF  }
0x268: {  	v12 =	vnsel vm0, $0x7FFFFFFF, v12  }
0x269: {  	(xrf0) =	vmax.scan.msk.u32 $0xffff, v12;
	_ =	sdelay $0x2  }
0x26a: {  	(v2sf) =	vpush v9, $0xF  }
0x26b: {  	(v2sf) =	vpush v7, $0xF;
	v7, _, _ =	vpop (xrf0)  }
0x26c: {  	(v2sf) =	vpush v7, $0xF  }
0x26d: {  	(v2sf) =	vpush v10, $0xF;
	v7, _, _ =	vpop (xrf0)  }
0x26e: {  	(v2sf) =	vpush v7, $0xF;
	_ =	sdelay $0x7  }
0x26f: {  	s1 =	sxor.u32 $0x80000000, s25;
	v7 =	vsub.s32 v11, v8  }
0x270: {  	s0 =	sxor.u32 $0x80000000, s31;
	p0 =	sgt.s32 s23, s1;
	v7 =	vxor.u32 $0x80000000, v7  }
0x271: {  	p1 =	sgt.s32 s1, s23;
	s1 =	smov.u32 @p0 s23;
	s23 =	simm.s32 $0x20;
	v7 =	vnsel vm0, $0xC0000000, v7  }
0x272: {  	s6 =	spop (v2sf);
	p0 =	sgt.s32 s0, s1;
	p2 =	sgt.s32 s1, s0;
	v17 =	vld [tilespmem:s23+$0xFFFFFFE0];
	(xrf0) =	vmin.scan.msk.u32 $0xffff, v7  }
0x273: {  	v10 =	vld [tilespmem:s23+$0xFFFFFFF0];
	s0 =	smov.u32 @p2 s1;
	s1 =	sxor.u32 $0x80000000, s2;
	s16 =	spop (v2sf)  }
0x274: {  	p2 =	sgt.s32 s1, s0;
	p3 =	sgt.s32 s0, s1;
	v7 =	vld [tilespmem:s23+$0x10];
	s25 =	spop (v2sf)  }
0x275: {  	s1 =	smov.u32 @p3 s0;
	s0 =	sxor.u32 $0x80000000, s16;
	s26 =	spop (v2sf)  }
0x276: {  	v9 =	vld [tilespmem:s23+$0x0];
	p4 =	sgt.s32 s1, s0;
	s28 =	spop (v2sf)  }
0x277: {  	p3 =	sgt.s32 s0, s1;
	s0 =	smov.u32 @p4 s1;
	s20 =	sxor.u32 $0x80000000, s28  }
0x278: {  	v12 =	vshra.s32 v10, $0x16;
	v11 =	vimm.s32 $0x0;
	v8, _, _ =	vpop (xrf0);
	p5 =	sgt.s32 s0, s20  }
0x279: {  	v13 =	vshra.s32 v7, $0x16;
	(v2sf) =	vpush v8, $0xF;
	v8 =	vshra.s32 v17, $0x16;
	p4 =	sgt.s32 s20, s0;
	s20 =	smov.u32 @p5 s0  }
0x27a: {  	(v2sf) =	vpush v11, $0x0;
	v8 =	vadd.s32 $0x200, v8;
	v16 =	vmov s20  }
0x27b: {  	vm0 =	veq.s32 v8, v16;
	v8 =	vadd.s32 $0x200, v12;
	v12 =	vshra.s32 v9, $0x16  }
0x27c: {  	s29 =	simm.s32 $0x60;
	v14 =	vmpcnt.ones.xlane vm0;
	vm2 =	veq.s32 v8, v16;
	v12 =	vadd.s32 $0x200, v12  }
0x27d: {  	v15 =	vmpcnt.ones.xlane vm2;
	vm4 =	veq.s32 v12, v16;
	v12 =	vadd.s32 $0x200, v13;
	v13 =	vld [tilespmem:s29+$0xFFFFFFE0]  }
0x27e: {  	v11 =	vadd.s32 v11, v14;
	vm6 =	veq.s32 v12, v16;
	v12 =	vld [tilespmem:s29+$0xFFFFFFF0]  }
0x27f: {  	v14 =	vmpcnt.ones.xlane vm4;
	v15 =	vadd.s32 v11, v15;
	(v2sf) =	vpush v11, $0x0;
	v11 =	vld [tilespmem:s29+$0x0]  }
0x280: {  	vm1 =	vmmov vm0;
	vm0 =	vmmov vm2;
	v18 =	vmpcnt.ones.xlane vm6  }
0x281: {  	vm5 =	vmmov vm4;
	v14 =	vadd.s32 v15, v14;
	(v2sf) =	vpush v15, $0x0  }
0x282: {  	v15 =	vadd.s32 v14, v18;
	(v2sf) =	vpush v14, $0x0;
	v14 =	vshra.s32 v13, $0x16  }
0x283: {  	vm4 =	vmmov vm6;
	v14 =	vadd.s32 $0x200, v14;
	v18 =	vshra.s32 v12, $0x16  }
0x284: {  	v8 =	vld [tilespmem:s29+$0x10];
	vm2 =	veq.s32 v14, v16;
	v14 =	vadd.s32 $0x200, v18;
	v18 =	vshra.s32 v11, $0x16  }
0x285: {  	v20 =	vmpcnt.ones.xlane vm2;
	vm6 =	veq.s32 v14, v16;
	v14 =	vadd.s32 $0x200, v18  }
0x286: {  	(v2sf) =	vpush v15, $0x0;
	v18 =	vmpcnt.ones.xlane vm6;
	vm7 =	veq.s32 v14, v16  }
0x287: {  	v20 =	vadd.s32 v15, v20;
	v63 =	vmpcnt.ones.xlane vm7  }
0x288: {  	s0 =	sxor.u32 $0x80000000, s30;
	s30 =	spop (v2sf);
	v18 =	vadd.s32 v20, v18;
	(v2sf) =	vpush v20, $0x0  }
0x289: {  	v19 =	vshra.s32 v8, $0x16;
	s31 =	spop (v2sf);
	v20 =	vadd.s32 v18, v63;
	(v2sf) =	vpush v18, $0x0  }
0x28a: {  	s21 =	simm.s32 $0xA0;
	s19 =	smov.u32 @p1 s0;
	s0 =	sxor.u32 $0x80000000, s5;
	v19 =	vadd.s32 $0x200, v19;
	(v2sf) =	vpush v20, $0x0  }
0x28b: {  	s19 =	smov.u32 @p0 s0;
	s0 =	sxor.u32 $0x80000000, s6;
	vm9 =	veq.s32 v19, v16;
	v14 =	vld [tilespmem:s21+$0x10]  }
0x28c: {  	s19 =	smov.u32 @p2 s0;
	s0 =	sxor.u32 $0x80000000, s26;
	v19 =	vmpcnt.ones.xlane vm9;
	v15 =	vld [tilespmem:s21+$0xFFFFFFE0]  }
0x28d: {  	s19 =	smov.u32 @p3 s0;
	s0 =	sxor.u32 $0x80000000, s30;
	v18 =	vld [tilespmem:s21+$0xFFFFFFF0]  }
0x28e: {  	s22 =	simm.s32 $0xC;
	vm10 =	vmmov vm0;
	s19 =	smov.u32 @p4 s0;
	[tilespmem:s31+$0x8000] =	vst.msk vm1, v17;
	v17 =	vld [tilespmem:s21+$0x0];
	vm8 =	vmmov vm2;
	v19 =	vadd.s32 v20, v19  }
.LBB2_23:
0x28f: {  	(v2sf) =	vpush v19, $0x0;
	vm0 =	vmmov vm6;
	vm2 =	vmmov vm5  }
0x290: {  	s22 =	sadd.s32 $0x4, s22;
	vm5 =	vmmov vm7;
	vm11 =	vmmov vm4;
	vm4 =	vmmov vm9  }
0x291: {  	p0 =	slt.u32 s22, $0x7FC;
	v20 =	vshra.s32 v15, $0x16  }
0x292: {  	v22 =	vshra.s32 v14, $0x16;
	v20 =	vadd.s32 $0x200, v20;
	v21 =	vshra.s32 v18, $0x16;
	s0 =	spop (v2sf)  }
0x293: {  	vm1 =	veq.s32 v20, v16;
	v20 =	vadd.s32 $0x200, v21;
	v21 =	vshra.s32 v17, $0x16;
	[tilespmem:s0+$0x8000] =	vst.msk vm10, v10;
	s0 =	spop (v2sf);
	v10 =	vmovc v12;
	v12 =	vmovc v18  }
0x294: {  	s21 =	sadd.s32 $0x40, s21;
	v18 =	vmpcnt.ones.xlane vm1;
	vm6 =	veq.s32 v20, v16;
	v20 =	vadd.s32 $0x200, v21;
	[tilespmem:s0+$0x8000] =	vst.msk vm2, v9;
	s0 =	spop (v2sf);
	v9 =	vmovc v11;
	v11 =	vmovc v17  }
.Ltmp18:
0x295: {  	v17 =	vmpcnt.ones.xlane vm6;
	vm7 =	veq.s32 v20, v16;
	v20 =	vadd.s32 $0x200, v22;
	s1 =	spop (v2sf);
	[tilespmem:s0+$0x8000] =	vst.msk vm11, v7;
	v7 =	vmovc v8;
	v8 =	vmovc v14;
	v14 =	vld [tilespmem:s21+$0x10];
	(pc) =	sbr.rel @p0 .LBB2_23-.Ltmp18, $4  }
0x296: {  	v19 =	vadd.s32 v19, v18;
	v21 =	vmpcnt.ones.xlane vm7;
	vm9 =	veq.s32 v20, v16;
	[tilespmem:s1+$0x8000] =	vst.msk vm8, v13;
	v13 =	vmovc v15;
	v15 =	vld [tilespmem:s21+$0xFFFFFFE0]  }
0x297: {  	v18 =	vld [tilespmem:s21+$0xFFFFFFF0];
	v20 =	vadd.s32 v19, v17;
	v22 =	vmpcnt.ones.xlane vm9;
	(v2sf) =	vpush v19, $0x0  }
0x298: {  	vm8 =	vmmov vm1;
	v17 =	vld [tilespmem:s21+$0x0];
	v21 =	vadd.s32 v20, v21;
	(v2sf) =	vpush v20, $0x0  }
0x299: {  	vm10 =	vmmov vm0;
	v19 =	vadd.s32 v21, v22;
	(v2sf) =	vpush v21, $0x0  }
0x29a: {  	s0 =	sadd.s32 $0x40, s21  }
0x29b: {  	v20 =	vld [tilespmem:s0+$0xFFFFFFE0]  }
0x29c: {  	v22 =	vld [tilespmem:s0+$0xFFFFFFF0]  }
0x29d: {  	v26 =	vshra.s32 v14, $0x16;
	v21 =	vshra.s32 v15, $0x16;
	v23 =	vld [tilespmem:s0+$0x10]  }
0x29e: {  	(v2sf) =	vpush v19, $0x0;
	v25 =	vld [tilespmem:s0+$0x0];
	v50 =	vadd.s32 $0x200, v26;
	v21 =	vadd.s32 $0x200, v21  }
0x29f: {  	v24 =	vshra.s32 v18, $0x16;
	vm15 =	veq.s32 v50, v16;
	vm14 =	veq.s32 v21, v16  }
0x2a0: {  	v49 =	vshra.s32 v17, $0x16;
	v24 =	vadd.s32 $0x200, v24;
	v59 =	vmpcnt.ones.xlane vm15  }
0x2a1: {  	v21 =	vadd.s32 $0x200, v49;
	vm2 =	veq.s32 v24, v16;
	v55 =	vmpcnt.ones.xlane vm14  }
0x2a2: {  	vm0 =	veq.s32 v21, v16;
	v56 =	vmpcnt.ones.xlane vm2;
	v51 =	vshra.s32 v20, $0x16  }
0x2a3: {  	v52 =	vshra.s32 v22, $0x16;
	v53 =	vshra.s32 v23, $0x16;
	v54 =	vshra.s32 v25, $0x16  }
0x2a4: {  	v57 =	vadd.s32 v19, v55;
	v58 =	vmpcnt.ones.xlane vm0;
	v21 =	vadd.s32 $0x200, v51  }
0x2a5: {  	v24 =	vadd.s32 $0x200, v52;
	v26 =	vadd.s32 $0x200, v53;
	(v2sf) =	vpush v57, $0x0  }
0x2a6: {  	vm12 =	veq.s32 v21, v16;
	vm13 =	veq.s32 v24, v16;
	v21 =	vadd.s32 $0x200, v54  }
0x2a7: {  	vm11 =	veq.s32 v26, v16;
	vm1 =	veq.s32 v21, v16;
	v16 =	vadd.s32 v57, v56  }
0x2a8: {  	v60 =	vmpcnt.ones.xlane vm12;
	v21 =	vadd.s32 v16, v58;
	(v2sf) =	vpush v16, $0x0  }
0x2a9: {  	v61 =	vmpcnt.ones.xlane vm13;
	v19 =	vadd.s32 v21, v59;
	(v2sf) =	vpush v21, $0x0  }
0x2aa: {  	v62 =	vmpcnt.ones.xlane vm1;
	(v2sf) =	vpush v19, $0x0;
	v16 =	vadd.s32 v19, v60  }
0x2ab: {  	v63 =	vmpcnt.ones.xlane vm11;
	v21 =	vadd.s32 v16, v61;
	(v2sf) =	vpush v16, $0x0  }
0x2ac: {  	v19 =	vadd.s32 v21, v62;
	(v2sf) =	vpush v21, $0x0  }
0x2ad: {  	v16 =	vadd.s32 v19, v63;
	(v2sf) =	vpush v19, $0x0  }
0x2ae: {  	s6 =	spop (v2sf);
	(v2sf) =	vpush v16, $0x0  }
0x2af: {  	s1 =	spop (v2sf)  }
0x2b0: {  	s2 =	spop (v2sf)  }
0x2b1: {  	s10 =	spop (v2sf)  }
0x2b2: {  	s21 =	spop (v2sf)  }
0x2b3: {  	s22 =	spop (v2sf)  }
0x2b4: {  	s23 =	spop (v2sf)  }
0x2b5: {  	s24 =	spop (v2sf)  }
0x2b6: {  	s25 =	spop (v2sf)  }
0x2b7: {  	s26 =	spop (v2sf)  }
0x2b8: {  	s28 =	spop (v2sf)  }
0x2b9: {  	s29 =	spop (v2sf)  }
0x2ba: {  	s30 =	spop (v2sf)  }
0x2bb: {  	s31 =	spop (v2sf)  }
0x2bc: {  	vm5 =	vmmov vm5;
	[tilespmem:s6+$0x8000] =	vst.msk vm10, v10;
	s16 =	spop (v2sf)  }
0x2bd: {  	vm4 =	vmmov vm4;
	[tilespmem:s1+$0x8000] =	vst.msk vm5, v9;
	s5 =	spop (v2sf)  }
0x2be: {  	[tilespmem:s2+$0x8000] =	vst.msk vm4, v7;
	vm4 =	vmmov vm6;
	s0 =	sadd.s32 $0xF, s5  }
0x2bf: {  	vm5 =	vmmov vm7;
	vm4 =	vmmov vm4;
	[tilespmem:s10+$0x8000] =	vst.msk vm8, v13;
	s6 =	sand.u32 $0xF, s0  }
0x2c0: {  	vm5 =	vmmov vm5;
	[tilespmem:s21+$0x8000] =	vst.msk vm4, v12;
	vm4 =	vmmov vm9;
	s10 =	sshra.s32 s0, $0x1F;
	p1 =	slt.s32 s0, $0x1;
	p0 =	sne.s32 s6, $0x0  }
0x2c1: {  	[tilespmem:s22+$0x8000] =	vst.msk vm5, v11;
	vm4 =	vmmov vm4;
	s1 =	sshrl.u32 s10, $0x1C;
	p0 =	por !p1, !p0  }
0x2c2: {  	vm2 =	vmmov vm2;
	[tilespmem:s23+$0x8000] =	vst.msk vm4, v8;
	vm4 =	vmmov vm14;
	s0 =	sadd.s32 s1, s0;
	s1 =	simm.s32 $0x1;
	p0 =	por !p0, !p0  }
0x2c3: {  	vm0 =	vmmov vm0;
	vm2 =	vmmov vm2;
	[tilespmem:s24+$0x8000] =	vst.msk vm4, v15;
	s0 =	sshra.s32 s0, $0x4;
	s1 =	simm.s32 @!p0 $0x0  }
0x2c4: {  	vm0 =	vmmov vm0;
	vm4 =	vmmov vm15;
	[tilespmem:s25+$0x8000] =	vst.msk vm2, v18;
	s21 =	ssub.s32 s0, s1  }
0x2c5: {  	[tilespmem:s26+$0x8000] =	vst.msk vm0, v17;
	vm0 =	vmmov vm4;
	s0 =	sshrl.u32 s21, $0x1E  }
.Ltmp19:
0x2c6: {  	vm2 =	vmmov vm13;
	[tilespmem:s28+$0x8000] =	vst.msk vm0, v14;
	vm0 =	vmmov vm12;
	s0 =	sadd.s32 s0, s21;
	(pc) =	sbr.rel .LBB2_25-.Ltmp19, $4  }
0x2c7: {  	vm1 =	vmmov vm1;
	s26 =	simm.s32 $0x0;
	s28 =	sshll.u32 s20, $0x16;
	[tilespmem:s29+$0x8000] =	vst.msk vm0, v20;
	vm0 =	vmmov vm2;
	s22 =	sand.u32 $0xFFFFFFFC, s0  }
0x2c8: {  	vm1 =	vmmov vm1;
	s20 =	ssub.s32 $0x2000, s19;
	vm2 =	vmmov vm11;
	s23 =	sxor.u32 $0x80000000, s28;
	[tilespmem:s30+$0x8000] =	vst.msk vm0, v22;
	s29 =	sshll.u32 s22, $0x6  }
0x2c9: {  	vm0 =	vmmov vm2;
	[tilespmem:s31+$0x8000] =	vst.msk vm1, v25;
	s31 =	ssub.s32 s21, s22;
	s25 =	sshll.u32 s22, $0x4;
	s30 =	sshra.s32 s29, $0x2  }
0x2ca: {  	v7 =	vbroadcast v16, $0x0;
	[tilespmem:s16+$0x8000] =	vst.msk vm0, v23;
	p0 =	slt.s32 s22, $0x1;
	p1 =	slt.s32 s31, $0x1;
	s24 =	sadd.s32 $0x8000, s30  }
.LBB2_28:
0x2cb: {  	v8 =	vxor.u32 $0x80000000, v9  }
0x2cc: {  	(xrf0) =	vmax.scan.msk.u32 $0xffff, v8;
	_ =	sdelay $0x5  }
0x2cd: {  	v8, _, _ =	vpop (xrf0)  }
0x2ce: {  	(v2sf) =	vpush v8, $0xF;
	_ =	sdelay $0xe  }
0x2cf: {  	s0 =	spop (v2sf)  }
0x2d0: {  	s0 =	sxor.u32 $0x80000000, s0  }
0x2d1: {  	s26 =	sadd.s32 $0x1, s26;
	p2 =	slt.s32 s0, s20  }
0x2d2: {  	s19 =	smov.u32 @p2 s23;
	p2 =	sne.s32 s26, $0x16  }
.Ltmp20:
0x2d3: {  	_ = 	snop;
	(pc) =	sbr.rel @!p2 .LBB2_29-.Ltmp20, $2  }
0x2d4: {  	_ =	sdelay $0x2  }
0x2d5: {  	s23 =	smov.u32 s19  }
.LBB2_25:
.Ltmp21:
0x2d6: {  	(pc) =	sbr.rel @p0 .LBB2_26-.Ltmp21, $4  }
0x2d7: {  	_ = 	snop  }
0x2d8: {  	s0 =	sshrl.u32 s15, s26  }
0x2d9: {  	s19 =	sadd.s32 s0, s23  }
0x2da: {  	v9 =	vimm.s32 $0x0;
	v8 =	vmov s19  }
0x2db: {  	s0 =	simm.s32 $0x8020  }
0x2dc: {  	v10 =	vld [tilespmem:s0+$0xFFFFFFE0];
	_ =	sdelay $0x2  }
0x2dd: {  	v11 =	vld [tilespmem:s0+$0xFFFFFFF0]  }
0x2de: {  	s28 =	simm.s32 $0x0;
	s1 =	simm.s32 $0x20;
	p2 =	sgt.s32 s22, $0x4;
	v12 =	vld [tilespmem:s0+$0x0]  }
.Ltmp22:
0x2df: {  	s2 =	simm.s32 $0x30;
	s10 =	simm.s32 $0x10;
	v13 =	vor.u32 s28, v0;
	vm4 =	vge.s32 v10, v8;
	v10 =	vld [tilespmem:s0+$0x10];
	(pc) =	sbr.rel @!p2 .LBB2_62-.Ltmp22, $4  }
0x2e0: {  	v14 =	vor.u32 s1, v0;
	v15 =	vor.u32 s2, v0;
	v63 =	vor.u32 s10, v0  }
0x2e1: {  	vm2 =	vlt.s32 v13, v7;
	vm1 =	vlt.s32 v14, v7;
	vm0 =	vlt.s32 v15, v7  }
0x2e2: {  	vm5 =	vge.s32 v11, v8;
	vm2 =	vmand vm2, vm4;
	vm4 =	vlt.s32 v63, v7  }
0x2e3: {  	s29 =	simm.s32 $0x4;
	s30 =	simm.s32 $0x8060;
	v11 =	vmpcnt.ones.xlane vm2;
	vm2 =	vmand vm4, vm5;
	vm4 =	vge.s32 v12, v8  }
.LBB2_61:
0x2e4: {  	v12 =	vld [tilespmem:s30+$0xFFFFFFE0];
	s29 =	sadd.s32 $0x4, s29;
	v13 =	vmpcnt.ones.xlane vm2;
	vm1 =	vmand vm1, vm4;
	vm2 =	vge.s32 v10, v8  }
0x2e5: {  	s28 =	sadd.s32 $0x40, s28;
	v14 =	vld [tilespmem:s30+$0xFFFFFFF0];
	p2 =	slt.s32 s29, s22;
	v9 =	vadd.s32 v9, v11;
	v11 =	vmpcnt.ones.xlane vm1;
	vm0 =	vmand vm0, vm2  }
0x2e6: {  	v15 =	vor.u32 s28, v0;
	s0 =	sadd.s32 $0x20, s28;
	s1 =	sadd.s32 $0x30, s28;
	v16 =	vld [tilespmem:s30+$0x0];
	v9 =	vadd.s32 v13, v9;
	v13 =	vmpcnt.ones.xlane vm0  }
.Ltmp23:
0x2e7: {  	s2 =	sadd.s32 $0x10, s28;
	v17 =	vor.u32 s0, v0;
	v18 =	vor.u32 s1, v0;
	v10 =	vld [tilespmem:s30+$0x10];
	v9 =	vadd.s32 v11, v9;
	(pc) =	sbr.rel @p2 .LBB2_61-.Ltmp23, $4  }
0x2e8: {  	vm2 =	vlt.s32 v15, v7;
	v11 =	vor.u32 s2, v0;
	v9 =	vadd.s32 v13, v9  }
0x2e9: {  	vm1 =	vlt.s32 v17, v7;
	vm0 =	vlt.s32 v18, v7;
	vm4 =	vge.s32 v12, v8  }
0x2ea: {  	vm2 =	vmand vm2, vm4;
	vm4 =	vlt.s32 v11, v7;
	vm5 =	vge.s32 v14, v8  }
0x2eb: {  	s30 =	sadd.s32 $0x40, s30;
	v11 =	vmpcnt.ones.xlane vm2;
	vm2 =	vmand vm4, vm5;
	vm4 =	vge.s32 v16, v8  }
.LBB2_62:
0x2ec: {  	v12 =	vmpcnt.ones.xlane vm2;
	vm1 =	vmand vm1, vm4;
	vm2 =	vge.s32 v10, v8  }
0x2ed: {  	v9 =	vadd.s32 v9, v11;
	v10 =	vmpcnt.ones.xlane vm1;
	vm0 =	vmand vm0, vm2  }
0x2ee: {  	v9 =	vadd.s32 v12, v9;
	v11 =	vmpcnt.ones.xlane vm0  }
0x2ef: {  	v9 =	vadd.s32 v10, v9  }
0x2f0: {  	v9 =	vadd.s32 v11, v9  }
.LBB2_26:
.Ltmp24:
0x2f1: {  	(pc) =	sbr.rel @p1 .LBB2_28-.Ltmp24, $2  }
0x2f2: {  	_ =	sdelay $0x2  }
0x2f3: {  	s0 =	smov.u32 s25;
	s28 =	smov.u32 s24;
	s29 =	smov.u32 s22  }
.LBB2_27:
0x2f4: {  	v10 =	vld [tilespmem:s28+$0x0];
	_ =	sdelay $0x2  }
0x2f5: {  	s29 =	sadd.s32 $0x1, s29  }
0x2f6: {  	v11 =	vor.u32 s0, v0;
	p2 =	slt.s32 s29, s21  }
.Ltmp25:
0x2f7: {  	vm0 =	vlt.s32 v11, v7;
	vm1 =	vge.s32 v10, v8;
	(pc) =	sbr.rel @p2 .LBB2_27-.Ltmp25, $3  }
0x2f8: {  	vm0 =	vmand vm0, vm1  }
0x2f9: {  	v10 =	vmpcnt.ones.xlane vm0;
	_ =	sdelay $0x1  }
0x2fa: {  	s28 =	sadd.s32 $0x10, s28;
	s0 =	sadd.s32 $0x10, s0;
	v9 =	vadd.s32 v9, v10  }
.Ltmp26:
0x2fb: {  	_ = 	snop;
	(pc) =	sbr.rel .LBB2_28-.Ltmp26, $1  }
0x2fc: {  	_ =	sdelay $0x3  }
.LBB2_29:
0x2fd: {  	s0 =	rddreg [dreg:$0x5]  }
0x2fe: {  	[tilespmem:s3], [sflag:$0x1] =	stream.strided.gather [hbm4b:s0+s12], $0x8000, s13, s12, $0x38;
	[tilespmem:$0x1C080] =	vst v63  }
0x2ff: {  	_ =	swait.ge [sflag:s11], $0x8000  }
0x300: {  	[sflag:s11] =	ssyncset.done $0x0  }
0x301: {  	s0 =	simm.s32 $0x18040;
	[sflag:s11] =	ssyncadd.s32 $0xFFFF8000  }
0x302: {  	[tilespmem:s0+$0xFFFFFFC0] =	vst v1  }
0x303: {  	[tilespmem:s0+$0x30] =	vst v1  }
0x304: {  	[tilespmem:s0+$0x20] =	vst v1  }
0x305: {  	[tilespmem:s0+$0x10] =	vst v1  }
0x306: {  	[tilespmem:s0+$0x0] =	vst v1  }
0x307: {  	[tilespmem:s0+$0xFFFFFFF0] =	vst v1  }
0x308: {  	s20 =	simm.s32 $0x0;
	[tilespmem:s0+$0xFFFFFFE0] =	vst v1  }
.LBB2_30:
0x309: {  	s20 =	sadd.s32 $0x8, s20;
	[tilespmem:s0+$0xFFFFFFD0] =	vst v1;
	s0 =	sadd.s32 $0x80, s0  }
0x30a: {  	[tilespmem:s0+$0xFFFFFFC0] =	vst v1;
	p0 =	slt.u32 s20, $0x3F8  }
0x30b: {  	[tilespmem:s0+$0x30] =	vst v1  }
.Ltmp27:
0x30c: {  	[tilespmem:s0+$0x20] =	vst v1;
	(pc) =	sbr.rel @p0 .LBB2_30-.Ltmp27, $4  }
0x30d: {  	[tilespmem:s0+$0x10] =	vst v1  }
0x30e: {  	[tilespmem:s0+$0x0] =	vst v1  }
0x30f: {  	[tilespmem:s0+$0xFFFFFFF0] =	vst v1  }
0x310: {  	s21 =	simm.s32 $0x10040;
	[tilespmem:s0+$0xFFFFFFE0] =	vst v1  }
0x311: {  	[tilespmem:s0+$0xFFFFFFD0] =	vst v1  }
0x312: {  	v8 =	vld [tilespmem:s21+$0x10]  }
0x313: {  	s20 =	simm.s32 $0x40;
	v10 =	vld [tilespmem:s21+$0x30]  }
0x314: {  	v11 =	vld [tilespmem:s20+$0x30]  }
0x315: {  	v9 =	vld [tilespmem:s21+$0x0]  }
0x316: {  	v12 =	vld [tilespmem:s20+$0x10]  }
0x317: {  	v13 =	vld [tilespmem:s20+$0xFFFFFFE0]  }
0x318: {  	v14 =	vld [tilespmem:s20+$0x0]  }
0x319: {  	v15 =	vld [tilespmem:s21+$0xFFFFFFE0];
	_ =	sdelay $0x1  }
0x31a: {  	v20 =	vld [tilespmem:s21+$0x20]  }
0x31b: {  	v21 =	vld [tilespmem:s20+$0x20]  }
0x31c: {  	v17 =	vld [tilespmem:s20+$0xFFFFFFF0];
	v16 =	vmul.f32 v8, v12;
	v14 =	vmul.f32 v9, v14  }
0x31d: {  	v9 =	vld [tilespmem:s21+$0xFFFFFFC0];
	v8 =	vmul.f32 v10, v11;
	v13 =	vmul.f32 v15, v13  }
0x31e: {  	v10 =	vld [tilespmem:s20+$0xFFFFFFC0];
	v15 =	vshra.s32 v16, $0x1F;
	v12 =	vshra.s32 v14, $0x1F  }
0x31f: {  	v11 =	vld [tilespmem:s21+$0xFFFFFFF0];
	v18 =	vshra.s32 v13, $0x1F;
	v19 =	vand.u32 $0x7FFFFFFF, v12;
	v12 =	vshra.s32 v8, $0x1F  }
0x320: {  	v7 =	vld [tilespmem:s21+$0xFFFFFFD0];
	v22 =	vand.u32 $0x7FFFFFFF, v18;
	v18 =	vand.u32 $0x7FFFFFFF, v15;
	v19 =	vxor.u32 v14, v19  }
0x321: {  	s22 =	simm.s32 $0x0;
	s23 =	simm.s32 $0xC0;
	s24 =	simm.s32 $0x100C0;
	v15 =	vld [tilespmem:s20+$0xFFFFFFD0];
	v14 =	vxor.u32 v13, v22;
	v13 =	vmul.f32 v20, v21;
	[tilespmem:s20+$0x0] =	vst v19;
	v19 =	vshra.s32 v19, $0x12  }
.LBB2_32:
0x322: {  	v20 =	vld [tilespmem:s24+$0xFFFFFFD0];
	s22 =	sadd.s32 $0x8, s22;
	v21 =	vshra.s32 v14, $0x12;
	v19 =	vand.u32 $0xFFFFFFF0, v19;
	v16 =	vxor.u32 v16, v18  }
0x323: {  	v10 =	vmul.f32 v9, v10;
	v18 =	vld [tilespmem:s24+$0x10];
	p0 =	slt.u32 s22, $0x7F8;
	v21 =	vand.u32 $0xFFFFFFF0, v21;
	v19 =	vadd.s32 v2, v19;
	[tilespmem:s20+$0x10] =	vst v16  }
0x324: {  	v11 =	vmul.f32 v11, v17;
	v16 =	vshra.s32 v16, $0x12;
	v17 =	vshra.s32 v13, $0x1F;
	v9 =	vld [tilespmem:s24+$0xFFFFFFC0]  }
0x325: {  	v23 =	vshra.s32 v10, $0x1F;
	v21 =	vadd.s32 v2, v21;
	v16 =	vand.u32 $0xFFFFFFF0, v16;
	v22 =	vld [tilespmem:s24+$0x20]  }
0x326: {  	v25 =	vshra.s32 v11, $0x1F;
	v17 =	vand.u32 $0x7FFFFFFF, v17;
	v23 =	vand.u32 $0x7FFFFFFF, v23;
	v24 =	vld [tilespmem:s24+$0x30]  }
0x327: {  	v12 =	vand.u32 $0x7FFFFFFF, v12;
	v10 =	vxor.u32 v10, v23;
	v23 =	vand.u32 $0x7FFFFFFF, v25;
	v26 =	vld [tilespmem:s23+$0x30]  }
0x328: {  	v15 =	vmul.f32 v7, v15;
	v27 =	vshra.s32 v10, $0x12;
	v7 =	vmovc v20;
	v25 =	vld [tilespmem:s24+$0x0];
	[tilespmem:s20+$0xFFFFFFE0] =	vst v14;
	v14 =	vadd.s32 v2, v16  }
0x329: {  	v12 =	vxor.u32 v8, v12;
	v13 =	vxor.u32 v13, v17;
	v16 =	vld [tilespmem:s23+$0x10];
	[tilespmem:s20+$0xFFFFFFC0] =	vst v10;
	v10 =	vand.u32 $0xFFFFFFF0, v27  }
0x32a: {  	v8 =	vshra.s32 v15, $0x1F;
	v20 =	vadd.s32 v2, v10;
	[tilespmem:v21+s14+$0x0] =	vst.idx.add.s32.msk $0xffff, v3;
	v10 =	vshra.s32 v12, $0x12  }
0x32b: {  	v11 =	vxor.u32 v11, v23;
	v8 =	vand.u32 $0x7FFFFFFF, v8;
	v21 =	vld [tilespmem:s23+$0x20];
	[tilespmem:s20+$0x20] =	vst v13;
	v17 =	vand.u32 $0xFFFFFFF0, v10  }
0x32c: {  	v8 =	vxor.u32 v15, v8;
	v15 =	vshra.s32 v11, $0x12;
	v13 =	vshra.s32 v13, $0x12;
	v10 =	vld [tilespmem:s23+$0xFFFFFFC0];
	[tilespmem:s20+$0xFFFFFFF0] =	vst v11  }
0x32d: {  	v23 =	vshra.s32 v8, $0x12;
	v13 =	vand.u32 $0xFFFFFFF0, v13;
	v27 =	vadd.s32 v2, v17;
	v11 =	vld [tilespmem:s24+$0xFFFFFFF0];
	[tilespmem:s20+$0xFFFFFFD0] =	vst v8  }
0x32e: {  	v23 =	vand.u32 $0xFFFFFFF0, v23;
	v8 =	vmul.f32 v24, v26;
	v13 =	vadd.s32 v2, v13;
	v28 =	vld [tilespmem:s23+$0xFFFFFFE0];
	[tilespmem:s20+$0x30] =	vst v12;
	s20 =	smov.u32 s23  }
0x32f: {  	v12 =	vld [tilespmem:s23+$0x0]  }
0x330: {  	v24 =	vld [tilespmem:s24+$0xFFFFFFE0]  }
0x331: {  	v15 =	vand.u32 $0xFFFFFFF0, v15;
	v16 =	vmul.f32 v18, v16;
	[tilespmem:v14+s14+$0x0] =	vst.idx.add.s32.msk $0xffff, v3  }
0x332: {  	v14 =	vadd.s32 v2, v15;
	v17 =	vld [tilespmem:s23+$0xFFFFFFF0]  }
0x333: {  	v15 =	vadd.s32 v2, v23;
	[tilespmem:v13+s14+$0x0] =	vst.idx.add.s32.msk $0xffff, v3  }
0x334: {  	v13 =	vmul.f32 v25, v12;
	[tilespmem:v19+s14+$0x0] =	vst.idx.add.s32.msk $0xffff, v3  }
.Ltmp28:
0x335: {  	v18 =	vshra.s32 v16, $0x1F;
	v19 =	vmul.f32 v24, v28;
	[tilespmem:v20+s14+$0x0] =	vst.idx.add.s32.msk $0xffff, v3;
	(pc) =	sbr.rel @p0 .LBB2_32-.Ltmp28, $4  }
0x336: {  	v12 =	vshra.s32 v13, $0x1F;
	[tilespmem:v27+s14+$0x0] =	vst.idx.add.s32.msk $0xffff, v3  }
0x337: {  	v20 =	vshra.s32 v19, $0x1F;
	v23 =	vand.u32 $0x7FFFFFFF, v12;
	v12 =	vshra.s32 v8, $0x1F;
	[tilespmem:v14+s14+$0x0] =	vst.idx.add.s32.msk $0xffff, v3  }
0x338: {  	v18 =	vand.u32 $0x7FFFFFFF, v18;
	v14 =	vand.u32 $0x7FFFFFFF, v20;
	v13 =	vxor.u32 v13, v23;
	[tilespmem:v15+s14+$0x0] =	vst.idx.add.s32.msk $0xffff, v3  }
0x339: {  	s21 =	simm.s32 $0x3F0;
	s24 =	sadd.s32 $0x80, s24;
	s23 =	sadd.s32 $0x80, s23;
	v15 =	vld [tilespmem:s20+$0xFFFFFFD0];
	v14 =	vxor.u32 v19, v14;
	[tilespmem:s20+$0x0] =	vst v13;
	v19 =	vshra.s32 v13, $0x12;
	v13 =	vmul.f32 v22, v21  }
0x33a: {  	v20 =	vshra.s32 v14, $0x12;
	v19 =	vand.u32 $0xFFFFFFF0, v19  }
0x33b: {  	v16 =	vxor.u32 v16, v18;
	v9 =	vmul.f32 v9, v10;
	v11 =	vmul.f32 v11, v17  }
0x33c: {  	v12 =	vand.u32 $0x7FFFFFFF, v12;
	v10 =	vand.u32 $0xFFFFFFF0, v20;
	v18 =	vadd.s32 v2, v19  }
0x33d: {  	v17 =	vshra.s32 v16, $0x12;
	v19 =	vshra.s32 v13, $0x1F;
	v8 =	vxor.u32 v8, v12  }
0x33e: {  	v20 =	vshra.s32 v9, $0x1F;
	v10 =	vadd.s32 v2, v10;
	v17 =	vand.u32 $0xFFFFFFF0, v17  }
0x33f: {  	[tilespmem:s20+$0x10] =	vst v16;
	v21 =	vshra.s32 v11, $0x1F;
	v16 =	vand.u32 $0x7FFFFFFF, v19;
	v20 =	vand.u32 $0x7FFFFFFF, v20  }
0x340: {  	[tilespmem:s20+$0xFFFFFFE0] =	vst v14;
	v19 =	vand.u32 $0x7FFFFFFF, v21;
	v13 =	vxor.u32 v13, v16;
	v9 =	vxor.u32 v9, v20  }
0x341: {  	v7 =	vmul.f32 v7, v15;
	v14 =	vshra.s32 v9, $0x12;
	[tilespmem:s20+$0xFFFFFFC0] =	vst v9;
	v9 =	vshra.s32 v13, $0x12  }
0x342: {  	v15 =	vadd.s32 v2, v17;
	v11 =	vxor.u32 v11, v19;
	[tilespmem:s20+$0x20] =	vst v13;
	v9 =	vand.u32 $0xFFFFFFF0, v9  }
0x343: {  	v13 =	vshra.s32 v8, $0x12;
	[tilespmem:s20+$0xFFFFFFF0] =	vst v11;
	v12 =	vshra.s32 v7, $0x1F;
	v9 =	vadd.s32 v2, v9  }
0x344: {  	v11 =	vshra.s32 v11, $0x12;
	[tilespmem:v10+s14+$0x0] =	vst.idx.add.s32.msk $0xffff, v3;
	v10 =	vand.u32 $0x7FFFFFFF, v12;
	v12 =	vand.u32 $0xFFFFFFF0, v14  }
0x345: {  	[tilespmem:s20+$0x30] =	vst v8;
	v8 =	vand.u32 $0xFFFFFFF0, v11;
	v7 =	vxor.u32 v7, v10;
	v10 =	vadd.s32 v2, v12  }
0x346: {  	v8 =	vadd.s32 v2, v8;
	v12 =	vand.u32 $0xFFFFFFF0, v13;
	[tilespmem:s20+$0xFFFFFFD0] =	vst v7;
	v7 =	vshra.s32 v7, $0x12  }
0x347: {  	v11 =	vmov s21;
	[tilespmem:v18+s14+$0x0] =	vst.idx.add.s32.msk $0xffff, v3;
	v12 =	vadd.s32 v2, v12;
	v7 =	vand.u32 $0xFFFFFFF0, v7  }
0x348: {  	v7 =	vadd.s32 v2, v7;
	[tilespmem:v9+s14+$0x0] =	vst.idx.add.s32.msk $0xffff, v3;
	v9 =	vshll.u32 v11, $0x4  }
0x349: {  	[tilespmem:v15+s14+$0x0] =	vst.idx.add.s32.msk $0xffff, v3;
	v9 =	vor.u32 v4, v9  }
0x34a: {  	[tilespmem:v10+s14+$0x0] =	vst.idx.add.s32.msk $0xffff, v3;
	v10 =	vor.u32 $0x1, v9  }
0x34b: {  	[tilespmem:v8+s14+$0x0] =	vst.idx.add.s32.msk $0xffff, v3;
	v11 =	vor.u32 $0x2, v9  }
0x34c: {  	[tilespmem:v12+s14+$0x0] =	vst.idx.add.s32.msk $0xffff, v3;
	v8 =	vor.u32 $0x3, v9  }
0x34d: {  	v13 =	vor.u32 $0x5, v9;
	[tilespmem:v7+s14+$0x0] =	vst.idx.add.s32.msk $0xffff, v3  }
0x34e: {  	v14 =	vor.u32 $0x6, v9;
	v12 =	vld.idx.msk [tilespmem:v9+s14+$0x0], $0xffff  }
0x34f: {  	v7 =	vor.u32 $0x4, v9;
	v10 =	vld.idx.msk [tilespmem:v10+s14+$0x0], $0xffff  }
0x350: {  	v15 =	vor.u32 $0x7, v9;
	v11 =	vld.idx.msk [tilespmem:v11+s14+$0x0], $0xffff  }
0x351: {  	v17 =	vor.u32 $0x9, v9;
	v8 =	vld.idx.msk [tilespmem:v8+s14+$0x0], $0xffff  }
0x352: {  	v16 =	vor.u32 $0x8, v9;
	v13 =	vld.idx.msk [tilespmem:v13+s14+$0x0], $0xffff  }
0x353: {  	v18 =	vor.u32 $0xA, v9;
	v14 =	vld.idx.msk [tilespmem:v14+s14+$0x0], $0xffff  }
0x354: {  	v20 =	vor.u32 $0xC, v9;
	v7 =	vld.idx.msk [tilespmem:v7+s14+$0x0], $0xffff  }
0x355: {  	v19 =	vor.u32 $0xB, v9;
	v15 =	vld.idx.msk [tilespmem:v15+s14+$0x0], $0xffff  }
0x356: {  	s23 =	simm.s32 $0x3E0;
	v21 =	vor.u32 $0xE, v9;
	v17 =	vld.idx.msk [tilespmem:v17+s14+$0x0], $0xffff;
	v10 =	vadd.s32 v12, v10  }
0x357: {  	v12 =	vld.idx.msk [tilespmem:v16+s14+$0x0], $0xffff;
	v16 =	vor.u32 $0xD, v9;
	v10 =	vadd.s32 v11, v10;
	v11 =	vmov s23  }
0x358: {  	v9 =	vor.u32 $0xF, v9;
	v8 =	vadd.s32 v8, v10;
	v10 =	vshll.u32 v11, $0x4;
	v11 =	vld.idx.msk [tilespmem:v18+s14+$0x0], $0xffff  }
0x359: {  	v18 =	vld.idx.msk [tilespmem:v20+s14+$0x0], $0xffff;
	v7 =	vadd.s32 v7, v8;
	v8 =	vor.u32 v4, v10  }
0x35a: {  	v10 =	vld.idx.msk [tilespmem:v19+s14+$0x0], $0xffff;
	v7 =	vadd.s32 v13, v7;
	v13 =	vor.u32 $0x1, v8  }
0x35b: {  	v19 =	vld.idx.msk [tilespmem:v21+s14+$0x0], $0xffff;
	v7 =	vadd.s32 v14, v7;
	v14 =	vor.u32 $0x2, v8  }
0x35c: {  	v16 =	vld.idx.msk [tilespmem:v16+s14+$0x0], $0xffff;
	v7 =	vadd.s32 v15, v7;
	v15 =	vor.u32 $0x3, v8  }
0x35d: {  	v9 =	vld.idx.msk [tilespmem:v9+s14+$0x0], $0xffff;
	v7 =	vadd.s32 v12, v7;
	v12 =	vor.u32 $0x4, v8  }
0x35e: {  	v20 =	vor.u32 $0x5, v8;
	v7 =	vadd.s32 v17, v7;
	v17 =	vld.idx.msk [tilespmem:v8+s14+$0x0], $0xffff  }
0x35f: {  	v7 =	vadd.s32 v11, v7;
	v11 =	vld.idx.msk [tilespmem:v13+s14+$0x0], $0xffff;
	v13 =	vor.u32 $0x6, v8  }
0x360: {  	v7 =	vadd.s32 v10, v7;
	v10 =	vld.idx.msk [tilespmem:v14+s14+$0x0], $0xffff;
	v14 =	vor.u32 $0x7, v8  }
0x361: {  	v7 =	vadd.s32 v18, v7;
	v15 =	vld.idx.msk [tilespmem:v15+s14+$0x0], $0xffff;
	v18 =	vor.u32 $0x8, v8  }
0x362: {  	v7 =	vadd.s32 v16, v7;
	v12 =	vld.idx.msk [tilespmem:v12+s14+$0x0], $0xffff;
	v16 =	vor.u32 $0x9, v8  }
0x363: {  	v7 =	vadd.s32 v19, v7;
	v19 =	vld.idx.msk [tilespmem:v20+s14+$0x0], $0xffff;
	v20 =	vor.u32 $0xA, v8  }
0x364: {  	v7 =	vadd.s32 v9, v7;
	v9 =	vld.idx.msk [tilespmem:v13+s14+$0x0], $0xffff;
	v13 =	vor.u32 $0xB, v8  }
0x365: {  	v11 =	vadd.s32 v17, v11;
	v17 =	vor.u32 $0xC, v8;
	v21 =	vperm.xlane v7, v5;
	v14 =	vld.idx.msk [tilespmem:v14+s14+$0x0], $0xffff  }
0x366: {  	s22 =	simm.s32 $0x3D0;
	v10 =	vadd.s32 v10, v11;
	v11 =	vld.idx.msk [tilespmem:v18+s14+$0x0], $0xffff;
	v18 =	vor.u32 $0xD, v8  }
0x367: {  	v10 =	vadd.s32 v15, v10;
	(xrf0) =	vadd.scan.msk.s32 $0xffff, v21;
	v21 =	vmov s22;
	v15 =	vld.idx.msk [tilespmem:v16+s14+$0x0], $0xffff;
	v16 =	vor.u32 $0xE, v8  }
0x368: {  	v10 =	vadd.s32 v12, v10;
	v8 =	vor.u32 $0xF, v8;
	(xrf0) =	vadd.scan.msk.s32 $0xffff, v7;
	v21 =	vshll.u32 v21, $0x4;
	v12 =	vld.idx.msk [tilespmem:v20+s14+$0x0], $0xffff  }
0x369: {  	v10 =	vadd.s32 v19, v10;
	v20 =	vor.u32 v4, v21;
	v13 =	vld.idx.msk [tilespmem:v13+s14+$0x0], $0xffff  }
0x36a: {  	v9 =	vadd.s32 v9, v10;
	v10 =	vld.idx.msk [tilespmem:v17+s14+$0x0], $0xffff;
	v19 =	vor.u32 $0x1, v20  }
0x36b: {  	v17 =	vor.u32 $0x2, v20;
	v9 =	vadd.s32 v14, v9;
	v14 =	vld.idx.msk [tilespmem:v18+s14+$0x0], $0xffff  }
0x36c: {  	v18 =	vor.u32 $0x3, v20;
	v9 =	vadd.s32 v11, v9;
	v11 =	vld.idx.msk [tilespmem:v16+s14+$0x0], $0xffff  }
0x36d: {  	v24 =	vor.u32 $0x5, v20;
	v9 =	vadd.s32 v15, v9;
	v8 =	vld.idx.msk [tilespmem:v8+s14+$0x0], $0xffff;
	v21, _, _ =	vpop (xrf0)  }
0x36e: {  	v22 =	vor.u32 $0x4, v20;
	v9 =	vadd.s32 v12, v9;
	v15 =	vperm.xlane v21, v5;
	v21, _, _ =	vpop (xrf0);
	v23 =	vld.idx.msk [tilespmem:v20+s14+$0x0], $0xffff  }
0x36f: {  	s20 =	simm.s32 $0x0;
	v9 =	vadd.s32 v13, v9;
	(v2sf) =	vpush v21, $0xF;
	v12 =	vld.idx.msk [tilespmem:v19+s14+$0x0], $0xffff;
	v19 =	vor.u32 $0x6, v20  }
0x370: {  	v9 =	vadd.s32 v10, v9;
	v13 =	vadd.s32 s20, v15;
	v15 =	vld.idx.msk [tilespmem:v17+s14+$0x0], $0xffff;
	v17 =	vor.u32 $0x7, v20  }
0x371: {  	v16 =	vor.u32 s21, v6;
	v10 =	vld.idx.msk [tilespmem:v18+s14+$0x0], $0xffff;
	v9 =	vadd.s32 v14, v9  }
0x372: {  	v18 =	vor.u32 $0x8, v20;
	vm0 =	vgt.s32 v13, $0x1FFF;
	v9 =	vadd.s32 v11, v9;
	v11 =	vld.idx.msk [tilespmem:v24+s14+$0x0], $0xffff  }
0x373: {  	v21 =	vor.u32 $0x9, v20;
	v7 =	vsub.s32 v13, v7;
	v14 =	vnsel vm0, $0x7FFFFFFF, v16;
	v16 =	vld.idx.msk [tilespmem:v22+s14+$0x0], $0xffff  }
0x374: {  	v13 =	vor.u32 $0xA, v20;
	v8 =	vadd.s32 v8, v9;
	v7 =	vxor.u32 $0x80000000, v7;
	(xrf0) =	vmax.scan.msk.u32 $0xffff, v14;
	v9 =	vld.idx.msk [tilespmem:v19+s14+$0x0], $0xffff  }
0x375: {  	v7 =	vnsel vm0, $0xC0000000, v7;
	v12 =	vadd.s32 v23, v12;
	v14 =	vld.idx.msk [tilespmem:v17+s14+$0x0], $0xffff;
	v17 =	vor.u32 $0xC, v20  }
0x376: {  	v22 =	vperm.xlane v8, v5;
	v19 =	vor.u32 $0xB, v20;
	(xrf0) =	vmin.scan.msk.u32 $0xffff, v7;
	v7 =	vadd.s32 v15, v12  }
0x377: {  	s21 =	simm.s32 $0x3C0;
	v12 =	vld.idx.msk [tilespmem:v18+s14+$0x0], $0xffff;
	v15 =	vor.u32 $0xD, v20;
	v7 =	vadd.s32 v10, v7  }
0x378: {  	(xrf0) =	vadd.scan.msk.s32 $0xffff, v22;
	v18 =	vmov s21;
	v10 =	vld.idx.msk [tilespmem:v21+s14+$0x0], $0xffff;
	v21 =	vor.u32 $0xE, v20;
	v16 =	vadd.s32 v16, v7  }
0x379: {  	(xrf0) =	vadd.scan.msk.s32 $0xffff, v8;
	v18 =	vshll.u32 v18, $0x4;
	v13 =	vld.idx.msk [tilespmem:v13+s14+$0x0], $0xffff;
	v20 =	vor.u32 $0xF, v20;
	v11 =	vadd.s32 v11, v16  }
0x37a: {  	v7 =	vor.u32 v4, v18;
	v9 =	vadd.s32 v9, v11;
	v11 =	vld.idx.msk [tilespmem:v17+s14+$0x0], $0xffff;
	v17, _, _ =	vpop (xrf0)  }
0x37b: {  	v18 =	vor.u32 $0x1, v7;
	v16 =	vld.idx.msk [tilespmem:v19+s14+$0x0], $0xffff;
	(v2sf) =	vpush v17, $0xF  }
0x37c: {  	v19 =	vor.u32 $0x2, v7;
	v9 =	vadd.s32 v14, v9;
	v14 =	vld.idx.msk [tilespmem:v15+s14+$0x0], $0xffff  }
0x37d: {  	v23 =	vor.u32 $0x4, v7;
	v15 =	vor.u32 $0x3, v7;
	v22, _, _ =	vpop (xrf0);
	v9 =	vadd.s32 v12, v9;
	v12 =	vld.idx.msk [tilespmem:v21+s14+$0x0], $0xffff  }
0x37e: {  	v25 =	vor.u32 $0x5, v7;
	v26 =	vor.u32 $0x8, v7;
	v20 =	vld.idx.msk [tilespmem:v20+s14+$0x0], $0xffff;
	v21, _, _ =	vpop (xrf0);
	v9 =	vadd.s32 v10, v9  }
0x37f: {  	v17 =	vor.u32 s23, v6;
	v63 =	vld.idx.msk [tilespmem:v7+s14+$0x0], $0xffff;
	v10 =	vperm.xlane v21, v5;
	v21, _, _ =	vpop (xrf0);
	v9 =	vadd.s32 v13, v9;
	s0 =	spop (v2sf)  }
0x380: {  	v13 =	vld.idx.msk [tilespmem:v18+s14+$0x0], $0xffff;
	v18 =	vor.u32 $0x6, v7;
	(v2sf) =	vpush v21, $0xF;
	v9 =	vadd.s32 v16, v9;
	s25 =	sadd.s32 $0x0, s0  }
0x381: {  	v19 =	vld.idx.msk [tilespmem:v19+s14+$0x0], $0xffff;
	v16 =	vor.u32 $0x7, v7;
	v9 =	vadd.s32 v11, v9;
	v10 =	vadd.s32 s25, v10  }
0x382: {  	v21 =	vld.idx.msk [tilespmem:v15+s14+$0x0], $0xffff;
	v11 =	vadd.s32 v14, v9;
	v14 =	vor.u32 $0x9, v7;
	vm0 =	vgt.s32 v10, $0x1FFF  }
0x383: {  	v9 =	vld.idx.msk [tilespmem:v23+s14+$0x0], $0xffff;
	v11 =	vadd.s32 v12, v11;
	v12 =	vsub.s32 v10, v8;
	v15 =	vnsel vm0, $0x7FFFFFFF, v17  }
0x384: {  	v10 =	vld.idx.msk [tilespmem:v25+s14+$0x0], $0xffff;
	v8 =	vadd.s32 v20, v11;
	v12 =	vxor.u32 $0x80000000, v12;
	(xrf0) =	vmax.scan.msk.u32 $0xffff, v15  }
0x385: {  	v17 =	vor.u32 $0xA, v7;
	v11 =	vld.idx.msk [tilespmem:v18+s14+$0x0], $0xffff;
	v20 =	vperm.xlane v8, v5;
	v18 =	vnsel vm0, $0xC0000000, v12  }
0x386: {  	(v2sf) =	vpush v22, $0xF;
	v13 =	vadd.s32 v63, v13;
	v15 =	vor.u32 $0xB, v7;
	v12 =	vld.idx.msk [tilespmem:v16+s14+$0x0], $0xffff;
	(xrf0) =	vmin.scan.msk.u32 $0xffff, v18  }
0x387: {  	s23 =	simm.s32 $0x3B0;
	v16 =	vor.u32 $0xC, v7;
	v19 =	vadd.s32 v19, v13;
	v13 =	vld.idx.msk [tilespmem:v26+s14+$0x0], $0xffff;
	v18 =	vor.u32 $0xD, v7;
	(xrf0) =	vadd.scan.msk.s32 $0xffff, v20  }
0x388: {  	s24 =	simm.s32 $0xFFFFFFFF;
	s26 =	simm.s32 $0x3A0;
	v21 =	vadd.s32 v21, v19;
	v19 =	vor.u32 $0xE, v7;
	v20 =	vmov s23;
	v14 =	vld.idx.msk [tilespmem:v14+s14+$0x0], $0xffff;
	(xrf0) =	vadd.scan.msk.s32 $0xffff, v8  }
.LBB2_34:
0x389: {  	s0 =	smov.u32 s24  }
0x38a: {  	p0 =	sne.s32 s26, $0x0;
	v20 =	vshll.u32 v20, $0x4;
	v9 =	vadd.s32 v9, v21;
	v21 =	vor.u32 $0xF, v7;
	v17 =	vld.idx.msk [tilespmem:v17+s14+$0x0], $0xffff;
	v22, _, _ =	vpop (xrf0);
	s1 =	spop (v2sf)  }
0x38b: {  	v7 =	vor.u32 v4, v20;
	v9 =	vadd.s32 v10, v9;
	v10 =	vld.idx.msk [tilespmem:v15+s14+$0x0], $0xffff;
	(v2sf) =	vpush v22, $0xF;
	s24 =	sxor.u32 $0x80000000, s1  }
0x38c: {  	v15 =	vor.u32 $0x1, v7;
	v9 =	vadd.s32 v11, v9;
	v11 =	vld.idx.msk [tilespmem:v16+s14+$0x0], $0xffff;
	p1 =	sgt.s32 s24, s0;
	p2 =	sgt.s32 s0, s24  }
0x38d: {  	v16 =	vor.u32 $0x2, v7;
	v9 =	vadd.s32 v12, v9;
	v12 =	vld.idx.msk [tilespmem:v18+s14+$0x0], $0xffff;
	v18, _, _ =	vpop (xrf0);
	s24 =	smov.u32 @p2 s0  }
0x38e: {  	v20 =	vor.u32 $0x3, v7;
	v9 =	vadd.s32 v13, v9;
	v13 =	vld.idx.msk [tilespmem:v19+s14+$0x0], $0xffff;
	v19 =	vor.u32 s22, v6;
	v22, _, _ =	vpop (xrf0);
	s22 =	smov.u32 s21;
	s21 =	smov.u32 s23;
	s23 =	smov.u32 s26  }
0x38f: {  	v23 =	vor.u32 $0x4, v7;
	v9 =	vadd.s32 v14, v9;
	v14 =	vld.idx.msk [tilespmem:v21+s14+$0x0], $0xffff;
	v21 =	vperm.xlane v22, v5;
	v22, _, _ =	vpop (xrf0);
	s0 =	spop (v2sf)  }
0x390: {  	v25 =	vor.u32 $0x5, v7;
	v9 =	vadd.s32 v17, v9;
	v24 =	vld.idx.msk [tilespmem:v7+s14+$0x0], $0xffff;
	(v2sf) =	vpush v22, $0xF;
	s25 =	sadd.s32 s25, s0  }
0x391: {  	v9 =	vadd.s32 v10, v9;
	v22 =	vld.idx.msk [tilespmem:v15+s14+$0x0], $0xffff;
	v15 =	vor.u32 $0x6, v7;
	v10 =	vadd.s32 s25, v21  }
0x392: {  	v9 =	vadd.s32 v11, v9;
	v21 =	vld.idx.msk [tilespmem:v16+s14+$0x0], $0xffff;
	v16 =	vor.u32 $0x7, v7;
	vm0 =	vgt.s32 v10, $0x1FFF  }
0x393: {  	v11 =	vadd.s32 v12, v9;
	v26 =	vld.idx.msk [tilespmem:v20+s14+$0x0], $0xffff;
	v20 =	vor.u32 $0x8, v7;
	v12 =	vnsel vm0, $0x7FFFFFFF, v19  }
0x394: {  	v19 =	vor.u32 $0x9, v7;
	v11 =	vadd.s32 v13, v11;
	v13 =	vsub.s32 v10, v8;
	v9 =	vld.idx.msk [tilespmem:v23+s14+$0x0], $0xffff;
	(xrf0) =	vmax.scan.msk.u32 $0xffff, v12  }
.Ltmp29:
0x395: {  	v17 =	vor.u32 $0xA, v7;
	v8 =	vadd.s32 v14, v11;
	v12 =	vxor.u32 $0x80000000, v13;
	v10 =	vld.idx.msk [tilespmem:v25+s14+$0x0], $0xffff;
	(pc) =	sbr.rel @p0 .LBB2_34-.Ltmp29, $4  }
0x396: {  	v14 =	vperm.xlane v8, v5;
	v13 =	vnsel vm0, $0xC0000000, v12;
	v11 =	vld.idx.msk [tilespmem:v15+s14+$0x0], $0xffff;
	v15 =	vor.u32 $0xB, v7;
	s0 =	spop (v2sf)  }
0x397: {  	v22 =	vadd.s32 v24, v22;
	v12 =	vld.idx.msk [tilespmem:v16+s14+$0x0], $0xffff;
	v16 =	vor.u32 $0xC, v7;
	(xrf0) =	vmin.scan.msk.u32 $0xffff, v13;
	(v2sf) =	vpush v18, $0xF;
	s0 =	sxor.u32 $0x80000000, s0  }
0x398: {  	v21 =	vadd.s32 v21, v22;
	v18 =	vor.u32 $0xD, v7;
	v13 =	vld.idx.msk [tilespmem:v20+s14+$0x0], $0xffff;
	(xrf0) =	vadd.scan.msk.s32 $0xffff, v14;
	s20 =	smov.u32 @p1 s0  }
0x399: {  	s26 =	sadd.s32 $0xFFFFFFF0, s26;
	v20 =	vmov s23;
	v21 =	vadd.s32 v26, v21;
	v14 =	vld.idx.msk [tilespmem:v19+s14+$0x0], $0xffff;
	v19 =	vor.u32 $0xE, v7;
	(xrf0) =	vadd.scan.msk.s32 $0xffff, v8  }
0x39a: {  	_ =	sdelay $0x3  }
0x39b: {  	v9 =	vadd.s32 v9, v21;
	v20 =	vshll.u32 v20, $0x4;
	v17 =	vld.idx.msk [tilespmem:v17+s14+$0x0], $0xffff;
	v7 =	vor.u32 $0xF, v7  }
0x39c: {  	v15 =	vld.idx.msk [tilespmem:v15+s14+$0x0], $0xffff;
	v9 =	vadd.s32 v10, v9;
	v10, _, _ =	vpop (xrf0);
	v20 =	vor.u32 v4, v20  }
0x39d: {  	v9 =	vadd.s32 v11, v9;
	(v2sf) =	vpush v10, $0xF;
	v10 =	vor.u32 $0x1, v20;
	v11 =	vld.idx.msk [tilespmem:v16+s14+$0x0], $0xffff  }
0x39e: {  	v16 =	vld.idx.msk [tilespmem:v18+s14+$0x0], $0xffff;
	v9 =	vadd.s32 v12, v9;
	v12 =	vor.u32 $0x2, v20  }
0x39f: {  	v58 =	vor.u32 $0x3, v20;
	v18, _, _ =	vpop (xrf0);
	v9 =	vadd.s32 v13, v9;
	v13 =	vld.idx.msk [tilespmem:v19+s14+$0x0], $0xffff  }
0x3a0: {  	s26 =	spop (v2sf);
	v23 =	vor.u32 $0x4, v20;
	v22, _, _ =	vpop (xrf0);
	v9 =	vadd.s32 v14, v9;
	v7 =	vld.idx.msk [tilespmem:v7+s14+$0x0], $0xffff  }
0x3a1: {  	v24 =	vor.u32 $0x5, v20;
	v14 =	vperm.xlane v22, v5;
	s0 =	spop (v2sf);
	v9 =	vadd.s32 v17, v9;
	v17 =	vld.idx.msk [tilespmem:v20+s14+$0x0], $0xffff  }
0x3a2: {  	v60 =	vor.u32 $0x6, v20;
	v19 =	vor.u32 s22, v6;
	v59, _, _ =	vpop (xrf0);
	s25 =	sadd.s32 s25, s0;
	v9 =	vadd.s32 v15, v9;
	v10 =	vld.idx.msk [tilespmem:v10+s14+$0x0], $0xffff  }
0x3a3: {  	(v2sf) =	vpush v59, $0xF;
	v14 =	vadd.s32 s25, v14;
	v9 =	vadd.s32 v11, v9;
	v11 =	vld.idx.msk [tilespmem:v12+s14+$0x0], $0xffff  }
0x3a4: {  	v15 =	vor.u32 $0x7, v20;
	vm0 =	vgt.s32 v14, $0x1FFF;
	v9 =	vadd.s32 v16, v9;
	v16 =	vld.idx.msk [tilespmem:v58+s14+$0x0], $0xffff  }
0x3a5: {  	v12 =	vor.u32 $0x8, v20;
	v8 =	vsub.s32 v14, v8;
	v9 =	vadd.s32 v13, v9;
	v13 =	vld.idx.msk [tilespmem:v23+s14+$0x0], $0xffff  }
0x3a6: {  	v14 =	vor.u32 $0x9, v20;
	v19 =	vnsel vm0, $0x7FFFFFFF, v19;
	v7 =	vadd.s32 v7, v9;
	v9 =	vld.idx.msk [tilespmem:v24+s14+$0x0], $0xffff  }
0x3a7: {  	v22 =	vld.idx.msk [tilespmem:v60+s14+$0x0], $0xffff;
	v8 =	vxor.u32 $0x80000000, v8;
	(xrf0) =	vmax.scan.msk.u32 $0xffff, v19;
	v19 =	vor.u32 $0xA, v20;
	v10 =	vadd.s32 v17, v10  }
0x3a8: {  	v8 =	vnsel vm0, $0xC0000000, v8;
	v61 =	vperm.xlane v7, v5;
	v10 =	vadd.s32 v11, v10  }
0x3a9: {  	v62 =	vor.u32 $0xB, v20;
	(xrf0) =	vmin.scan.msk.u32 $0xffff, v8;
	v10 =	vadd.s32 v16, v10  }
0x3aa: {  	v8 =	vld.idx.msk [tilespmem:v15+s14+$0x0], $0xffff;
	v15 =	vor.u32 $0xC, v20;
	(xrf0) =	vadd.scan.msk.s32 $0xffff, v61;
	v10 =	vadd.s32 v13, v10  }
0x3ab: {  	v11 =	vld.idx.msk [tilespmem:v12+s14+$0x0], $0xffff;
	v12 =	vor.u32 $0xD, v20;
	(xrf0) =	vadd.scan.msk.s32 $0xffff, v7;
	v9 =	vadd.s32 v9, v10  }
0x3ac: {  	v14 =	vld.idx.msk [tilespmem:v14+s14+$0x0], $0xffff;
	v16 =	vor.u32 $0xE, v20;
	v9 =	vadd.s32 v22, v9  }
0x3ad: {  	v17 =	vor.u32 $0xF, v20;
	v13 =	vld.idx.msk [tilespmem:v19+s14+$0x0], $0xffff  }
0x3ae: {  	v19 =	vld.idx.msk [tilespmem:v62+s14+$0x0], $0xffff;
	v10, _, _ =	vpop (xrf0)  }
0x3af: {  	v15 =	vld.idx.msk [tilespmem:v15+s14+$0x0], $0xffff;
	v8 =	vadd.s32 v8, v9;
	v9, _, _ =	vpop (xrf0)  }
0x3b0: {  	(v2sf) =	vpush v18, $0xF;
	v12 =	vld.idx.msk [tilespmem:v12+s14+$0x0], $0xffff;
	v8 =	vadd.s32 v11, v8;
	v11, _, _ =	vpop (xrf0)  }
0x3b1: {  	s30 =	spop (v2sf);
	(v2sf) =	vpush v10, $0xF;
	v10 =	vld.idx.msk [tilespmem:v16+s14+$0x0], $0xffff;
	v8 =	vadd.s32 v14, v8;
	v14, _, _ =	vpop (xrf0)  }
0x3b2: {  	s31 =	spop (v2sf);
	v16 =	vld.idx.msk [tilespmem:v17+s14+$0x0], $0xffff;
	v8 =	vadd.s32 v13, v8;
	(v2sf) =	vpush v14, $0xF  }
0x3b3: {  	s1 =	spop (v2sf);
	v11 =	vperm.xlane v11, v5;
	v8 =	vadd.s32 v19, v8  }
0x3b4: {  	s1 =	sadd.s32 s25, s1;
	v8 =	vadd.s32 v15, v8  }
0x3b5: {  	v13 =	vor.u32 s21, v6;
	v11 =	vadd.s32 s1, v11;
	v8 =	vadd.s32 v12, v8  }
0x3b6: {  	vm0 =	vgt.s32 v11, $0x1FFF;
	v8 =	vadd.s32 v10, v8;
	v7 =	vsub.s32 v11, v7  }
0x3b7: {  	v10 =	vnsel vm0, $0x7FFFFFFF, v13;
	v8 =	vadd.s32 v16, v8;
	v7 =	vxor.u32 $0x80000000, v7  }
0x3b8: {  	(xrf0) =	vmax.scan.msk.u32 $0xffff, v10;
	v10 =	vperm.xlane v8, v5;
	v7 =	vnsel vm0, $0xC0000000, v7  }
0x3b9: {  	(xrf0) =	vmin.scan.msk.u32 $0xffff, v7  }
0x3ba: {  	(xrf0) =	vadd.scan.msk.s32 $0xffff, v10;
	_ =	sdelay $0x3  }
0x3bb: {  	v7, _, _ =	vpop (xrf0)  }
0x3bc: {  	s5 =	spop (v2sf);
	v10, _, _ =	vpop (xrf0)  }
0x3bd: {  	s2 =	spop (v2sf);
	v11, _, _ =	vpop (xrf0)  }
0x3be: {  	v11 =	vperm.xlane v11, v5;
	s10 =	spop (v2sf)  }
0x3bf: {  	s1 =	sadd.s32 s1, s10  }
0x3c0: {  	v11 =	vadd.s32 s1, v11  }
0x3c1: {  	v12 =	vor.u32 s23, v6;
	(xrf0) =	vadd.scan.msk.s32 $0xffff, v8;
	vm0 =	vgt.s32 v11, $0x1FFF  }
0x3c2: {  	v12 =	vnsel vm0, $0x7FFFFFFF, v12  }
0x3c3: {  	(xrf0) =	vmax.scan.msk.u32 $0xffff, v12;
	_ =	sdelay $0x2  }
0x3c4: {  	(v2sf) =	vpush v9, $0xF  }
0x3c5: {  	(v2sf) =	vpush v7, $0xF;
	v7, _, _ =	vpop (xrf0)  }
0x3c6: {  	(v2sf) =	vpush v7, $0xF  }
0x3c7: {  	(v2sf) =	vpush v10, $0xF;
	v7, _, _ =	vpop (xrf0)  }
0x3c8: {  	(v2sf) =	vpush v7, $0xF;
	_ =	sdelay $0x7  }
0x3c9: {  	s1 =	sxor.u32 $0x80000000, s26;
	v7 =	vsub.s32 v11, v8  }
0x3ca: {  	s0 =	sxor.u32 $0x80000000, s31;
	p0 =	sgt.s32 s24, s1;
	v7 =	vxor.u32 $0x80000000, v7  }
0x3cb: {  	p1 =	sgt.s32 s1, s24;
	s1 =	smov.u32 @p0 s24;
	s24 =	simm.s32 $0x20;
	v7 =	vnsel vm0, $0xC0000000, v7  }
0x3cc: {  	s6 =	spop (v2sf);
	p0 =	sgt.s32 s0, s1;
	p2 =	sgt.s32 s1, s0;
	v17 =	vld [tilespmem:s24+$0xFFFFFFE0];
	(xrf0) =	vmin.scan.msk.u32 $0xffff, v7  }
0x3cd: {  	v10 =	vld [tilespmem:s24+$0xFFFFFFF0];
	s0 =	smov.u32 @p2 s1;
	s1 =	sxor.u32 $0x80000000, s2;
	s21 =	spop (v2sf)  }
0x3ce: {  	p2 =	sgt.s32 s1, s0;
	p3 =	sgt.s32 s0, s1;
	v7 =	vld [tilespmem:s24+$0x10];
	s16 =	spop (v2sf)  }
0x3cf: {  	s1 =	smov.u32 @p3 s0;
	s0 =	sxor.u32 $0x80000000, s21;
	s26 =	spop (v2sf)  }
0x3d0: {  	v9 =	vld [tilespmem:s24+$0x0];
	p4 =	sgt.s32 s1, s0;
	s28 =	spop (v2sf)  }
0x3d1: {  	p3 =	sgt.s32 s0, s1;
	s0 =	smov.u32 @p4 s1;
	s21 =	sxor.u32 $0x80000000, s28  }
0x3d2: {  	v12 =	vshra.s32 v10, $0x16;
	v11 =	vimm.s32 $0x0;
	v8, _, _ =	vpop (xrf0);
	p5 =	sgt.s32 s0, s21  }
0x3d3: {  	v13 =	vshra.s32 v7, $0x16;
	(v2sf) =	vpush v8, $0xF;
	v8 =	vshra.s32 v17, $0x16;
	p4 =	sgt.s32 s21, s0;
	s21 =	smov.u32 @p5 s0  }
0x3d4: {  	(v2sf) =	vpush v11, $0x0;
	v8 =	vadd.s32 $0x200, v8;
	v16 =	vmov s21  }
0x3d5: {  	vm0 =	veq.s32 v8, v16;
	v8 =	vadd.s32 $0x200, v12;
	v12 =	vshra.s32 v9, $0x16  }
0x3d6: {  	s29 =	simm.s32 $0x60;
	v14 =	vmpcnt.ones.xlane vm0;
	vm2 =	veq.s32 v8, v16;
	v12 =	vadd.s32 $0x200, v12  }
0x3d7: {  	v15 =	vmpcnt.ones.xlane vm2;
	vm4 =	veq.s32 v12, v16;
	v12 =	vadd.s32 $0x200, v13;
	v13 =	vld [tilespmem:s29+$0xFFFFFFE0]  }
0x3d8: {  	v11 =	vadd.s32 v11, v14;
	vm6 =	veq.s32 v12, v16;
	v12 =	vld [tilespmem:s29+$0xFFFFFFF0]  }
0x3d9: {  	v14 =	vmpcnt.ones.xlane vm4;
	v15 =	vadd.s32 v11, v15;
	(v2sf) =	vpush v11, $0x0;
	v11 =	vld [tilespmem:s29+$0x0]  }
0x3da: {  	vm1 =	vmmov vm0;
	vm0 =	vmmov vm2;
	v18 =	vmpcnt.ones.xlane vm6  }
0x3db: {  	vm5 =	vmmov vm4;
	v14 =	vadd.s32 v15, v14;
	(v2sf) =	vpush v15, $0x0  }
0x3dc: {  	v15 =	vadd.s32 v14, v18;
	(v2sf) =	vpush v14, $0x0;
	v14 =	vshra.s32 v13, $0x16  }
0x3dd: {  	vm4 =	vmmov vm6;
	v14 =	vadd.s32 $0x200, v14;
	v18 =	vshra.s32 v12, $0x16  }
0x3de: {  	v8 =	vld [tilespmem:s29+$0x10];
	vm2 =	veq.s32 v14, v16;
	v14 =	vadd.s32 $0x200, v18;
	v18 =	vshra.s32 v11, $0x16  }
0x3df: {  	v20 =	vmpcnt.ones.xlane vm2;
	vm6 =	veq.s32 v14, v16;
	v14 =	vadd.s32 $0x200, v18  }
0x3e0: {  	(v2sf) =	vpush v15, $0x0;
	v18 =	vmpcnt.ones.xlane vm6;
	vm7 =	veq.s32 v14, v16  }
0x3e1: {  	v20 =	vadd.s32 v15, v20;
	v63 =	vmpcnt.ones.xlane vm7  }
0x3e2: {  	s0 =	sxor.u32 $0x80000000, s30;
	s30 =	spop (v2sf);
	v18 =	vadd.s32 v20, v18;
	(v2sf) =	vpush v20, $0x0  }
0x3e3: {  	v19 =	vshra.s32 v8, $0x16;
	s31 =	spop (v2sf);
	v20 =	vadd.s32 v18, v63;
	(v2sf) =	vpush v18, $0x0  }
0x3e4: {  	s22 =	simm.s32 $0xA0;
	s20 =	smov.u32 @p1 s0;
	s0 =	sxor.u32 $0x80000000, s5;
	v19 =	vadd.s32 $0x200, v19;
	(v2sf) =	vpush v20, $0x0  }
0x3e5: {  	s20 =	smov.u32 @p0 s0;
	s0 =	sxor.u32 $0x80000000, s6;
	vm9 =	veq.s32 v19, v16;
	v14 =	vld [tilespmem:s22+$0x10]  }
0x3e6: {  	s20 =	smov.u32 @p2 s0;
	s0 =	sxor.u32 $0x80000000, s26;
	v19 =	vmpcnt.ones.xlane vm9;
	v15 =	vld [tilespmem:s22+$0xFFFFFFE0]  }
0x3e7: {  	s20 =	smov.u32 @p3 s0;
	s0 =	sxor.u32 $0x80000000, s30;
	v18 =	vld [tilespmem:s22+$0xFFFFFFF0]  }
0x3e8: {  	s23 =	simm.s32 $0xC;
	vm10 =	vmmov vm0;
	s20 =	smov.u32 @p4 s0;
	[tilespmem:s31+$0x8000] =	vst.msk vm1, v17;
	v17 =	vld [tilespmem:s22+$0x0];
	vm8 =	vmmov vm2;
	v19 =	vadd.s32 v20, v19  }
.LBB2_36:
0x3e9: {  	(v2sf) =	vpush v19, $0x0;
	vm0 =	vmmov vm6;
	vm2 =	vmmov vm5  }
0x3ea: {  	s23 =	sadd.s32 $0x4, s23;
	vm5 =	vmmov vm7;
	vm11 =	vmmov vm4;
	vm4 =	vmmov vm9  }
0x3eb: {  	p0 =	slt.u32 s23, $0x7FC;
	v20 =	vshra.s32 v15, $0x16  }
0x3ec: {  	v22 =	vshra.s32 v14, $0x16;
	v20 =	vadd.s32 $0x200, v20;
	v21 =	vshra.s32 v18, $0x16;
	s0 =	spop (v2sf)  }
0x3ed: {  	vm1 =	veq.s32 v20, v16;
	v20 =	vadd.s32 $0x200, v21;
	v21 =	vshra.s32 v17, $0x16;
	[tilespmem:s0+$0x8000] =	vst.msk vm10, v10;
	s0 =	spop (v2sf);
	v10 =	vmovc v12;
	v12 =	vmovc v18  }
0x3ee: {  	s22 =	sadd.s32 $0x40, s22;
	v18 =	vmpcnt.ones.xlane vm1;
	vm6 =	veq.s32 v20, v16;
	v20 =	vadd.s32 $0x200, v21;
	[tilespmem:s0+$0x8000] =	vst.msk vm2, v9;
	s0 =	spop (v2sf);
	v9 =	vmovc v11;
	v11 =	vmovc v17  }
.Ltmp30:
0x3ef: {  	v17 =	vmpcnt.ones.xlane vm6;
	vm7 =	veq.s32 v20, v16;
	v20 =	vadd.s32 $0x200, v22;
	s1 =	spop (v2sf);
	[tilespmem:s0+$0x8000] =	vst.msk vm11, v7;
	v7 =	vmovc v8;
	v8 =	vmovc v14;
	v14 =	vld [tilespmem:s22+$0x10];
	(pc) =	sbr.rel @p0 .LBB2_36-.Ltmp30, $4  }
0x3f0: {  	v19 =	vadd.s32 v19, v18;
	v21 =	vmpcnt.ones.xlane vm7;
	vm9 =	veq.s32 v20, v16;
	[tilespmem:s1+$0x8000] =	vst.msk vm8, v13;
	v13 =	vmovc v15;
	v15 =	vld [tilespmem:s22+$0xFFFFFFE0]  }
0x3f1: {  	v18 =	vld [tilespmem:s22+$0xFFFFFFF0];
	v20 =	vadd.s32 v19, v17;
	v22 =	vmpcnt.ones.xlane vm9;
	(v2sf) =	vpush v19, $0x0  }
0x3f2: {  	vm8 =	vmmov vm1;
	v17 =	vld [tilespmem:s22+$0x0];
	v21 =	vadd.s32 v20, v21;
	(v2sf) =	vpush v20, $0x0  }
0x3f3: {  	vm10 =	vmmov vm0;
	v19 =	vadd.s32 v21, v22;
	(v2sf) =	vpush v21, $0x0  }
0x3f4: {  	s0 =	sadd.s32 $0x40, s22  }
0x3f5: {  	v20 =	vld [tilespmem:s0+$0xFFFFFFE0]  }
0x3f6: {  	v22 =	vld [tilespmem:s0+$0xFFFFFFF0]  }
0x3f7: {  	v26 =	vshra.s32 v14, $0x16;
	v21 =	vshra.s32 v15, $0x16;
	v23 =	vld [tilespmem:s0+$0x10]  }
0x3f8: {  	(v2sf) =	vpush v19, $0x0;
	v25 =	vld [tilespmem:s0+$0x0];
	v50 =	vadd.s32 $0x200, v26;
	v21 =	vadd.s32 $0x200, v21  }
0x3f9: {  	v24 =	vshra.s32 v18, $0x16;
	vm15 =	veq.s32 v50, v16;
	vm14 =	veq.s32 v21, v16  }
0x3fa: {  	v49 =	vshra.s32 v17, $0x16;
	v24 =	vadd.s32 $0x200, v24;
	v59 =	vmpcnt.ones.xlane vm15  }
0x3fb: {  	v21 =	vadd.s32 $0x200, v49;
	vm2 =	veq.s32 v24, v16;
	v55 =	vmpcnt.ones.xlane vm14  }
0x3fc: {  	vm0 =	veq.s32 v21, v16;
	v56 =	vmpcnt.ones.xlane vm2;
	v51 =	vshra.s32 v20, $0x16  }
0x3fd: {  	v52 =	vshra.s32 v22, $0x16;
	v53 =	vshra.s32 v23, $0x16;
	v54 =	vshra.s32 v25, $0x16  }
0x3fe: {  	v57 =	vadd.s32 v19, v55;
	v58 =	vmpcnt.ones.xlane vm0;
	v21 =	vadd.s32 $0x200, v51  }
0x3ff: {  	v24 =	vadd.s32 $0x200, v52;
	v26 =	vadd.s32 $0x200, v53;
	(v2sf) =	vpush v57, $0x0  }
0x400: {  	vm12 =	veq.s32 v21, v16;
	vm13 =	veq.s32 v24, v16;
	v21 =	vadd.s32 $0x200, v54  }
0x401: {  	vm11 =	veq.s32 v26, v16;
	vm1 =	veq.s32 v21, v16;
	v16 =	vadd.s32 v57, v56  }
0x402: {  	v60 =	vmpcnt.ones.xlane vm12;
	v21 =	vadd.s32 v16, v58;
	(v2sf) =	vpush v16, $0x0  }
0x403: {  	v61 =	vmpcnt.ones.xlane vm13;
	v19 =	vadd.s32 v21, v59;
	(v2sf) =	vpush v21, $0x0  }
0x404: {  	v62 =	vmpcnt.ones.xlane vm1;
	(v2sf) =	vpush v19, $0x0;
	v16 =	vadd.s32 v19, v60  }
0x405: {  	v63 =	vmpcnt.ones.xlane vm11;
	v21 =	vadd.s32 v16, v61;
	(v2sf) =	vpush v16, $0x0  }
0x406: {  	v19 =	vadd.s32 v21, v62;
	(v2sf) =	vpush v21, $0x0  }
0x407: {  	v16 =	vadd.s32 v19, v63;
	(v2sf) =	vpush v19, $0x0  }
0x408: {  	s6 =	spop (v2sf);
	(v2sf) =	vpush v16, $0x0  }
0x409: {  	s1 =	spop (v2sf)  }
0x40a: {  	s2 =	spop (v2sf)  }
0x40b: {  	s10 =	spop (v2sf)  }
0x40c: {  	s16 =	spop (v2sf)  }
0x40d: {  	s22 =	spop (v2sf)  }
0x40e: {  	s23 =	spop (v2sf)  }
0x40f: {  	s24 =	spop (v2sf)  }
0x410: {  	s25 =	spop (v2sf)  }
0x411: {  	s26 =	spop (v2sf)  }
0x412: {  	s28 =	spop (v2sf)  }
0x413: {  	s29 =	spop (v2sf)  }
0x414: {  	s30 =	spop (v2sf)  }
0x415: {  	s31 =	spop (v2sf)  }
0x416: {  	vm5 =	vmmov vm5;
	[tilespmem:s6+$0x8000] =	vst.msk vm10, v10;
	s5 =	spop (v2sf)  }
0x417: {  	vm4 =	vmmov vm4;
	[tilespmem:s1+$0x8000] =	vst.msk vm5, v9;
	s6 =	spop (v2sf)  }
0x418: {  	[tilespmem:s2+$0x8000] =	vst.msk vm4, v7;
	vm4 =	vmmov vm6;
	s0 =	sadd.s32 $0xF, s6  }
0x419: {  	vm5 =	vmmov vm7;
	vm4 =	vmmov vm4;
	[tilespmem:s10+$0x8000] =	vst.msk vm8, v13;
	s6 =	sand.u32 $0xF, s0  }
0x41a: {  	vm5 =	vmmov vm5;
	[tilespmem:s16+$0x8000] =	vst.msk vm4, v12;
	vm4 =	vmmov vm9;
	s10 =	sshra.s32 s0, $0x1F;
	p1 =	slt.s32 s0, $0x1;
	p0 =	sne.s32 s6, $0x0  }
0x41b: {  	[tilespmem:s22+$0x8000] =	vst.msk vm5, v11;
	vm4 =	vmmov vm4;
	s1 =	sshrl.u32 s10, $0x1C;
	p0 =	por !p1, !p0  }
0x41c: {  	vm2 =	vmmov vm2;
	[tilespmem:s23+$0x8000] =	vst.msk vm4, v8;
	vm4 =	vmmov vm14;
	s0 =	sadd.s32 s1, s0;
	s1 =	simm.s32 $0x1;
	p0 =	por !p0, !p0  }
0x41d: {  	vm0 =	vmmov vm0;
	vm2 =	vmmov vm2;
	[tilespmem:s24+$0x8000] =	vst.msk vm4, v15;
	s0 =	sshra.s32 s0, $0x4;
	s1 =	simm.s32 @!p0 $0x0  }
0x41e: {  	vm0 =	vmmov vm0;
	vm4 =	vmmov vm15;
	[tilespmem:s25+$0x8000] =	vst.msk vm2, v18;
	s22 =	ssub.s32 s0, s1  }
0x41f: {  	[tilespmem:s26+$0x8000] =	vst.msk vm0, v17;
	vm0 =	vmmov vm4;
	s0 =	sshrl.u32 s22, $0x1E  }
.Ltmp31:
0x420: {  	vm2 =	vmmov vm13;
	[tilespmem:s28+$0x8000] =	vst.msk vm0, v14;
	vm0 =	vmmov vm12;
	s0 =	sadd.s32 s0, s22;
	(pc) =	sbr.rel .LBB2_38-.Ltmp31, $4  }
0x421: {  	vm1 =	vmmov vm1;
	s26 =	sshll.u32 s21, $0x16;
	s21 =	ssub.s32 $0x2000, s20;
	[tilespmem:s29+$0x8000] =	vst.msk vm0, v20;
	vm0 =	vmmov vm2;
	s23 =	sand.u32 $0xFFFFFFFC, s0  }
0x422: {  	vm1 =	vmmov vm1;
	s24 =	sxor.u32 $0x80000000, s26;
	s28 =	simm.s32 $0x0;
	vm2 =	vmmov vm11;
	[tilespmem:s30+$0x8000] =	vst.msk vm0, v22;
	s29 =	sshll.u32 s23, $0x6  }
0x423: {  	vm0 =	vmmov vm2;
	[tilespmem:s31+$0x8000] =	vst.msk vm1, v25;
	s31 =	ssub.s32 s22, s23;
	s26 =	sshll.u32 s23, $0x4;
	s30 =	sshra.s32 s29, $0x2  }
0x424: {  	v7 =	vbroadcast v16, $0x0;
	[tilespmem:s5+$0x8000] =	vst.msk vm0, v23;
	p0 =	slt.s32 s23, $0x1;
	p1 =	slt.s32 s31, $0x1;
	s25 =	sadd.s32 $0x8000, s30  }
.LBB2_41:
0x425: {  	v8 =	vxor.u32 $0x80000000, v9  }
0x426: {  	(xrf0) =	vmax.scan.msk.u32 $0xffff, v8;
	_ =	sdelay $0x5  }
0x427: {  	v8, _, _ =	vpop (xrf0)  }
0x428: {  	(v2sf) =	vpush v8, $0xF;
	_ =	sdelay $0xe  }
0x429: {  	s0 =	spop (v2sf)  }
0x42a: {  	s0 =	sxor.u32 $0x80000000, s0  }
0x42b: {  	s28 =	sadd.s32 $0x1, s28;
	p2 =	slt.s32 s0, s21  }
0x42c: {  	s20 =	smov.u32 @p2 s24;
	p2 =	sne.s32 s28, $0x16  }
.Ltmp32:
0x42d: {  	_ = 	snop;
	(pc) =	sbr.rel @!p2 .LBB2_42-.Ltmp32, $2  }
0x42e: {  	_ =	sdelay $0x2  }
0x42f: {  	s24 =	smov.u32 s20  }
.LBB2_38:
.Ltmp33:
0x430: {  	(pc) =	sbr.rel @p0 .LBB2_39-.Ltmp33, $4  }
0x431: {  	_ = 	snop  }
0x432: {  	s0 =	sshrl.u32 s15, s28  }
0x433: {  	s20 =	sadd.s32 s0, s24  }
0x434: {  	v9 =	vimm.s32 $0x0;
	v8 =	vmov s20  }
0x435: {  	s0 =	simm.s32 $0x8020  }
0x436: {  	v10 =	vld [tilespmem:s0+$0xFFFFFFE0];
	_ =	sdelay $0x2  }
0x437: {  	v11 =	vld [tilespmem:s0+$0xFFFFFFF0]  }
0x438: {  	s29 =	simm.s32 $0x0;
	s1 =	simm.s32 $0x20;
	p2 =	sgt.s32 s23, $0x4;
	v12 =	vld [tilespmem:s0+$0x0]  }
.Ltmp34:
0x439: {  	s2 =	simm.s32 $0x30;
	s5 =	simm.s32 $0x10;
	v13 =	vor.u32 s29, v0;
	vm4 =	vge.s32 v10, v8;
	v10 =	vld [tilespmem:s0+$0x10];
	(pc) =	sbr.rel @!p2 .LBB2_65-.Ltmp34, $4  }
0x43a: {  	v14 =	vor.u32 s1, v0;
	v15 =	vor.u32 s2, v0;
	v63 =	vor.u32 s5, v0  }
0x43b: {  	vm2 =	vlt.s32 v13, v7;
	vm1 =	vlt.s32 v14, v7;
	vm0 =	vlt.s32 v15, v7  }
0x43c: {  	vm5 =	vge.s32 v11, v8;
	vm2 =	vmand vm2, vm4;
	vm4 =	vlt.s32 v63, v7  }
0x43d: {  	s30 =	simm.s32 $0x4;
	s31 =	simm.s32 $0x8060;
	v11 =	vmpcnt.ones.xlane vm2;
	vm2 =	vmand vm4, vm5;
	vm4 =	vge.s32 v12, v8  }
.LBB2_64:
0x43e: {  	v12 =	vld [tilespmem:s31+$0xFFFFFFE0];
	s30 =	sadd.s32 $0x4, s30;
	v13 =	vmpcnt.ones.xlane vm2;
	vm1 =	vmand vm1, vm4;
	vm2 =	vge.s32 v10, v8  }
0x43f: {  	s29 =	sadd.s32 $0x40, s29;
	v14 =	vld [tilespmem:s31+$0xFFFFFFF0];
	p2 =	slt.s32 s30, s23;
	v9 =	vadd.s32 v9, v11;
	v11 =	vmpcnt.ones.xlane vm1;
	vm0 =	vmand vm0, vm2  }
0x440: {  	v15 =	vor.u32 s29, v0;
	s0 =	sadd.s32 $0x20, s29;
	s1 =	sadd.s32 $0x30, s29;
	v16 =	vld [tilespmem:s31+$0x0];
	v9 =	vadd.s32 v13, v9;
	v13 =	vmpcnt.ones.xlane vm0  }
.Ltmp35:
0x441: {  	s2 =	sadd.s32 $0x10, s29;
	v17 =	vor.u32 s0, v0;
	v18 =	vor.u32 s1, v0;
	v10 =	vld [tilespmem:s31+$0x10];
	v9 =	vadd.s32 v11, v9;
	(pc) =	sbr.rel @p2 .LBB2_64-.Ltmp35, $4  }
0x442: {  	vm2 =	vlt.s32 v15, v7;
	v11 =	vor.u32 s2, v0;
	v9 =	vadd.s32 v13, v9  }
0x443: {  	vm1 =	vlt.s32 v17, v7;
	vm0 =	vlt.s32 v18, v7;
	vm4 =	vge.s32 v12, v8  }
0x444: {  	vm2 =	vmand vm2, vm4;
	vm4 =	vlt.s32 v11, v7;
	vm5 =	vge.s32 v14, v8  }
0x445: {  	s31 =	sadd.s32 $0x40, s31;
	v11 =	vmpcnt.ones.xlane vm2;
	vm2 =	vmand vm4, vm5;
	vm4 =	vge.s32 v16, v8  }
.LBB2_65:
0x446: {  	v12 =	vmpcnt.ones.xlane vm2;
	vm1 =	vmand vm1, vm4;
	vm2 =	vge.s32 v10, v8  }
0x447: {  	v9 =	vadd.s32 v9, v11;
	v10 =	vmpcnt.ones.xlane vm1;
	vm0 =	vmand vm0, vm2  }
0x448: {  	v9 =	vadd.s32 v12, v9;
	v11 =	vmpcnt.ones.xlane vm0  }
0x449: {  	v9 =	vadd.s32 v10, v9  }
0x44a: {  	v9 =	vadd.s32 v11, v9  }
.LBB2_39:
.Ltmp36:
0x44b: {  	(pc) =	sbr.rel @p1 .LBB2_41-.Ltmp36, $2  }
0x44c: {  	_ =	sdelay $0x2  }
0x44d: {  	s0 =	smov.u32 s26;
	s29 =	smov.u32 s25;
	s30 =	smov.u32 s23  }
.LBB2_40:
0x44e: {  	v10 =	vld [tilespmem:s29+$0x0];
	_ =	sdelay $0x2  }
0x44f: {  	s30 =	sadd.s32 $0x1, s30  }
0x450: {  	v11 =	vor.u32 s0, v0;
	p2 =	slt.s32 s30, s22  }
.Ltmp37:
0x451: {  	vm0 =	vlt.s32 v11, v7;
	vm1 =	vge.s32 v10, v8;
	(pc) =	sbr.rel @p2 .LBB2_40-.Ltmp37, $3  }
0x452: {  	vm0 =	vmand vm0, vm1  }
0x453: {  	v10 =	vmpcnt.ones.xlane vm0;
	_ =	sdelay $0x1  }
0x454: {  	s29 =	sadd.s32 $0x10, s29;
	s0 =	sadd.s32 $0x10, s0;
	v9 =	vadd.s32 v9, v10  }
.Ltmp38:
0x455: {  	_ = 	snop;
	(pc) =	sbr.rel .LBB2_41-.Ltmp38, $1  }
0x456: {  	_ =	sdelay $0x3  }
.LBB2_42:
0x457: {  	[tilespmem:s3], [sflag:$0x1] =	stream.strided.gather [hbm4b:s7+s12], $0x8000, s13, s12, $0x38;
	[tilespmem:$0x1C080] =	vst v63  }
0x458: {  	_ =	swait.ge [sflag:s11], $0x8000  }
0x459: {  	[sflag:s11] =	ssyncset.done $0x0  }
0x45a: {  	s0 =	simm.s32 $0x18040;
	[sflag:s11] =	ssyncadd.s32 $0xFFFF8000  }
0x45b: {  	[tilespmem:s0+$0xFFFFFFC0] =	vst v1  }
0x45c: {  	[tilespmem:s0+$0x30] =	vst v1  }
0x45d: {  	[tilespmem:s0+$0x20] =	vst v1  }
0x45e: {  	[tilespmem:s0+$0x10] =	vst v1  }
0x45f: {  	[tilespmem:s0+$0x0] =	vst v1  }
0x460: {  	[tilespmem:s0+$0xFFFFFFF0] =	vst v1  }
0x461: {  	s21 =	simm.s32 $0x0;
	[tilespmem:s0+$0xFFFFFFE0] =	vst v1  }
.LBB2_43:
0x462: {  	s21 =	sadd.s32 $0x8, s21;
	[tilespmem:s0+$0xFFFFFFD0] =	vst v1;
	s0 =	sadd.s32 $0x80, s0  }
0x463: {  	[tilespmem:s0+$0xFFFFFFC0] =	vst v1;
	p0 =	slt.u32 s21, $0x3F8  }
0x464: {  	[tilespmem:s0+$0x30] =	vst v1  }
.Ltmp39:
0x465: {  	[tilespmem:s0+$0x20] =	vst v1;
	(pc) =	sbr.rel @p0 .LBB2_43-.Ltmp39, $4  }
0x466: {  	[tilespmem:s0+$0x10] =	vst v1  }
0x467: {  	[tilespmem:s0+$0x0] =	vst v1  }
0x468: {  	[tilespmem:s0+$0xFFFFFFF0] =	vst v1  }
0x469: {  	s22 =	simm.s32 $0x10040;
	[tilespmem:s0+$0xFFFFFFE0] =	vst v1  }
0x46a: {  	[tilespmem:s0+$0xFFFFFFD0] =	vst v1  }
0x46b: {  	v8 =	vld [tilespmem:s22+$0x10]  }
0x46c: {  	s21 =	simm.s32 $0x40;
	v10 =	vld [tilespmem:s22+$0x30]  }
0x46d: {  	v11 =	vld [tilespmem:s21+$0x30]  }
0x46e: {  	v9 =	vld [tilespmem:s22+$0x0]  }
0x46f: {  	v12 =	vld [tilespmem:s21+$0x10]  }
0x470: {  	v13 =	vld [tilespmem:s21+$0xFFFFFFE0]  }
0x471: {  	v14 =	vld [tilespmem:s21+$0x0]  }
0x472: {  	v15 =	vld [tilespmem:s22+$0xFFFFFFE0];
	_ =	sdelay $0x1  }
0x473: {  	v20 =	vld [tilespmem:s22+$0x20]  }
0x474: {  	v21 =	vld [tilespmem:s21+$0x20]  }
0x475: {  	v17 =	vld [tilespmem:s21+$0xFFFFFFF0];
	v16 =	vmul.f32 v8, v12;
	v14 =	vmul.f32 v9, v14  }
0x476: {  	v9 =	vld [tilespmem:s22+$0xFFFFFFC0];
	v8 =	vmul.f32 v10, v11;
	v13 =	vmul.f32 v15, v13  }
0x477: {  	v10 =	vld [tilespmem:s21+$0xFFFFFFC0];
	v15 =	vshra.s32 v16, $0x1F;
	v12 =	vshra.s32 v14, $0x1F  }
0x478: {  	v11 =	vld [tilespmem:s22+$0xFFFFFFF0];
	v18 =	vshra.s32 v13, $0x1F;
	v19 =	vand.u32 $0x7FFFFFFF, v12;
	v12 =	vshra.s32 v8, $0x1F  }
0x479: {  	v7 =	vld [tilespmem:s22+$0xFFFFFFD0];
	v22 =	vand.u32 $0x7FFFFFFF, v18;
	v18 =	vand.u32 $0x7FFFFFFF, v15;
	v19 =	vxor.u32 v14, v19  }
0x47a: {  	s23 =	simm.s32 $0x0;
	s24 =	simm.s32 $0xC0;
	s25 =	simm.s32 $0x100C0;
	v15 =	vld [tilespmem:s21+$0xFFFFFFD0];
	v14 =	vxor.u32 v13, v22;
	v13 =	vmul.f32 v20, v21;
	[tilespmem:s21+$0x0] =	vst v19;
	v19 =	vshra.s32 v19, $0x12  }
.LBB2_45:
0x47b: {  	v20 =	vld [tilespmem:s25+$0xFFFFFFD0];
	s23 =	sadd.s32 $0x8, s23;
	v21 =	vshra.s32 v14, $0x12;
	v19 =	vand.u32 $0xFFFFFFF0, v19;
	v16 =	vxor.u32 v16, v18  }
0x47c: {  	v10 =	vmul.f32 v9, v10;
	v18 =	vld [tilespmem:s25+$0x10];
	p0 =	slt.u32 s23, $0x7F8;
	v21 =	vand.u32 $0xFFFFFFF0, v21;
	v19 =	vadd.s32 v2, v19;
	[tilespmem:s21+$0x10] =	vst v16  }
0x47d: {  	v11 =	vmul.f32 v11, v17;
	v16 =	vshra.s32 v16, $0x12;
	v17 =	vshra.s32 v13, $0x1F;
	v9 =	vld [tilespmem:s25+$0xFFFFFFC0]  }
0x47e: {  	v23 =	vshra.s32 v10, $0x1F;
	v21 =	vadd.s32 v2, v21;
	v16 =	vand.u32 $0xFFFFFFF0, v16;
	v22 =	vld [tilespmem:s25+$0x20]  }
0x47f: {  	v25 =	vshra.s32 v11, $0x1F;
	v17 =	vand.u32 $0x7FFFFFFF, v17;
	v23 =	vand.u32 $0x7FFFFFFF, v23;
	v24 =	vld [tilespmem:s25+$0x30]  }
0x480: {  	v12 =	vand.u32 $0x7FFFFFFF, v12;
	v10 =	vxor.u32 v10, v23;
	v23 =	vand.u32 $0x7FFFFFFF, v25;
	v26 =	vld [tilespmem:s24+$0x30]  }
0x481: {  	v15 =	vmul.f32 v7, v15;
	v27 =	vshra.s32 v10, $0x12;
	v7 =	vmovc v20;
	v25 =	vld [tilespmem:s25+$0x0];
	[tilespmem:s21+$0xFFFFFFE0] =	vst v14;
	v14 =	vadd.s32 v2, v16  }
0x482: {  	v12 =	vxor.u32 v8, v12;
	v13 =	vxor.u32 v13, v17;
	v16 =	vld [tilespmem:s24+$0x10];
	[tilespmem:s21+$0xFFFFFFC0] =	vst v10;
	v10 =	vand.u32 $0xFFFFFFF0, v27  }
0x483: {  	v8 =	vshra.s32 v15, $0x1F;
	v20 =	vadd.s32 v2, v10;
	[tilespmem:v21+s14+$0x0] =	vst.idx.add.s32.msk $0xffff, v3;
	v10 =	vshra.s32 v12, $0x12  }
0x484: {  	v11 =	vxor.u32 v11, v23;
	v8 =	vand.u32 $0x7FFFFFFF, v8;
	v21 =	vld [tilespmem:s24+$0x20];
	[tilespmem:s21+$0x20] =	vst v13;
	v17 =	vand.u32 $0xFFFFFFF0, v10  }
0x485: {  	v8 =	vxor.u32 v15, v8;
	v15 =	vshra.s32 v11, $0x12;
	v13 =	vshra.s32 v13, $0x12;
	v10 =	vld [tilespmem:s24+$0xFFFFFFC0];
	[tilespmem:s21+$0xFFFFFFF0] =	vst v11  }
0x486: {  	v23 =	vshra.s32 v8, $0x12;
	v13 =	vand.u32 $0xFFFFFFF0, v13;
	v27 =	vadd.s32 v2, v17;
	v11 =	vld [tilespmem:s25+$0xFFFFFFF0];
	[tilespmem:s21+$0xFFFFFFD0] =	vst v8  }
0x487: {  	v23 =	vand.u32 $0xFFFFFFF0, v23;
	v8 =	vmul.f32 v24, v26;
	v13 =	vadd.s32 v2, v13;
	v28 =	vld [tilespmem:s24+$0xFFFFFFE0];
	[tilespmem:s21+$0x30] =	vst v12;
	s21 =	smov.u32 s24  }
0x488: {  	v12 =	vld [tilespmem:s24+$0x0]  }
0x489: {  	v24 =	vld [tilespmem:s25+$0xFFFFFFE0]  }
0x48a: {  	v15 =	vand.u32 $0xFFFFFFF0, v15;
	v16 =	vmul.f32 v18, v16;
	[tilespmem:v14+s14+$0x0] =	vst.idx.add.s32.msk $0xffff, v3  }
0x48b: {  	v14 =	vadd.s32 v2, v15;
	v17 =	vld [tilespmem:s24+$0xFFFFFFF0]  }
0x48c: {  	v15 =	vadd.s32 v2, v23;
	[tilespmem:v13+s14+$0x0] =	vst.idx.add.s32.msk $0xffff, v3  }
0x48d: {  	v13 =	vmul.f32 v25, v12;
	[tilespmem:v19+s14+$0x0] =	vst.idx.add.s32.msk $0xffff, v3  }
.Ltmp40:
0x48e: {  	v18 =	vshra.s32 v16, $0x1F;
	v19 =	vmul.f32 v24, v28;
	[tilespmem:v20+s14+$0x0] =	vst.idx.add.s32.msk $0xffff, v3;
	(pc) =	sbr.rel @p0 .LBB2_45-.Ltmp40, $4  }
0x48f: {  	v12 =	vshra.s32 v13, $0x1F;
	[tilespmem:v27+s14+$0x0] =	vst.idx.add.s32.msk $0xffff, v3  }
0x490: {  	v20 =	vshra.s32 v19, $0x1F;
	v23 =	vand.u32 $0x7FFFFFFF, v12;
	v12 =	vshra.s32 v8, $0x1F;
	[tilespmem:v14+s14+$0x0] =	vst.idx.add.s32.msk $0xffff, v3  }
0x491: {  	v18 =	vand.u32 $0x7FFFFFFF, v18;
	v14 =	vand.u32 $0x7FFFFFFF, v20;
	v13 =	vxor.u32 v13, v23;
	[tilespmem:v15+s14+$0x0] =	vst.idx.add.s32.msk $0xffff, v3  }
0x492: {  	s22 =	simm.s32 $0x3F0;
	s25 =	sadd.s32 $0x80, s25;
	s24 =	sadd.s32 $0x80, s24;
	v15 =	vld [tilespmem:s21+$0xFFFFFFD0];
	v14 =	vxor.u32 v19, v14;
	[tilespmem:s21+$0x0] =	vst v13;
	v19 =	vshra.s32 v13, $0x12;
	v13 =	vmul.f32 v22, v21  }
0x493: {  	v20 =	vshra.s32 v14, $0x12;
	v19 =	vand.u32 $0xFFFFFFF0, v19  }
0x494: {  	v16 =	vxor.u32 v16, v18;
	v9 =	vmul.f32 v9, v10;
	v11 =	vmul.f32 v11, v17  }
0x495: {  	v12 =	vand.u32 $0x7FFFFFFF, v12;
	v10 =	vand.u32 $0xFFFFFFF0, v20;
	v18 =	vadd.s32 v2, v19  }
0x496: {  	v17 =	vshra.s32 v16, $0x12;
	v19 =	vshra.s32 v13, $0x1F;
	v8 =	vxor.u32 v8, v12  }
0x497: {  	v20 =	vshra.s32 v9, $0x1F;
	v10 =	vadd.s32 v2, v10;
	v17 =	vand.u32 $0xFFFFFFF0, v17  }
0x498: {  	[tilespmem:s21+$0x10] =	vst v16;
	v21 =	vshra.s32 v11, $0x1F;
	v16 =	vand.u32 $0x7FFFFFFF, v19;
	v20 =	vand.u32 $0x7FFFFFFF, v20  }
0x499: {  	[tilespmem:s21+$0xFFFFFFE0] =	vst v14;
	v19 =	vand.u32 $0x7FFFFFFF, v21;
	v13 =	vxor.u32 v13, v16;
	v9 =	vxor.u32 v9, v20  }
0x49a: {  	v7 =	vmul.f32 v7, v15;
	v14 =	vshra.s32 v9, $0x12;
	[tilespmem:s21+$0xFFFFFFC0] =	vst v9;
	v9 =	vshra.s32 v13, $0x12  }
0x49b: {  	v15 =	vadd.s32 v2, v17;
	v11 =	vxor.u32 v11, v19;
	[tilespmem:s21+$0x20] =	vst v13;
	v9 =	vand.u32 $0xFFFFFFF0, v9  }
0x49c: {  	v13 =	vshra.s32 v8, $0x12;
	[tilespmem:s21+$0xFFFFFFF0] =	vst v11;
	v12 =	vshra.s32 v7, $0x1F;
	v9 =	vadd.s32 v2, v9  }
0x49d: {  	v11 =	vshra.s32 v11, $0x12;
	[tilespmem:v10+s14+$0x0] =	vst.idx.add.s32.msk $0xffff, v3;
	v10 =	vand.u32 $0x7FFFFFFF, v12;
	v12 =	vand.u32 $0xFFFFFFF0, v14  }
0x49e: {  	[tilespmem:s21+$0x30] =	vst v8;
	v8 =	vand.u32 $0xFFFFFFF0, v11;
	v7 =	vxor.u32 v7, v10;
	v10 =	vadd.s32 v2, v12  }
0x49f: {  	v8 =	vadd.s32 v2, v8;
	v12 =	vand.u32 $0xFFFFFFF0, v13;
	[tilespmem:s21+$0xFFFFFFD0] =	vst v7;
	v7 =	vshra.s32 v7, $0x12  }
0x4a0: {  	v11 =	vmov s22;
	[tilespmem:v18+s14+$0x0] =	vst.idx.add.s32.msk $0xffff, v3;
	v12 =	vadd.s32 v2, v12;
	v7 =	vand.u32 $0xFFFFFFF0, v7  }
0x4a1: {  	v7 =	vadd.s32 v2, v7;
	[tilespmem:v9+s14+$0x0] =	vst.idx.add.s32.msk $0xffff, v3;
	v9 =	vshll.u32 v11, $0x4  }
0x4a2: {  	[tilespmem:v15+s14+$0x0] =	vst.idx.add.s32.msk $0xffff, v3;
	v9 =	vor.u32 v4, v9  }
0x4a3: {  	[tilespmem:v10+s14+$0x0] =	vst.idx.add.s32.msk $0xffff, v3;
	v10 =	vor.u32 $0x1, v9  }
0x4a4: {  	[tilespmem:v8+s14+$0x0] =	vst.idx.add.s32.msk $0xffff, v3;
	v11 =	vor.u32 $0x2, v9  }
0x4a5: {  	[tilespmem:v12+s14+$0x0] =	vst.idx.add.s32.msk $0xffff, v3;
	v8 =	vor.u32 $0x3, v9  }
0x4a6: {  	v13 =	vor.u32 $0x5, v9;
	[tilespmem:v7+s14+$0x0] =	vst.idx.add.s32.msk $0xffff, v3  }
0x4a7: {  	v14 =	vor.u32 $0x6, v9;
	v12 =	vld.idx.msk [tilespmem:v9+s14+$0x0], $0xffff  }
0x4a8: {  	v7 =	vor.u32 $0x4, v9;
	v10 =	vld.idx.msk [tilespmem:v10+s14+$0x0], $0xffff  }
0x4a9: {  	v15 =	vor.u32 $0x7, v9;
	v11 =	vld.idx.msk [tilespmem:v11+s14+$0x0], $0xffff  }
0x4aa: {  	v17 =	vor.u32 $0x9, v9;
	v8 =	vld.idx.msk [tilespmem:v8+s14+$0x0], $0xffff  }
0x4ab: {  	v16 =	vor.u32 $0x8, v9;
	v13 =	vld.idx.msk [tilespmem:v13+s14+$0x0], $0xffff  }
0x4ac: {  	v18 =	vor.u32 $0xA, v9;
	v14 =	vld.idx.msk [tilespmem:v14+s14+$0x0], $0xffff  }
0x4ad: {  	v20 =	vor.u32 $0xC, v9;
	v7 =	vld.idx.msk [tilespmem:v7+s14+$0x0], $0xffff  }
0x4ae: {  	v19 =	vor.u32 $0xB, v9;
	v15 =	vld.idx.msk [tilespmem:v15+s14+$0x0], $0xffff  }
0x4af: {  	s24 =	simm.s32 $0x3E0;
	v21 =	vor.u32 $0xE, v9;
	v17 =	vld.idx.msk [tilespmem:v17+s14+$0x0], $0xffff;
	v10 =	vadd.s32 v12, v10  }
0x4b0: {  	v12 =	vld.idx.msk [tilespmem:v16+s14+$0x0], $0xffff;
	v16 =	vor.u32 $0xD, v9;
	v10 =	vadd.s32 v11, v10;
	v11 =	vmov s24  }
0x4b1: {  	v9 =	vor.u32 $0xF, v9;
	v8 =	vadd.s32 v8, v10;
	v10 =	vshll.u32 v11, $0x4;
	v11 =	vld.idx.msk [tilespmem:v18+s14+$0x0], $0xffff  }
0x4b2: {  	v18 =	vld.idx.msk [tilespmem:v20+s14+$0x0], $0xffff;
	v7 =	vadd.s32 v7, v8;
	v8 =	vor.u32 v4, v10  }
0x4b3: {  	v10 =	vld.idx.msk [tilespmem:v19+s14+$0x0], $0xffff;
	v7 =	vadd.s32 v13, v7;
	v13 =	vor.u32 $0x1, v8  }
0x4b4: {  	v19 =	vld.idx.msk [tilespmem:v21+s14+$0x0], $0xffff;
	v7 =	vadd.s32 v14, v7;
	v14 =	vor.u32 $0x2, v8  }
0x4b5: {  	v16 =	vld.idx.msk [tilespmem:v16+s14+$0x0], $0xffff;
	v7 =	vadd.s32 v15, v7;
	v15 =	vor.u32 $0x3, v8  }
0x4b6: {  	v9 =	vld.idx.msk [tilespmem:v9+s14+$0x0], $0xffff;
	v7 =	vadd.s32 v12, v7;
	v12 =	vor.u32 $0x4, v8  }
0x4b7: {  	v20 =	vor.u32 $0x5, v8;
	v7 =	vadd.s32 v17, v7;
	v17 =	vld.idx.msk [tilespmem:v8+s14+$0x0], $0xffff  }
0x4b8: {  	v7 =	vadd.s32 v11, v7;
	v11 =	vld.idx.msk [tilespmem:v13+s14+$0x0], $0xffff;
	v13 =	vor.u32 $0x6, v8  }
0x4b9: {  	v7 =	vadd.s32 v10, v7;
	v10 =	vld.idx.msk [tilespmem:v14+s14+$0x0], $0xffff;
	v14 =	vor.u32 $0x7, v8  }
0x4ba: {  	v7 =	vadd.s32 v18, v7;
	v15 =	vld.idx.msk [tilespmem:v15+s14+$0x0], $0xffff;
	v18 =	vor.u32 $0x8, v8  }
0x4bb: {  	v7 =	vadd.s32 v16, v7;
	v12 =	vld.idx.msk [tilespmem:v12+s14+$0x0], $0xffff;
	v16 =	vor.u32 $0x9, v8  }
0x4bc: {  	v7 =	vadd.s32 v19, v7;
	v19 =	vld.idx.msk [tilespmem:v20+s14+$0x0], $0xffff;
	v20 =	vor.u32 $0xA, v8  }
0x4bd: {  	v7 =	vadd.s32 v9, v7;
	v9 =	vld.idx.msk [tilespmem:v13+s14+$0x0], $0xffff;
	v13 =	vor.u32 $0xB, v8  }
0x4be: {  	v11 =	vadd.s32 v17, v11;
	v17 =	vor.u32 $0xC, v8;
	v21 =	vperm.xlane v7, v5;
	v14 =	vld.idx.msk [tilespmem:v14+s14+$0x0], $0xffff  }
0x4bf: {  	s23 =	simm.s32 $0x3D0;
	v10 =	vadd.s32 v10, v11;
	v11 =	vld.idx.msk [tilespmem:v18+s14+$0x0], $0xffff;
	v18 =	vor.u32 $0xD, v8  }
0x4c0: {  	v10 =	vadd.s32 v15, v10;
	(xrf0) =	vadd.scan.msk.s32 $0xffff, v21;
	v21 =	vmov s23;
	v15 =	vld.idx.msk [tilespmem:v16+s14+$0x0], $0xffff;
	v16 =	vor.u32 $0xE, v8  }
0x4c1: {  	v10 =	vadd.s32 v12, v10;
	v8 =	vor.u32 $0xF, v8;
	(xrf0) =	vadd.scan.msk.s32 $0xffff, v7;
	v21 =	vshll.u32 v21, $0x4;
	v12 =	vld.idx.msk [tilespmem:v20+s14+$0x0], $0xffff  }
0x4c2: {  	v10 =	vadd.s32 v19, v10;
	v20 =	vor.u32 v4, v21;
	v13 =	vld.idx.msk [tilespmem:v13+s14+$0x0], $0xffff  }
0x4c3: {  	v9 =	vadd.s32 v9, v10;
	v10 =	vld.idx.msk [tilespmem:v17+s14+$0x0], $0xffff;
	v19 =	vor.u32 $0x1, v20  }
0x4c4: {  	v17 =	vor.u32 $0x2, v20;
	v9 =	vadd.s32 v14, v9;
	v14 =	vld.idx.msk [tilespmem:v18+s14+$0x0], $0xffff  }
0x4c5: {  	v18 =	vor.u32 $0x3, v20;
	v9 =	vadd.s32 v11, v9;
	v11 =	vld.idx.msk [tilespmem:v16+s14+$0x0], $0xffff  }
0x4c6: {  	v24 =	vor.u32 $0x5, v20;
	v9 =	vadd.s32 v15, v9;
	v8 =	vld.idx.msk [tilespmem:v8+s14+$0x0], $0xffff;
	v21, _, _ =	vpop (xrf0)  }
0x4c7: {  	v22 =	vor.u32 $0x4, v20;
	v9 =	vadd.s32 v12, v9;
	v15 =	vperm.xlane v21, v5;
	v21, _, _ =	vpop (xrf0);
	v23 =	vld.idx.msk [tilespmem:v20+s14+$0x0], $0xffff  }
0x4c8: {  	s21 =	simm.s32 $0x0;
	v9 =	vadd.s32 v13, v9;
	(v2sf) =	vpush v21, $0xF;
	v12 =	vld.idx.msk [tilespmem:v19+s14+$0x0], $0xffff;
	v19 =	vor.u32 $0x6, v20  }
0x4c9: {  	v9 =	vadd.s32 v10, v9;
	v13 =	vadd.s32 s21, v15;
	v15 =	vld.idx.msk [tilespmem:v17+s14+$0x0], $0xffff;
	v17 =	vor.u32 $0x7, v20  }
0x4ca: {  	v16 =	vor.u32 s22, v6;
	v10 =	vld.idx.msk [tilespmem:v18+s14+$0x0], $0xffff;
	v9 =	vadd.s32 v14, v9  }
0x4cb: {  	v18 =	vor.u32 $0x8, v20;
	vm0 =	vgt.s32 v13, $0x1FFF;
	v9 =	vadd.s32 v11, v9;
	v11 =	vld.idx.msk [tilespmem:v24+s14+$0x0], $0xffff  }
0x4cc: {  	v21 =	vor.u32 $0x9, v20;
	v7 =	vsub.s32 v13, v7;
	v14 =	vnsel vm0, $0x7FFFFFFF, v16;
	v16 =	vld.idx.msk [tilespmem:v22+s14+$0x0], $0xffff  }
0x4cd: {  	v13 =	vor.u32 $0xA, v20;
	v8 =	vadd.s32 v8, v9;
	v7 =	vxor.u32 $0x80000000, v7;
	(xrf0) =	vmax.scan.msk.u32 $0xffff, v14;
	v9 =	vld.idx.msk [tilespmem:v19+s14+$0x0], $0xffff  }
0x4ce: {  	v7 =	vnsel vm0, $0xC0000000, v7;
	v12 =	vadd.s32 v23, v12;
	v14 =	vld.idx.msk [tilespmem:v17+s14+$0x0], $0xffff;
	v17 =	vor.u32 $0xC, v20  }
0x4cf: {  	v22 =	vperm.xlane v8, v5;
	v19 =	vor.u32 $0xB, v20;
	(xrf0) =	vmin.scan.msk.u32 $0xffff, v7;
	v7 =	vadd.s32 v15, v12  }
0x4d0: {  	s22 =	simm.s32 $0x3C0;
	v12 =	vld.idx.msk [tilespmem:v18+s14+$0x0], $0xffff;
	v15 =	vor.u32 $0xD, v20;
	v7 =	vadd.s32 v10, v7  }
0x4d1: {  	(xrf0) =	vadd.scan.msk.s32 $0xffff, v22;
	v18 =	vmov s22;
	v10 =	vld.idx.msk [tilespmem:v21+s14+$0x0], $0xffff;
	v21 =	vor.u32 $0xE, v20;
	v16 =	vadd.s32 v16, v7  }
0x4d2: {  	(xrf0) =	vadd.scan.msk.s32 $0xffff, v8;
	v18 =	vshll.u32 v18, $0x4;
	v13 =	vld.idx.msk [tilespmem:v13+s14+$0x0], $0xffff;
	v20 =	vor.u32 $0xF, v20;
	v11 =	vadd.s32 v11, v16  }
0x4d3: {  	v7 =	vor.u32 v4, v18;
	v9 =	vadd.s32 v9, v11;
	v11 =	vld.idx.msk [tilespmem:v17+s14+$0x0], $0xffff;
	v17, _, _ =	vpop (xrf0)  }
0x4d4: {  	v18 =	vor.u32 $0x1, v7;
	v16 =	vld.idx.msk [tilespmem:v19+s14+$0x0], $0xffff;
	(v2sf) =	vpush v17, $0xF  }
0x4d5: {  	v19 =	vor.u32 $0x2, v7;
	v9 =	vadd.s32 v14, v9;
	v14 =	vld.idx.msk [tilespmem:v15+s14+$0x0], $0xffff  }
0x4d6: {  	v23 =	vor.u32 $0x4, v7;
	v15 =	vor.u32 $0x3, v7;
	v22, _, _ =	vpop (xrf0);
	v9 =	vadd.s32 v12, v9;
	v12 =	vld.idx.msk [tilespmem:v21+s14+$0x0], $0xffff  }
0x4d7: {  	v25 =	vor.u32 $0x5, v7;
	v26 =	vor.u32 $0x8, v7;
	v20 =	vld.idx.msk [tilespmem:v20+s14+$0x0], $0xffff;
	v21, _, _ =	vpop (xrf0);
	v9 =	vadd.s32 v10, v9  }
0x4d8: {  	v17 =	vor.u32 s24, v6;
	v63 =	vld.idx.msk [tilespmem:v7+s14+$0x0], $0xffff;
	v10 =	vperm.xlane v21, v5;
	v21, _, _ =	vpop (xrf0);
	v9 =	vadd.s32 v13, v9;
	s0 =	spop (v2sf)  }
0x4d9: {  	v13 =	vld.idx.msk [tilespmem:v18+s14+$0x0], $0xffff;
	v18 =	vor.u32 $0x6, v7;
	(v2sf) =	vpush v21, $0xF;
	v9 =	vadd.s32 v16, v9;
	s26 =	sadd.s32 $0x0, s0  }
0x4da: {  	v19 =	vld.idx.msk [tilespmem:v19+s14+$0x0], $0xffff;
	v16 =	vor.u32 $0x7, v7;
	v9 =	vadd.s32 v11, v9;
	v10 =	vadd.s32 s26, v10  }
0x4db: {  	v21 =	vld.idx.msk [tilespmem:v15+s14+$0x0], $0xffff;
	v11 =	vadd.s32 v14, v9;
	v14 =	vor.u32 $0x9, v7;
	vm0 =	vgt.s32 v10, $0x1FFF  }
0x4dc: {  	v9 =	vld.idx.msk [tilespmem:v23+s14+$0x0], $0xffff;
	v11 =	vadd.s32 v12, v11;
	v12 =	vsub.s32 v10, v8;
	v15 =	vnsel vm0, $0x7FFFFFFF, v17  }
0x4dd: {  	v10 =	vld.idx.msk [tilespmem:v25+s14+$0x0], $0xffff;
	v8 =	vadd.s32 v20, v11;
	v12 =	vxor.u32 $0x80000000, v12;
	(xrf0) =	vmax.scan.msk.u32 $0xffff, v15  }
0x4de: {  	v17 =	vor.u32 $0xA, v7;
	v11 =	vld.idx.msk [tilespmem:v18+s14+$0x0], $0xffff;
	v20 =	vperm.xlane v8, v5;
	v18 =	vnsel vm0, $0xC0000000, v12  }
0x4df: {  	(v2sf) =	vpush v22, $0xF;
	v13 =	vadd.s32 v63, v13;
	v15 =	vor.u32 $0xB, v7;
	v12 =	vld.idx.msk [tilespmem:v16+s14+$0x0], $0xffff;
	(xrf0) =	vmin.scan.msk.u32 $0xffff, v18  }
0x4e0: {  	s24 =	simm.s32 $0x3B0;
	v16 =	vor.u32 $0xC, v7;
	v19 =	vadd.s32 v19, v13;
	v13 =	vld.idx.msk [tilespmem:v26+s14+$0x0], $0xffff;
	v18 =	vor.u32 $0xD, v7;
	(xrf0) =	vadd.scan.msk.s32 $0xffff, v20  }
0x4e1: {  	s25 =	simm.s32 $0xFFFFFFFF;
	s28 =	simm.s32 $0x3A0;
	v21 =	vadd.s32 v21, v19;
	v19 =	vor.u32 $0xE, v7;
	v20 =	vmov s24;
	v14 =	vld.idx.msk [tilespmem:v14+s14+$0x0], $0xffff;
	(xrf0) =	vadd.scan.msk.s32 $0xffff, v8  }
.LBB2_47:
0x4e2: {  	s0 =	smov.u32 s25  }
0x4e3: {  	p0 =	sne.s32 s28, $0x0;
	v20 =	vshll.u32 v20, $0x4;
	v9 =	vadd.s32 v9, v21;
	v21 =	vor.u32 $0xF, v7;
	v17 =	vld.idx.msk [tilespmem:v17+s14+$0x0], $0xffff;
	v22, _, _ =	vpop (xrf0);
	s1 =	spop (v2sf)  }
0x4e4: {  	v7 =	vor.u32 v4, v20;
	v9 =	vadd.s32 v10, v9;
	v10 =	vld.idx.msk [tilespmem:v15+s14+$0x0], $0xffff;
	(v2sf) =	vpush v22, $0xF;
	s25 =	sxor.u32 $0x80000000, s1  }
0x4e5: {  	v15 =	vor.u32 $0x1, v7;
	v9 =	vadd.s32 v11, v9;
	v11 =	vld.idx.msk [tilespmem:v16+s14+$0x0], $0xffff;
	p1 =	sgt.s32 s25, s0;
	p2 =	sgt.s32 s0, s25  }
0x4e6: {  	v16 =	vor.u32 $0x2, v7;
	v9 =	vadd.s32 v12, v9;
	v12 =	vld.idx.msk [tilespmem:v18+s14+$0x0], $0xffff;
	v18, _, _ =	vpop (xrf0);
	s25 =	smov.u32 @p2 s0  }
0x4e7: {  	v20 =	vor.u32 $0x3, v7;
	v9 =	vadd.s32 v13, v9;
	v13 =	vld.idx.msk [tilespmem:v19+s14+$0x0], $0xffff;
	v19 =	vor.u32 s23, v6;
	v22, _, _ =	vpop (xrf0);
	s23 =	smov.u32 s22;
	s22 =	smov.u32 s24;
	s24 =	smov.u32 s28  }
0x4e8: {  	v23 =	vor.u32 $0x4, v7;
	v9 =	vadd.s32 v14, v9;
	v14 =	vld.idx.msk [tilespmem:v21+s14+$0x0], $0xffff;
	v21 =	vperm.xlane v22, v5;
	v22, _, _ =	vpop (xrf0);
	s0 =	spop (v2sf)  }
0x4e9: {  	v25 =	vor.u32 $0x5, v7;
	v9 =	vadd.s32 v17, v9;
	v24 =	vld.idx.msk [tilespmem:v7+s14+$0x0], $0xffff;
	(v2sf) =	vpush v22, $0xF;
	s26 =	sadd.s32 s26, s0  }
0x4ea: {  	v9 =	vadd.s32 v10, v9;
	v22 =	vld.idx.msk [tilespmem:v15+s14+$0x0], $0xffff;
	v15 =	vor.u32 $0x6, v7;
	v10 =	vadd.s32 s26, v21  }
0x4eb: {  	v9 =	vadd.s32 v11, v9;
	v21 =	vld.idx.msk [tilespmem:v16+s14+$0x0], $0xffff;
	v16 =	vor.u32 $0x7, v7;
	vm0 =	vgt.s32 v10, $0x1FFF  }
0x4ec: {  	v11 =	vadd.s32 v12, v9;
	v26 =	vld.idx.msk [tilespmem:v20+s14+$0x0], $0xffff;
	v20 =	vor.u32 $0x8, v7;
	v12 =	vnsel vm0, $0x7FFFFFFF, v19  }
0x4ed: {  	v19 =	vor.u32 $0x9, v7;
	v11 =	vadd.s32 v13, v11;
	v13 =	vsub.s32 v10, v8;
	v9 =	vld.idx.msk [tilespmem:v23+s14+$0x0], $0xffff;
	(xrf0) =	vmax.scan.msk.u32 $0xffff, v12  }
.Ltmp41:
0x4ee: {  	v17 =	vor.u32 $0xA, v7;
	v8 =	vadd.s32 v14, v11;
	v12 =	vxor.u32 $0x80000000, v13;
	v10 =	vld.idx.msk [tilespmem:v25+s14+$0x0], $0xffff;
	(pc) =	sbr.rel @p0 .LBB2_47-.Ltmp41, $4  }
0x4ef: {  	v14 =	vperm.xlane v8, v5;
	v13 =	vnsel vm0, $0xC0000000, v12;
	v11 =	vld.idx.msk [tilespmem:v15+s14+$0x0], $0xffff;
	v15 =	vor.u32 $0xB, v7;
	s0 =	spop (v2sf)  }
0x4f0: {  	v22 =	vadd.s32 v24, v22;
	v12 =	vld.idx.msk [tilespmem:v16+s14+$0x0], $0xffff;
	v16 =	vor.u32 $0xC, v7;
	(xrf0) =	vmin.scan.msk.u32 $0xffff, v13;
	(v2sf) =	vpush v18, $0xF;
	s0 =	sxor.u32 $0x80000000, s0  }
0x4f1: {  	v21 =	vadd.s32 v21, v22;
	v18 =	vor.u32 $0xD, v7;
	v13 =	vld.idx.msk [tilespmem:v20+s14+$0x0], $0xffff;
	(xrf0) =	vadd.scan.msk.s32 $0xffff, v14;
	s21 =	smov.u32 @p1 s0  }
0x4f2: {  	s28 =	sadd.s32 $0xFFFFFFF0, s28;
	v20 =	vmov s24;
	v21 =	vadd.s32 v26, v21;
	v14 =	vld.idx.msk [tilespmem:v19+s14+$0x0], $0xffff;
	v19 =	vor.u32 $0xE, v7;
	(xrf0) =	vadd.scan.msk.s32 $0xffff, v8  }
0x4f3: {  	_ =	sdelay $0x3  }
0x4f4: {  	v9 =	vadd.s32 v9, v21;
	v20 =	vshll.u32 v20, $0x4;
	v17 =	vld.idx.msk [tilespmem:v17+s14+$0x0], $0xffff;
	v7 =	vor.u32 $0xF, v7  }
0x4f5: {  	v15 =	vld.idx.msk [tilespmem:v15+s14+$0x0], $0xffff;
	v9 =	vadd.s32 v10, v9;
	v10, _, _ =	vpop (xrf0);
	v20 =	vor.u32 v4, v20  }
0x4f6: {  	v9 =	vadd.s32 v11, v9;
	(v2sf) =	vpush v10, $0xF;
	v10 =	vor.u32 $0x1, v20;
	v11 =	vld.idx.msk [tilespmem:v16+s14+$0x0], $0xffff  }
0x4f7: {  	v16 =	vld.idx.msk [tilespmem:v18+s14+$0x0], $0xffff;
	v9 =	vadd.s32 v12, v9;
	v12 =	vor.u32 $0x2, v20  }
0x4f8: {  	v58 =	vor.u32 $0x3, v20;
	v18, _, _ =	vpop (xrf0);
	v9 =	vadd.s32 v13, v9;
	v13 =	vld.idx.msk [tilespmem:v19+s14+$0x0], $0xffff  }
0x4f9: {  	s28 =	spop (v2sf);
	v23 =	vor.u32 $0x4, v20;
	v22, _, _ =	vpop (xrf0);
	v9 =	vadd.s32 v14, v9;
	v7 =	vld.idx.msk [tilespmem:v7+s14+$0x0], $0xffff  }
0x4fa: {  	v24 =	vor.u32 $0x5, v20;
	v14 =	vperm.xlane v22, v5;
	s0 =	spop (v2sf);
	v9 =	vadd.s32 v17, v9;
	v17 =	vld.idx.msk [tilespmem:v20+s14+$0x0], $0xffff  }
0x4fb: {  	v60 =	vor.u32 $0x6, v20;
	v19 =	vor.u32 s23, v6;
	v59, _, _ =	vpop (xrf0);
	s26 =	sadd.s32 s26, s0;
	v9 =	vadd.s32 v15, v9;
	v10 =	vld.idx.msk [tilespmem:v10+s14+$0x0], $0xffff  }
0x4fc: {  	(v2sf) =	vpush v59, $0xF;
	v14 =	vadd.s32 s26, v14;
	v9 =	vadd.s32 v11, v9;
	v11 =	vld.idx.msk [tilespmem:v12+s14+$0x0], $0xffff  }
0x4fd: {  	v15 =	vor.u32 $0x7, v20;
	vm0 =	vgt.s32 v14, $0x1FFF;
	v9 =	vadd.s32 v16, v9;
	v16 =	vld.idx.msk [tilespmem:v58+s14+$0x0], $0xffff  }
0x4fe: {  	v12 =	vor.u32 $0x8, v20;
	v8 =	vsub.s32 v14, v8;
	v9 =	vadd.s32 v13, v9;
	v13 =	vld.idx.msk [tilespmem:v23+s14+$0x0], $0xffff  }
0x4ff: {  	v14 =	vor.u32 $0x9, v20;
	v19 =	vnsel vm0, $0x7FFFFFFF, v19;
	v7 =	vadd.s32 v7, v9;
	v9 =	vld.idx.msk [tilespmem:v24+s14+$0x0], $0xffff  }
0x500: {  	v22 =	vld.idx.msk [tilespmem:v60+s14+$0x0], $0xffff;
	v8 =	vxor.u32 $0x80000000, v8;
	(xrf0) =	vmax.scan.msk.u32 $0xffff, v19;
	v19 =	vor.u32 $0xA, v20;
	v10 =	vadd.s32 v17, v10  }
0x501: {  	v8 =	vnsel vm0, $0xC0000000, v8;
	v61 =	vperm.xlane v7, v5;
	v10 =	vadd.s32 v11, v10  }
0x502: {  	v62 =	vor.u32 $0xB, v20;
	(xrf0) =	vmin.scan.msk.u32 $0xffff, v8;
	v10 =	vadd.s32 v16, v10  }
0x503: {  	v8 =	vld.idx.msk [tilespmem:v15+s14+$0x0], $0xffff;
	v15 =	vor.u32 $0xC, v20;
	(xrf0) =	vadd.scan.msk.s32 $0xffff, v61;
	v10 =	vadd.s32 v13, v10  }
0x504: {  	v11 =	vld.idx.msk [tilespmem:v12+s14+$0x0], $0xffff;
	v12 =	vor.u32 $0xD, v20;
	(xrf0) =	vadd.scan.msk.s32 $0xffff, v7;
	v9 =	vadd.s32 v9, v10  }
0x505: {  	v14 =	vld.idx.msk [tilespmem:v14+s14+$0x0], $0xffff;
	v16 =	vor.u32 $0xE, v20;
	v9 =	vadd.s32 v22, v9  }
0x506: {  	v17 =	vor.u32 $0xF, v20;
	v13 =	vld.idx.msk [tilespmem:v19+s14+$0x0], $0xffff  }
0x507: {  	v19 =	vld.idx.msk [tilespmem:v62+s14+$0x0], $0xffff;
	v10, _, _ =	vpop (xrf0)  }
0x508: {  	v15 =	vld.idx.msk [tilespmem:v15+s14+$0x0], $0xffff;
	v8 =	vadd.s32 v8, v9;
	v9, _, _ =	vpop (xrf0)  }
0x509: {  	(v2sf) =	vpush v18, $0xF;
	v12 =	vld.idx.msk [tilespmem:v12+s14+$0x0], $0xffff;
	v8 =	vadd.s32 v11, v8;
	v11, _, _ =	vpop (xrf0)  }
0x50a: {  	s23 =	spop (v2sf);
	(v2sf) =	vpush v10, $0xF;
	v10 =	vld.idx.msk [tilespmem:v16+s14+$0x0], $0xffff;
	v8 =	vadd.s32 v14, v8;
	v14, _, _ =	vpop (xrf0)  }
0x50b: {  	s29 =	spop (v2sf);
	v16 =	vld.idx.msk [tilespmem:v17+s14+$0x0], $0xffff;
	v8 =	vadd.s32 v13, v8;
	(v2sf) =	vpush v14, $0xF  }
0x50c: {  	s1 =	spop (v2sf);
	v11 =	vperm.xlane v11, v5;
	v8 =	vadd.s32 v19, v8  }
0x50d: {  	s1 =	sadd.s32 s26, s1;
	v8 =	vadd.s32 v15, v8  }
0x50e: {  	v13 =	vor.u32 s22, v6;
	v11 =	vadd.s32 s1, v11;
	v8 =	vadd.s32 v12, v8  }
0x50f: {  	vm0 =	vgt.s32 v11, $0x1FFF;
	v8 =	vadd.s32 v10, v8;
	v7 =	vsub.s32 v11, v7  }
0x510: {  	v10 =	vnsel vm0, $0x7FFFFFFF, v13;
	v8 =	vadd.s32 v16, v8;
	v7 =	vxor.u32 $0x80000000, v7  }
0x511: {  	(xrf0) =	vmax.scan.msk.u32 $0xffff, v10;
	v10 =	vperm.xlane v8, v5;
	v7 =	vnsel vm0, $0xC0000000, v7  }
0x512: {  	(xrf0) =	vmin.scan.msk.u32 $0xffff, v7  }
0x513: {  	(xrf0) =	vadd.scan.msk.s32 $0xffff, v10;
	_ =	sdelay $0x3  }
0x514: {  	v7, _, _ =	vpop (xrf0)  }
0x515: {  	s30 =	spop (v2sf);
	v10, _, _ =	vpop (xrf0)  }
0x516: {  	s2 =	spop (v2sf);
	v11, _, _ =	vpop (xrf0)  }
0x517: {  	v11 =	vperm.xlane v11, v5;
	s5 =	spop (v2sf)  }
0x518: {  	s1 =	sadd.s32 s1, s5  }
0x519: {  	v11 =	vadd.s32 s1, v11  }
0x51a: {  	v12 =	vor.u32 s24, v6;
	(xrf0) =	vadd.scan.msk.s32 $0xffff, v8;
	vm0 =	vgt.s32 v11, $0x1FFF  }
0x51b: {  	v12 =	vnsel vm0, $0x7FFFFFFF, v12  }
0x51c: {  	(xrf0) =	vmax.scan.msk.u32 $0xffff, v12;
	_ =	sdelay $0x2  }
0x51d: {  	(v2sf) =	vpush v9, $0xF  }
0x51e: {  	(v2sf) =	vpush v7, $0xF;
	v7, _, _ =	vpop (xrf0)  }
0x51f: {  	(v2sf) =	vpush v7, $0xF  }
0x520: {  	(v2sf) =	vpush v10, $0xF;
	v7, _, _ =	vpop (xrf0)  }
0x521: {  	(v2sf) =	vpush v7, $0xF;
	_ =	sdelay $0x7  }
0x522: {  	s1 =	sxor.u32 $0x80000000, s28;
	v7 =	vsub.s32 v11, v8  }
0x523: {  	s6 =	simm.s32 $0x20;
	p0 =	sgt.s32 s25, s1;
	v7 =	vxor.u32 $0x80000000, v7  }
0x524: {  	s0 =	sxor.u32 $0x80000000, s29;
	p1 =	sgt.s32 s1, s25;
	s1 =	smov.u32 @p0 s25;
	v7 =	vnsel vm0, $0xC0000000, v7  }
0x525: {  	v17 =	vld [tilespmem:s6+$0xFFFFFFE0];
	s31 =	spop (v2sf);
	p0 =	sgt.s32 s0, s1;
	p2 =	sgt.s32 s1, s0;
	(xrf0) =	vmin.scan.msk.u32 $0xffff, v7  }
0x526: {  	v10 =	vld [tilespmem:s6+$0xFFFFFFF0];
	s0 =	smov.u32 @p2 s1;
	s1 =	sxor.u32 $0x80000000, s2;
	s5 =	spop (v2sf)  }
0x527: {  	p2 =	sgt.s32 s1, s0;
	p3 =	sgt.s32 s0, s1;
	v7 =	vld [tilespmem:s6+$0x10];
	s10 =	spop (v2sf)  }
0x528: {  	s1 =	smov.u32 @p3 s0;
	s0 =	sxor.u32 $0x80000000, s5;
	s16 =	spop (v2sf)  }
0x529: {  	v9 =	vld [tilespmem:s6+$0x0];
	p4 =	sgt.s32 s1, s0;
	s28 =	spop (v2sf)  }
0x52a: {  	p3 =	sgt.s32 s0, s1;
	s0 =	smov.u32 @p4 s1;
	s22 =	sxor.u32 $0x80000000, s28  }
0x52b: {  	v12 =	vshra.s32 v10, $0x16;
	v11 =	vimm.s32 $0x0;
	v8, _, _ =	vpop (xrf0);
	p5 =	sgt.s32 s0, s22  }
0x52c: {  	v13 =	vshra.s32 v7, $0x16;
	(v2sf) =	vpush v8, $0xF;
	v8 =	vshra.s32 v17, $0x16;
	p4 =	sgt.s32 s22, s0;
	s22 =	smov.u32 @p5 s0  }
0x52d: {  	(v2sf) =	vpush v11, $0x0;
	v8 =	vadd.s32 $0x200, v8;
	v16 =	vmov s22  }
0x52e: {  	vm0 =	veq.s32 v8, v16;
	v8 =	vadd.s32 $0x200, v12;
	v12 =	vshra.s32 v9, $0x16  }
0x52f: {  	s29 =	simm.s32 $0x60;
	v14 =	vmpcnt.ones.xlane vm0;
	vm2 =	veq.s32 v8, v16;
	v12 =	vadd.s32 $0x200, v12  }
0x530: {  	v15 =	vmpcnt.ones.xlane vm2;
	vm4 =	veq.s32 v12, v16;
	v12 =	vadd.s32 $0x200, v13;
	v13 =	vld [tilespmem:s29+$0xFFFFFFE0]  }
0x531: {  	v11 =	vadd.s32 v11, v14;
	vm6 =	veq.s32 v12, v16;
	v12 =	vld [tilespmem:s29+$0xFFFFFFF0]  }
0x532: {  	v14 =	vmpcnt.ones.xlane vm4;
	v15 =	vadd.s32 v11, v15;
	(v2sf) =	vpush v11, $0x0;
	v11 =	vld [tilespmem:s29+$0x0]  }
0x533: {  	vm1 =	vmmov vm0;
	vm0 =	vmmov vm2;
	v18 =	vmpcnt.ones.xlane vm6  }
0x534: {  	vm5 =	vmmov vm4;
	v14 =	vadd.s32 v15, v14;
	(v2sf) =	vpush v15, $0x0  }
0x535: {  	v15 =	vadd.s32 v14, v18;
	(v2sf) =	vpush v14, $0x0;
	v14 =	vshra.s32 v13, $0x16  }
0x536: {  	vm4 =	vmmov vm6;
	v14 =	vadd.s32 $0x200, v14;
	v18 =	vshra.s32 v12, $0x16  }
0x537: {  	v8 =	vld [tilespmem:s29+$0x10];
	vm2 =	veq.s32 v14, v16;
	v14 =	vadd.s32 $0x200, v18;
	v18 =	vshra.s32 v11, $0x16  }
0x538: {  	v20 =	vmpcnt.ones.xlane vm2;
	vm6 =	veq.s32 v14, v16;
	v14 =	vadd.s32 $0x200, v18  }
0x539: {  	(v2sf) =	vpush v15, $0x0;
	v18 =	vmpcnt.ones.xlane vm6;
	vm7 =	veq.s32 v14, v16  }
0x53a: {  	s0 =	sxor.u32 $0x80000000, s23;
	v20 =	vadd.s32 v15, v20;
	v63 =	vmpcnt.ones.xlane vm7  }
0x53b: {  	s21 =	smov.u32 @p1 s0;
	s0 =	sxor.u32 $0x80000000, s30;
	s30 =	spop (v2sf);
	v18 =	vadd.s32 v20, v18;
	(v2sf) =	vpush v20, $0x0  }
0x53c: {  	s21 =	smov.u32 @p0 s0;
	s0 =	sxor.u32 $0x80000000, s31;
	v19 =	vshra.s32 v8, $0x16;
	s31 =	spop (v2sf);
	v20 =	vadd.s32 v18, v63;
	(v2sf) =	vpush v18, $0x0  }
0x53d: {  	s23 =	simm.s32 $0xA0;
	v19 =	vadd.s32 $0x200, v19;
	(v2sf) =	vpush v20, $0x0  }
0x53e: {  	vm9 =	veq.s32 v19, v16;
	v14 =	vld [tilespmem:s23+$0x10]  }
0x53f: {  	s21 =	smov.u32 @p2 s0;
	s0 =	sxor.u32 $0x80000000, s16;
	v19 =	vmpcnt.ones.xlane vm9;
	v15 =	vld [tilespmem:s23+$0xFFFFFFE0]  }
0x540: {  	s21 =	smov.u32 @p3 s0;
	s0 =	sxor.u32 $0x80000000, s30;
	v18 =	vld [tilespmem:s23+$0xFFFFFFF0]  }
0x541: {  	s24 =	simm.s32 $0xC;
	vm10 =	vmmov vm0;
	s21 =	smov.u32 @p4 s0;
	[tilespmem:s31+$0x8000] =	vst.msk vm1, v17;
	v17 =	vld [tilespmem:s23+$0x0];
	vm8 =	vmmov vm2;
	v19 =	vadd.s32 v20, v19  }
.LBB2_49:
0x542: {  	(v2sf) =	vpush v19, $0x0;
	vm0 =	vmmov vm6;
	vm2 =	vmmov vm5  }
0x543: {  	s24 =	sadd.s32 $0x4, s24;
	vm5 =	vmmov vm7;
	vm11 =	vmmov vm4;
	vm4 =	vmmov vm9  }
0x544: {  	p0 =	slt.u32 s24, $0x7FC;
	v20 =	vshra.s32 v15, $0x16  }
0x545: {  	v22 =	vshra.s32 v14, $0x16;
	v20 =	vadd.s32 $0x200, v20;
	v21 =	vshra.s32 v18, $0x16;
	s0 =	spop (v2sf)  }
0x546: {  	vm1 =	veq.s32 v20, v16;
	v20 =	vadd.s32 $0x200, v21;
	v21 =	vshra.s32 v17, $0x16;
	[tilespmem:s0+$0x8000] =	vst.msk vm10, v10;
	s0 =	spop (v2sf);
	v10 =	vmovc v12;
	v12 =	vmovc v18  }
0x547: {  	s23 =	sadd.s32 $0x40, s23;
	v18 =	vmpcnt.ones.xlane vm1;
	vm6 =	veq.s32 v20, v16;
	v20 =	vadd.s32 $0x200, v21;
	[tilespmem:s0+$0x8000] =	vst.msk vm2, v9;
	s0 =	spop (v2sf);
	v9 =	vmovc v11;
	v11 =	vmovc v17  }
.Ltmp42:
0x548: {  	v17 =	vmpcnt.ones.xlane vm6;
	vm7 =	veq.s32 v20, v16;
	v20 =	vadd.s32 $0x200, v22;
	s1 =	spop (v2sf);
	[tilespmem:s0+$0x8000] =	vst.msk vm11, v7;
	v7 =	vmovc v8;
	v8 =	vmovc v14;
	v14 =	vld [tilespmem:s23+$0x10];
	(pc) =	sbr.rel @p0 .LBB2_49-.Ltmp42, $4  }
0x549: {  	v19 =	vadd.s32 v19, v18;
	v21 =	vmpcnt.ones.xlane vm7;
	vm9 =	veq.s32 v20, v16;
	[tilespmem:s1+$0x8000] =	vst.msk vm8, v13;
	v13 =	vmovc v15;
	v15 =	vld [tilespmem:s23+$0xFFFFFFE0]  }
0x54a: {  	v18 =	vld [tilespmem:s23+$0xFFFFFFF0];
	v20 =	vadd.s32 v19, v17;
	v22 =	vmpcnt.ones.xlane vm9;
	(v2sf) =	vpush v19, $0x0  }
0x54b: {  	vm8 =	vmmov vm1;
	v17 =	vld [tilespmem:s23+$0x0];
	v21 =	vadd.s32 v20, v21;
	(v2sf) =	vpush v20, $0x0  }
0x54c: {  	vm10 =	vmmov vm0;
	v19 =	vadd.s32 v21, v22;
	(v2sf) =	vpush v21, $0x0  }
0x54d: {  	s0 =	sadd.s32 $0x40, s23  }
0x54e: {  	v20 =	vld [tilespmem:s0+$0xFFFFFFE0]  }
0x54f: {  	v22 =	vld [tilespmem:s0+$0xFFFFFFF0]  }
0x550: {  	v26 =	vshra.s32 v14, $0x16;
	v21 =	vshra.s32 v15, $0x16;
	v23 =	vld [tilespmem:s0+$0x10]  }
0x551: {  	(v2sf) =	vpush v19, $0x0;
	v25 =	vld [tilespmem:s0+$0x0];
	v50 =	vadd.s32 $0x200, v26;
	v21 =	vadd.s32 $0x200, v21  }
0x552: {  	v24 =	vshra.s32 v18, $0x16;
	vm15 =	veq.s32 v50, v16;
	vm14 =	veq.s32 v21, v16  }
0x553: {  	v49 =	vshra.s32 v17, $0x16;
	v24 =	vadd.s32 $0x200, v24;
	v59 =	vmpcnt.ones.xlane vm15  }
0x554: {  	v21 =	vadd.s32 $0x200, v49;
	vm2 =	veq.s32 v24, v16;
	v55 =	vmpcnt.ones.xlane vm14  }
0x555: {  	vm0 =	veq.s32 v21, v16;
	v56 =	vmpcnt.ones.xlane vm2;
	v51 =	vshra.s32 v20, $0x16  }
0x556: {  	v52 =	vshra.s32 v22, $0x16;
	v53 =	vshra.s32 v23, $0x16;
	v54 =	vshra.s32 v25, $0x16  }
0x557: {  	v57 =	vadd.s32 v19, v55;
	v58 =	vmpcnt.ones.xlane vm0;
	v21 =	vadd.s32 $0x200, v51  }
0x558: {  	v24 =	vadd.s32 $0x200, v52;
	v26 =	vadd.s32 $0x200, v53;
	(v2sf) =	vpush v57, $0x0  }
0x559: {  	vm12 =	veq.s32 v21, v16;
	vm13 =	veq.s32 v24, v16;
	v21 =	vadd.s32 $0x200, v54  }
0x55a: {  	vm11 =	veq.s32 v26, v16;
	vm1 =	veq.s32 v21, v16;
	v16 =	vadd.s32 v57, v56  }
0x55b: {  	v60 =	vmpcnt.ones.xlane vm12;
	v21 =	vadd.s32 v16, v58;
	(v2sf) =	vpush v16, $0x0  }
0x55c: {  	v61 =	vmpcnt.ones.xlane vm13;
	v19 =	vadd.s32 v21, v59;
	(v2sf) =	vpush v21, $0x0  }
0x55d: {  	v62 =	vmpcnt.ones.xlane vm1;
	(v2sf) =	vpush v19, $0x0;
	v16 =	vadd.s32 v19, v60  }
0x55e: {  	v63 =	vmpcnt.ones.xlane vm11;
	v21 =	vadd.s32 v16, v61;
	(v2sf) =	vpush v16, $0x0  }
0x55f: {  	v19 =	vadd.s32 v21, v62;
	(v2sf) =	vpush v21, $0x0  }
0x560: {  	v16 =	vadd.s32 v19, v63;
	(v2sf) =	vpush v19, $0x0  }
0x561: {  	s0 =	spop (v2sf);
	(v2sf) =	vpush v16, $0x0  }
0x562: {  	s1 =	spop (v2sf)  }
0x563: {  	s2 =	spop (v2sf)  }
0x564: {  	s5 =	spop (v2sf)  }
0x565: {  	s10 =	spop (v2sf)  }
0x566: {  	s16 =	spop (v2sf)  }
0x567: {  	s23 =	spop (v2sf)  }
0x568: {  	s24 =	spop (v2sf)  }
0x569: {  	s25 =	spop (v2sf)  }
0x56a: {  	s26 =	spop (v2sf)  }
0x56b: {  	s28 =	spop (v2sf)  }
0x56c: {  	s29 =	spop (v2sf)  }
0x56d: {  	s30 =	spop (v2sf)  }
0x56e: {  	s31 =	spop (v2sf)  }
0x56f: {  	vm5 =	vmmov vm5;
	[tilespmem:s0+$0x8000] =	vst.msk vm10, v10;
	s6 =	spop (v2sf)  }
0x570: {  	vm4 =	vmmov vm4;
	[tilespmem:s1+$0x8000] =	vst.msk vm5, v9;
	s0 =	spop (v2sf)  }
0x571: {  	[tilespmem:s2+$0x8000] =	vst.msk vm4, v7;
	vm4 =	vmmov vm6;
	s0 =	sadd.s32 $0xF, s0  }
0x572: {  	vm5 =	vmmov vm7;
	[tilespmem:s5+$0x8000] =	vst.msk vm8, v13;
	vm4 =	vmmov vm4;
	s2 =	sand.u32 $0xF, s0  }
0x573: {  	vm5 =	vmmov vm5;
	[tilespmem:s10+$0x8000] =	vst.msk vm4, v12;
	vm4 =	vmmov vm9;
	s5 =	sshra.s32 s0, $0x1F;
	p1 =	slt.s32 s0, $0x1;
	p0 =	sne.s32 s2, $0x0  }
0x574: {  	[tilespmem:s16+$0x8000] =	vst.msk vm5, v11;
	vm4 =	vmmov vm4;
	s1 =	sshrl.u32 s5, $0x1C;
	p0 =	por !p1, !p0  }
0x575: {  	vm2 =	vmmov vm2;
	[tilespmem:s23+$0x8000] =	vst.msk vm4, v8;
	vm4 =	vmmov vm14;
	s0 =	sadd.s32 s1, s0;
	s1 =	simm.s32 $0x1;
	p0 =	por !p0, !p0  }
0x576: {  	vm0 =	vmmov vm0;
	vm2 =	vmmov vm2;
	[tilespmem:s24+$0x8000] =	vst.msk vm4, v15;
	s0 =	sshra.s32 s0, $0x4;
	s1 =	simm.s32 @!p0 $0x0  }
0x577: {  	vm0 =	vmmov vm0;
	vm4 =	vmmov vm15;
	[tilespmem:s25+$0x8000] =	vst.msk vm2, v18;
	s23 =	ssub.s32 s0, s1  }
0x578: {  	[tilespmem:s26+$0x8000] =	vst.msk vm0, v17;
	vm0 =	vmmov vm4;
	s0 =	sshrl.u32 s23, $0x1E  }
.Ltmp43:
0x579: {  	vm2 =	vmmov vm13;
	[tilespmem:s28+$0x8000] =	vst.msk vm0, v14;
	vm0 =	vmmov vm12;
	s0 =	sadd.s32 s0, s23;
	(pc) =	sbr.rel .LBB2_51-.Ltmp43, $4  }
0x57a: {  	s21 =	ssub.s32 $0x2000, s21;
	vm1 =	vmmov vm1;
	s26 =	sshll.u32 s22, $0x16;
	[tilespmem:s29+$0x8000] =	vst.msk vm0, v20;
	vm0 =	vmmov vm2;
	s24 =	sand.u32 $0xFFFFFFFC, s0  }
0x57b: {  	vm1 =	vmmov vm1;
	s22 =	sxor.u32 $0x80000000, s26;
	vm2 =	vmmov vm11;
	s29 =	simm.s32 $0x0;
	[tilespmem:s30+$0x8000] =	vst.msk vm0, v22;
	s28 =	sshll.u32 s24, $0x6  }
0x57c: {  	vm0 =	vmmov vm2;
	[tilespmem:s31+$0x8000] =	vst.msk vm1, v25;
	s31 =	ssub.s32 s23, s24;
	s26 =	sshll.u32 s24, $0x4;
	s30 =	sshra.s32 s28, $0x2  }
0x57d: {  	v7 =	vbroadcast v16, $0x0;
	[tilespmem:s6+$0x8000] =	vst.msk vm0, v23;
	p0 =	slt.s32 s24, $0x1;
	p1 =	slt.s32 s31, $0x1;
	s25 =	sadd.s32 $0x8000, s30  }
.LBB2_54:
0x57e: {  	v8 =	vxor.u32 $0x80000000, v9  }
0x57f: {  	(xrf0) =	vmax.scan.msk.u32 $0xffff, v8;
	_ =	sdelay $0x5  }
0x580: {  	v8, _, _ =	vpop (xrf0)  }
0x581: {  	(v2sf) =	vpush v8, $0xF;
	_ =	sdelay $0xe  }
0x582: {  	s0 =	spop (v2sf)  }
0x583: {  	s0 =	sxor.u32 $0x80000000, s0  }
0x584: {  	s29 =	sadd.s32 $0x1, s29;
	p2 =	slt.s32 s0, s21  }
0x585: {  	s28 =	smov.u32 @p2 s22;
	p2 =	sne.s32 s29, $0x16  }
.Ltmp44:
0x586: {  	_ = 	snop;
	(pc) =	sbr.rel @!p2 .LBB2_55-.Ltmp44, $2  }
0x587: {  	_ =	sdelay $0x2  }
0x588: {  	s22 =	smov.u32 s28  }
.LBB2_51:
.Ltmp45:
0x589: {  	(pc) =	sbr.rel @p0 .LBB2_52-.Ltmp45, $4  }
0x58a: {  	_ = 	snop  }
0x58b: {  	s0 =	sshrl.u32 s15, s29  }
0x58c: {  	s28 =	sadd.s32 s0, s22  }
0x58d: {  	v9 =	vimm.s32 $0x0;
	v8 =	vmov s28  }
0x58e: {  	s0 =	simm.s32 $0x8020  }
0x58f: {  	v10 =	vld [tilespmem:s0+$0xFFFFFFE0];
	_ =	sdelay $0x2  }
0x590: {  	v11 =	vld [tilespmem:s0+$0xFFFFFFF0]  }
0x591: {  	s30 =	simm.s32 $0x0;
	s1 =	simm.s32 $0x20;
	p2 =	sgt.s32 s24, $0x4;
	v12 =	vld [tilespmem:s0+$0x0]  }
.Ltmp46:
0x592: {  	s2 =	simm.s32 $0x30;
	s5 =	simm.s32 $0x10;
	v13 =	vor.u32 s30, v0;
	vm4 =	vge.s32 v10, v8;
	v10 =	vld [tilespmem:s0+$0x10];
	(pc) =	sbr.rel @!p2 .LBB2_68-.Ltmp46, $4  }
0x593: {  	v14 =	vor.u32 s1, v0;
	v15 =	vor.u32 s2, v0;
	v63 =	vor.u32 s5, v0  }
0x594: {  	vm2 =	vlt.s32 v13, v7;
	vm1 =	vlt.s32 v14, v7;
	vm0 =	vlt.s32 v15, v7  }
0x595: {  	vm5 =	vge.s32 v11, v8;
	vm2 =	vmand vm2, vm4;
	vm4 =	vlt.s32 v63, v7  }
0x596: {  	s31 =	simm.s32 $0x4;
	s0 =	simm.s32 $0x8060;
	v11 =	vmpcnt.ones.xlane vm2;
	vm2 =	vmand vm4, vm5;
	vm4 =	vge.s32 v12, v8  }
.LBB2_67:
0x597: {  	v12 =	vld [tilespmem:s0+$0xFFFFFFE0];
	s31 =	sadd.s32 $0x4, s31;
	v13 =	vmpcnt.ones.xlane vm2;
	vm1 =	vmand vm1, vm4;
	vm2 =	vge.s32 v10, v8  }
0x598: {  	s30 =	sadd.s32 $0x40, s30;
	v14 =	vld [tilespmem:s0+$0xFFFFFFF0];
	p2 =	slt.s32 s31, s24;
	v9 =	vadd.s32 v9, v11;
	v11 =	vmpcnt.ones.xlane vm1;
	vm0 =	vmand vm0, vm2  }
0x599: {  	v15 =	vor.u32 s30, v0;
	s1 =	sadd.s32 $0x20, s30;
	s2 =	sadd.s32 $0x30, s30;
	v16 =	vld [tilespmem:s0+$0x0];
	v9 =	vadd.s32 v13, v9;
	v13 =	vmpcnt.ones.xlane vm0  }
.Ltmp47:
0x59a: {  	s5 =	sadd.s32 $0x10, s30;
	v17 =	vor.u32 s1, v0;
	v18 =	vor.u32 s2, v0;
	v10 =	vld [tilespmem:s0+$0x10];
	v9 =	vadd.s32 v11, v9;
	(pc) =	sbr.rel @p2 .LBB2_67-.Ltmp47, $4  }
0x59b: {  	vm2 =	vlt.s32 v15, v7;
	v11 =	vor.u32 s5, v0;
	v9 =	vadd.s32 v13, v9  }
0x59c: {  	vm1 =	vlt.s32 v17, v7;
	vm0 =	vlt.s32 v18, v7;
	vm4 =	vge.s32 v12, v8  }
0x59d: {  	vm2 =	vmand vm2, vm4;
	vm4 =	vlt.s32 v11, v7;
	vm5 =	vge.s32 v14, v8  }
0x59e: {  	s0 =	sadd.s32 $0x40, s0;
	v11 =	vmpcnt.ones.xlane vm2;
	vm2 =	vmand vm4, vm5;
	vm4 =	vge.s32 v16, v8  }
.LBB2_68:
0x59f: {  	v12 =	vmpcnt.ones.xlane vm2;
	vm1 =	vmand vm1, vm4;
	vm2 =	vge.s32 v10, v8  }
0x5a0: {  	v9 =	vadd.s32 v9, v11;
	v10 =	vmpcnt.ones.xlane vm1;
	vm0 =	vmand vm0, vm2  }
0x5a1: {  	v9 =	vadd.s32 v12, v9;
	v11 =	vmpcnt.ones.xlane vm0  }
0x5a2: {  	v9 =	vadd.s32 v10, v9  }
0x5a3: {  	v9 =	vadd.s32 v11, v9  }
.LBB2_52:
.Ltmp48:
0x5a4: {  	(pc) =	sbr.rel @p1 .LBB2_54-.Ltmp48, $2  }
0x5a5: {  	_ =	sdelay $0x2  }
0x5a6: {  	s0 =	smov.u32 s26;
	s30 =	smov.u32 s25;
	s31 =	smov.u32 s24  }
.LBB2_53:
0x5a7: {  	v10 =	vld [tilespmem:s30+$0x0];
	_ =	sdelay $0x2  }
0x5a8: {  	s31 =	sadd.s32 $0x1, s31  }
0x5a9: {  	v11 =	vor.u32 s0, v0;
	p2 =	slt.s32 s31, s23  }
.Ltmp49:
0x5aa: {  	vm0 =	vlt.s32 v11, v7;
	vm1 =	vge.s32 v10, v8;
	(pc) =	sbr.rel @p2 .LBB2_53-.Ltmp49, $3  }
0x5ab: {  	vm0 =	vmand vm0, vm1  }
0x5ac: {  	v10 =	vmpcnt.ones.xlane vm0;
	_ =	sdelay $0x1  }
0x5ad: {  	s30 =	sadd.s32 $0x10, s30;
	s0 =	sadd.s32 $0x10, s0;
	v9 =	vadd.s32 v9, v10  }
.Ltmp50:
0x5ae: {  	_ = 	snop;
	(pc) =	sbr.rel .LBB2_54-.Ltmp50, $1  }
0x5af: {  	_ =	sdelay $0x3  }
.LBB2_56:
0x5b0: {  	_ =	sfence.sel $0x180000  }
0x5b1: {  	[bflag:$0x0] =	sbarrier.arrive $0xFFFF  }
0x5b2: {  	_ =	strace $0x90000047  }
0x5b3: {  	s0 =	stileid.u32;
	[bflag:$0x2] =	sbarrier.arrive $0xFFFF  }
0x5b4: {  	p0 =	sne.s32 s0, $0x0;
	s0 =	rddreg [dreg:$0x3]  }
0x5b5: {  	s0 =	sadd.s32 @!p0 $0x100000, s0  }
0x5b6: {  	[sflag:s0] =	ssyncadd.tile.s32 @!p0 $0x1;
	_ =	shalt  }
.Lfunc_end2:
_tile_overlayer_lowered:
.L_overlay_start_2:
0x5b7: {  	(tag) =	ssettag $0x2  }
0x5b8: {  	s0 =	rddreg [dreg:$0x0];
	s2 =	stileid.u32  }
0x5b9: {  	s1 =	rddreg [dreg:$0x1];
	p0 =	sne.s32 s2, $0x0  }
0x5ba: {  	s3 =	rddreg [dreg:$0x2];
	[bflag:$0x3] =	sbarrier.arrive $0xFFFF;
	s2 =	simm.s32 @!p0 $0x1C01  }
0x5bb: {  	[timem:s3], [sflag:s2] =	dma.local @!p0 [hbm:s0], s1  }
0x5bc: {  	s0 =	simm.s32 @!p0 $0x1  }
0x5bd: {  	_ =	swait.ge @!p0 [sflag:s0], s1  }
0x5be: {  	s1 =	ssub.s32 @!p0 $0x0, s1;
	[sflag:s0] =	ssyncset.done @!p0 $0x0  }
0x5bf: {  	[sflag:s0] =	ssyncadd.s32 @!p0 s1  }
0x5c0: {  	[bflag:$0x3] =	sbarrier.arrive $0xFFFF  }
0x5c1: {  	_ =	shalt  }

</sc_bundles>
